<compile_context>
chip_gen: v7x
topology: tpu7x:2x2x1
jax: 0.10.2.dev20260603
libtpu: 0.0.44.dev20260713+nightly
codegen_flags: <defaults>
</compile_context>

<pallas_src>
import functools

import jax
import jax.numpy as jnp
from jax import lax
from jax.experimental import pallas as pl
from jax.experimental.pallas import tpu as pltpu
from jax.experimental.pallas import tpu_sc as plsc

_B, _C, _N = 4, 768, 4096
_GOFF = (0, 96, 192, 384)
_GSZ = (96, 96, 192, 384)
_CHUNK = 8
_NCHUNK = 96 // _CHUNK


_TILE = 128
_NTILE = _C // _TILE


def _row_sum_tree(a):
    ncols = a.shape[1]
    acc = a[:, 0:128]
    for t in range(1, ncols // 128):
        acc = acc + a[:, t * 128:(t + 1) * 128]
    g = acc[:, 0:8]
    for i in range(1, 16):
        g = g + acc[:, i * 8:(i + 1) * 8]
    g = g[:, 0:4] + g[:, 4:8]
    g = g[:, 0:2] + g[:, 2:4]
    return g[:, 0:1] + g[:, 1:2]


def _center_body(q_ref, x_ref):
    q4 = q_ref[...]
    cf = (((q4[0] + q4[1]) + q4[2]) + q4[3]) * jnp.float32(0.25)
    m = _row_sum_tree(cf) / jnp.float32(_N)
    x_ref[...] = cf - m


def _similarity_body(xf_ref, xft_ref, ms_ref):
    fact = jnp.float32(_N - 1)
    g = lax.dot_general(xf_ref[...], xft_ref[...], (((1,), (0,)), ((), ())),
                        preferred_element_type=jnp.float32)
    cov = g / fact
    ii = lax.broadcasted_iota(jnp.int32, (_C, _C), 0)
    jj = lax.broadcasted_iota(jnp.int32, (_C, _C), 1)
    d = jnp.sum(jnp.where(ii == jj, cov, 0.0), axis=1)
    s = jnp.sqrt(d)
    corr = cov * pl.reciprocal(s[:, None] * s[None, :])
    corr = jnp.clip(corr, -1.0, 1.0)
    ms_ref[0, :] = (_row_sum_tree(corr) / jnp.float32(_C))[:, 0]


def _rank_body(msf_ref, mst_ref, rank_ref):
    t = pl.program_id(0)
    msj = msf_ref[0, :]
    msi = mst_ref[0, 0, :]
    ii = t * _TILE + lax.broadcasted_iota(jnp.int32, (_TILE, _C), 0)
    jj = lax.broadcasted_iota(jnp.int32, (_TILE, _C), 1)
    ahead = (msj[None, :] > msi[:, None]) | \
        ((msj[None, :] == msi[:, None]) & (jj < ii))
    rank_ref[0, 0, :] = jnp.sum(ahead.astype(jnp.int32), axis=1)


def _invert_body(rankf_ref, sidx_ref):
    t = pl.program_id(0)
    rank = rankf_ref[0, :]
    kk = t * _TILE + lax.broadcasted_iota(jnp.int32, (_TILE, _C), 0)
    jj = lax.broadcasted_iota(jnp.int32, (_TILE, _C), 1)
    eq = rank[None, :] == kk
    sidx_ref[0, 0, :] = jnp.sum(jnp.where(eq, jj, 0), axis=1)


def _sorted_channel_ids(query, interpret=False):
    x = pl.pallas_call(
        _center_body,
        grid=(_NTILE,),
        in_specs=[pl.BlockSpec((_B, _TILE, _N), lambda t: (0, t, 0))],
        out_specs=pl.BlockSpec((_TILE, _N), lambda t: (t, 0)),
        out_shape=jax.ShapeDtypeStruct((_C, _N), jnp.float32),
        interpret=interpret,
    )(query)
    ms = pl.pallas_call(
        _similarity_body,
        in_specs=[
            pl.BlockSpec((_C, _N), lambda: (0, 0)),
            pl.BlockSpec((_N, _C), lambda: (0, 0)),
        ],
        out_specs=pl.BlockSpec((1, _C), lambda: (0, 0)),
        out_shape=jax.ShapeDtypeStruct((1, _C), jnp.float32),
        interpret=interpret,
    )(x, x.T)
    ms3 = ms.reshape(_NTILE, 1, _TILE)
    rank = pl.pallas_call(
        _rank_body,
        grid=(_NTILE,),
        in_specs=[
            pl.BlockSpec((1, _C), lambda t: (0, 0)),
            pl.BlockSpec((1, 1, _TILE), lambda t: (t, 0, 0)),
        ],
        out_specs=pl.BlockSpec((1, 1, _TILE), lambda t: (t, 0, 0)),
        out_shape=jax.ShapeDtypeStruct((_NTILE, 1, _TILE), jnp.int32),
        interpret=interpret,
    )(ms, ms3)
    return pl.pallas_call(
        _invert_body,
        grid=(_NTILE,),
        in_specs=[pl.BlockSpec((1, _C), lambda t: (0, 0))],
        out_specs=pl.BlockSpec((1, 1, _TILE), lambda t: (t, 0, 0)),
        out_shape=jax.ShapeDtypeStruct((_NTILE, 1, _TILE), jnp.int32),
        interpret=interpret,
    )(rank.reshape(1, _C))


def _regroup_body(q_hbm, k_hbm, v_hbm, sidx_hbm, *refs):
    outs = tuple(tuple(refs[t * 4 + g] for g in range(4)) for t in range(3))
    idx_v, buf0, buf1, sem0, sem1 = refs[12:]
    srcs = (q_hbm, k_hbm, v_hbm)
    bufs = (buf0, buf1)
    sems = (sem0, sem1)

    wid = lax.axis_index("s") * 2 + lax.axis_index("c")
    b = wid // 8
    slot = wid % 8
    j0 = slot * 96
    pltpu.sync_copy(sidx_hbm.at[pl.ds(j0, 96)], idx_v)
    boff = (b * _C).astype(jnp.int32)
    for i in range(6):
        sl = pl.ds(i * 16, 16)
        idx_v[sl] = idx_v[sl] + boff

    def run_group(g, in_group):
        off, sz = _GOFF[g], _GSZ[g]

        @pl.when(in_group)
        def _():
            dst0 = b * sz + (j0 - off)
            for t in range(3):
                src = srcs[t]
                out = outs[t][g]

                def gather(c, buf_i):
                    return pltpu.make_async_copy(
                        src.at[idx_v.at[pl.ds(c * _CHUNK, _CHUNK)]],
                        bufs[buf_i], sems[buf_i])

                gather(0, 0).start()

                def pair(i, _, src=src, out=out, dst0=dst0):
                    for u in range(2):
                        c = i * 2 + u
                        nxt = (u + 1) % 2

                        @pl.when(c + 1 < _NCHUNK)
                        def _():
                            gather(c + 1, nxt).start()

                        gather(c, u).wait()
                        pltpu.sync_copy(
                            bufs[u], out.at[pl.ds(dst0 + c * _CHUNK, _CHUNK)])
                    return 0

                lax.fori_loop(0, _NCHUNK // 2, pair, 0)

    run_group(0, slot == 0)
    run_group(1, slot == 1)
    run_group(2, jnp.logical_and(slot >= 2, slot < 4))
    run_group(3, slot >= 4)


def _regroup(q2, k2, v2, sidx):
    mesh = plsc.VectorSubcoreMesh(core_axis_name="c", subcore_axis_name="s")
    out_type = tuple(
        jax.ShapeDtypeStruct((_B * sz, _N), jnp.float32)
        for _ in range(3) for sz in _GSZ)
    fn = pl.kernel(
        _regroup_body,
        out_type=out_type,
        mesh=mesh,
        scratch_types=[
            pltpu.VMEM((96,), jnp.int32),
            pltpu.VMEM((_CHUNK, _N), jnp.float32),
            pltpu.VMEM((_CHUNK, _N), jnp.float32),
            pltpu.SemaphoreType.DMA,
            pltpu.SemaphoreType.DMA,
        ],
    )
    return fn(q2, k2, v2, sidx)


def kernel(query, key, value):
    sidx = _sorted_channel_ids(query).reshape(_C)
    q2 = query.reshape(_B * _C, _N)
    k2 = key.reshape(_B * _C, _N)
    v2 = value.reshape(_B * _C, _N)
    flat = _regroup(q2, k2, v2, sidx)
    groups = tuple(
        tuple(flat[t * 4 + g].reshape(_B, _GSZ[g], _N) for g in range(4))
        for t in range(3))
    return groups

# --- scband reference (transcript-rebuilt; emitter-appended) ---
"""Pipeline reference for scband-re-group-88742614270513 (READ-ONLY COPY).

The authoritative reference and input builder live on the scoring server;
editing this copy changes nothing except your own understanding.
"""

import jax, jax.numpy as jnp
import numpy as np

GROUPS = [1, 1, 2, 4]


def setup_inputs(seed: int = 0) -> dict:
    key = jax.random.key(seed)
    k1, k2, k3 = jax.random.split(key, 3)
    B, C, N = 4, 768, 4096
    return {
        "query": jax.random.normal(k1, (B, C, N), dtype=jnp.float32),
        "key": jax.random.normal(k2, (B, C, N), dtype=jnp.float32),
        "value": jax.random.normal(k3, (B, C, N), dtype=jnp.float32),
    }


def reference(query, key, value):
    C = query.shape[1]
    channel_features = query.mean(axis=0)  # [C, N]
    correlation_matrix = jnp.corrcoef(channel_features)  # [C, C]
    mean_similarity = correlation_matrix.mean(axis=1)  # [C]
    # torch.sort(..., descending=True) -> indices of values sorted descending
    sorted_indices = jnp.argsort(-mean_similarity)
    query_sorted = query[:, sorted_indices, :]
    key_sorted = key[:, sorted_indices, :]
    value_sorted = value[:, sorted_indices, :]
    total_ratio = sum(GROUPS)
    group_sizes = [int(r / total_ratio * C) for r in GROUPS]
    query_groups, key_groups, value_groups = [], [], []
    start_idx = 0
    for group_size in group_sizes:
        end_idx = start_idx + group_size
        query_groups.append(query_sorted[:, start_idx:end_idx, :])
        key_groups.append(key_sorted[:, start_idx:end_idx, :])
        value_groups.append(value_sorted[:, start_idx:end_idx, :])
        start_idx = end_idx
    return (tuple(query_groups), tuple(key_groups), tuple(value_groups))

if __name__ == "__main__":
    import jax
    _d = setup_inputs()
    print(jax.jit(kernel)(*tuple(_d.values())))

</pallas_src>

<mosaic_0001>
#map = affine_map<(d0, d1) -> (0, 0)>
#map1 = affine_map<(d0, d1) -> (0)>
module attributes {stable_mosaic.version = 14 : i64} {
  func.func @_regroup_body(%arg0: i32, %arg1: i32, %arg2: memref<3072x4096xf32, #tpu.memory_space<hbm>>, %arg3: memref<3072x4096xf32, #tpu.memory_space<hbm>>, %arg4: memref<3072x4096xf32, #tpu.memory_space<hbm>>, %arg5: memref<768xi32, #tpu.memory_space<hbm>>, %arg6: memref<384x4096xf32, #tpu.memory_space<hbm>>, %arg7: memref<384x4096xf32, #tpu.memory_space<hbm>>, %arg8: memref<768x4096xf32, #tpu.memory_space<hbm>>, %arg9: memref<1536x4096xf32, #tpu.memory_space<hbm>>, %arg10: memref<384x4096xf32, #tpu.memory_space<hbm>>, %arg11: memref<384x4096xf32, #tpu.memory_space<hbm>>, %arg12: memref<768x4096xf32, #tpu.memory_space<hbm>>, %arg13: memref<1536x4096xf32, #tpu.memory_space<hbm>>, %arg14: memref<384x4096xf32, #tpu.memory_space<hbm>>, %arg15: memref<384x4096xf32, #tpu.memory_space<hbm>>, %arg16: memref<768x4096xf32, #tpu.memory_space<hbm>>, %arg17: memref<1536x4096xf32, #tpu.memory_space<hbm>>, %arg18: memref<96xi32, #tpu.memory_space<vmem>>, %arg19: memref<8x4096xf32, #tpu.memory_space<vmem>>, %arg20: memref<8x4096xf32, #tpu.memory_space<vmem>>, %arg21: memref<!tpu.dma_semaphore, #tpu.memory_space<semaphore_mem>>, %arg22: memref<!tpu.dma_semaphore, #tpu.memory_space<semaphore_mem>>) attributes {dimension_semantics = [#tpu.dimension_semantics<core_parallel>, #tpu.dimension_semantics<subcore_parallel>], iteration_bounds = array<i64: 2, 16>, scalar_prefetch = 0 : i64, scratch_operands = 5 : i64, tpu.core_type = #tpu.core_type<sc_vector_subcore>, window_params = [{transform_indices = #map}, {transform_indices = #map}, {transform_indices = #map}, {transform_indices = #map1}, {transform_indices = #map}, {transform_indices = #map}, {transform_indices = #map}, {transform_indices = #map}, {transform_indices = #map}, {transform_indices = #map}, {transform_indices = #map}, {transform_indices = #map}, {transform_indices = #map}, {transform_indices = #map}, {transform_indices = #map}, {transform_indices = #map}]} {
    %mul3A = arith.constant 2 : i32
    %mul3A_0 = arith.muli %arg1, %mul3A : i32
    %add3A = arith.addi %mul3A_0, %arg0 : i32
    %jit3A = arith.constant 8 : i32
    %div3A = arith.divsi %add3A, %jit3A : i32
    %sign3A = arith.constant 0 : i32
    %sign3A_1 = arith.cmpi sgt, %add3A, %sign3A : i32
    %sign3A_2 = arith.extui %sign3A_1 : i1 to i32
    %sign3A_3 = arith.constant 0 : i32
    %sign3A_4 = arith.cmpi slt, %add3A, %sign3A_3 : i32
    %sign3A_5 = arith.extui %sign3A_4 : i1 to i32
    %sign3A_6 = arith.subi %sign3A_2, %sign3A_5 : i32
    %sign3A_7 = arith.constant 0 : i32
    %sign3A_8 = arith.cmpi sgt, %jit3A, %sign3A_7 : i32
    %sign3A_9 = arith.extui %sign3A_8 : i1 to i32
    %sign3A_10 = arith.constant 0 : i32
    %sign3A_11 = arith.cmpi slt, %jit3A, %sign3A_10 : i32
    %sign3A_12 = arith.extui %sign3A_11 : i1 to i32
    %sign3A_13 = arith.subi %sign3A_9, %sign3A_12 : i32
    %ne3A = arith.cmpi ne, %sign3A_6, %sign3A_13 : i32
    %rem3A = arith.remsi %add3A, %jit3A : i32
    %ne3A_14 = arith.constant 0 : i32
    %ne3A_15 = arith.cmpi ne, %rem3A, %ne3A_14 : i32
    %and3A = arith.andi %ne3A, %ne3A_15 : i1
    %sub3A = arith.constant 1 : i32
    %sub3A_16 = arith.subi %div3A, %sub3A : i32
    %select_n3A = arith.select %and3A, %sub3A_16, %div3A : i32
    %jit3A_17 = arith.constant 8 : i32
    %eq3A = arith.constant 0 : i32
    %eq3A_18 = arith.cmpi eq, %jit3A_17, %eq3A : i32
    %jit3A_19 = arith.constant 1 : i32
    %select_n3A_20 = arith.select %eq3A_18, %jit3A_19, %jit3A_17 : i32
    %rem3A_21 = arith.remsi %add3A, %select_n3A_20 : i32
    %ne3A_22 = arith.constant 0 : i32
    %ne3A_23 = arith.cmpi ne, %rem3A_21, %ne3A_22 : i32
    %lt3A = arith.constant 0 : i32
    %lt3A_24 = arith.cmpi slt, %rem3A_21, %lt3A : i32
    %lt3A_25 = arith.constant 0 : i32
    %lt3A_26 = arith.cmpi slt, %select_n3A_20, %lt3A_25 : i32
    %ne3A_27 = arith.xori %lt3A_24, %lt3A_26 : i1
    %and3A_28 = arith.andi %ne3A_27, %ne3A_23 : i1
    %add3A_29 = arith.addi %rem3A_21, %select_n3A_20 : i32
    %select_n3A_30 = arith.select %and3A_28, %add3A_29, %rem3A_21 : i32
    %mul3A_31 = arith.constant 96 : i32
    %mul3A_32 = arith.muli %select_n3A_30, %mul3A_31 : i32
    "tpu.region"() ({
      %run_scoped3A = tpu.sem_alloc : memref<!tpu.dma_semaphore, #tpu.memory_space<semaphore_mem>>
      %dma_start3A = tpu.memref_slice %arg5[%mul3A_32] : memref<768xi32, #tpu.memory_space<hbm>> -> memref<96xi32, #tpu.memory_space<hbm>>
      %dma_start3A_107 = tpu.memref_slice %arg5[%mul3A_32] : memref<768xi32, #tpu.memory_space<hbm>> -> memref<96xi32, #tpu.memory_space<hbm>>
      tpu.enqueue_dma source(%dma_start3A_107 : memref<96xi32, #tpu.memory_space<hbm>>) target(%arg18 : memref<96xi32, #tpu.memory_space<vmem>>) target_semaphore(%run_scoped3A : memref<!tpu.dma_semaphore, #tpu.memory_space<semaphore_mem>>)
      %dma_wait3A = tpu.memref_slice %arg5[%mul3A_32] : memref<768xi32, #tpu.memory_space<hbm>> -> memref<96xi32, #tpu.memory_space<hbm>>
      %dma_wait3A_108 = tpu.memref_slice %arg5[%mul3A_32] : memref<768xi32, #tpu.memory_space<hbm>> -> memref<96xi32, #tpu.memory_space<hbm>>
      tpu.wait_dma2 semaphore(%run_scoped3A : memref<!tpu.dma_semaphore, #tpu.memory_space<semaphore_mem>>) src(%dma_wait3A_108 : memref<96xi32, #tpu.memory_space<hbm>>) dst(%arg18 : memref<96xi32, #tpu.memory_space<vmem>>)
      tpu.yield
    }) : () -> ()
    %mul3A_33 = arith.constant 768 : i32
    %mul3A_34 = arith.muli %select_n3A, %mul3A_33 : i32
    %get3A = arith.constant 0 : index
    %get3A_35 = tpu.vector_load %arg18[%get3A] {strides = array<i32>} : memref<96xi32, #tpu.memory_space<vmem>>, vector<16xi32>,
    %get3A_36 = vector.shape_cast %get3A_35 : vector<16xi32> to vector<16xi32>
    %add3A_37 = vector.broadcast %mul3A_34 : i32 to vector<16xi32>
    %add3A_38 = arith.addi %get3A_36, %add3A_37 : vector<16xi32>
    %swap3A = arith.constant 0 : index
    %swap3A_39 = tpu.vector_load %arg18[%swap3A] {strides = array<i32>} : memref<96xi32, #tpu.memory_space<vmem>>, vector<16xi32>,
    %swap3A_40 = vector.shape_cast %swap3A_39 : vector<16xi32> to vector<16xi32>
    %swap3A_41 = vector.shape_cast %add3A_38 : vector<16xi32> to vector<16xi32>
    tpu.vector_store %arg18[%swap3A], %swap3A_41 {strides = array<i32>} : memref<96xi32, #tpu.memory_space<vmem>>, vector<16xi32>,
    %get3A_42 = arith.constant 16 : index
    %get3A_43 = tpu.vector_load %arg18[%get3A_42] {strides = array<i32>} : memref<96xi32, #tpu.memory_space<vmem>>, vector<16xi32>,
    %get3A_44 = vector.shape_cast %get3A_43 : vector<16xi32> to vector<16xi32>
    %add3A_45 = vector.broadcast %mul3A_34 : i32 to vector<16xi32>
    %add3A_46 = arith.addi %get3A_44, %add3A_45 : vector<16xi32>
    %swap3A_47 = arith.constant 16 : index
    %swap3A_48 = tpu.vector_load %arg18[%swap3A_47] {strides = array<i32>} : memref<96xi32, #tpu.memory_space<vmem>>, vector<16xi32>,
    %swap3A_49 = vector.shape_cast %swap3A_48 : vector<16xi32> to vector<16xi32>
    %swap3A_50 = vector.shape_cast %add3A_46 : vector<16xi32> to vector<16xi32>
    tpu.vector_store %arg18[%swap3A_47], %swap3A_50 {strides = array<i32>} : memref<96xi32, #tpu.memory_space<vmem>>, vector<16xi32>,
    %get3A_51 = arith.constant 32 : index
    %get3A_52 = tpu.vector_load %arg18[%get3A_51] {strides = array<i32>} : memref<96xi32, #tpu.memory_space<vmem>>, vector<16xi32>,
    %get3A_53 = vector.shape_cast %get3A_52 : vector<16xi32> to vector<16xi32>
    %add3A_54 = vector.broadcast %mul3A_34 : i32 to vector<16xi32>
    %add3A_55 = arith.addi %get3A_53, %add3A_54 : vector<16xi32>
    %swap3A_56 = arith.constant 32 : index
    %swap3A_57 = tpu.vector_load %arg18[%swap3A_56] {strides = array<i32>} : memref<96xi32, #tpu.memory_space<vmem>>, vector<16xi32>,
    %swap3A_58 = vector.shape_cast %swap3A_57 : vector<16xi32> to vector<16xi32>
    %swap3A_59 = vector.shape_cast %add3A_55 : vector<16xi32> to vector<16xi32>
    tpu.vector_store %arg18[%swap3A_56], %swap3A_59 {strides = array<i32>} : memref<96xi32, #tpu.memory_space<vmem>>, vector<16xi32>,
    %get3A_60 = arith.constant 48 : index
    %get3A_61 = tpu.vector_load %arg18[%get3A_60] {strides = array<i32>} : memref<96xi32, #tpu.memory_space<vmem>>, vector<16xi32>,
    %get3A_62 = vector.shape_cast %get3A_61 : vector<16xi32> to vector<16xi32>
    %add3A_63 = vector.broadcast %mul3A_34 : i32 to vector<16xi32>
    %add3A_64 = arith.addi %get3A_62, %add3A_63 : vector<16xi32>
    %swap3A_65 = arith.constant 48 : index
    %swap3A_66 = tpu.vector_load %arg18[%swap3A_65] {strides = array<i32>} : memref<96xi32, #tpu.memory_space<vmem>>, vector<16xi32>,
    %swap3A_67 = vector.shape_cast %swap3A_66 : vector<16xi32> to vector<16xi32>
    %swap3A_68 = vector.shape_cast %add3A_64 : vector<16xi32> to vector<16xi32>
    tpu.vector_store %arg18[%swap3A_65], %swap3A_68 {strides = array<i32>} : memref<96xi32, #tpu.memory_space<vmem>>, vector<16xi32>,
    %get3A_69 = arith.constant 64 : index
    %get3A_70 = tpu.vector_load %arg18[%get3A_69] {strides = array<i32>} : memref<96xi32, #tpu.memory_space<vmem>>, vector<16xi32>,
    %get3A_71 = vector.shape_cast %get3A_70 : vector<16xi32> to vector<16xi32>
    %add3A_72 = vector.broadcast %mul3A_34 : i32 to vector<16xi32>
    %add3A_73 = arith.addi %get3A_71, %add3A_72 : vector<16xi32>
    %swap3A_74 = arith.constant 64 : index
    %swap3A_75 = tpu.vector_load %arg18[%swap3A_74] {strides = array<i32>} : memref<96xi32, #tpu.memory_space<vmem>>, vector<16xi32>,
    %swap3A_76 = vector.shape_cast %swap3A_75 : vector<16xi32> to vector<16xi32>
    %swap3A_77 = vector.shape_cast %add3A_73 : vector<16xi32> to vector<16xi32>
    tpu.vector_store %arg18[%swap3A_74], %swap3A_77 {strides = array<i32>} : memref<96xi32, #tpu.memory_space<vmem>>, vector<16xi32>,
    %get3A_78 = arith.constant 80 : index
    %get3A_79 = tpu.vector_load %arg18[%get3A_78] {strides = array<i32>} : memref<96xi32, #tpu.memory_space<vmem>>, vector<16xi32>,
    %get3A_80 = vector.shape_cast %get3A_79 : vector<16xi32> to vector<16xi32>
    %add3A_81 = vector.broadcast %mul3A_34 : i32 to vector<16xi32>
    %add3A_82 = arith.addi %get3A_80, %add3A_81 : vector<16xi32>
    %swap3A_83 = arith.constant 80 : index
    %swap3A_84 = tpu.vector_load %arg18[%swap3A_83] {strides = array<i32>} : memref<96xi32, #tpu.memory_space<vmem>>, vector<16xi32>,
    %swap3A_85 = vector.shape_cast %swap3A_84 : vector<16xi32> to vector<16xi32>
    %swap3A_86 = vector.shape_cast %add3A_82 : vector<16xi32> to vector<16xi32>
    tpu.vector_store %arg18[%swap3A_83], %swap3A_86 {strides = array<i32>} : memref<96xi32, #tpu.memory_space<vmem>>, vector<16xi32>,
    %eq3A_87 = arith.constant 0 : i32
    %eq3A_88 = arith.cmpi eq, %select_n3A_30, %eq3A_87 : i32
    %convert_element_type3A = arith.extui %eq3A_88 : i1 to i32
    %cond3A = arith.constant 0 : i32
    %cond3A_89 = arith.cmpi ne, %convert_element_type3A, %cond3A : i32
    scf.if %cond3A_89 {
      %mul3A_107 = arith.constant 96 : i32
      %mul3A_108 = arith.muli %select_n3A, %mul3A_107 : i32
      %sub3A_109 = arith.constant 0 : i32
      %sub3A_110 = arith.subi %mul3A_32, %sub3A_109 : i32
      %add3A_111 = arith.addi %mul3A_108, %sub3A_110 : i32
      %dma_start3A = arith.constant 0 : i32
      %dma_start3A_112 = tpu.memref_slice %arg18[%dma_start3A] : memref<96xi32, #tpu.memory_space<vmem>> -> memref<8xi32, #tpu.memory_space<vmem>>
      %dma_start3A_113 = arith.constant 0 : i32
      %dma_start3A_114 = arith.constant 0 : i32
      %dma_start3A_115 = tpu.memref_slice %arg2[%dma_start3A_113, %dma_start3A_114] : memref<3072x4096xf32, #tpu.memory_space<hbm>> -> memref<3072x4096xf32, #tpu.memory_space<hbm>>
      tpu.enqueue_indirect_dma source(%dma_start3A_115 : memref<3072x4096xf32, #tpu.memory_space<hbm>>) target(%arg19 : memref<8x4096xf32, #tpu.memory_space<vmem>>) offsets(%dma_start3A_112 : memref<8xi32, #tpu.memory_space<vmem>>) semaphore(%arg21 : memref<!tpu.dma_semaphore, #tpu.memory_space<semaphore_mem>>)
      %scan3A = arith.constant 0 : i32
      %scan3A_116 = arith.constant 0 : i32
      %scan3A_117 = arith.constant 6 : i32
      %scan3A_118 = arith.addi %scan3A_116, %scan3A_117 : i32
      %scan3A_119 = arith.constant 1 : i32
      %scan3A_120 = scf.for %scan3A_146 = %scan3A_116 to %scan3A_118 step %scan3A_119 iter_args(%scan3A_147 = %scan3A) -> (i32)  : i32 {
        %mul3A_148 = arith.constant 2 : i32
        %mul3A_149 = arith.muli %scan3A_146, %mul3A_148 : i32
        %add3A_150 = arith.constant 0 : i32
        %add3A_151 = arith.addi %mul3A_149, %add3A_150 : i32
        %add3A_152 = arith.constant 1 : i32
        %add3A_153 = arith.addi %add3A_151, %add3A_152 : i32
        %lt3A_154 = arith.constant 12 : i32
        %lt3A_155 = arith.cmpi slt, %add3A_153, %lt3A_154 : i32
        %convert_element_type3A_156 = arith.extui %lt3A_155 : i1 to i32
        %cond3A_157 = arith.constant 0 : i32
        %cond3A_158 = arith.cmpi ne, %convert_element_type3A_156, %cond3A_157 : i32
        scf.if %cond3A_158 {
          %add3A_188 = arith.constant 1 : i32
          %add3A_189 = arith.addi %add3A_151, %add3A_188 : i32
          %mul3A_190 = arith.constant 8 : i32
          %mul3A_191 = arith.muli %add3A_189, %mul3A_190 : i32
          %dma_start3A_192 = tpu.memref_slice %arg18[%mul3A_191] : memref<96xi32, #tpu.memory_space<vmem>> -> memref<8xi32, #tpu.memory_space<vmem>>
          %dma_start3A_193 = arith.constant 0 : i32
          %dma_start3A_194 = arith.constant 0 : i32
          %dma_start3A_195 = tpu.memref_slice %arg2[%dma_start3A_193, %dma_start3A_194] : memref<3072x4096xf32, #tpu.memory_space<hbm>> -> memref<3072x4096xf32, #tpu.memory_space<hbm>>
          tpu.enqueue_indirect_dma source(%dma_start3A_195 : memref<3072x4096xf32, #tpu.memory_space<hbm>>) target(%arg20 : memref<8x4096xf32, #tpu.memory_space<vmem>>) offsets(%dma_start3A_192 : memref<8xi32, #tpu.memory_space<vmem>>) semaphore(%arg22 : memref<!tpu.dma_semaphore, #tpu.memory_space<semaphore_mem>>)
        } else {
        }
        %mul3A_159 = arith.constant 8 : i32
        %mul3A_160 = arith.muli %add3A_151, %mul3A_159 : i32
        %dma_wait3A = tpu.memref_slice %arg18[%mul3A_160] : memref<96xi32, #tpu.memory_space<vmem>> -> memref<8xi32, #tpu.memory_space<vmem>>
        %dma_wait3A_161 = arith.constant 0 : i32
        %dma_wait3A_162 = arith.constant 0 : i32
        %dma_wait3A_163 = tpu.memref_slice %arg2[%dma_wait3A_161, %dma_wait3A_162] : memref<3072x4096xf32, #tpu.memory_space<hbm>> -> memref<3072x4096xf32, #tpu.memory_space<hbm>>
        tpu.wait_indirect_dma semaphore(%arg21 : memref<!tpu.dma_semaphore, #tpu.memory_space<semaphore_mem>>) src(%dma_wait3A_163 : memref<3072x4096xf32, #tpu.memory_space<hbm>>) dst(%arg19 : memref<8x4096xf32, #tpu.memory_space<vmem>>)
        %mul3A_164 = arith.constant 8 : i32
        %mul3A_165 = arith.muli %add3A_151, %mul3A_164 : i32
        %add3A_166 = arith.addi %add3A_111, %mul3A_165 : i32
        "tpu.region"() ({
          %run_scoped3A = tpu.sem_alloc : memref<!tpu.dma_semaphore, #tpu.memory_space<semaphore_mem>>
          %dma_start3A_188 = arith.constant 0 : i32
          %dma_start3A_189 = tpu.memref_slice %arg6[%add3A_166, %dma_start3A_188] : memref<384x4096xf32, #tpu.memory_space<hbm>> -> memref<8x4096xf32, #tpu.memory_space<hbm>>
          %dma_start3A_190 = arith.constant 0 : i32
          %dma_start3A_191 = tpu.memref_slice %arg6[%add3A_166, %dma_start3A_190] : memref<384x4096xf32, #tpu.memory_space<hbm>> -> memref<8x4096xf32, #tpu.memory_space<hbm>>
          tpu.enqueue_dma source(%arg19 : memref<8x4096xf32, #tpu.memory_space<vmem>>) target(%dma_start3A_191 : memref<8x4096xf32, #tpu.memory_space<hbm>>) target_semaphore(%run_scoped3A : memref<!tpu.dma_semaphore, #tpu.memory_space<semaphore_mem>>)
          %dma_wait3A_192 = arith.constant 0 : i32
          %dma_wait3A_193 = tpu.memref_slice %arg6[%add3A_166, %dma_wait3A_192] : memref<384x4096xf32, #tpu.memory_space<hbm>> -> memref<8x4096xf32, #tpu.memory_space<hbm>>
          %dma_wait3A_194 = arith.constant 0 : i32
          %dma_wait3A_195 = tpu.memref_slice %arg6[%add3A_166, %dma_wait3A_194] : memref<384x4096xf32, #tpu.memory_space<hbm>> -> memref<8x4096xf32, #tpu.memory_space<hbm>>
          tpu.wait_dma2 semaphore(%run_scoped3A : memref<!tpu.dma_semaphore, #tpu.memory_space<semaphore_mem>>) src(%arg19 : memref<8x4096xf32, #tpu.memory_space<vmem>>) dst(%dma_wait3A_195 : memref<8x4096xf32, #tpu.memory_space<hbm>>)
          tpu.yield
        }) : () -> ()
        %mul3A_167 = arith.constant 2 : i32
        %mul3A_168 = arith.muli %scan3A_146, %mul3A_167 : i32
        %add3A_169 = arith.constant 1 : i32
        %add3A_170 = arith.addi %mul3A_168, %add3A_169 : i32
        %add3A_171 = arith.constant 1 : i32
        %add3A_172 = arith.addi %add3A_170, %add3A_171 : i32
        %lt3A_173 = arith.constant 12 : i32
        %lt3A_174 = arith.cmpi slt, %add3A_172, %lt3A_173 : i32
        %convert_element_type3A_175 = arith.extui %lt3A_174 : i1 to i32
        %cond3A_176 = arith.constant 0 : i32
        %cond3A_177 = arith.cmpi ne, %convert_element_type3A_175, %cond3A_176 : i32
        scf.if %cond3A_177 {
          %add3A_188 = arith.constant 1 : i32
          %add3A_189 = arith.addi %add3A_170, %add3A_188 : i32
          %mul3A_190 = arith.constant 8 : i32
          %mul3A_191 = arith.muli %add3A_189, %mul3A_190 : i32
          %dma_start3A_192 = tpu.memref_slice %arg18[%mul3A_191] : memref<96xi32, #tpu.memory_space<vmem>> -> memref<8xi32, #tpu.memory_space<vmem>>
          %dma_start3A_193 = arith.constant 0 : i32
          %dma_start3A_194 = arith.constant 0 : i32
          %dma_start3A_195 = tpu.memref_slice %arg2[%dma_start3A_193, %dma_start3A_194] : memref<3072x4096xf32, #tpu.memory_space<hbm>> -> memref<3072x4096xf32, #tpu.memory_space<hbm>>
          tpu.enqueue_indirect_dma source(%dma_start3A_195 : memref<3072x4096xf32, #tpu.memory_space<hbm>>) target(%arg19 : memref<8x4096xf32, #tpu.memory_space<vmem>>) offsets(%dma_start3A_192 : memref<8xi32, #tpu.memory_space<vmem>>) semaphore(%arg21 : memref<!tpu.dma_semaphore, #tpu.memory_space<semaphore_mem>>)
        } else {
        }
        %mul3A_178 = arith.constant 8 : i32
        %mul3A_179 = arith.muli %add3A_170, %mul3A_178 : i32
        %dma_wait3A_180 = tpu.memref_slice %arg18[%mul3A_179] : memref<96xi32, #tpu.memory_space<vmem>> -> memref<8xi32, #tpu.memory_space<vmem>>
        %dma_wait3A_181 = arith.constant 0 : i32
        %dma_wait3A_182 = arith.constant 0 : i32
        %dma_wait3A_183 = tpu.memref_slice %arg2[%dma_wait3A_181, %dma_wait3A_182] : memref<3072x4096xf32, #tpu.memory_space<hbm>> -> memref<3072x4096xf32, #tpu.memory_space<hbm>>
        tpu.wait_indirect_dma semaphore(%arg22 : memref<!tpu.dma_semaphore, #tpu.memory_space<semaphore_mem>>) src(%dma_wait3A_183 : memref<3072x4096xf32, #tpu.memory_space<hbm>>) dst(%arg20 : memref<8x4096xf32, #tpu.memory_space<vmem>>)
        %mul3A_184 = arith.constant 8 : i32
        %mul3A_185 = arith.muli %add3A_170, %mul3A_184 : i32
        %add3A_186 = arith.addi %add3A_111, %mul3A_185 : i32
        "tpu.region"() ({
          %run_scoped3A = tpu.sem_alloc : memref<!tpu.dma_semaphore, #tpu.memory_space<semaphore_mem>>
          %dma_start3A_188 = arith.constant 0 : i32
          %dma_start3A_189 = tpu.memref_slice %arg6[%add3A_186, %dma_start3A_188] : memref<384x4096xf32, #tpu.memory_space<hbm>> -> memref<8x4096xf32, #tpu.memory_space<hbm>>
          %dma_start3A_190 = arith.constant 0 : i32
          %dma_start3A_191 = tpu.memref_slice %arg6[%add3A_186, %dma_start3A_190] : memref<384x4096xf32, #tpu.memory_space<hbm>> -> memref<8x4096xf32, #tpu.memory_space<hbm>>
          tpu.enqueue_dma source(%arg20 : memref<8x4096xf32, #tpu.memory_space<vmem>>) target(%dma_start3A_191 : memref<8x4096xf32, #tpu.memory_space<hbm>>) target_semaphore(%run_scoped3A : memref<!tpu.dma_semaphore, #tpu.memory_space<semaphore_mem>>)
          %dma_wait3A_192 = arith.constant 0 : i32
          %dma_wait3A_193 = tpu.memref_slice %arg6[%add3A_186, %dma_wait3A_192] : memref<384x4096xf32, #tpu.memory_space<hbm>> -> memref<8x4096xf32, #tpu.memory_space<hbm>>
          %dma_wait3A_194 = arith.constant 0 : i32
          %dma_wait3A_195 = tpu.memref_slice %arg6[%add3A_186, %dma_wait3A_194] : memref<384x4096xf32, #tpu.memory_space<hbm>> -> memref<8x4096xf32, #tpu.memory_space<hbm>>
          tpu.wait_dma2 semaphore(%run_scoped3A : memref<!tpu.dma_semaphore, #tpu.memory_space<semaphore_mem>>) src(%arg20 : memref<8x4096xf32, #tpu.memory_space<vmem>>) dst(%dma_wait3A_195 : memref<8x4096xf32, #tpu.memory_space<hbm>>)
          tpu.yield
        }) : () -> ()
        %scan3A_187 = arith.constant 0 : i32
        scf.yield %scan3A_187 : i32
      }
      %scan3A_121 = arith.constant 6 : i32
      %dma_start3A_122 = arith.constant 0 : i32
      %dma_start3A_123 = tpu.memref_slice %arg18[%dma_start3A_122] : memref<96xi32, #tpu.memory_space<vmem>> -> memref<8xi32, #tpu.memory_space<vmem>>
      %dma_start3A_124 = arith.constant 0 : i32
      %dma_start3A_125 = arith.constant 0 : i32
      %dma_start3A_126 = tpu.memref_slice %arg3[%dma_start3A_124, %dma_start3A_125] : memref<3072x4096xf32, #tpu.memory_space<hbm>> -> memref<3072x4096xf32, #tpu.memory_space<hbm>>
      tpu.enqueue_indirect_dma source(%dma_start3A_126 : memref<3072x4096xf32, #tpu.memory_space<hbm>>) target(%arg19 : memref<8x4096xf32, #tpu.memory_space<vmem>>) offsets(%dma_start3A_123 : memref<8xi32, #tpu.memory_space<vmem>>) semaphore(%arg21 : memref<!tpu.dma_semaphore, #tpu.memory_space<semaphore_mem>>)
      %scan3A_127 = arith.constant 0 : i32
      %scan3A_128 = arith.constant 0 : i32
      %scan3A_129 = arith.constant 6 : i32
      %scan3A_130 = arith.addi %scan3A_128, %scan3A_129 : i32
      %scan3A_131 = arith.constant 1 : i32
      %scan3A_132 = scf.for %scan3A_146 = %scan3A_128 to %scan3A_130 step %scan3A_131 iter_args(%scan3A_147 = %scan3A_127) -> (i32)  : i32 {
        %mul3A_148 = arith.constant 2 : i32
        %mul3A_149 = arith.muli %scan3A_146, %mul3A_148 : i32
        %add3A_150 = arith.constant 0 : i32
        %add3A_151 = arith.addi %mul3A_149, %add3A_150 : i32
        %add3A_152 = arith.constant 1 : i32
        %add3A_153 = arith.addi %add3A_151, %add3A_152 : i32
        %lt3A_154 = arith.constant 12 : i32
        %lt3A_155 = arith.cmpi slt, %add3A_153, %lt3A_154 : i32
        %convert_element_type3A_156 = arith.extui %lt3A_155 : i1 to i32
        %cond3A_157 = arith.constant 0 : i32
        %cond3A_158 = arith.cmpi ne, %convert_element_type3A_156, %cond3A_157 : i32
        scf.if %cond3A_158 {
          %add3A_188 = arith.constant 1 : i32
          %add3A_189 = arith.addi %add3A_151, %add3A_188 : i32
          %mul3A_190 = arith.constant 8 : i32
          %mul3A_191 = arith.muli %add3A_189, %mul3A_190 : i32
          %dma_start3A_192 = tpu.memref_slice %arg18[%mul3A_191] : memref<96xi32, #tpu.memory_space<vmem>> -> memref<8xi32, #tpu.memory_space<vmem>>
          %dma_start3A_193 = arith.constant 0 : i32
          %dma_start3A_194 = arith.constant 0 : i32
          %dma_start3A_195 = tpu.memref_slice %arg3[%dma_start3A_193, %dma_start3A_194] : memref<3072x4096xf32, #tpu.memory_space<hbm>> -> memref<3072x4096xf32, #tpu.memory_space<hbm>>
          tpu.enqueue_indirect_dma source(%dma_start3A_195 : memref<3072x4096xf32, #tpu.memory_space<hbm>>) target(%arg20 : memref<8x4096xf32, #tpu.memory_space<vmem>>) offsets(%dma_start3A_192 : memref<8xi32, #tpu.memory_space<vmem>>) semaphore(%arg22 : memref<!tpu.dma_semaphore, #tpu.memory_space<semaphore_mem>>)
        } else {
        }
        %mul3A_159 = arith.constant 8 : i32
        %mul3A_160 = arith.muli %add3A_151, %mul3A_159 : i32
        %dma_wait3A = tpu.memref_slice %arg18[%mul3A_160] : memref<96xi32, #tpu.memory_space<vmem>> -> memref<8xi32, #tpu.memory_space<vmem>>
        %dma_wait3A_161 = arith.constant 0 : i32
        %dma_wait3A_162 = arith.constant 0 : i32
        %dma_wait3A_163 = tpu.memref_slice %arg3[%dma_wait3A_161, %dma_wait3A_162] : memref<3072x4096xf32, #tpu.memory_space<hbm>> -> memref<3072x4096xf32, #tpu.memory_space<hbm>>
        tpu.wait_indirect_dma semaphore(%arg21 : memref<!tpu.dma_semaphore, #tpu.memory_space<semaphore_mem>>) src(%dma_wait3A_163 : memref<3072x4096xf32, #tpu.memory_space<hbm>>) dst(%arg19 : memref<8x4096xf32, #tpu.memory_space<vmem>>)
        %mul3A_164 = arith.constant 8 : i32
        %mul3A_165 = arith.muli %add3A_151, %mul3A_164 : i32
        %add3A_166 = arith.addi %add3A_111, %mul3A_165 : i32
        "tpu.region"() ({
          %run_scoped3A = tpu.sem_alloc : memref<!tpu.dma_semaphore, #tpu.memory_space<semaphore_mem>>
          %dma_start3A_188 = arith.constant 0 : i32
          %dma_start3A_189 = tpu.memref_slice %arg10[%add3A_166, %dma_start3A_188] : memref<384x4096xf32, #tpu.memory_space<hbm>> -> memref<8x4096xf32, #tpu.memory_space<hbm>>
          %dma_start3A_190 = arith.constant 0 : i32
          %dma_start3A_191 = tpu.memref_slice %arg10[%add3A_166, %dma_start3A_190] : memref<384x4096xf32, #tpu.memory_space<hbm>> -> memref<8x4096xf32, #tpu.memory_space<hbm>>
          tpu.enqueue_dma source(%arg19 : memref<8x4096xf32, #tpu.memory_space<vmem>>) target(%dma_start3A_191 : memref<8x4096xf32, #tpu.memory_space<hbm>>) target_semaphore(%run_scoped3A : memref<!tpu.dma_semaphore, #tpu.memory_space<semaphore_mem>>)
          %dma_wait3A_192 = arith.constant 0 : i32
          %dma_wait3A_193 = tpu.memref_slice %arg10[%add3A_166, %dma_wait3A_192] : memref<384x4096xf32, #tpu.memory_space<hbm>> -> memref<8x4096xf32, #tpu.memory_space<hbm>>
          %dma_wait3A_194 = arith.constant 0 : i32
          %dma_wait3A_195 = tpu.memref_slice %arg10[%add3A_166, %dma_wait3A_194] : memref<384x4096xf32, #tpu.memory_space<hbm>> -> memref<8x4096xf32, #tpu.memory_space<hbm>>
          tpu.wait_dma2 semaphore(%run_scoped3A : memref<!tpu.dma_semaphore, #tpu.memory_space<semaphore_mem>>) src(%arg19 : memref<8x4096xf32, #tpu.memory_space<vmem>>) dst(%dma_wait3A_195 : memref<8x4096xf32, #tpu.memory_space<hbm>>)
          tpu.yield
        }) : () -> ()
        %mul3A_167 = arith.constant 2 : i32
        %mul3A_168 = arith.muli %scan3A_146, %mul3A_167 : i32
        %add3A_169 = arith.constant 1 : i32
        %add3A_170 = arith.addi %mul3A_168, %add3A_169 : i32
        %add3A_171 = arith.constant 1 : i32
        %add3A_172 = arith.addi %add3A_170, %add3A_171 : i32
        %lt3A_173 = arith.constant 12 : i32
        %lt3A_174 = arith.cmpi slt, %add3A_172, %lt3A_173 : i32
        %convert_element_type3A_175 = arith.extui %lt3A_174 : i1 to i32
        %cond3A_176 = arith.constant 0 : i32
        %cond3A_177 = arith.cmpi ne, %convert_element_type3A_175, %cond3A_176 : i32
        scf.if %cond3A_177 {
          %add3A_188 = arith.constant 1 : i32
          %add3A_189 = arith.addi %add3A_170, %add3A_188 : i32
          %mul3A_190 = arith.constant 8 : i32
          %mul3A_191 = arith.muli %add3A_189, %mul3A_190 : i32
          %dma_start3A_192 = tpu.memref_slice %arg18[%mul3A_191] : memref<96xi32, #tpu.memory_space<vmem>> -> memref<8xi32, #tpu.memory_space<vmem>>
          %dma_start3A_193 = arith.constant 0 : i32
          %dma_start3A_194 = arith.constant 0 : i32
          %dma_start3A_195 = tpu.memref_slice %arg3[%dma_start3A_193, %dma_start3A_194] : memref<3072x4096xf32, #tpu.memory_space<hbm>> -> memref<3072x4096xf32, #tpu.memory_space<hbm>>
          tpu.enqueue_indirect_dma source(%dma_start3A_195 : memref<3072x4096xf32, #tpu.memory_space<hbm>>) target(%arg19 : memref<8x4096xf32, #tpu.memory_space<vmem>>) offsets(%dma_start3A_192 : memref<8xi32, #tpu.memory_space<vmem>>) semaphore(%arg21 : memref<!tpu.dma_semaphore, #tpu.memory_space<semaphore_mem>>)
        } else {
        }
        %mul3A_178 = arith.constant 8 : i32
        %mul3A_179 = arith.muli %add3A_170, %mul3A_178 : i32
        %dma_wait3A_180 = tpu.memref_slice %arg18[%mul3A_179] : memref<96xi32, #tpu.memory_space<vmem>> -> memref<8xi32, #tpu.memory_space<vmem>>
        %dma_wait3A_181 = arith.constant 0 : i32
        %dma_wait3A_182 = arith.constant 0 : i32
        %dma_wait3A_183 = tpu.memref_slice %arg3[%dma_wait3A_181, %dma_wait3A_182] : memref<3072x4096xf32, #tpu.memory_space<hbm>> -> memref<3072x4096xf32, #tpu.memory_space<hbm>>
        tpu.wait_indirect_dma semaphore(%arg22 : memref<!tpu.dma_semaphore, #tpu.memory_space<semaphore_mem>>) src(%dma_wait3A_183 : memref<3072x4096xf32, #tpu.memory_space<hbm>>) dst(%arg20 : memref<8x4096xf32, #tpu.memory_space<vmem>>)
        %mul3A_184 = arith.constant 8 : i32
        %mul3A_185 = arith.muli %add3A_170, %mul3A_184 : i32
        %add3A_186 = arith.addi %add3A_111, %mul3A_185 : i32
        "tpu.region"() ({
          %run_scoped3A = tpu.sem_alloc : memref<!tpu.dma_semaphore, #tpu.memory_space<semaphore_mem>>
          %dma_start3A_188 = arith.constant 0 : i32
          %dma_start3A_189 = tpu.memref_slice %arg10[%add3A_186, %dma_start3A_188] : memref<384x4096xf32, #tpu.memory_space<hbm>> -> memref<8x4096xf32, #tpu.memory_space<hbm>>
          %dma_start3A_190 = arith.constant 0 : i32
          %dma_start3A_191 = tpu.memref_slice %arg10[%add3A_186, %dma_start3A_190] : memref<384x4096xf32, #tpu.memory_space<hbm>> -> memref<8x4096xf32, #tpu.memory_space<hbm>>
          tpu.enqueue_dma source(%arg20 : memref<8x4096xf32, #tpu.memory_space<vmem>>) target(%dma_start3A_191 : memref<8x4096xf32, #tpu.memory_space<hbm>>) target_semaphore(%run_scoped3A : memref<!tpu.dma_semaphore, #tpu.memory_space<semaphore_mem>>)
          %dma_wait3A_192 = arith.constant 0 : i32
          %dma_wait3A_193 = tpu.memref_slice %arg10[%add3A_186, %dma_wait3A_192] : memref<384x4096xf32, #tpu.memory_space<hbm>> -> memref<8x4096xf32, #tpu.memory_space<hbm>>
          %dma_wait3A_194 = arith.constant 0 : i32
          %dma_wait3A_195 = tpu.memref_slice %arg10[%add3A_186, %dma_wait3A_194] : memref<384x4096xf32, #tpu.memory_space<hbm>> -> memref<8x4096xf32, #tpu.memory_space<hbm>>
          tpu.wait_dma2 semaphore(%run_scoped3A : memref<!tpu.dma_semaphore, #tpu.memory_space<semaphore_mem>>) src(%arg20 : memref<8x4096xf32, #tpu.memory_space<vmem>>) dst(%dma_wait3A_195 : memref<8x4096xf32, #tpu.memory_space<hbm>>)
          tpu.yield
        }) : () -> ()
        %scan3A_187 = arith.constant 0 : i32
        scf.yield %scan3A_187 : i32
      }
      %scan3A_133 = arith.constant 6 : i32
      %dma_start3A_134 = arith.constant 0 : i32
      %dma_start3A_135 = tpu.memref_slice %arg18[%dma_start3A_134] : memref<96xi32, #tpu.memory_space<vmem>> -> memref<8xi32, #tpu.memory_space<vmem>>
      %dma_start3A_136 = arith.constant 0 : i32
      %dma_start3A_137 = arith.constant 0 : i32
      %dma_start3A_138 = tpu.memref_slice %arg4[%dma_start3A_136, %dma_start3A_137] : memref<3072x4096xf32, #tpu.memory_space<hbm>> -> memref<3072x4096xf32, #tpu.memory_space<hbm>>
      tpu.enqueue_indirect_dma source(%dma_start3A_138 : memref<3072x4096xf32, #tpu.memory_space<hbm>>) target(%arg19 : memref<8x4096xf32, #tpu.memory_space<vmem>>) offsets(%dma_start3A_135 : memref<8xi32, #tpu.memory_space<vmem>>) semaphore(%arg21 : memref<!tpu.dma_semaphore, #tpu.memory_space<semaphore_mem>>)
      %scan3A_139 = arith.constant 0 : i32
      %scan3A_140 = arith.constant 0 : i32
      %scan3A_141 = arith.constant 6 : i32
      %scan3A_142 = arith.addi %scan3A_140, %scan3A_141 : i32
      %scan3A_143 = arith.constant 1 : i32
      %scan3A_144 = scf.for %scan3A_146 = %scan3A_140 to %scan3A_142 step %scan3A_143 iter_args(%scan3A_147 = %scan3A_139) -> (i32)  : i32 {
        %mul3A_148 = arith.constant 2 : i32
        %mul3A_149 = arith.muli %scan3A_146, %mul3A_148 : i32
        %add3A_150 = arith.constant 0 : i32
        %add3A_151 = arith.addi %mul3A_149, %add3A_150 : i32
        %add3A_152 = arith.constant 1 : i32
        %add3A_153 = arith.addi %add3A_151, %add3A_152 : i32
        %lt3A_154 = arith.constant 12 : i32
        %lt3A_155 = arith.cmpi slt, %add3A_153, %lt3A_154 : i32
        %convert_element_type3A_156 = arith.extui %lt3A_155 : i1 to i32
        %cond3A_157 = arith.constant 0 : i32
        %cond3A_158 = arith.cmpi ne, %convert_element_type3A_156, %cond3A_157 : i32
        scf.if %cond3A_158 {
          %add3A_188 = arith.constant 1 : i32
          %add3A_189 = arith.addi %add3A_151, %add3A_188 : i32
          %mul3A_190 = arith.constant 8 : i32
          %mul3A_191 = arith.muli %add3A_189, %mul3A_190 : i32
          %dma_start3A_192 = tpu.memref_slice %arg18[%mul3A_191] : memref<96xi32, #tpu.memory_space<vmem>> -> memref<8xi32, #tpu.memory_space<vmem>>
          %dma_start3A_193 = arith.constant 0 : i32
          %dma_start3A_194 = arith.constant 0 : i32
          %dma_start3A_195 = tpu.memref_slice %arg4[%dma_start3A_193, %dma_start3A_194] : memref<3072x4096xf32, #tpu.memory_space<hbm>> -> memref<3072x4096xf32, #tpu.memory_space<hbm>>
          tpu.enqueue_indirect_dma source(%dma_start3A_195 : memref<3072x4096xf32, #tpu.memory_space<hbm>>) target(%arg20 : memref<8x4096xf32, #tpu.memory_space<vmem>>) offsets(%dma_start3A_192 : memref<8xi32, #tpu.memory_space<vmem>>) semaphore(%arg22 : memref<!tpu.dma_semaphore, #tpu.memory_space<semaphore_mem>>)
        } else {
        }
        %mul3A_159 = arith.constant 8 : i32
        %mul3A_160 = arith.muli %add3A_151, %mul3A_159 : i32
        %dma_wait3A = tpu.memref_slice %arg18[%mul3A_160] : memref<96xi32, #tpu.memory_space<vmem>> -> memref<8xi32, #tpu.memory_space<vmem>>
        %dma_wait3A_161 = arith.constant 0 : i32
        %dma_wait3A_162 = arith.constant 0 : i32
        %dma_wait3A_163 = tpu.memref_slice %arg4[%dma_wait3A_161, %dma_wait3A_162] : memref<3072x4096xf32, #tpu.memory_space<hbm>> -> memref<3072x4096xf32, #tpu.memory_space<hbm>>
        tpu.wait_indirect_dma semaphore(%arg21 : memref<!tpu.dma_semaphore, #tpu.memory_space<semaphore_mem>>) src(%dma_wait3A_163 : memref<3072x4096xf32, #tpu.memory_space<hbm>>) dst(%arg19 : memref<8x4096xf32, #tpu.memory_space<vmem>>)
        %mul3A_164 = arith.constant 8 : i32
        %mul3A_165 = arith.muli %add3A_151, %mul3A_164 : i32
        %add3A_166 = arith.addi %add3A_111, %mul3A_165 : i32
        "tpu.region"() ({
          %run_scoped3A = tpu.sem_alloc : memref<!tpu.dma_semaphore, #tpu.memory_space<semaphore_mem>>
          %dma_start3A_188 = arith.constant 0 : i32
          %dma_start3A_189 = tpu.memref_slice %arg14[%add3A_166, %dma_start3A_188] : memref<384x4096xf32, #tpu.memory_space<hbm>> -> memref<8x4096xf32, #tpu.memory_space<hbm>>
          %dma_start3A_190 = arith.constant 0 : i32
          %dma_start3A_191 = tpu.memref_slice %arg14[%add3A_166, %dma_start3A_190] : memref<384x4096xf32, #tpu.memory_space<hbm>> -> memref<8x4096xf32, #tpu.memory_space<hbm>>
          tpu.enqueue_dma source(%arg19 : memref<8x4096xf32, #tpu.memory_space<vmem>>) target(%dma_start3A_191 : memref<8x4096xf32, #tpu.memory_space<hbm>>) target_semaphore(%run_scoped3A : memref<!tpu.dma_semaphore, #tpu.memory_space<semaphore_mem>>)
          %dma_wait3A_192 = arith.constant 0 : i32
          %dma_wait3A_193 = tpu.memref_slice %arg14[%add3A_166, %dma_wait3A_192] : memref<384x4096xf32, #tpu.memory_space<hbm>> -> memref<8x4096xf32, #tpu.memory_space<hbm>>
          %dma_wait3A_194 = arith.constant 0 : i32
          %dma_wait3A_195 = tpu.memref_slice %arg14[%add3A_166, %dma_wait3A_194] : memref<384x4096xf32, #tpu.memory_space<hbm>> -> memref<8x4096xf32, #tpu.memory_space<hbm>>
          tpu.wait_dma2 semaphore(%run_scoped3A : memref<!tpu.dma_semaphore, #tpu.memory_space<semaphore_mem>>) src(%arg19 : memref<8x4096xf32, #tpu.memory_space<vmem>>) dst(%dma_wait3A_195 : memref<8x4096xf32, #tpu.memory_space<hbm>>)
          tpu.yield
        }) : () -> ()
        %mul3A_167 = arith.constant 2 : i32
        %mul3A_168 = arith.muli %scan3A_146, %mul3A_167 : i32
        %add3A_169 = arith.constant 1 : i32
        %add3A_170 = arith.addi %mul3A_168, %add3A_169 : i32
        %add3A_171 = arith.constant 1 : i32
        %add3A_172 = arith.addi %add3A_170, %add3A_171 : i32
        %lt3A_173 = arith.constant 12 : i32
        %lt3A_174 = arith.cmpi slt, %add3A_172, %lt3A_173 : i32
        %convert_element_type3A_175 = arith.extui %lt3A_174 : i1 to i32
        %cond3A_176 = arith.constant 0 : i32
        %cond3A_177 = arith.cmpi ne, %convert_element_type3A_175, %cond3A_176 : i32
        scf.if %cond3A_177 {
          %add3A_188 = arith.constant 1 : i32
          %add3A_189 = arith.addi %add3A_170, %add3A_188 : i32
          %mul3A_190 = arith.constant 8 : i32
          %mul3A_191 = arith.muli %add3A_189, %mul3A_190 : i32
          %dma_start3A_192 = tpu.memref_slice %arg18[%mul3A_191] : memref<96xi32, #tpu.memory_space<vmem>> -> memref<8xi32, #tpu.memory_space<vmem>>
          %dma_start3A_193 = arith.constant 0 : i32
          %dma_start3A_194 = arith.constant 0 : i32
          %dma_start3A_195 = tpu.memref_slice %arg4[%dma_start3A_193, %dma_start3A_194] : memref<3072x4096xf32, #tpu.memory_space<hbm>> -> memref<3072x4096xf32, #tpu.memory_space<hbm>>
          tpu.enqueue_indirect_dma source(%dma_start3A_195 : memref<3072x4096xf32, #tpu.memory_space<hbm>>) target(%arg19 : memref<8x4096xf32, #tpu.memory_space<vmem>>) offsets(%dma_start3A_192 : memref<8xi32, #tpu.memory_space<vmem>>) semaphore(%arg21 : memref<!tpu.dma_semaphore, #tpu.memory_space<semaphore_mem>>)
        } else {
        }
        %mul3A_178 = arith.constant 8 : i32
        %mul3A_179 = arith.muli %add3A_170, %mul3A_178 : i32
        %dma_wait3A_180 = tpu.memref_slice %arg18[%mul3A_179] : memref<96xi32, #tpu.memory_space<vmem>> -> memref<8xi32, #tpu.memory_space<vmem>>
        %dma_wait3A_181 = arith.constant 0 : i32
        %dma_wait3A_182 = arith.constant 0 : i32
        %dma_wait3A_183 = tpu.memref_slice %arg4[%dma_wait3A_181, %dma_wait3A_182] : memref<3072x4096xf32, #tpu.memory_space<hbm>> -> memref<3072x4096xf32, #tpu.memory_space<hbm>>
        tpu.wait_indirect_dma semaphore(%arg22 : memref<!tpu.dma_semaphore, #tpu.memory_space<semaphore_mem>>) src(%dma_wait3A_183 : memref<3072x4096xf32, #tpu.memory_space<hbm>>) dst(%arg20 : memref<8x4096xf32, #tpu.memory_space<vmem>>)
        %mul3A_184 = arith.constant 8 : i32
        %mul3A_185 = arith.muli %add3A_170, %mul3A_184 : i32
        %add3A_186 = arith.addi %add3A_111, %mul3A_185 : i32
        "tpu.region"() ({
          %run_scoped3A = tpu.sem_alloc : memref<!tpu.dma_semaphore, #tpu.memory_space<semaphore_mem>>
          %dma_start3A_188 = arith.constant 0 : i32
          %dma_start3A_189 = tpu.memref_slice %arg14[%add3A_186, %dma_start3A_188] : memref<384x4096xf32, #tpu.memory_space<hbm>> -> memref<8x4096xf32, #tpu.memory_space<hbm>>
          %dma_start3A_190 = arith.constant 0 : i32
          %dma_start3A_191 = tpu.memref_slice %arg14[%add3A_186, %dma_start3A_190] : memref<384x4096xf32, #tpu.memory_space<hbm>> -> memref<8x4096xf32, #tpu.memory_space<hbm>>
          tpu.enqueue_dma source(%arg20 : memref<8x4096xf32, #tpu.memory_space<vmem>>) target(%dma_start3A_191 : memref<8x4096xf32, #tpu.memory_space<hbm>>) target_semaphore(%run_scoped3A : memref<!tpu.dma_semaphore, #tpu.memory_space<semaphore_mem>>)
          %dma_wait3A_192 = arith.constant 0 : i32
          %dma_wait3A_193 = tpu.memref_slice %arg14[%add3A_186, %dma_wait3A_192] : memref<384x4096xf32, #tpu.memory_space<hbm>> -> memref<8x4096xf32, #tpu.memory_space<hbm>>
          %dma_wait3A_194 = arith.constant 0 : i32
          %dma_wait3A_195 = tpu.memref_slice %arg14[%add3A_186, %dma_wait3A_194] : memref<384x4096xf32, #tpu.memory_space<hbm>> -> memref<8x4096xf32, #tpu.memory_space<hbm>>
          tpu.wait_dma2 semaphore(%run_scoped3A : memref<!tpu.dma_semaphore, #tpu.memory_space<semaphore_mem>>) src(%arg20 : memref<8x4096xf32, #tpu.memory_space<vmem>>) dst(%dma_wait3A_195 : memref<8x4096xf32, #tpu.memory_space<hbm>>)
          tpu.yield
        }) : () -> ()
        %scan3A_187 = arith.constant 0 : i32
        scf.yield %scan3A_187 : i32
      }
      %scan3A_145 = arith.constant 6 : i32
    } else {
    }
    %eq3A_90 = arith.constant 1 : i32
    %eq3A_91 = arith.cmpi eq, %select_n3A_30, %eq3A_90 : i32
    %convert_element_type3A_92 = arith.extui %eq3A_91 : i1 to i32
    %cond3A_93 = arith.constant 0 : i32
    %cond3A_94 = arith.cmpi ne, %convert_element_type3A_92, %cond3A_93 : i32
    scf.if %cond3A_94 {
      %mul3A_107 = arith.constant 96 : i32
      %mul3A_108 = arith.muli %select_n3A, %mul3A_107 : i32
      %sub3A_109 = arith.constant 96 : i32
      %sub3A_110 = arith.subi %mul3A_32, %sub3A_109 : i32
      %add3A_111 = arith.addi %mul3A_108, %sub3A_110 : i32
      %dma_start3A = arith.constant 0 : i32
      %dma_start3A_112 = tpu.memref_slice %arg18[%dma_start3A] : memref<96xi32, #tpu.memory_space<vmem>> -> memref<8xi32, #tpu.memory_space<vmem>>
      %dma_start3A_113 = arith.constant 0 : i32
      %dma_start3A_114 = arith.constant 0 : i32
      %dma_start3A_115 = tpu.memref_slice %arg2[%dma_start3A_113, %dma_start3A_114] : memref<3072x4096xf32, #tpu.memory_space<hbm>> -> memref<3072x4096xf32, #tpu.memory_space<hbm>>
      tpu.enqueue_indirect_dma source(%dma_start3A_115 : memref<3072x4096xf32, #tpu.memory_space<hbm>>) target(%arg19 : memref<8x4096xf32, #tpu.memory_space<vmem>>) offsets(%dma_start3A_112 : memref<8xi32, #tpu.memory_space<vmem>>) semaphore(%arg21 : memref<!tpu.dma_semaphore, #tpu.memory_space<semaphore_mem>>)
      %scan3A = arith.constant 0 : i32
      %scan3A_116 = arith.constant 0 : i32
      %scan3A_117 = arith.constant 6 : i32
      %scan3A_118 = arith.addi %scan3A_116, %scan3A_117 : i32
      %scan3A_119 = arith.constant 1 : i32
      %scan3A_120 = scf.for %scan3A_146 = %scan3A_116 to %scan3A_118 step %scan3A_119 iter_args(%scan3A_147 = %scan3A) -> (i32)  : i32 {
        %mul3A_148 = arith.constant 2 : i32
        %mul3A_149 = arith.muli %scan3A_146, %mul3A_148 : i32
        %add3A_150 = arith.constant 0 : i32
        %add3A_151 = arith.addi %mul3A_149, %add3A_150 : i32
        %add3A_152 = arith.constant 1 : i32
        %add3A_153 = arith.addi %add3A_151, %add3A_152 : i32
        %lt3A_154 = arith.constant 12 : i32
        %lt3A_155 = arith.cmpi slt, %add3A_153, %lt3A_154 : i32
        %convert_element_type3A_156 = arith.extui %lt3A_155 : i1 to i32
        %cond3A_157 = arith.constant 0 : i32
        %cond3A_158 = arith.cmpi ne, %convert_element_type3A_156, %cond3A_157 : i32
        scf.if %cond3A_158 {
          %add3A_188 = arith.constant 1 : i32
          %add3A_189 = arith.addi %add3A_151, %add3A_188 : i32
          %mul3A_190 = arith.constant 8 : i32
          %mul3A_191 = arith.muli %add3A_189, %mul3A_190 : i32
          %dma_start3A_192 = tpu.memref_slice %arg18[%mul3A_191] : memref<96xi32, #tpu.memory_space<vmem>> -> memref<8xi32, #tpu.memory_space<vmem>>
          %dma_start3A_193 = arith.constant 0 : i32
          %dma_start3A_194 = arith.constant 0 : i32
          %dma_start3A_195 = tpu.memref_slice %arg2[%dma_start3A_193, %dma_start3A_194] : memref<3072x4096xf32, #tpu.memory_space<hbm>> -> memref<3072x4096xf32, #tpu.memory_space<hbm>>
          tpu.enqueue_indirect_dma source(%dma_start3A_195 : memref<3072x4096xf32, #tpu.memory_space<hbm>>) target(%arg20 : memref<8x4096xf32, #tpu.memory_space<vmem>>) offsets(%dma_start3A_192 : memref<8xi32, #tpu.memory_space<vmem>>) semaphore(%arg22 : memref<!tpu.dma_semaphore, #tpu.memory_space<semaphore_mem>>)
        } else {
        }
        %mul3A_159 = arith.constant 8 : i32
        %mul3A_160 = arith.muli %add3A_151, %mul3A_159 : i32
        %dma_wait3A = tpu.memref_slice %arg18[%mul3A_160] : memref<96xi32, #tpu.memory_space<vmem>> -> memref<8xi32, #tpu.memory_space<vmem>>
        %dma_wait3A_161 = arith.constant 0 : i32
        %dma_wait3A_162 = arith.constant 0 : i32
        %dma_wait3A_163 = tpu.memref_slice %arg2[%dma_wait3A_161, %dma_wait3A_162] : memref<3072x4096xf32, #tpu.memory_space<hbm>> -> memref<3072x4096xf32, #tpu.memory_space<hbm>>
        tpu.wait_indirect_dma semaphore(%arg21 : memref<!tpu.dma_semaphore, #tpu.memory_space<semaphore_mem>>) src(%dma_wait3A_163 : memref<3072x4096xf32, #tpu.memory_space<hbm>>) dst(%arg19 : memref<8x4096xf32, #tpu.memory_space<vmem>>)
        %mul3A_164 = arith.constant 8 : i32
        %mul3A_165 = arith.muli %add3A_151, %mul3A_164 : i32
        %add3A_166 = arith.addi %add3A_111, %mul3A_165 : i32
        "tpu.region"() ({
          %run_scoped3A = tpu.sem_alloc : memref<!tpu.dma_semaphore, #tpu.memory_space<semaphore_mem>>
          %dma_start3A_188 = arith.constant 0 : i32
          %dma_start3A_189 = tpu.memref_slice %arg7[%add3A_166, %dma_start3A_188] : memref<384x4096xf32, #tpu.memory_space<hbm>> -> memref<8x4096xf32, #tpu.memory_space<hbm>>
          %dma_start3A_190 = arith.constant 0 : i32
          %dma_start3A_191 = tpu.memref_slice %arg7[%add3A_166, %dma_start3A_190] : memref<384x4096xf32, #tpu.memory_space<hbm>> -> memref<8x4096xf32, #tpu.memory_space<hbm>>
          tpu.enqueue_dma source(%arg19 : memref<8x4096xf32, #tpu.memory_space<vmem>>) target(%dma_start3A_191 : memref<8x4096xf32, #tpu.memory_space<hbm>>) target_semaphore(%run_scoped3A : memref<!tpu.dma_semaphore, #tpu.memory_space<semaphore_mem>>)
          %dma_wait3A_192 = arith.constant 0 : i32
          %dma_wait3A_193 = tpu.memref_slice %arg7[%add3A_166, %dma_wait3A_192] : memref<384x4096xf32, #tpu.memory_space<hbm>> -> memref<8x4096xf32, #tpu.memory_space<hbm>>
          %dma_wait3A_194 = arith.constant 0 : i32
          %dma_wait3A_195 = tpu.memref_slice %arg7[%add3A_166, %dma_wait3A_194] : memref<384x4096xf32, #tpu.memory_space<hbm>> -> memref<8x4096xf32, #tpu.memory_space<hbm>>
          tpu.wait_dma2 semaphore(%run_scoped3A : memref<!tpu.dma_semaphore, #tpu.memory_space<semaphore_mem>>) src(%arg19 : memref<8x4096xf32, #tpu.memory_space<vmem>>) dst(%dma_wait3A_195 : memref<8x4096xf32, #tpu.memory_space<hbm>>)
          tpu.yield
        }) : () -> ()
        %mul3A_167 = arith.constant 2 : i32
        %mul3A_168 = arith.muli %scan3A_146, %mul3A_167 : i32
        %add3A_169 = arith.constant 1 : i32
        %add3A_170 = arith.addi %mul3A_168, %add3A_169 : i32
        %add3A_171 = arith.constant 1 : i32
        %add3A_172 = arith.addi %add3A_170, %add3A_171 : i32
        %lt3A_173 = arith.constant 12 : i32
        %lt3A_174 = arith.cmpi slt, %add3A_172, %lt3A_173 : i32
        %convert_element_type3A_175 = arith.extui %lt3A_174 : i1 to i32
        %cond3A_176 = arith.constant 0 : i32
        %cond3A_177 = arith.cmpi ne, %convert_element_type3A_175, %cond3A_176 : i32
        scf.if %cond3A_177 {
          %add3A_188 = arith.constant 1 : i32
          %add3A_189 = arith.addi %add3A_170, %add3A_188 : i32
          %mul3A_190 = arith.constant 8 : i32
          %mul3A_191 = arith.muli %add3A_189, %mul3A_190 : i32
          %dma_start3A_192 = tpu.memref_slice %arg18[%mul3A_191] : memref<96xi32, #tpu.memory_space<vmem>> -> memref<8xi32, #tpu.memory_space<vmem>>
          %dma_start3A_193 = arith.constant 0 : i32
          %dma_start3A_194 = arith.constant 0 : i32
          %dma_start3A_195 = tpu.memref_slice %arg2[%dma_start3A_193, %dma_start3A_194] : memref<3072x4096xf32, #tpu.memory_space<hbm>> -> memref<3072x4096xf32, #tpu.memory_space<hbm>>
          tpu.enqueue_indirect_dma source(%dma_start3A_195 : memref<3072x4096xf32, #tpu.memory_space<hbm>>) target(%arg19 : memref<8x4096xf32, #tpu.memory_space<vmem>>) offsets(%dma_start3A_192 : memref<8xi32, #tpu.memory_space<vmem>>) semaphore(%arg21 : memref<!tpu.dma_semaphore, #tpu.memory_space<semaphore_mem>>)
        } else {
        }
        %mul3A_178 = arith.constant 8 : i32
        %mul3A_179 = arith.muli %add3A_170, %mul3A_178 : i32
        %dma_wait3A_180 = tpu.memref_slice %arg18[%mul3A_179] : memref<96xi32, #tpu.memory_space<vmem>> -> memref<8xi32, #tpu.memory_space<vmem>>
        %dma_wait3A_181 = arith.constant 0 : i32
        %dma_wait3A_182 = arith.constant 0 : i32
        %dma_wait3A_183 = tpu.memref_slice %arg2[%dma_wait3A_181, %dma_wait3A_182] : memref<3072x4096xf32, #tpu.memory_space<hbm>> -> memref<3072x4096xf32, #tpu.memory_space<hbm>>
        tpu.wait_indirect_dma semaphore(%arg22 : memref<!tpu.dma_semaphore, #tpu.memory_space<semaphore_mem>>) src(%dma_wait3A_183 : memref<3072x4096xf32, #tpu.memory_space<hbm>>) dst(%arg20 : memref<8x4096xf32, #tpu.memory_space<vmem>>)
        %mul3A_184 = arith.constant 8 : i32
        %mul3A_185 = arith.muli %add3A_170, %mul3A_184 : i32
        %add3A_186 = arith.addi %add3A_111, %mul3A_185 : i32
        "tpu.region"() ({
          %run_scoped3A = tpu.sem_alloc : memref<!tpu.dma_semaphore, #tpu.memory_space<semaphore_mem>>
          %dma_start3A_188 = arith.constant 0 : i32
          %dma_start3A_189 = tpu.memref_slice %arg7[%add3A_186, %dma_start3A_188] : memref<384x4096xf32, #tpu.memory_space<hbm>> -> memref<8x4096xf32, #tpu.memory_space<hbm>>
          %dma_start3A_190 = arith.constant 0 : i32
          %dma_start3A_191 = tpu.memref_slice %arg7[%add3A_186, %dma_start3A_190] : memref<384x4096xf32, #tpu.memory_space<hbm>> -> memref<8x4096xf32, #tpu.memory_space<hbm>>
          tpu.enqueue_dma source(%arg20 : memref<8x4096xf32, #tpu.memory_space<vmem>>) target(%dma_start3A_191 : memref<8x4096xf32, #tpu.memory_space<hbm>>) target_semaphore(%run_scoped3A : memref<!tpu.dma_semaphore, #tpu.memory_space<semaphore_mem>>)
          %dma_wait3A_192 = arith.constant 0 : i32
          %dma_wait3A_193 = tpu.memref_slice %arg7[%add3A_186, %dma_wait3A_192] : memref<384x4096xf32, #tpu.memory_space<hbm>> -> memref<8x4096xf32, #tpu.memory_space<hbm>>
          %dma_wait3A_194 = arith.constant 0 : i32
          %dma_wait3A_195 = tpu.memref_slice %arg7[%add3A_186, %dma_wait3A_194] : memref<384x4096xf32, #tpu.memory_space<hbm>> -> memref<8x4096xf32, #tpu.memory_space<hbm>>
          tpu.wait_dma2 semaphore(%run_scoped3A : memref<!tpu.dma_semaphore, #tpu.memory_space<semaphore_mem>>) src(%arg20 : memref<8x4096xf32, #tpu.memory_space<vmem>>) dst(%dma_wait3A_195 : memref<8x4096xf32, #tpu.memory_space<hbm>>)
          tpu.yield
        }) : () -> ()
        %scan3A_187 = arith.constant 0 : i32
        scf.yield %scan3A_187 : i32
      }
      %scan3A_121 = arith.constant 6 : i32
      %dma_start3A_122 = arith.constant 0 : i32
      %dma_start3A_123 = tpu.memref_slice %arg18[%dma_start3A_122] : memref<96xi32, #tpu.memory_space<vmem>> -> memref<8xi32, #tpu.memory_space<vmem>>
      %dma_start3A_124 = arith.constant 0 : i32
      %dma_start3A_125 = arith.constant 0 : i32
      %dma_start3A_126 = tpu.memref_slice %arg3[%dma_start3A_124, %dma_start3A_125] : memref<3072x4096xf32, #tpu.memory_space<hbm>> -> memref<3072x4096xf32, #tpu.memory_space<hbm>>
      tpu.enqueue_indirect_dma source(%dma_start3A_126 : memref<3072x4096xf32, #tpu.memory_space<hbm>>) target(%arg19 : memref<8x4096xf32, #tpu.memory_space<vmem>>) offsets(%dma_start3A_123 : memref<8xi32, #tpu.memory_space<vmem>>) semaphore(%arg21 : memref<!tpu.dma_semaphore, #tpu.memory_space<semaphore_mem>>)
      %scan3A_127 = arith.constant 0 : i32
      %scan3A_128 = arith.constant 0 : i32
      %scan3A_129 = arith.constant 6 : i32
      %scan3A_130 = arith.addi %scan3A_128, %scan3A_129 : i32
      %scan3A_131 = arith.constant 1 : i32
      %scan3A_132 = scf.for %scan3A_146 = %scan3A_128 to %scan3A_130 step %scan3A_131 iter_args(%scan3A_147 = %scan3A_127) -> (i32)  : i32 {
        %mul3A_148 = arith.constant 2 : i32
        %mul3A_149 = arith.muli %scan3A_146, %mul3A_148 : i32
        %add3A_150 = arith.constant 0 : i32
        %add3A_151 = arith.addi %mul3A_149, %add3A_150 : i32
        %add3A_152 = arith.constant 1 : i32
        %add3A_153 = arith.addi %add3A_151, %add3A_152 : i32
        %lt3A_154 = arith.constant 12 : i32
        %lt3A_155 = arith.cmpi slt, %add3A_153, %lt3A_154 : i32
        %convert_element_type3A_156 = arith.extui %lt3A_155 : i1 to i32
        %cond3A_157 = arith.constant 0 : i32
        %cond3A_158 = arith.cmpi ne, %convert_element_type3A_156, %cond3A_157 : i32
        scf.if %cond3A_158 {
          %add3A_188 = arith.constant 1 : i32
          %add3A_189 = arith.addi %add3A_151, %add3A_188 : i32
          %mul3A_190 = arith.constant 8 : i32
          %mul3A_191 = arith.muli %add3A_189, %mul3A_190 : i32
          %dma_start3A_192 = tpu.memref_slice %arg18[%mul3A_191] : memref<96xi32, #tpu.memory_space<vmem>> -> memref<8xi32, #tpu.memory_space<vmem>>
          %dma_start3A_193 = arith.constant 0 : i32
          %dma_start3A_194 = arith.constant 0 : i32
          %dma_start3A_195 = tpu.memref_slice %arg3[%dma_start3A_193, %dma_start3A_194] : memref<3072x4096xf32, #tpu.memory_space<hbm>> -> memref<3072x4096xf32, #tpu.memory_space<hbm>>
          tpu.enqueue_indirect_dma source(%dma_start3A_195 : memref<3072x4096xf32, #tpu.memory_space<hbm>>) target(%arg20 : memref<8x4096xf32, #tpu.memory_space<vmem>>) offsets(%dma_start3A_192 : memref<8xi32, #tpu.memory_space<vmem>>) semaphore(%arg22 : memref<!tpu.dma_semaphore, #tpu.memory_space<semaphore_mem>>)
        } else {
        }
        %mul3A_159 = arith.constant 8 : i32
        %mul3A_160 = arith.muli %add3A_151, %mul3A_159 : i32
        %dma_wait3A = tpu.memref_slice %arg18[%mul3A_160] : memref<96xi32, #tpu.memory_space<vmem>> -> memref<8xi32, #tpu.memory_space<vmem>>
        %dma_wait3A_161 = arith.constant 0 : i32
        %dma_wait3A_162 = arith.constant 0 : i32
        %dma_wait3A_163 = tpu.memref_slice %arg3[%dma_wait3A_161, %dma_wait3A_162] : memref<3072x4096xf32, #tpu.memory_space<hbm>> -> memref<3072x4096xf32, #tpu.memory_space<hbm>>
        tpu.wait_indirect_dma semaphore(%arg21 : memref<!tpu.dma_semaphore, #tpu.memory_space<semaphore_mem>>) src(%dma_wait3A_163 : memref<3072x4096xf32, #tpu.memory_space<hbm>>) dst(%arg19 : memref<8x4096xf32, #tpu.memory_space<vmem>>)
        %mul3A_164 = arith.constant 8 : i32
        %mul3A_165 = arith.muli %add3A_151, %mul3A_164 : i32
        %add3A_166 = arith.addi %add3A_111, %mul3A_165 : i32
        "tpu.region"() ({
          %run_scoped3A = tpu.sem_alloc : memref<!tpu.dma_semaphore, #tpu.memory_space<semaphore_mem>>
          %dma_start3A_188 = arith.constant 0 : i32
          %dma_start3A_189 = tpu.memref_slice %arg11[%add3A_166, %dma_start3A_188] : memref<384x4096xf32, #tpu.memory_space<hbm>> -> memref<8x4096xf32, #tpu.memory_space<hbm>>
          %dma_start3A_190 = arith.constant 0 : i32
          %dma_start3A_191 = tpu.memref_slice %arg11[%add3A_166, %dma_start3A_190] : memref<384x4096xf32, #tpu.memory_space<hbm>> -> memref<8x4096xf32, #tpu.memory_space<hbm>>
          tpu.enqueue_dma source(%arg19 : memref<8x4096xf32, #tpu.memory_space<vmem>>) target(%dma_start3A_191 : memref<8x4096xf32, #tpu.memory_space<hbm>>) target_semaphore(%run_scoped3A : memref<!tpu.dma_semaphore, #tpu.memory_space<semaphore_mem>>)
          %dma_wait3A_192 = arith.constant 0 : i32
          %dma_wait3A_193 = tpu.memref_slice %arg11[%add3A_166, %dma_wait3A_192] : memref<384x4096xf32, #tpu.memory_space<hbm>> -> memref<8x4096xf32, #tpu.memory_space<hbm>>
          %dma_wait3A_194 = arith.constant 0 : i32
          %dma_wait3A_195 = tpu.memref_slice %arg11[%add3A_166, %dma_wait3A_194] : memref<384x4096xf32, #tpu.memory_space<hbm>> -> memref<8x4096xf32, #tpu.memory_space<hbm>>
          tpu.wait_dma2 semaphore(%run_scoped3A : memref<!tpu.dma_semaphore, #tpu.memory_space<semaphore_mem>>) src(%arg19 : memref<8x4096xf32, #tpu.memory_space<vmem>>) dst(%dma_wait3A_195 : memref<8x4096xf32, #tpu.memory_space<hbm>>)
          tpu.yield
        }) : () -> ()
        %mul3A_167 = arith.constant 2 : i32
        %mul3A_168 = arith.muli %scan3A_146, %mul3A_167 : i32
        %add3A_169 = arith.constant 1 : i32
        %add3A_170 = arith.addi %mul3A_168, %add3A_169 : i32
        %add3A_171 = arith.constant 1 : i32
        %add3A_172 = arith.addi %add3A_170, %add3A_171 : i32
        %lt3A_173 = arith.constant 12 : i32
        %lt3A_174 = arith.cmpi slt, %add3A_172, %lt3A_173 : i32
        %convert_element_type3A_175 = arith.extui %lt3A_174 : i1 to i32
        %cond3A_176 = arith.constant 0 : i32
        %cond3A_177 = arith.cmpi ne, %convert_element_type3A_175, %cond3A_176 : i32
        scf.if %cond3A_177 {
          %add3A_188 = arith.constant 1 : i32
          %add3A_189 = arith.addi %add3A_170, %add3A_188 : i32
          %mul3A_190 = arith.constant 8 : i32
          %mul3A_191 = arith.muli %add3A_189, %mul3A_190 : i32
          %dma_start3A_192 = tpu.memref_slice %arg18[%mul3A_191] : memref<96xi32, #tpu.memory_space<vmem>> -> memref<8xi32, #tpu.memory_space<vmem>>
          %dma_start3A_193 = arith.constant 0 : i32
          %dma_start3A_194 = arith.constant 0 : i32
          %dma_start3A_195 = tpu.memref_slice %arg3[%dma_start3A_193, %dma_start3A_194] : memref<3072x4096xf32, #tpu.memory_space<hbm>> -> memref<3072x4096xf32, #tpu.memory_space<hbm>>
          tpu.enqueue_indirect_dma source(%dma_start3A_195 : memref<3072x4096xf32, #tpu.memory_space<hbm>>) target(%arg19 : memref<8x4096xf32, #tpu.memory_space<vmem>>) offsets(%dma_start3A_192 : memref<8xi32, #tpu.memory_space<vmem>>) semaphore(%arg21 : memref<!tpu.dma_semaphore, #tpu.memory_space<semaphore_mem>>)
        } else {
        }
        %mul3A_178 = arith.constant 8 : i32
        %mul3A_179 = arith.muli %add3A_170, %mul3A_178 : i32
        %dma_wait3A_180 = tpu.memref_slice %arg18[%mul3A_179] : memref<96xi32, #tpu.memory_space<vmem>> -> memref<8xi32, #tpu.memory_space<vmem>>
        %dma_wait3A_181 = arith.constant 0 : i32
        %dma_wait3A_182 = arith.constant 0 : i32
        %dma_wait3A_183 = tpu.memref_slice %arg3[%dma_wait3A_181, %dma_wait3A_182] : memref<3072x4096xf32, #tpu.memory_space<hbm>> -> memref<3072x4096xf32, #tpu.memory_space<hbm>>
        tpu.wait_indirect_dma semaphore(%arg22 : memref<!tpu.dma_semaphore, #tpu.memory_space<semaphore_mem>>) src(%dma_wait3A_183 : memref<3072x4096xf32, #tpu.memory_space<hbm>>) dst(%arg20 : memref<8x4096xf32, #tpu.memory_space<vmem>>)
        %mul3A_184 = arith.constant 8 : i32
        %mul3A_185 = arith.muli %add3A_170, %mul3A_184 : i32
        %add3A_186 = arith.addi %add3A_111, %mul3A_185 : i32
        "tpu.region"() ({
          %run_scoped3A = tpu.sem_alloc : memref<!tpu.dma_semaphore, #tpu.memory_space<semaphore_mem>>
          %dma_start3A_188 = arith.constant 0 : i32
          %dma_start3A_189 = tpu.memref_slice %arg11[%add3A_186, %dma_start3A_188] : memref<384x4096xf32, #tpu.memory_space<hbm>> -> memref<8x4096xf32, #tpu.memory_space<hbm>>
          %dma_start3A_190 = arith.constant 0 : i32
          %dma_start3A_191 = tpu.memref_slice %arg11[%add3A_186, %dma_start3A_190] : memref<384x4096xf32, #tpu.memory_space<hbm>> -> memref<8x4096xf32, #tpu.memory_space<hbm>>
          tpu.enqueue_dma source(%arg20 : memref<8x4096xf32, #tpu.memory_space<vmem>>) target(%dma_start3A_191 : memref<8x4096xf32, #tpu.memory_space<hbm>>) target_semaphore(%run_scoped3A : memref<!tpu.dma_semaphore, #tpu.memory_space<semaphore_mem>>)
          %dma_wait3A_192 = arith.constant 0 : i32
          %dma_wait3A_193 = tpu.memref_slice %arg11[%add3A_186, %dma_wait3A_192] : memref<384x4096xf32, #tpu.memory_space<hbm>> -> memref<8x4096xf32, #tpu.memory_space<hbm>>
          %dma_wait3A_194 = arith.constant 0 : i32
          %dma_wait3A_195 = tpu.memref_slice %arg11[%add3A_186, %dma_wait3A_194] : memref<384x4096xf32, #tpu.memory_space<hbm>> -> memref<8x4096xf32, #tpu.memory_space<hbm>>
          tpu.wait_dma2 semaphore(%run_scoped3A : memref<!tpu.dma_semaphore, #tpu.memory_space<semaphore_mem>>) src(%arg20 : memref<8x4096xf32, #tpu.memory_space<vmem>>) dst(%dma_wait3A_195 : memref<8x4096xf32, #tpu.memory_space<hbm>>)
          tpu.yield
        }) : () -> ()
        %scan3A_187 = arith.constant 0 : i32
        scf.yield %scan3A_187 : i32
      }
      %scan3A_133 = arith.constant 6 : i32
      %dma_start3A_134 = arith.constant 0 : i32
      %dma_start3A_135 = tpu.memref_slice %arg18[%dma_start3A_134] : memref<96xi32, #tpu.memory_space<vmem>> -> memref<8xi32, #tpu.memory_space<vmem>>
      %dma_start3A_136 = arith.constant 0 : i32
      %dma_start3A_137 = arith.constant 0 : i32
      %dma_start3A_138 = tpu.memref_slice %arg4[%dma_start3A_136, %dma_start3A_137] : memref<3072x4096xf32, #tpu.memory_space<hbm>> -> memref<3072x4096xf32, #tpu.memory_space<hbm>>
      tpu.enqueue_indirect_dma source(%dma_start3A_138 : memref<3072x4096xf32, #tpu.memory_space<hbm>>) target(%arg19 : memref<8x4096xf32, #tpu.memory_space<vmem>>) offsets(%dma_start3A_135 : memref<8xi32, #tpu.memory_space<vmem>>) semaphore(%arg21 : memref<!tpu.dma_semaphore, #tpu.memory_space<semaphore_mem>>)
      %scan3A_139 = arith.constant 0 : i32
      %scan3A_140 = arith.constant 0 : i32
      %scan3A_141 = arith.constant 6 : i32
      %scan3A_142 = arith.addi %scan3A_140, %scan3A_141 : i32
      %scan3A_143 = arith.constant 1 : i32
      %scan3A_144 = scf.for %scan3A_146 = %scan3A_140 to %scan3A_142 step %scan3A_143 iter_args(%scan3A_147 = %scan3A_139) -> (i32)  : i32 {
        %mul3A_148 = arith.constant 2 : i32
        %mul3A_149 = arith.muli %scan3A_146, %mul3A_148 : i32
        %add3A_150 = arith.constant 0 : i32
        %add3A_151 = arith.addi %mul3A_149, %add3A_150 : i32
        %add3A_152 = arith.constant 1 : i32
        %add3A_153 = arith.addi %add3A_151, %add3A_152 : i32
        %lt3A_154 = arith.constant 12 : i32
        %lt3A_155 = arith.cmpi slt, %add3A_153, %lt3A_154 : i32
        %convert_element_type3A_156 = arith.extui %lt3A_155 : i1 to i32
        %cond3A_157 = arith.constant 0 : i32
        %cond3A_158 = arith.cmpi ne, %convert_element_type3A_156, %cond3A_157 : i32
        scf.if %cond3A_158 {
          %add3A_188 = arith.constant 1 : i32
          %add3A_189 = arith.addi %add3A_151, %add3A_188 : i32
          %mul3A_190 = arith.constant 8 : i32
          %mul3A_191 = arith.muli %add3A_189, %mul3A_190 : i32
          %dma_start3A_192 = tpu.memref_slice %arg18[%mul3A_191] : memref<96xi32, #tpu.memory_space<vmem>> -> memref<8xi32, #tpu.memory_space<vmem>>
          %dma_start3A_193 = arith.constant 0 : i32
          %dma_start3A_194 = arith.constant 0 : i32
          %dma_start3A_195 = tpu.memref_slice %arg4[%dma_start3A_193, %dma_start3A_194] : memref<3072x4096xf32, #tpu.memory_space<hbm>> -> memref<3072x4096xf32, #tpu.memory_space<hbm>>
          tpu.enqueue_indirect_dma source(%dma_start3A_195 : memref<3072x4096xf32, #tpu.memory_space<hbm>>) target(%arg20 : memref<8x4096xf32, #tpu.memory_space<vmem>>) offsets(%dma_start3A_192 : memref<8xi32, #tpu.memory_space<vmem>>) semaphore(%arg22 : memref<!tpu.dma_semaphore, #tpu.memory_space<semaphore_mem>>)
        } else {
        }
        %mul3A_159 = arith.constant 8 : i32
        %mul3A_160 = arith.muli %add3A_151, %mul3A_159 : i32
        %dma_wait3A = tpu.memref_slice %arg18[%mul3A_160] : memref<96xi32, #tpu.memory_space<vmem>> -> memref<8xi32, #tpu.memory_space<vmem>>
        %dma_wait3A_161 = arith.constant 0 : i32
        %dma_wait3A_162 = arith.constant 0 : i32
        %dma_wait3A_163 = tpu.memref_slice %arg4[%dma_wait3A_161, %dma_wait3A_162] : memref<3072x4096xf32, #tpu.memory_space<hbm>> -> memref<3072x4096xf32, #tpu.memory_space<hbm>>
        tpu.wait_indirect_dma semaphore(%arg21 : memref<!tpu.dma_semaphore, #tpu.memory_space<semaphore_mem>>) src(%dma_wait3A_163 : memref<3072x4096xf32, #tpu.memory_space<hbm>>) dst(%arg19 : memref<8x4096xf32, #tpu.memory_space<vmem>>)
        %mul3A_164 = arith.constant 8 : i32
        %mul3A_165 = arith.muli %add3A_151, %mul3A_164 : i32
        %add3A_166 = arith.addi %add3A_111, %mul3A_165 : i32
        "tpu.region"() ({
          %run_scoped3A = tpu.sem_alloc : memref<!tpu.dma_semaphore, #tpu.memory_space<semaphore_mem>>
          %dma_start3A_188 = arith.constant 0 : i32
          %dma_start3A_189 = tpu.memref_slice %arg15[%add3A_166, %dma_start3A_188] : memref<384x4096xf32, #tpu.memory_space<hbm>> -> memref<8x4096xf32, #tpu.memory_space<hbm>>
          %dma_start3A_190 = arith.constant 0 : i32
          %dma_start3A_191 = tpu.memref_slice %arg15[%add3A_166, %dma_start3A_190] : memref<384x4096xf32, #tpu.memory_space<hbm>> -> memref<8x4096xf32, #tpu.memory_space<hbm>>
          tpu.enqueue_dma source(%arg19 : memref<8x4096xf32, #tpu.memory_space<vmem>>) target(%dma_start3A_191 : memref<8x4096xf32, #tpu.memory_space<hbm>>) target_semaphore(%run_scoped3A : memref<!tpu.dma_semaphore, #tpu.memory_space<semaphore_mem>>)
          %dma_wait3A_192 = arith.constant 0 : i32
          %dma_wait3A_193 = tpu.memref_slice %arg15[%add3A_166, %dma_wait3A_192] : memref<384x4096xf32, #tpu.memory_space<hbm>> -> memref<8x4096xf32, #tpu.memory_space<hbm>>
          %dma_wait3A_194 = arith.constant 0 : i32
          %dma_wait3A_195 = tpu.memref_slice %arg15[%add3A_166, %dma_wait3A_194] : memref<384x4096xf32, #tpu.memory_space<hbm>> -> memref<8x4096xf32, #tpu.memory_space<hbm>>
          tpu.wait_dma2 semaphore(%run_scoped3A : memref<!tpu.dma_semaphore, #tpu.memory_space<semaphore_mem>>) src(%arg19 : memref<8x4096xf32, #tpu.memory_space<vmem>>) dst(%dma_wait3A_195 : memref<8x4096xf32, #tpu.memory_space<hbm>>)
          tpu.yield
        }) : () -> ()
        %mul3A_167 = arith.constant 2 : i32
        %mul3A_168 = arith.muli %scan3A_146, %mul3A_167 : i32
        %add3A_169 = arith.constant 1 : i32
        %add3A_170 = arith.addi %mul3A_168, %add3A_169 : i32
        %add3A_171 = arith.constant 1 : i32
        %add3A_172 = arith.addi %add3A_170, %add3A_171 : i32
        %lt3A_173 = arith.constant 12 : i32
        %lt3A_174 = arith.cmpi slt, %add3A_172, %lt3A_173 : i32
        %convert_element_type3A_175 = arith.extui %lt3A_174 : i1 to i32
        %cond3A_176 = arith.constant 0 : i32
        %cond3A_177 = arith.cmpi ne, %convert_element_type3A_175, %cond3A_176 : i32
        scf.if %cond3A_177 {
          %add3A_188 = arith.constant 1 : i32
          %add3A_189 = arith.addi %add3A_170, %add3A_188 : i32
          %mul3A_190 = arith.constant 8 : i32
          %mul3A_191 = arith.muli %add3A_189, %mul3A_190 : i32
          %dma_start3A_192 = tpu.memref_slice %arg18[%mul3A_191] : memref<96xi32, #tpu.memory_space<vmem>> -> memref<8xi32, #tpu.memory_space<vmem>>
          %dma_start3A_193 = arith.constant 0 : i32
          %dma_start3A_194 = arith.constant 0 : i32
          %dma_start3A_195 = tpu.memref_slice %arg4[%dma_start3A_193, %dma_start3A_194] : memref<3072x4096xf32, #tpu.memory_space<hbm>> -> memref<3072x4096xf32, #tpu.memory_space<hbm>>
          tpu.enqueue_indirect_dma source(%dma_start3A_195 : memref<3072x4096xf32, #tpu.memory_space<hbm>>) target(%arg19 : memref<8x4096xf32, #tpu.memory_space<vmem>>) offsets(%dma_start3A_192 : memref<8xi32, #tpu.memory_space<vmem>>) semaphore(%arg21 : memref<!tpu.dma_semaphore, #tpu.memory_space<semaphore_mem>>)
        } else {
        }
        %mul3A_178 = arith.constant 8 : i32
        %mul3A_179 = arith.muli %add3A_170, %mul3A_178 : i32
        %dma_wait3A_180 = tpu.memref_slice %arg18[%mul3A_179] : memref<96xi32, #tpu.memory_space<vmem>> -> memref<8xi32, #tpu.memory_space<vmem>>
        %dma_wait3A_181 = arith.constant 0 : i32
        %dma_wait3A_182 = arith.constant 0 : i32
        %dma_wait3A_183 = tpu.memref_slice %arg4[%dma_wait3A_181, %dma_wait3A_182] : memref<3072x4096xf32, #tpu.memory_space<hbm>> -> memref<3072x4096xf32, #tpu.memory_space<hbm>>
        tpu.wait_indirect_dma semaphore(%arg22 : memref<!tpu.dma_semaphore, #tpu.memory_space<semaphore_mem>>) src(%dma_wait3A_183 : memref<3072x4096xf32, #tpu.memory_space<hbm>>) dst(%arg20 : memref<8x4096xf32, #tpu.memory_space<vmem>>)
        %mul3A_184 = arith.constant 8 : i32
        %mul3A_185 = arith.muli %add3A_170, %mul3A_184 : i32
        %add3A_186 = arith.addi %add3A_111, %mul3A_185 : i32
        "tpu.region"() ({
          %run_scoped3A = tpu.sem_alloc : memref<!tpu.dma_semaphore, #tpu.memory_space<semaphore_mem>>
          %dma_start3A_188 = arith.constant 0 : i32
          %dma_start3A_189 = tpu.memref_slice %arg15[%add3A_186, %dma_start3A_188] : memref<384x4096xf32, #tpu.memory_space<hbm>> -> memref<8x4096xf32, #tpu.memory_space<hbm>>
          %dma_start3A_190 = arith.constant 0 : i32
          %dma_start3A_191 = tpu.memref_slice %arg15[%add3A_186, %dma_start3A_190] : memref<384x4096xf32, #tpu.memory_space<hbm>> -> memref<8x4096xf32, #tpu.memory_space<hbm>>
          tpu.enqueue_dma source(%arg20 : memref<8x4096xf32, #tpu.memory_space<vmem>>) target(%dma_start3A_191 : memref<8x4096xf32, #tpu.memory_space<hbm>>) target_semaphore(%run_scoped3A : memref<!tpu.dma_semaphore, #tpu.memory_space<semaphore_mem>>)
          %dma_wait3A_192 = arith.constant 0 : i32
          %dma_wait3A_193 = tpu.memref_slice %arg15[%add3A_186, %dma_wait3A_192] : memref<384x4096xf32, #tpu.memory_space<hbm>> -> memref<8x4096xf32, #tpu.memory_space<hbm>>
          %dma_wait3A_194 = arith.constant 0 : i32
          %dma_wait3A_195 = tpu.memref_slice %arg15[%add3A_186, %dma_wait3A_194] : memref<384x4096xf32, #tpu.memory_space<hbm>> -> memref<8x4096xf32, #tpu.memory_space<hbm>>
          tpu.wait_dma2 semaphore(%run_scoped3A : memref<!tpu.dma_semaphore, #tpu.memory_space<semaphore_mem>>) src(%arg20 : memref<8x4096xf32, #tpu.memory_space<vmem>>) dst(%dma_wait3A_195 : memref<8x4096xf32, #tpu.memory_space<hbm>>)
          tpu.yield
        }) : () -> ()
        %scan3A_187 = arith.constant 0 : i32
        scf.yield %scan3A_187 : i32
      }
      %scan3A_145 = arith.constant 6 : i32
    } else {
    }
    %ge3A = arith.constant 2 : i32
    %ge3A_95 = arith.cmpi sge, %select_n3A_30, %ge3A : i32
    %lt3A_96 = arith.constant 4 : i32
    %lt3A_97 = arith.cmpi slt, %select_n3A_30, %lt3A_96 : i32
    %and3A_98 = arith.andi %ge3A_95, %lt3A_97 : i1
    %convert_element_type3A_99 = arith.extui %and3A_98 : i1 to i32
    %cond3A_100 = arith.constant 0 : i32
    %cond3A_101 = arith.cmpi ne, %convert_element_type3A_99, %cond3A_100 : i32
    scf.if %cond3A_101 {
      %mul3A_107 = arith.constant 192 : i32
      %mul3A_108 = arith.muli %select_n3A, %mul3A_107 : i32
      %sub3A_109 = arith.constant 192 : i32
      %sub3A_110 = arith.subi %mul3A_32, %sub3A_109 : i32
      %add3A_111 = arith.addi %mul3A_108, %sub3A_110 : i32
      %dma_start3A = arith.constant 0 : i32
      %dma_start3A_112 = tpu.memref_slice %arg18[%dma_start3A] : memref<96xi32, #tpu.memory_space<vmem>> -> memref<8xi32, #tpu.memory_space<vmem>>
      %dma_start3A_113 = arith.constant 0 : i32
      %dma_start3A_114 = arith.constant 0 : i32
      %dma_start3A_115 = tpu.memref_slice %arg2[%dma_start3A_113, %dma_start3A_114] : memref<3072x4096xf32, #tpu.memory_space<hbm>> -> memref<3072x4096xf32, #tpu.memory_space<hbm>>
      tpu.enqueue_indirect_dma source(%dma_start3A_115 : memref<3072x4096xf32, #tpu.memory_space<hbm>>) target(%arg19 : memref<8x4096xf32, #tpu.memory_space<vmem>>) offsets(%dma_start3A_112 : memref<8xi32, #tpu.memory_space<vmem>>) semaphore(%arg21 : memref<!tpu.dma_semaphore, #tpu.memory_space<semaphore_mem>>)
      %scan3A = arith.constant 0 : i32
      %scan3A_116 = arith.constant 0 : i32
      %scan3A_117 = arith.constant 6 : i32
      %scan3A_118 = arith.addi %scan3A_116, %scan3A_117 : i32
      %scan3A_119 = arith.constant 1 : i32
      %scan3A_120 = scf.for %scan3A_146 = %scan3A_116 to %scan3A_118 step %scan3A_119 iter_args(%scan3A_147 = %scan3A) -> (i32)  : i32 {
        %mul3A_148 = arith.constant 2 : i32
        %mul3A_149 = arith.muli %scan3A_146, %mul3A_148 : i32
        %add3A_150 = arith.constant 0 : i32
        %add3A_151 = arith.addi %mul3A_149, %add3A_150 : i32
        %add3A_152 = arith.constant 1 : i32
        %add3A_153 = arith.addi %add3A_151, %add3A_152 : i32
        %lt3A_154 = arith.constant 12 : i32
        %lt3A_155 = arith.cmpi slt, %add3A_153, %lt3A_154 : i32
        %convert_element_type3A_156 = arith.extui %lt3A_155 : i1 to i32
        %cond3A_157 = arith.constant 0 : i32
        %cond3A_158 = arith.cmpi ne, %convert_element_type3A_156, %cond3A_157 : i32
        scf.if %cond3A_158 {
          %add3A_188 = arith.constant 1 : i32
          %add3A_189 = arith.addi %add3A_151, %add3A_188 : i32
          %mul3A_190 = arith.constant 8 : i32
          %mul3A_191 = arith.muli %add3A_189, %mul3A_190 : i32
          %dma_start3A_192 = tpu.memref_slice %arg18[%mul3A_191] : memref<96xi32, #tpu.memory_space<vmem>> -> memref<8xi32, #tpu.memory_space<vmem>>
          %dma_start3A_193 = arith.constant 0 : i32
          %dma_start3A_194 = arith.constant 0 : i32
          %dma_start3A_195 = tpu.memref_slice %arg2[%dma_start3A_193, %dma_start3A_194] : memref<3072x4096xf32, #tpu.memory_space<hbm>> -> memref<3072x4096xf32, #tpu.memory_space<hbm>>
          tpu.enqueue_indirect_dma source(%dma_start3A_195 : memref<3072x4096xf32, #tpu.memory_space<hbm>>) target(%arg20 : memref<8x4096xf32, #tpu.memory_space<vmem>>) offsets(%dma_start3A_192 : memref<8xi32, #tpu.memory_space<vmem>>) semaphore(%arg22 : memref<!tpu.dma_semaphore, #tpu.memory_space<semaphore_mem>>)
        } else {
        }
        %mul3A_159 = arith.constant 8 : i32
        %mul3A_160 = arith.muli %add3A_151, %mul3A_159 : i32
        %dma_wait3A = tpu.memref_slice %arg18[%mul3A_160] : memref<96xi32, #tpu.memory_space<vmem>> -> memref<8xi32, #tpu.memory_space<vmem>>
        %dma_wait3A_161 = arith.constant 0 : i32
        %dma_wait3A_162 = arith.constant 0 : i32
        %dma_wait3A_163 = tpu.memref_slice %arg2[%dma_wait3A_161, %dma_wait3A_162] : memref<3072x4096xf32, #tpu.memory_space<hbm>> -> memref<3072x4096xf32, #tpu.memory_space<hbm>>
        tpu.wait_indirect_dma semaphore(%arg21 : memref<!tpu.dma_semaphore, #tpu.memory_space<semaphore_mem>>) src(%dma_wait3A_163 : memref<3072x4096xf32, #tpu.memory_space<hbm>>) dst(%arg19 : memref<8x4096xf32, #tpu.memory_space<vmem>>)
        %mul3A_164 = arith.constant 8 : i32
        %mul3A_165 = arith.muli %add3A_151, %mul3A_164 : i32
        %add3A_166 = arith.addi %add3A_111, %mul3A_165 : i32
        "tpu.region"() ({
          %run_scoped3A = tpu.sem_alloc : memref<!tpu.dma_semaphore, #tpu.memory_space<semaphore_mem>>
          %dma_start3A_188 = arith.constant 0 : i32
          %dma_start3A_189 = tpu.memref_slice %arg8[%add3A_166, %dma_start3A_188] : memref<768x4096xf32, #tpu.memory_space<hbm>> -> memref<8x4096xf32, #tpu.memory_space<hbm>>
          %dma_start3A_190 = arith.constant 0 : i32
          %dma_start3A_191 = tpu.memref_slice %arg8[%add3A_166, %dma_start3A_190] : memref<768x4096xf32, #tpu.memory_space<hbm>> -> memref<8x4096xf32, #tpu.memory_space<hbm>>
          tpu.enqueue_dma source(%arg19 : memref<8x4096xf32, #tpu.memory_space<vmem>>) target(%dma_start3A_191 : memref<8x4096xf32, #tpu.memory_space<hbm>>) target_semaphore(%run_scoped3A : memref<!tpu.dma_semaphore, #tpu.memory_space<semaphore_mem>>)
          %dma_wait3A_192 = arith.constant 0 : i32
          %dma_wait3A_193 = tpu.memref_slice %arg8[%add3A_166, %dma_wait3A_192] : memref<768x4096xf32, #tpu.memory_space<hbm>> -> memref<8x4096xf32, #tpu.memory_space<hbm>>
          %dma_wait3A_194 = arith.constant 0 : i32
          %dma_wait3A_195 = tpu.memref_slice %arg8[%add3A_166, %dma_wait3A_194] : memref<768x4096xf32, #tpu.memory_space<hbm>> -> memref<8x4096xf32, #tpu.memory_space<hbm>>
          tpu.wait_dma2 semaphore(%run_scoped3A : memref<!tpu.dma_semaphore, #tpu.memory_space<semaphore_mem>>) src(%arg19 : memref<8x4096xf32, #tpu.memory_space<vmem>>) dst(%dma_wait3A_195 : memref<8x4096xf32, #tpu.memory_space<hbm>>)
          tpu.yield
        }) : () -> ()
        %mul3A_167 = arith.constant 2 : i32
        %mul3A_168 = arith.muli %scan3A_146, %mul3A_167 : i32
        %add3A_169 = arith.constant 1 : i32
        %add3A_170 = arith.addi %mul3A_168, %add3A_169 : i32
        %add3A_171 = arith.constant 1 : i32
        %add3A_172 = arith.addi %add3A_170, %add3A_171 : i32
        %lt3A_173 = arith.constant 12 : i32
        %lt3A_174 = arith.cmpi slt, %add3A_172, %lt3A_173 : i32
        %convert_element_type3A_175 = arith.extui %lt3A_174 : i1 to i32
        %cond3A_176 = arith.constant 0 : i32
        %cond3A_177 = arith.cmpi ne, %convert_element_type3A_175, %cond3A_176 : i32
        scf.if %cond3A_177 {
          %add3A_188 = arith.constant 1 : i32
          %add3A_189 = arith.addi %add3A_170, %add3A_188 : i32
          %mul3A_190 = arith.constant 8 : i32
          %mul3A_191 = arith.muli %add3A_189, %mul3A_190 : i32
          %dma_start3A_192 = tpu.memref_slice %arg18[%mul3A_191] : memref<96xi32, #tpu.memory_space<vmem>> -> memref<8xi32, #tpu.memory_space<vmem>>
          %dma_start3A_193 = arith.constant 0 : i32
          %dma_start3A_194 = arith.constant 0 : i32
          %dma_start3A_195 = tpu.memref_slice %arg2[%dma_start3A_193, %dma_start3A_194] : memref<3072x4096xf32, #tpu.memory_space<hbm>> -> memref<3072x4096xf32, #tpu.memory_space<hbm>>
          tpu.enqueue_indirect_dma source(%dma_start3A_195 : memref<3072x4096xf32, #tpu.memory_space<hbm>>) target(%arg19 : memref<8x4096xf32, #tpu.memory_space<vmem>>) offsets(%dma_start3A_192 : memref<8xi32, #tpu.memory_space<vmem>>) semaphore(%arg21 : memref<!tpu.dma_semaphore, #tpu.memory_space<semaphore_mem>>)
        } else {
        }
        %mul3A_178 = arith.constant 8 : i32
        %mul3A_179 = arith.muli %add3A_170, %mul3A_178 : i32
        %dma_wait3A_180 = tpu.memref_slice %arg18[%mul3A_179] : memref<96xi32, #tpu.memory_space<vmem>> -> memref<8xi32, #tpu.memory_space<vmem>>
        %dma_wait3A_181 = arith.constant 0 : i32
        %dma_wait3A_182 = arith.constant 0 : i32
        %dma_wait3A_183 = tpu.memref_slice %arg2[%dma_wait3A_181, %dma_wait3A_182] : memref<3072x4096xf32, #tpu.memory_space<hbm>> -> memref<3072x4096xf32, #tpu.memory_space<hbm>>
        tpu.wait_indirect_dma semaphore(%arg22 : memref<!tpu.dma_semaphore, #tpu.memory_space<semaphore_mem>>) src(%dma_wait3A_183 : memref<3072x4096xf32, #tpu.memory_space<hbm>>) dst(%arg20 : memref<8x4096xf32, #tpu.memory_space<vmem>>)
        %mul3A_184 = arith.constant 8 : i32
        %mul3A_185 = arith.muli %add3A_170, %mul3A_184 : i32
        %add3A_186 = arith.addi %add3A_111, %mul3A_185 : i32
        "tpu.region"() ({
          %run_scoped3A = tpu.sem_alloc : memref<!tpu.dma_semaphore, #tpu.memory_space<semaphore_mem>>
          %dma_start3A_188 = arith.constant 0 : i32
          %dma_start3A_189 = tpu.memref_slice %arg8[%add3A_186, %dma_start3A_188] : memref<768x4096xf32, #tpu.memory_space<hbm>> -> memref<8x4096xf32, #tpu.memory_space<hbm>>
          %dma_start3A_190 = arith.constant 0 : i32
          %dma_start3A_191 = tpu.memref_slice %arg8[%add3A_186, %dma_start3A_190] : memref<768x4096xf32, #tpu.memory_space<hbm>> -> memref<8x4096xf32, #tpu.memory_space<hbm>>
          tpu.enqueue_dma source(%arg20 : memref<8x4096xf32, #tpu.memory_space<vmem>>) target(%dma_start3A_191 : memref<8x4096xf32, #tpu.memory_space<hbm>>) target_semaphore(%run_scoped3A : memref<!tpu.dma_semaphore, #tpu.memory_space<semaphore_mem>>)
          %dma_wait3A_192 = arith.constant 0 : i32
          %dma_wait3A_193 = tpu.memref_slice %arg8[%add3A_186, %dma_wait3A_192] : memref<768x4096xf32, #tpu.memory_space<hbm>> -> memref<8x4096xf32, #tpu.memory_space<hbm>>
          %dma_wait3A_194 = arith.constant 0 : i32
          %dma_wait3A_195 = tpu.memref_slice %arg8[%add3A_186, %dma_wait3A_194] : memref<768x4096xf32, #tpu.memory_space<hbm>> -> memref<8x4096xf32, #tpu.memory_space<hbm>>
          tpu.wait_dma2 semaphore(%run_scoped3A : memref<!tpu.dma_semaphore, #tpu.memory_space<semaphore_mem>>) src(%arg20 : memref<8x4096xf32, #tpu.memory_space<vmem>>) dst(%dma_wait3A_195 : memref<8x4096xf32, #tpu.memory_space<hbm>>)
          tpu.yield
        }) : () -> ()
        %scan3A_187 = arith.constant 0 : i32
        scf.yield %scan3A_187 : i32
      }
      %scan3A_121 = arith.constant 6 : i32
      %dma_start3A_122 = arith.constant 0 : i32
      %dma_start3A_123 = tpu.memref_slice %arg18[%dma_start3A_122] : memref<96xi32, #tpu.memory_space<vmem>> -> memref<8xi32, #tpu.memory_space<vmem>>
      %dma_start3A_124 = arith.constant 0 : i32
      %dma_start3A_125 = arith.constant 0 : i32
      %dma_start3A_126 = tpu.memref_slice %arg3[%dma_start3A_124, %dma_start3A_125] : memref<3072x4096xf32, #tpu.memory_space<hbm>> -> memref<3072x4096xf32, #tpu.memory_space<hbm>>
      tpu.enqueue_indirect_dma source(%dma_start3A_126 : memref<3072x4096xf32, #tpu.memory_space<hbm>>) target(%arg19 : memref<8x4096xf32, #tpu.memory_space<vmem>>) offsets(%dma_start3A_123 : memref<8xi32, #tpu.memory_space<vmem>>) semaphore(%arg21 : memref<!tpu.dma_semaphore, #tpu.memory_space<semaphore_mem>>)
      %scan3A_127 = arith.constant 0 : i32
      %scan3A_128 = arith.constant 0 : i32
      %scan3A_129 = arith.constant 6 : i32
      %scan3A_130 = arith.addi %scan3A_128, %scan3A_129 : i32
      %scan3A_131 = arith.constant 1 : i32
      %scan3A_132 = scf.for %scan3A_146 = %scan3A_128 to %scan3A_130 step %scan3A_131 iter_args(%scan3A_147 = %scan3A_127) -> (i32)  : i32 {
        %mul3A_148 = arith.constant 2 : i32
        %mul3A_149 = arith.muli %scan3A_146, %mul3A_148 : i32
        %add3A_150 = arith.constant 0 : i32
        %add3A_151 = arith.addi %mul3A_149, %add3A_150 : i32
        %add3A_152 = arith.constant 1 : i32
        %add3A_153 = arith.addi %add3A_151, %add3A_152 : i32
        %lt3A_154 = arith.constant 12 : i32
        %lt3A_155 = arith.cmpi slt, %add3A_153, %lt3A_154 : i32
        %convert_element_type3A_156 = arith.extui %lt3A_155 : i1 to i32
        %cond3A_157 = arith.constant 0 : i32
        %cond3A_158 = arith.cmpi ne, %convert_element_type3A_156, %cond3A_157 : i32
        scf.if %cond3A_158 {
          %add3A_188 = arith.constant 1 : i32
          %add3A_189 = arith.addi %add3A_151, %add3A_188 : i32
          %mul3A_190 = arith.constant 8 : i32
          %mul3A_191 = arith.muli %add3A_189, %mul3A_190 : i32
          %dma_start3A_192 = tpu.memref_slice %arg18[%mul3A_191] : memref<96xi32, #tpu.memory_space<vmem>> -> memref<8xi32, #tpu.memory_space<vmem>>
          %dma_start3A_193 = arith.constant 0 : i32
          %dma_start3A_194 = arith.constant 0 : i32
          %dma_start3A_195 = tpu.memref_slice %arg3[%dma_start3A_193, %dma_start3A_194] : memref<3072x4096xf32, #tpu.memory_space<hbm>> -> memref<3072x4096xf32, #tpu.memory_space<hbm>>
          tpu.enqueue_indirect_dma source(%dma_start3A_195 : memref<3072x4096xf32, #tpu.memory_space<hbm>>) target(%arg20 : memref<8x4096xf32, #tpu.memory_space<vmem>>) offsets(%dma_start3A_192 : memref<8xi32, #tpu.memory_space<vmem>>) semaphore(%arg22 : memref<!tpu.dma_semaphore, #tpu.memory_space<semaphore_mem>>)
        } else {
        }
        %mul3A_159 = arith.constant 8 : i32
        %mul3A_160 = arith.muli %add3A_151, %mul3A_159 : i32
        %dma_wait3A = tpu.memref_slice %arg18[%mul3A_160] : memref<96xi32, #tpu.memory_space<vmem>> -> memref<8xi32, #tpu.memory_space<vmem>>
        %dma_wait3A_161 = arith.constant 0 : i32
        %dma_wait3A_162 = arith.constant 0 : i32
        %dma_wait3A_163 = tpu.memref_slice %arg3[%dma_wait3A_161, %dma_wait3A_162] : memref<3072x4096xf32, #tpu.memory_space<hbm>> -> memref<3072x4096xf32, #tpu.memory_space<hbm>>
        tpu.wait_indirect_dma semaphore(%arg21 : memref<!tpu.dma_semaphore, #tpu.memory_space<semaphore_mem>>) src(%dma_wait3A_163 : memref<3072x4096xf32, #tpu.memory_space<hbm>>) dst(%arg19 : memref<8x4096xf32, #tpu.memory_space<vmem>>)
        %mul3A_164 = arith.constant 8 : i32
        %mul3A_165 = arith.muli %add3A_151, %mul3A_164 : i32
        %add3A_166 = arith.addi %add3A_111, %mul3A_165 : i32
        "tpu.region"() ({
          %run_scoped3A = tpu.sem_alloc : memref<!tpu.dma_semaphore, #tpu.memory_space<semaphore_mem>>
          %dma_start3A_188 = arith.constant 0 : i32
          %dma_start3A_189 = tpu.memref_slice %arg12[%add3A_166, %dma_start3A_188] : memref<768x4096xf32, #tpu.memory_space<hbm>> -> memref<8x4096xf32, #tpu.memory_space<hbm>>
          %dma_start3A_190 = arith.constant 0 : i32
          %dma_start3A_191 = tpu.memref_slice %arg12[%add3A_166, %dma_start3A_190] : memref<768x4096xf32, #tpu.memory_space<hbm>> -> memref<8x4096xf32, #tpu.memory_space<hbm>>
          tpu.enqueue_dma source(%arg19 : memref<8x4096xf32, #tpu.memory_space<vmem>>) target(%dma_start3A_191 : memref<8x4096xf32, #tpu.memory_space<hbm>>) target_semaphore(%run_scoped3A : memref<!tpu.dma_semaphore, #tpu.memory_space<semaphore_mem>>)
          %dma_wait3A_192 = arith.constant 0 : i32
          %dma_wait3A_193 = tpu.memref_slice %arg12[%add3A_166, %dma_wait3A_192] : memref<768x4096xf32, #tpu.memory_space<hbm>> -> memref<8x4096xf32, #tpu.memory_space<hbm>>
          %dma_wait3A_194 = arith.constant 0 : i32
          %dma_wait3A_195 = tpu.memref_slice %arg12[%add3A_166, %dma_wait3A_194] : memref<768x4096xf32, #tpu.memory_space<hbm>> -> memref<8x4096xf32, #tpu.memory_space<hbm>>
          tpu.wait_dma2 semaphore(%run_scoped3A : memref<!tpu.dma_semaphore, #tpu.memory_space<semaphore_mem>>) src(%arg19 : memref<8x4096xf32, #tpu.memory_space<vmem>>) dst(%dma_wait3A_195 : memref<8x4096xf32, #tpu.memory_space<hbm>>)
          tpu.yield
        }) : () -> ()
        %mul3A_167 = arith.constant 2 : i32
        %mul3A_168 = arith.muli %scan3A_146, %mul3A_167 : i32
        %add3A_169 = arith.constant 1 : i32
        %add3A_170 = arith.addi %mul3A_168, %add3A_169 : i32
        %add3A_171 = arith.constant 1 : i32
        %add3A_172 = arith.addi %add3A_170, %add3A_171 : i32
        %lt3A_173 = arith.constant 12 : i32
        %lt3A_174 = arith.cmpi slt, %add3A_172, %lt3A_173 : i32
        %convert_element_type3A_175 = arith.extui %lt3A_174 : i1 to i32
        %cond3A_176 = arith.constant 0 : i32
        %cond3A_177 = arith.cmpi ne, %convert_element_type3A_175, %cond3A_176 : i32
        scf.if %cond3A_177 {
          %add3A_188 = arith.constant 1 : i32
          %add3A_189 = arith.addi %add3A_170, %add3A_188 : i32
          %mul3A_190 = arith.constant 8 : i32
          %mul3A_191 = arith.muli %add3A_189, %mul3A_190 : i32
          %dma_start3A_192 = tpu.memref_slice %arg18[%mul3A_191] : memref<96xi32, #tpu.memory_space<vmem>> -> memref<8xi32, #tpu.memory_space<vmem>>
          %dma_start3A_193 = arith.constant 0 : i32
          %dma_start3A_194 = arith.constant 0 : i32
          %dma_start3A_195 = tpu.memref_slice %arg3[%dma_start3A_193, %dma_start3A_194] : memref<3072x4096xf32, #tpu.memory_space<hbm>> -> memref<3072x4096xf32, #tpu.memory_space<hbm>>
          tpu.enqueue_indirect_dma source(%dma_start3A_195 : memref<3072x4096xf32, #tpu.memory_space<hbm>>) target(%arg19 : memref<8x4096xf32, #tpu.memory_space<vmem>>) offsets(%dma_start3A_192 : memref<8xi32, #tpu.memory_space<vmem>>) semaphore(%arg21 : memref<!tpu.dma_semaphore, #tpu.memory_space<semaphore_mem>>)
        } else {
        }
        %mul3A_178 = arith.constant 8 : i32
        %mul3A_179 = arith.muli %add3A_170, %mul3A_178 : i32
        %dma_wait3A_180 = tpu.memref_slice %arg18[%mul3A_179] : memref<96xi32, #tpu.memory_space<vmem>> -> memref<8xi32, #tpu.memory_space<vmem>>
        %dma_wait3A_181 = arith.constant 0 : i32
        %dma_wait3A_182 = arith.constant 0 : i32
        %dma_wait3A_183 = tpu.memref_slice %arg3[%dma_wait3A_181, %dma_wait3A_182] : memref<3072x4096xf32, #tpu.memory_space<hbm>> -> memref<3072x4096xf32, #tpu.memory_space<hbm>>
        tpu.wait_indirect_dma semaphore(%arg22 : memref<!tpu.dma_semaphore, #tpu.memory_space<semaphore_mem>>) src(%dma_wait3A_183 : memref<3072x4096xf32, #tpu.memory_space<hbm>>) dst(%arg20 : memref<8x4096xf32, #tpu.memory_space<vmem>>)
        %mul3A_184 = arith.constant 8 : i32
        %mul3A_185 = arith.muli %add3A_170, %mul3A_184 : i32
        %add3A_186 = arith.addi %add3A_111, %mul3A_185 : i32
        "tpu.region"() ({
          %run_scoped3A = tpu.sem_alloc : memref<!tpu.dma_semaphore, #tpu.memory_space<semaphore_mem>>
          %dma_start3A_188 = arith.constant 0 : i32
          %dma_start3A_189 = tpu.memref_slice %arg12[%add3A_186, %dma_start3A_188] : memref<768x4096xf32, #tpu.memory_space<hbm>> -> memref<8x4096xf32, #tpu.memory_space<hbm>>
          %dma_start3A_190 = arith.constant 0 : i32
          %dma_start3A_191 = tpu.memref_slice %arg12[%add3A_186, %dma_start3A_190] : memref<768x4096xf32, #tpu.memory_space<hbm>> -> memref<8x4096xf32, #tpu.memory_space<hbm>>
          tpu.enqueue_dma source(%arg20 : memref<8x4096xf32, #tpu.memory_space<vmem>>) target(%dma_start3A_191 : memref<8x4096xf32, #tpu.memory_space<hbm>>) target_semaphore(%run_scoped3A : memref<!tpu.dma_semaphore, #tpu.memory_space<semaphore_mem>>)
          %dma_wait3A_192 = arith.constant 0 : i32
          %dma_wait3A_193 = tpu.memref_slice %arg12[%add3A_186, %dma_wait3A_192] : memref<768x4096xf32, #tpu.memory_space<hbm>> -> memref<8x4096xf32, #tpu.memory_space<hbm>>
          %dma_wait3A_194 = arith.constant 0 : i32
          %dma_wait3A_195 = tpu.memref_slice %arg12[%add3A_186, %dma_wait3A_194] : memref<768x4096xf32, #tpu.memory_space<hbm>> -> memref<8x4096xf32, #tpu.memory_space<hbm>>
          tpu.wait_dma2 semaphore(%run_scoped3A : memref<!tpu.dma_semaphore, #tpu.memory_space<semaphore_mem>>) src(%arg20 : memref<8x4096xf32, #tpu.memory_space<vmem>>) dst(%dma_wait3A_195 : memref<8x4096xf32, #tpu.memory_space<hbm>>)
          tpu.yield
        }) : () -> ()
        %scan3A_187 = arith.constant 0 : i32
        scf.yield %scan3A_187 : i32
      }
      %scan3A_133 = arith.constant 6 : i32
      %dma_start3A_134 = arith.constant 0 : i32
      %dma_start3A_135 = tpu.memref_slice %arg18[%dma_start3A_134] : memref<96xi32, #tpu.memory_space<vmem>> -> memref<8xi32, #tpu.memory_space<vmem>>
      %dma_start3A_136 = arith.constant 0 : i32
      %dma_start3A_137 = arith.constant 0 : i32
      %dma_start3A_138 = tpu.memref_slice %arg4[%dma_start3A_136, %dma_start3A_137] : memref<3072x4096xf32, #tpu.memory_space<hbm>> -> memref<3072x4096xf32, #tpu.memory_space<hbm>>
      tpu.enqueue_indirect_dma source(%dma_start3A_138 : memref<3072x4096xf32, #tpu.memory_space<hbm>>) target(%arg19 : memref<8x4096xf32, #tpu.memory_space<vmem>>) offsets(%dma_start3A_135 : memref<8xi32, #tpu.memory_space<vmem>>) semaphore(%arg21 : memref<!tpu.dma_semaphore, #tpu.memory_space<semaphore_mem>>)
      %scan3A_139 = arith.constant 0 : i32
      %scan3A_140 = arith.constant 0 : i32
      %scan3A_141 = arith.constant 6 : i32
      %scan3A_142 = arith.addi %scan3A_140, %scan3A_141 : i32
      %scan3A_143 = arith.constant 1 : i32
      %scan3A_144 = scf.for %scan3A_146 = %scan3A_140 to %scan3A_142 step %scan3A_143 iter_args(%scan3A_147 = %scan3A_139) -> (i32)  : i32 {
        %mul3A_148 = arith.constant 2 : i32
        %mul3A_149 = arith.muli %scan3A_146, %mul3A_148 : i32
        %add3A_150 = arith.constant 0 : i32
        %add3A_151 = arith.addi %mul3A_149, %add3A_150 : i32
        %add3A_152 = arith.constant 1 : i32
        %add3A_153 = arith.addi %add3A_151, %add3A_152 : i32
        %lt3A_154 = arith.constant 12 : i32
        %lt3A_155 = arith.cmpi slt, %add3A_153, %lt3A_154 : i32
        %convert_element_type3A_156 = arith.extui %lt3A_155 : i1 to i32
        %cond3A_157 = arith.constant 0 : i32
        %cond3A_158 = arith.cmpi ne, %convert_element_type3A_156, %cond3A_157 : i32
        scf.if %cond3A_158 {
          %add3A_188 = arith.constant 1 : i32
          %add3A_189 = arith.addi %add3A_151, %add3A_188 : i32
          %mul3A_190 = arith.constant 8 : i32
          %mul3A_191 = arith.muli %add3A_189, %mul3A_190 : i32
          %dma_start3A_192 = tpu.memref_slice %arg18[%mul3A_191] : memref<96xi32, #tpu.memory_space<vmem>> -> memref<8xi32, #tpu.memory_space<vmem>>
          %dma_start3A_193 = arith.constant 0 : i32
          %dma_start3A_194 = arith.constant 0 : i32
          %dma_start3A_195 = tpu.memref_slice %arg4[%dma_start3A_193, %dma_start3A_194] : memref<3072x4096xf32, #tpu.memory_space<hbm>> -> memref<3072x4096xf32, #tpu.memory_space<hbm>>
          tpu.enqueue_indirect_dma source(%dma_start3A_195 : memref<3072x4096xf32, #tpu.memory_space<hbm>>) target(%arg20 : memref<8x4096xf32, #tpu.memory_space<vmem>>) offsets(%dma_start3A_192 : memref<8xi32, #tpu.memory_space<vmem>>) semaphore(%arg22 : memref<!tpu.dma_semaphore, #tpu.memory_space<semaphore_mem>>)
        } else {
        }
        %mul3A_159 = arith.constant 8 : i32
        %mul3A_160 = arith.muli %add3A_151, %mul3A_159 : i32
        %dma_wait3A = tpu.memref_slice %arg18[%mul3A_160] : memref<96xi32, #tpu.memory_space<vmem>> -> memref<8xi32, #tpu.memory_space<vmem>>
        %dma_wait3A_161 = arith.constant 0 : i32
        %dma_wait3A_162 = arith.constant 0 : i32
        %dma_wait3A_163 = tpu.memref_slice %arg4[%dma_wait3A_161, %dma_wait3A_162] : memref<3072x4096xf32, #tpu.memory_space<hbm>> -> memref<3072x4096xf32, #tpu.memory_space<hbm>>
        tpu.wait_indirect_dma semaphore(%arg21 : memref<!tpu.dma_semaphore, #tpu.memory_space<semaphore_mem>>) src(%dma_wait3A_163 : memref<3072x4096xf32, #tpu.memory_space<hbm>>) dst(%arg19 : memref<8x4096xf32, #tpu.memory_space<vmem>>)
        %mul3A_164 = arith.constant 8 : i32
        %mul3A_165 = arith.muli %add3A_151, %mul3A_164 : i32
        %add3A_166 = arith.addi %add3A_111, %mul3A_165 : i32
        "tpu.region"() ({
          %run_scoped3A = tpu.sem_alloc : memref<!tpu.dma_semaphore, #tpu.memory_space<semaphore_mem>>
          %dma_start3A_188 = arith.constant 0 : i32
          %dma_start3A_189 = tpu.memref_slice %arg16[%add3A_166, %dma_start3A_188] : memref<768x4096xf32, #tpu.memory_space<hbm>> -> memref<8x4096xf32, #tpu.memory_space<hbm>>
          %dma_start3A_190 = arith.constant 0 : i32
          %dma_start3A_191 = tpu.memref_slice %arg16[%add3A_166, %dma_start3A_190] : memref<768x4096xf32, #tpu.memory_space<hbm>> -> memref<8x4096xf32, #tpu.memory_space<hbm>>
          tpu.enqueue_dma source(%arg19 : memref<8x4096xf32, #tpu.memory_space<vmem>>) target(%dma_start3A_191 : memref<8x4096xf32, #tpu.memory_space<hbm>>) target_semaphore(%run_scoped3A : memref<!tpu.dma_semaphore, #tpu.memory_space<semaphore_mem>>)
          %dma_wait3A_192 = arith.constant 0 : i32
          %dma_wait3A_193 = tpu.memref_slice %arg16[%add3A_166, %dma_wait3A_192] : memref<768x4096xf32, #tpu.memory_space<hbm>> -> memref<8x4096xf32, #tpu.memory_space<hbm>>
          %dma_wait3A_194 = arith.constant 0 : i32
          %dma_wait3A_195 = tpu.memref_slice %arg16[%add3A_166, %dma_wait3A_194] : memref<768x4096xf32, #tpu.memory_space<hbm>> -> memref<8x4096xf32, #tpu.memory_space<hbm>>
          tpu.wait_dma2 semaphore(%run_scoped3A : memref<!tpu.dma_semaphore, #tpu.memory_space<semaphore_mem>>) src(%arg19 : memref<8x4096xf32, #tpu.memory_space<vmem>>) dst(%dma_wait3A_195 : memref<8x4096xf32, #tpu.memory_space<hbm>>)
          tpu.yield
        }) : () -> ()
        %mul3A_167 = arith.constant 2 : i32
        %mul3A_168 = arith.muli %scan3A_146, %mul3A_167 : i32
        %add3A_169 = arith.constant 1 : i32
        %add3A_170 = arith.addi %mul3A_168, %add3A_169 : i32
        %add3A_171 = arith.constant 1 : i32
        %add3A_172 = arith.addi %add3A_170, %add3A_171 : i32
        %lt3A_173 = arith.constant 12 : i32
        %lt3A_174 = arith.cmpi slt, %add3A_172, %lt3A_173 : i32
        %convert_element_type3A_175 = arith.extui %lt3A_174 : i1 to i32
        %cond3A_176 = arith.constant 0 : i32
        %cond3A_177 = arith.cmpi ne, %convert_element_type3A_175, %cond3A_176 : i32
        scf.if %cond3A_177 {
          %add3A_188 = arith.constant 1 : i32
          %add3A_189 = arith.addi %add3A_170, %add3A_188 : i32
          %mul3A_190 = arith.constant 8 : i32
          %mul3A_191 = arith.muli %add3A_189, %mul3A_190 : i32
          %dma_start3A_192 = tpu.memref_slice %arg18[%mul3A_191] : memref<96xi32, #tpu.memory_space<vmem>> -> memref<8xi32, #tpu.memory_space<vmem>>
          %dma_start3A_193 = arith.constant 0 : i32
          %dma_start3A_194 = arith.constant 0 : i32
          %dma_start3A_195 = tpu.memref_slice %arg4[%dma_start3A_193, %dma_start3A_194] : memref<3072x4096xf32, #tpu.memory_space<hbm>> -> memref<3072x4096xf32, #tpu.memory_space<hbm>>
          tpu.enqueue_indirect_dma source(%dma_start3A_195 : memref<3072x4096xf32, #tpu.memory_space<hbm>>) target(%arg19 : memref<8x4096xf32, #tpu.memory_space<vmem>>) offsets(%dma_start3A_192 : memref<8xi32, #tpu.memory_space<vmem>>) semaphore(%arg21 : memref<!tpu.dma_semaphore, #tpu.memory_space<semaphore_mem>>)
        } else {
        }
        %mul3A_178 = arith.constant 8 : i32
        %mul3A_179 = arith.muli %add3A_170, %mul3A_178 : i32
        %dma_wait3A_180 = tpu.memref_slice %arg18[%mul3A_179] : memref<96xi32, #tpu.memory_space<vmem>> -> memref<8xi32, #tpu.memory_space<vmem>>
        %dma_wait3A_181 = arith.constant 0 : i32
        %dma_wait3A_182 = arith.constant 0 : i32
        %dma_wait3A_183 = tpu.memref_slice %arg4[%dma_wait3A_181, %dma_wait3A_182] : memref<3072x4096xf32, #tpu.memory_space<hbm>> -> memref<3072x4096xf32, #tpu.memory_space<hbm>>
        tpu.wait_indirect_dma semaphore(%arg22 : memref<!tpu.dma_semaphore, #tpu.memory_space<semaphore_mem>>) src(%dma_wait3A_183 : memref<3072x4096xf32, #tpu.memory_space<hbm>>) dst(%arg20 : memref<8x4096xf32, #tpu.memory_space<vmem>>)
        %mul3A_184 = arith.constant 8 : i32
        %mul3A_185 = arith.muli %add3A_170, %mul3A_184 : i32
        %add3A_186 = arith.addi %add3A_111, %mul3A_185 : i32
        "tpu.region"() ({
          %run_scoped3A = tpu.sem_alloc : memref<!tpu.dma_semaphore, #tpu.memory_space<semaphore_mem>>
          %dma_start3A_188 = arith.constant 0 : i32
          %dma_start3A_189 = tpu.memref_slice %arg16[%add3A_186, %dma_start3A_188] : memref<768x4096xf32, #tpu.memory_space<hbm>> -> memref<8x4096xf32, #tpu.memory_space<hbm>>
          %dma_start3A_190 = arith.constant 0 : i32
          %dma_start3A_191 = tpu.memref_slice %arg16[%add3A_186, %dma_start3A_190] : memref<768x4096xf32, #tpu.memory_space<hbm>> -> memref<8x4096xf32, #tpu.memory_space<hbm>>
          tpu.enqueue_dma source(%arg20 : memref<8x4096xf32, #tpu.memory_space<vmem>>) target(%dma_start3A_191 : memref<8x4096xf32, #tpu.memory_space<hbm>>) target_semaphore(%run_scoped3A : memref<!tpu.dma_semaphore, #tpu.memory_space<semaphore_mem>>)
          %dma_wait3A_192 = arith.constant 0 : i32
          %dma_wait3A_193 = tpu.memref_slice %arg16[%add3A_186, %dma_wait3A_192] : memref<768x4096xf32, #tpu.memory_space<hbm>> -> memref<8x4096xf32, #tpu.memory_space<hbm>>
          %dma_wait3A_194 = arith.constant 0 : i32
          %dma_wait3A_195 = tpu.memref_slice %arg16[%add3A_186, %dma_wait3A_194] : memref<768x4096xf32, #tpu.memory_space<hbm>> -> memref<8x4096xf32, #tpu.memory_space<hbm>>
          tpu.wait_dma2 semaphore(%run_scoped3A : memref<!tpu.dma_semaphore, #tpu.memory_space<semaphore_mem>>) src(%arg20 : memref<8x4096xf32, #tpu.memory_space<vmem>>) dst(%dma_wait3A_195 : memref<8x4096xf32, #tpu.memory_space<hbm>>)
          tpu.yield
        }) : () -> ()
        %scan3A_187 = arith.constant 0 : i32
        scf.yield %scan3A_187 : i32
      }
      %scan3A_145 = arith.constant 6 : i32
    } else {
    }
    %ge3A_102 = arith.constant 4 : i32
    %ge3A_103 = arith.cmpi sge, %select_n3A_30, %ge3A_102 : i32
    %convert_element_type3A_104 = arith.extui %ge3A_103 : i1 to i32
    %cond3A_105 = arith.constant 0 : i32
    %cond3A_106 = arith.cmpi ne, %convert_element_type3A_104, %cond3A_105 : i32
    scf.if %cond3A_106 {
      %mul3A_107 = arith.constant 384 : i32
      %mul3A_108 = arith.muli %select_n3A, %mul3A_107 : i32
      %sub3A_109 = arith.constant 384 : i32
      %sub3A_110 = arith.subi %mul3A_32, %sub3A_109 : i32
      %add3A_111 = arith.addi %mul3A_108, %sub3A_110 : i32
      %dma_start3A = arith.constant 0 : i32
      %dma_start3A_112 = tpu.memref_slice %arg18[%dma_start3A] : memref<96xi32, #tpu.memory_space<vmem>> -> memref<8xi32, #tpu.memory_space<vmem>>
      %dma_start3A_113 = arith.constant 0 : i32
      %dma_start3A_114 = arith.constant 0 : i32
      %dma_start3A_115 = tpu.memref_slice %arg2[%dma_start3A_113, %dma_start3A_114] : memref<3072x4096xf32, #tpu.memory_space<hbm>> -> memref<3072x4096xf32, #tpu.memory_space<hbm>>
      tpu.enqueue_indirect_dma source(%dma_start3A_115 : memref<3072x4096xf32, #tpu.memory_space<hbm>>) target(%arg19 : memref<8x4096xf32, #tpu.memory_space<vmem>>) offsets(%dma_start3A_112 : memref<8xi32, #tpu.memory_space<vmem>>) semaphore(%arg21 : memref<!tpu.dma_semaphore, #tpu.memory_space<semaphore_mem>>)
      %scan3A = arith.constant 0 : i32
      %scan3A_116 = arith.constant 0 : i32
      %scan3A_117 = arith.constant 6 : i32
      %scan3A_118 = arith.addi %scan3A_116, %scan3A_117 : i32
      %scan3A_119 = arith.constant 1 : i32
      %scan3A_120 = scf.for %scan3A_146 = %scan3A_116 to %scan3A_118 step %scan3A_119 iter_args(%scan3A_147 = %scan3A) -> (i32)  : i32 {
        %mul3A_148 = arith.constant 2 : i32
        %mul3A_149 = arith.muli %scan3A_146, %mul3A_148 : i32
        %add3A_150 = arith.constant 0 : i32
        %add3A_151 = arith.addi %mul3A_149, %add3A_150 : i32
        %add3A_152 = arith.constant 1 : i32
        %add3A_153 = arith.addi %add3A_151, %add3A_152 : i32
        %lt3A_154 = arith.constant 12 : i32
        %lt3A_155 = arith.cmpi slt, %add3A_153, %lt3A_154 : i32
        %convert_element_type3A_156 = arith.extui %lt3A_155 : i1 to i32
        %cond3A_157 = arith.constant 0 : i32
        %cond3A_158 = arith.cmpi ne, %convert_element_type3A_156, %cond3A_157 : i32
        scf.if %cond3A_158 {
          %add3A_188 = arith.constant 1 : i32
          %add3A_189 = arith.addi %add3A_151, %add3A_188 : i32
          %mul3A_190 = arith.constant 8 : i32
          %mul3A_191 = arith.muli %add3A_189, %mul3A_190 : i32
          %dma_start3A_192 = tpu.memref_slice %arg18[%mul3A_191] : memref<96xi32, #tpu.memory_space<vmem>> -> memref<8xi32, #tpu.memory_space<vmem>>
          %dma_start3A_193 = arith.constant 0 : i32
          %dma_start3A_194 = arith.constant 0 : i32
          %dma_start3A_195 = tpu.memref_slice %arg2[%dma_start3A_193, %dma_start3A_194] : memref<3072x4096xf32, #tpu.memory_space<hbm>> -> memref<3072x4096xf32, #tpu.memory_space<hbm>>
          tpu.enqueue_indirect_dma source(%dma_start3A_195 : memref<3072x4096xf32, #tpu.memory_space<hbm>>) target(%arg20 : memref<8x4096xf32, #tpu.memory_space<vmem>>) offsets(%dma_start3A_192 : memref<8xi32, #tpu.memory_space<vmem>>) semaphore(%arg22 : memref<!tpu.dma_semaphore, #tpu.memory_space<semaphore_mem>>)
        } else {
        }
        %mul3A_159 = arith.constant 8 : i32
        %mul3A_160 = arith.muli %add3A_151, %mul3A_159 : i32
        %dma_wait3A = tpu.memref_slice %arg18[%mul3A_160] : memref<96xi32, #tpu.memory_space<vmem>> -> memref<8xi32, #tpu.memory_space<vmem>>
        %dma_wait3A_161 = arith.constant 0 : i32
        %dma_wait3A_162 = arith.constant 0 : i32
        %dma_wait3A_163 = tpu.memref_slice %arg2[%dma_wait3A_161, %dma_wait3A_162] : memref<3072x4096xf32, #tpu.memory_space<hbm>> -> memref<3072x4096xf32, #tpu.memory_space<hbm>>
        tpu.wait_indirect_dma semaphore(%arg21 : memref<!tpu.dma_semaphore, #tpu.memory_space<semaphore_mem>>) src(%dma_wait3A_163 : memref<3072x4096xf32, #tpu.memory_space<hbm>>) dst(%arg19 : memref<8x4096xf32, #tpu.memory_space<vmem>>)
        %mul3A_164 = arith.constant 8 : i32
        %mul3A_165 = arith.muli %add3A_151, %mul3A_164 : i32
        %add3A_166 = arith.addi %add3A_111, %mul3A_165 : i32
        "tpu.region"() ({
          %run_scoped3A = tpu.sem_alloc : memref<!tpu.dma_semaphore, #tpu.memory_space<semaphore_mem>>
          %dma_start3A_188 = arith.constant 0 : i32
          %dma_start3A_189 = tpu.memref_slice %arg9[%add3A_166, %dma_start3A_188] : memref<1536x4096xf32, #tpu.memory_space<hbm>> -> memref<8x4096xf32, #tpu.memory_space<hbm>>
          %dma_start3A_190 = arith.constant 0 : i32
          %dma_start3A_191 = tpu.memref_slice %arg9[%add3A_166, %dma_start3A_190] : memref<1536x4096xf32, #tpu.memory_space<hbm>> -> memref<8x4096xf32, #tpu.memory_space<hbm>>
          tpu.enqueue_dma source(%arg19 : memref<8x4096xf32, #tpu.memory_space<vmem>>) target(%dma_start3A_191 : memref<8x4096xf32, #tpu.memory_space<hbm>>) target_semaphore(%run_scoped3A : memref<!tpu.dma_semaphore, #tpu.memory_space<semaphore_mem>>)
          %dma_wait3A_192 = arith.constant 0 : i32
          %dma_wait3A_193 = tpu.memref_slice %arg9[%add3A_166, %dma_wait3A_192] : memref<1536x4096xf32, #tpu.memory_space<hbm>> -> memref<8x4096xf32, #tpu.memory_space<hbm>>
          %dma_wait3A_194 = arith.constant 0 : i32
          %dma_wait3A_195 = tpu.memref_slice %arg9[%add3A_166, %dma_wait3A_194] : memref<1536x4096xf32, #tpu.memory_space<hbm>> -> memref<8x4096xf32, #tpu.memory_space<hbm>>
          tpu.wait_dma2 semaphore(%run_scoped3A : memref<!tpu.dma_semaphore, #tpu.memory_space<semaphore_mem>>) src(%arg19 : memref<8x4096xf32, #tpu.memory_space<vmem>>) dst(%dma_wait3A_195 : memref<8x4096xf32, #tpu.memory_space<hbm>>)
          tpu.yield
        }) : () -> ()
        %mul3A_167 = arith.constant 2 : i32
        %mul3A_168 = arith.muli %scan3A_146, %mul3A_167 : i32
        %add3A_169 = arith.constant 1 : i32
        %add3A_170 = arith.addi %mul3A_168, %add3A_169 : i32
        %add3A_171 = arith.constant 1 : i32
        %add3A_172 = arith.addi %add3A_170, %add3A_171 : i32
        %lt3A_173 = arith.constant 12 : i32
        %lt3A_174 = arith.cmpi slt, %add3A_172, %lt3A_173 : i32
        %convert_element_type3A_175 = arith.extui %lt3A_174 : i1 to i32
        %cond3A_176 = arith.constant 0 : i32
        %cond3A_177 = arith.cmpi ne, %convert_element_type3A_175, %cond3A_176 : i32
        scf.if %cond3A_177 {
          %add3A_188 = arith.constant 1 : i32
          %add3A_189 = arith.addi %add3A_170, %add3A_188 : i32
          %mul3A_190 = arith.constant 8 : i32
          %mul3A_191 = arith.muli %add3A_189, %mul3A_190 : i32
          %dma_start3A_192 = tpu.memref_slice %arg18[%mul3A_191] : memref<96xi32, #tpu.memory_space<vmem>> -> memref<8xi32, #tpu.memory_space<vmem>>
          %dma_start3A_193 = arith.constant 0 : i32
          %dma_start3A_194 = arith.constant 0 : i32
          %dma_start3A_195 = tpu.memref_slice %arg2[%dma_start3A_193, %dma_start3A_194] : memref<3072x4096xf32, #tpu.memory_space<hbm>> -> memref<3072x4096xf32, #tpu.memory_space<hbm>>
          tpu.enqueue_indirect_dma source(%dma_start3A_195 : memref<3072x4096xf32, #tpu.memory_space<hbm>>) target(%arg19 : memref<8x4096xf32, #tpu.memory_space<vmem>>) offsets(%dma_start3A_192 : memref<8xi32, #tpu.memory_space<vmem>>) semaphore(%arg21 : memref<!tpu.dma_semaphore, #tpu.memory_space<semaphore_mem>>)
        } else {
        }
        %mul3A_178 = arith.constant 8 : i32
        %mul3A_179 = arith.muli %add3A_170, %mul3A_178 : i32
        %dma_wait3A_180 = tpu.memref_slice %arg18[%mul3A_179] : memref<96xi32, #tpu.memory_space<vmem>> -> memref<8xi32, #tpu.memory_space<vmem>>
        %dma_wait3A_181 = arith.constant 0 : i32
        %dma_wait3A_182 = arith.constant 0 : i32
        %dma_wait3A_183 = tpu.memref_slice %arg2[%dma_wait3A_181, %dma_wait3A_182] : memref<3072x4096xf32, #tpu.memory_space<hbm>> -> memref<3072x4096xf32, #tpu.memory_space<hbm>>
        tpu.wait_indirect_dma semaphore(%arg22 : memref<!tpu.dma_semaphore, #tpu.memory_space<semaphore_mem>>) src(%dma_wait3A_183 : memref<3072x4096xf32, #tpu.memory_space<hbm>>) dst(%arg20 : memref<8x4096xf32, #tpu.memory_space<vmem>>)
        %mul3A_184 = arith.constant 8 : i32
        %mul3A_185 = arith.muli %add3A_170, %mul3A_184 : i32
        %add3A_186 = arith.addi %add3A_111, %mul3A_185 : i32
        "tpu.region"() ({
          %run_scoped3A = tpu.sem_alloc : memref<!tpu.dma_semaphore, #tpu.memory_space<semaphore_mem>>
          %dma_start3A_188 = arith.constant 0 : i32
          %dma_start3A_189 = tpu.memref_slice %arg9[%add3A_186, %dma_start3A_188] : memref<1536x4096xf32, #tpu.memory_space<hbm>> -> memref<8x4096xf32, #tpu.memory_space<hbm>>
          %dma_start3A_190 = arith.constant 0 : i32
          %dma_start3A_191 = tpu.memref_slice %arg9[%add3A_186, %dma_start3A_190] : memref<1536x4096xf32, #tpu.memory_space<hbm>> -> memref<8x4096xf32, #tpu.memory_space<hbm>>
          tpu.enqueue_dma source(%arg20 : memref<8x4096xf32, #tpu.memory_space<vmem>>) target(%dma_start3A_191 : memref<8x4096xf32, #tpu.memory_space<hbm>>) target_semaphore(%run_scoped3A : memref<!tpu.dma_semaphore, #tpu.memory_space<semaphore_mem>>)
          %dma_wait3A_192 = arith.constant 0 : i32
          %dma_wait3A_193 = tpu.memref_slice %arg9[%add3A_186, %dma_wait3A_192] : memref<1536x4096xf32, #tpu.memory_space<hbm>> -> memref<8x4096xf32, #tpu.memory_space<hbm>>
          %dma_wait3A_194 = arith.constant 0 : i32
          %dma_wait3A_195 = tpu.memref_slice %arg9[%add3A_186, %dma_wait3A_194] : memref<1536x4096xf32, #tpu.memory_space<hbm>> -> memref<8x4096xf32, #tpu.memory_space<hbm>>
          tpu.wait_dma2 semaphore(%run_scoped3A : memref<!tpu.dma_semaphore, #tpu.memory_space<semaphore_mem>>) src(%arg20 : memref<8x4096xf32, #tpu.memory_space<vmem>>) dst(%dma_wait3A_195 : memref<8x4096xf32, #tpu.memory_space<hbm>>)
          tpu.yield
        }) : () -> ()
        %scan3A_187 = arith.constant 0 : i32
        scf.yield %scan3A_187 : i32
      }
      %scan3A_121 = arith.constant 6 : i32
      %dma_start3A_122 = arith.constant 0 : i32
      %dma_start3A_123 = tpu.memref_slice %arg18[%dma_start3A_122] : memref<96xi32, #tpu.memory_space<vmem>> -> memref<8xi32, #tpu.memory_space<vmem>>
      %dma_start3A_124 = arith.constant 0 : i32
      %dma_start3A_125 = arith.constant 0 : i32
      %dma_start3A_126 = tpu.memref_slice %arg3[%dma_start3A_124, %dma_start3A_125] : memref<3072x4096xf32, #tpu.memory_space<hbm>> -> memref<3072x4096xf32, #tpu.memory_space<hbm>>
      tpu.enqueue_indirect_dma source(%dma_start3A_126 : memref<3072x4096xf32, #tpu.memory_space<hbm>>) target(%arg19 : memref<8x4096xf32, #tpu.memory_space<vmem>>) offsets(%dma_start3A_123 : memref<8xi32, #tpu.memory_space<vmem>>) semaphore(%arg21 : memref<!tpu.dma_semaphore, #tpu.memory_space<semaphore_mem>>)
      %scan3A_127 = arith.constant 0 : i32
      %scan3A_128 = arith.constant 0 : i32
      %scan3A_129 = arith.constant 6 : i32
      %scan3A_130 = arith.addi %scan3A_128, %scan3A_129 : i32
      %scan3A_131 = arith.constant 1 : i32
      %scan3A_132 = scf.for %scan3A_146 = %scan3A_128 to %scan3A_130 step %scan3A_131 iter_args(%scan3A_147 = %scan3A_127) -> (i32)  : i32 {
        %mul3A_148 = arith.constant 2 : i32
        %mul3A_149 = arith.muli %scan3A_146, %mul3A_148 : i32
        %add3A_150 = arith.constant 0 : i32
        %add3A_151 = arith.addi %mul3A_149, %add3A_150 : i32
        %add3A_152 = arith.constant 1 : i32
        %add3A_153 = arith.addi %add3A_151, %add3A_152 : i32
        %lt3A_154 = arith.constant 12 : i32
        %lt3A_155 = arith.cmpi slt, %add3A_153, %lt3A_154 : i32
        %convert_element_type3A_156 = arith.extui %lt3A_155 : i1 to i32
        %cond3A_157 = arith.constant 0 : i32
        %cond3A_158 = arith.cmpi ne, %convert_element_type3A_156, %cond3A_157 : i32
        scf.if %cond3A_158 {
          %add3A_188 = arith.constant 1 : i32
          %add3A_189 = arith.addi %add3A_151, %add3A_188 : i32
          %mul3A_190 = arith.constant 8 : i32
          %mul3A_191 = arith.muli %add3A_189, %mul3A_190 : i32
          %dma_start3A_192 = tpu.memref_slice %arg18[%mul3A_191] : memref<96xi32, #tpu.memory_space<vmem>> -> memref<8xi32, #tpu.memory_space<vmem>>
          %dma_start3A_193 = arith.constant 0 : i32
          %dma_start3A_194 = arith.constant 0 : i32
          %dma_start3A_195 = tpu.memref_slice %arg3[%dma_start3A_193, %dma_start3A_194] : memref<3072x4096xf32, #tpu.memory_space<hbm>> -> memref<3072x4096xf32, #tpu.memory_space<hbm>>
          tpu.enqueue_indirect_dma source(%dma_start3A_195 : memref<3072x4096xf32, #tpu.memory_space<hbm>>) target(%arg20 : memref<8x4096xf32, #tpu.memory_space<vmem>>) offsets(%dma_start3A_192 : memref<8xi32, #tpu.memory_space<vmem>>) semaphore(%arg22 : memref<!tpu.dma_semaphore, #tpu.memory_space<semaphore_mem>>)
        } else {
        }
        %mul3A_159 = arith.constant 8 : i32
        %mul3A_160 = arith.muli %add3A_151, %mul3A_159 : i32
        %dma_wait3A = tpu.memref_slice %arg18[%mul3A_160] : memref<96xi32, #tpu.memory_space<vmem>> -> memref<8xi32, #tpu.memory_space<vmem>>
        %dma_wait3A_161 = arith.constant 0 : i32
        %dma_wait3A_162 = arith.constant 0 : i32
        %dma_wait3A_163 = tpu.memref_slice %arg3[%dma_wait3A_161, %dma_wait3A_162] : memref<3072x4096xf32, #tpu.memory_space<hbm>> -> memref<3072x4096xf32, #tpu.memory_space<hbm>>
        tpu.wait_indirect_dma semaphore(%arg21 : memref<!tpu.dma_semaphore, #tpu.memory_space<semaphore_mem>>) src(%dma_wait3A_163 : memref<3072x4096xf32, #tpu.memory_space<hbm>>) dst(%arg19 : memref<8x4096xf32, #tpu.memory_space<vmem>>)
        %mul3A_164 = arith.constant 8 : i32
        %mul3A_165 = arith.muli %add3A_151, %mul3A_164 : i32
        %add3A_166 = arith.addi %add3A_111, %mul3A_165 : i32
        "tpu.region"() ({
          %run_scoped3A = tpu.sem_alloc : memref<!tpu.dma_semaphore, #tpu.memory_space<semaphore_mem>>
          %dma_start3A_188 = arith.constant 0 : i32
          %dma_start3A_189 = tpu.memref_slice %arg13[%add3A_166, %dma_start3A_188] : memref<1536x4096xf32, #tpu.memory_space<hbm>> -> memref<8x4096xf32, #tpu.memory_space<hbm>>
          %dma_start3A_190 = arith.constant 0 : i32
          %dma_start3A_191 = tpu.memref_slice %arg13[%add3A_166, %dma_start3A_190] : memref<1536x4096xf32, #tpu.memory_space<hbm>> -> memref<8x4096xf32, #tpu.memory_space<hbm>>
          tpu.enqueue_dma source(%arg19 : memref<8x4096xf32, #tpu.memory_space<vmem>>) target(%dma_start3A_191 : memref<8x4096xf32, #tpu.memory_space<hbm>>) target_semaphore(%run_scoped3A : memref<!tpu.dma_semaphore, #tpu.memory_space<semaphore_mem>>)
          %dma_wait3A_192 = arith.constant 0 : i32
          %dma_wait3A_193 = tpu.memref_slice %arg13[%add3A_166, %dma_wait3A_192] : memref<1536x4096xf32, #tpu.memory_space<hbm>> -> memref<8x4096xf32, #tpu.memory_space<hbm>>
          %dma_wait3A_194 = arith.constant 0 : i32
          %dma_wait3A_195 = tpu.memref_slice %arg13[%add3A_166, %dma_wait3A_194] : memref<1536x4096xf32, #tpu.memory_space<hbm>> -> memref<8x4096xf32, #tpu.memory_space<hbm>>
          tpu.wait_dma2 semaphore(%run_scoped3A : memref<!tpu.dma_semaphore, #tpu.memory_space<semaphore_mem>>) src(%arg19 : memref<8x4096xf32, #tpu.memory_space<vmem>>) dst(%dma_wait3A_195 : memref<8x4096xf32, #tpu.memory_space<hbm>>)
          tpu.yield
        }) : () -> ()
        %mul3A_167 = arith.constant 2 : i32
        %mul3A_168 = arith.muli %scan3A_146, %mul3A_167 : i32
        %add3A_169 = arith.constant 1 : i32
        %add3A_170 = arith.addi %mul3A_168, %add3A_169 : i32
        %add3A_171 = arith.constant 1 : i32
        %add3A_172 = arith.addi %add3A_170, %add3A_171 : i32
        %lt3A_173 = arith.constant 12 : i32
        %lt3A_174 = arith.cmpi slt, %add3A_172, %lt3A_173 : i32
        %convert_element_type3A_175 = arith.extui %lt3A_174 : i1 to i32
        %cond3A_176 = arith.constant 0 : i32
        %cond3A_177 = arith.cmpi ne, %convert_element_type3A_175, %cond3A_176 : i32
        scf.if %cond3A_177 {
          %add3A_188 = arith.constant 1 : i32
          %add3A_189 = arith.addi %add3A_170, %add3A_188 : i32
          %mul3A_190 = arith.constant 8 : i32
          %mul3A_191 = arith.muli %add3A_189, %mul3A_190 : i32
          %dma_start3A_192 = tpu.memref_slice %arg18[%mul3A_191] : memref<96xi32, #tpu.memory_space<vmem>> -> memref<8xi32, #tpu.memory_space<vmem>>
          %dma_start3A_193 = arith.constant 0 : i32
          %dma_start3A_194 = arith.constant 0 : i32
          %dma_start3A_195 = tpu.memref_slice %arg3[%dma_start3A_193, %dma_start3A_194] : memref<3072x4096xf32, #tpu.memory_space<hbm>> -> memref<3072x4096xf32, #tpu.memory_space<hbm>>
          tpu.enqueue_indirect_dma source(%dma_start3A_195 : memref<3072x4096xf32, #tpu.memory_space<hbm>>) target(%arg19 : memref<8x4096xf32, #tpu.memory_space<vmem>>) offsets(%dma_start3A_192 : memref<8xi32, #tpu.memory_space<vmem>>) semaphore(%arg21 : memref<!tpu.dma_semaphore, #tpu.memory_space<semaphore_mem>>)
        } else {
        }
        %mul3A_178 = arith.constant 8 : i32
        %mul3A_179 = arith.muli %add3A_170, %mul3A_178 : i32
        %dma_wait3A_180 = tpu.memref_slice %arg18[%mul3A_179] : memref<96xi32, #tpu.memory_space<vmem>> -> memref<8xi32, #tpu.memory_space<vmem>>
        %dma_wait3A_181 = arith.constant 0 : i32
        %dma_wait3A_182 = arith.constant 0 : i32
        %dma_wait3A_183 = tpu.memref_slice %arg3[%dma_wait3A_181, %dma_wait3A_182] : memref<3072x4096xf32, #tpu.memory_space<hbm>> -> memref<3072x4096xf32, #tpu.memory_space<hbm>>
        tpu.wait_indirect_dma semaphore(%arg22 : memref<!tpu.dma_semaphore, #tpu.memory_space<semaphore_mem>>) src(%dma_wait3A_183 : memref<3072x4096xf32, #tpu.memory_space<hbm>>) dst(%arg20 : memref<8x4096xf32, #tpu.memory_space<vmem>>)
        %mul3A_184 = arith.constant 8 : i32
        %mul3A_185 = arith.muli %add3A_170, %mul3A_184 : i32
        %add3A_186 = arith.addi %add3A_111, %mul3A_185 : i32
        "tpu.region"() ({
          %run_scoped3A = tpu.sem_alloc : memref<!tpu.dma_semaphore, #tpu.memory_space<semaphore_mem>>
          %dma_start3A_188 = arith.constant 0 : i32
          %dma_start3A_189 = tpu.memref_slice %arg13[%add3A_186, %dma_start3A_188] : memref<1536x4096xf32, #tpu.memory_space<hbm>> -> memref<8x4096xf32, #tpu.memory_space<hbm>>
          %dma_start3A_190 = arith.constant 0 : i32
          %dma_start3A_191 = tpu.memref_slice %arg13[%add3A_186, %dma_start3A_190] : memref<1536x4096xf32, #tpu.memory_space<hbm>> -> memref<8x4096xf32, #tpu.memory_space<hbm>>
          tpu.enqueue_dma source(%arg20 : memref<8x4096xf32, #tpu.memory_space<vmem>>) target(%dma_start3A_191 : memref<8x4096xf32, #tpu.memory_space<hbm>>) target_semaphore(%run_scoped3A : memref<!tpu.dma_semaphore, #tpu.memory_space<semaphore_mem>>)
          %dma_wait3A_192 = arith.constant 0 : i32
          %dma_wait3A_193 = tpu.memref_slice %arg13[%add3A_186, %dma_wait3A_192] : memref<1536x4096xf32, #tpu.memory_space<hbm>> -> memref<8x4096xf32, #tpu.memory_space<hbm>>
          %dma_wait3A_194 = arith.constant 0 : i32
          %dma_wait3A_195 = tpu.memref_slice %arg13[%add3A_186, %dma_wait3A_194] : memref<1536x4096xf32, #tpu.memory_space<hbm>> -> memref<8x4096xf32, #tpu.memory_space<hbm>>
          tpu.wait_dma2 semaphore(%run_scoped3A : memref<!tpu.dma_semaphore, #tpu.memory_space<semaphore_mem>>) src(%arg20 : memref<8x4096xf32, #tpu.memory_space<vmem>>) dst(%dma_wait3A_195 : memref<8x4096xf32, #tpu.memory_space<hbm>>)
          tpu.yield
        }) : () -> ()
        %scan3A_187 = arith.constant 0 : i32
        scf.yield %scan3A_187 : i32
      }
      %scan3A_133 = arith.constant 6 : i32
      %dma_start3A_134 = arith.constant 0 : i32
      %dma_start3A_135 = tpu.memref_slice %arg18[%dma_start3A_134] : memref<96xi32, #tpu.memory_space<vmem>> -> memref<8xi32, #tpu.memory_space<vmem>>
      %dma_start3A_136 = arith.constant 0 : i32
      %dma_start3A_137 = arith.constant 0 : i32
      %dma_start3A_138 = tpu.memref_slice %arg4[%dma_start3A_136, %dma_start3A_137] : memref<3072x4096xf32, #tpu.memory_space<hbm>> -> memref<3072x4096xf32, #tpu.memory_space<hbm>>
      tpu.enqueue_indirect_dma source(%dma_start3A_138 : memref<3072x4096xf32, #tpu.memory_space<hbm>>) target(%arg19 : memref<8x4096xf32, #tpu.memory_space<vmem>>) offsets(%dma_start3A_135 : memref<8xi32, #tpu.memory_space<vmem>>) semaphore(%arg21 : memref<!tpu.dma_semaphore, #tpu.memory_space<semaphore_mem>>)
      %scan3A_139 = arith.constant 0 : i32
      %scan3A_140 = arith.constant 0 : i32
      %scan3A_141 = arith.constant 6 : i32
      %scan3A_142 = arith.addi %scan3A_140, %scan3A_141 : i32
      %scan3A_143 = arith.constant 1 : i32
      %scan3A_144 = scf.for %scan3A_146 = %scan3A_140 to %scan3A_142 step %scan3A_143 iter_args(%scan3A_147 = %scan3A_139) -> (i32)  : i32 {
        %mul3A_148 = arith.constant 2 : i32
        %mul3A_149 = arith.muli %scan3A_146, %mul3A_148 : i32
        %add3A_150 = arith.constant 0 : i32
        %add3A_151 = arith.addi %mul3A_149, %add3A_150 : i32
        %add3A_152 = arith.constant 1 : i32
        %add3A_153 = arith.addi %add3A_151, %add3A_152 : i32
        %lt3A_154 = arith.constant 12 : i32
        %lt3A_155 = arith.cmpi slt, %add3A_153, %lt3A_154 : i32
        %convert_element_type3A_156 = arith.extui %lt3A_155 : i1 to i32
        %cond3A_157 = arith.constant 0 : i32
        %cond3A_158 = arith.cmpi ne, %convert_element_type3A_156, %cond3A_157 : i32
        scf.if %cond3A_158 {
          %add3A_188 = arith.constant 1 : i32
          %add3A_189 = arith.addi %add3A_151, %add3A_188 : i32
          %mul3A_190 = arith.constant 8 : i32
          %mul3A_191 = arith.muli %add3A_189, %mul3A_190 : i32
          %dma_start3A_192 = tpu.memref_slice %arg18[%mul3A_191] : memref<96xi32, #tpu.memory_space<vmem>> -> memref<8xi32, #tpu.memory_space<vmem>>
          %dma_start3A_193 = arith.constant 0 : i32
          %dma_start3A_194 = arith.constant 0 : i32
          %dma_start3A_195 = tpu.memref_slice %arg4[%dma_start3A_193, %dma_start3A_194] : memref<3072x4096xf32, #tpu.memory_space<hbm>> -> memref<3072x4096xf32, #tpu.memory_space<hbm>>
          tpu.enqueue_indirect_dma source(%dma_start3A_195 : memref<3072x4096xf32, #tpu.memory_space<hbm>>) target(%arg20 : memref<8x4096xf32, #tpu.memory_space<vmem>>) offsets(%dma_start3A_192 : memref<8xi32, #tpu.memory_space<vmem>>) semaphore(%arg22 : memref<!tpu.dma_semaphore, #tpu.memory_space<semaphore_mem>>)
        } else {
        }
        %mul3A_159 = arith.constant 8 : i32
        %mul3A_160 = arith.muli %add3A_151, %mul3A_159 : i32
        %dma_wait3A = tpu.memref_slice %arg18[%mul3A_160] : memref<96xi32, #tpu.memory_space<vmem>> -> memref<8xi32, #tpu.memory_space<vmem>>
        %dma_wait3A_161 = arith.constant 0 : i32
        %dma_wait3A_162 = arith.constant 0 : i32
        %dma_wait3A_163 = tpu.memref_slice %arg4[%dma_wait3A_161, %dma_wait3A_162] : memref<3072x4096xf32, #tpu.memory_space<hbm>> -> memref<3072x4096xf32, #tpu.memory_space<hbm>>
        tpu.wait_indirect_dma semaphore(%arg21 : memref<!tpu.dma_semaphore, #tpu.memory_space<semaphore_mem>>) src(%dma_wait3A_163 : memref<3072x4096xf32, #tpu.memory_space<hbm>>) dst(%arg19 : memref<8x4096xf32, #tpu.memory_space<vmem>>)
        %mul3A_164 = arith.constant 8 : i32
        %mul3A_165 = arith.muli %add3A_151, %mul3A_164 : i32
        %add3A_166 = arith.addi %add3A_111, %mul3A_165 : i32
        "tpu.region"() ({
          %run_scoped3A = tpu.sem_alloc : memref<!tpu.dma_semaphore, #tpu.memory_space<semaphore_mem>>
          %dma_start3A_188 = arith.constant 0 : i32
          %dma_start3A_189 = tpu.memref_slice %arg17[%add3A_166, %dma_start3A_188] : memref<1536x4096xf32, #tpu.memory_space<hbm>> -> memref<8x4096xf32, #tpu.memory_space<hbm>>
          %dma_start3A_190 = arith.constant 0 : i32
          %dma_start3A_191 = tpu.memref_slice %arg17[%add3A_166, %dma_start3A_190] : memref<1536x4096xf32, #tpu.memory_space<hbm>> -> memref<8x4096xf32, #tpu.memory_space<hbm>>
          tpu.enqueue_dma source(%arg19 : memref<8x4096xf32, #tpu.memory_space<vmem>>) target(%dma_start3A_191 : memref<8x4096xf32, #tpu.memory_space<hbm>>) target_semaphore(%run_scoped3A : memref<!tpu.dma_semaphore, #tpu.memory_space<semaphore_mem>>)
          %dma_wait3A_192 = arith.constant 0 : i32
          %dma_wait3A_193 = tpu.memref_slice %arg17[%add3A_166, %dma_wait3A_192] : memref<1536x4096xf32, #tpu.memory_space<hbm>> -> memref<8x4096xf32, #tpu.memory_space<hbm>>
          %dma_wait3A_194 = arith.constant 0 : i32
          %dma_wait3A_195 = tpu.memref_slice %arg17[%add3A_166, %dma_wait3A_194] : memref<1536x4096xf32, #tpu.memory_space<hbm>> -> memref<8x4096xf32, #tpu.memory_space<hbm>>
          tpu.wait_dma2 semaphore(%run_scoped3A : memref<!tpu.dma_semaphore, #tpu.memory_space<semaphore_mem>>) src(%arg19 : memref<8x4096xf32, #tpu.memory_space<vmem>>) dst(%dma_wait3A_195 : memref<8x4096xf32, #tpu.memory_space<hbm>>)
          tpu.yield
        }) : () -> ()
        %mul3A_167 = arith.constant 2 : i32
        %mul3A_168 = arith.muli %scan3A_146, %mul3A_167 : i32
        %add3A_169 = arith.constant 1 : i32
        %add3A_170 = arith.addi %mul3A_168, %add3A_169 : i32
        %add3A_171 = arith.constant 1 : i32
        %add3A_172 = arith.addi %add3A_170, %add3A_171 : i32
        %lt3A_173 = arith.constant 12 : i32
        %lt3A_174 = arith.cmpi slt, %add3A_172, %lt3A_173 : i32
        %convert_element_type3A_175 = arith.extui %lt3A_174 : i1 to i32
        %cond3A_176 = arith.constant 0 : i32
        %cond3A_177 = arith.cmpi ne, %convert_element_type3A_175, %cond3A_176 : i32
        scf.if %cond3A_177 {
          %add3A_188 = arith.constant 1 : i32
          %add3A_189 = arith.addi %add3A_170, %add3A_188 : i32
          %mul3A_190 = arith.constant 8 : i32
          %mul3A_191 = arith.muli %add3A_189, %mul3A_190 : i32
          %dma_start3A_192 = tpu.memref_slice %arg18[%mul3A_191] : memref<96xi32, #tpu.memory_space<vmem>> -> memref<8xi32, #tpu.memory_space<vmem>>
          %dma_start3A_193 = arith.constant 0 : i32
          %dma_start3A_194 = arith.constant 0 : i32
          %dma_start3A_195 = tpu.memref_slice %arg4[%dma_start3A_193, %dma_start3A_194] : memref<3072x4096xf32, #tpu.memory_space<hbm>> -> memref<3072x4096xf32, #tpu.memory_space<hbm>>
          tpu.enqueue_indirect_dma source(%dma_start3A_195 : memref<3072x4096xf32, #tpu.memory_space<hbm>>) target(%arg19 : memref<8x4096xf32, #tpu.memory_space<vmem>>) offsets(%dma_start3A_192 : memref<8xi32, #tpu.memory_space<vmem>>) semaphore(%arg21 : memref<!tpu.dma_semaphore, #tpu.memory_space<semaphore_mem>>)
        } else {
        }
        %mul3A_178 = arith.constant 8 : i32
        %mul3A_179 = arith.muli %add3A_170, %mul3A_178 : i32
        %dma_wait3A_180 = tpu.memref_slice %arg18[%mul3A_179] : memref<96xi32, #tpu.memory_space<vmem>> -> memref<8xi32, #tpu.memory_space<vmem>>
        %dma_wait3A_181 = arith.constant 0 : i32
        %dma_wait3A_182 = arith.constant 0 : i32
        %dma_wait3A_183 = tpu.memref_slice %arg4[%dma_wait3A_181, %dma_wait3A_182] : memref<3072x4096xf32, #tpu.memory_space<hbm>> -> memref<3072x4096xf32, #tpu.memory_space<hbm>>
        tpu.wait_indirect_dma semaphore(%arg22 : memref<!tpu.dma_semaphore, #tpu.memory_space<semaphore_mem>>) src(%dma_wait3A_183 : memref<3072x4096xf32, #tpu.memory_space<hbm>>) dst(%arg20 : memref<8x4096xf32, #tpu.memory_space<vmem>>)
        %mul3A_184 = arith.constant 8 : i32
        %mul3A_185 = arith.muli %add3A_170, %mul3A_184 : i32
        %add3A_186 = arith.addi %add3A_111, %mul3A_185 : i32
        "tpu.region"() ({
          %run_scoped3A = tpu.sem_alloc : memref<!tpu.dma_semaphore, #tpu.memory_space<semaphore_mem>>
          %dma_start3A_188 = arith.constant 0 : i32
          %dma_start3A_189 = tpu.memref_slice %arg17[%add3A_186, %dma_start3A_188] : memref<1536x4096xf32, #tpu.memory_space<hbm>> -> memref<8x4096xf32, #tpu.memory_space<hbm>>
          %dma_start3A_190 = arith.constant 0 : i32
          %dma_start3A_191 = tpu.memref_slice %arg17[%add3A_186, %dma_start3A_190] : memref<1536x4096xf32, #tpu.memory_space<hbm>> -> memref<8x4096xf32, #tpu.memory_space<hbm>>
          tpu.enqueue_dma source(%arg20 : memref<8x4096xf32, #tpu.memory_space<vmem>>) target(%dma_start3A_191 : memref<8x4096xf32, #tpu.memory_space<hbm>>) target_semaphore(%run_scoped3A : memref<!tpu.dma_semaphore, #tpu.memory_space<semaphore_mem>>)
          %dma_wait3A_192 = arith.constant 0 : i32
          %dma_wait3A_193 = tpu.memref_slice %arg17[%add3A_186, %dma_wait3A_192] : memref<1536x4096xf32, #tpu.memory_space<hbm>> -> memref<8x4096xf32, #tpu.memory_space<hbm>>
          %dma_wait3A_194 = arith.constant 0 : i32
          %dma_wait3A_195 = tpu.memref_slice %arg17[%add3A_186, %dma_wait3A_194] : memref<1536x4096xf32, #tpu.memory_space<hbm>> -> memref<8x4096xf32, #tpu.memory_space<hbm>>
          tpu.wait_dma2 semaphore(%run_scoped3A : memref<!tpu.dma_semaphore, #tpu.memory_space<semaphore_mem>>) src(%arg20 : memref<8x4096xf32, #tpu.memory_space<vmem>>) dst(%dma_wait3A_195 : memref<8x4096xf32, #tpu.memory_space<hbm>>)
          tpu.yield
        }) : () -> ()
        %scan3A_187 = arith.constant 0 : i32
        scf.yield %scan3A_187 : i32
      }
      %scan3A_145 = arith.constant 6 : i32
    } else {
    }
    return
  }
}

module attributes {stable_mosaic.version = 14 : i64} {
  func.func @_rank_body(%arg0: i32, %arg1: memref<1x768xf32, #tpu.memory_space<vmem>>, %arg2: memref<1x1x128xf32, #tpu.memory_space<vmem>>, %arg3: memref<1x1x128xi32, #tpu.memory_space<vmem>>) attributes {dimension_semantics = [#tpu.dimension_semantics<arbitrary>], iteration_bounds = array<i64: 6>, scalar_prefetch = 0 : i64, scratch_operands = 0 : i64, tpu.core_type = #tpu.core_type<tc>, window_params = [{pipeline_mode = #tpu.pipeline_mode<synchronous>, transform_indices = @transform_0, window_bounds = array<i64: 1, 768>}, {transform_indices = @transform_1, window_bounds = array<i64: 1, 1, 128>}, {transform_indices = @transform_2, window_bounds = array<i64: 1, 1, 128>}]} {
    %get3A = arith.constant 0 : index
    %get3A_0 = arith.constant 0 : index
    %get3A_1 = vector.load %arg1[%get3A, %get3A_0] : memref<1x768xf32, #tpu.memory_space<vmem>>, vector<1x768xf32>
    %get3A_2 = vector.shape_cast %get3A_1 : vector<1x768xf32> to vector<768xf32>
    %get3A_3 = arith.constant 0 : index
    %get3A_4 = arith.constant 0 : index
    %get3A_5 = arith.constant 0 : index
    %get3A_6 = vector.load %arg2[%get3A_3, %get3A_4, %get3A_5] : memref<1x1x128xf32, #tpu.memory_space<vmem>>, vector<1x1x128xf32>
    %get3A_7 = vector.shape_cast %get3A_6 : vector<1x1x128xf32> to vector<128xf32>
    %mul3A = arith.constant 128 : i32
    %mul3A_8 = arith.muli %arg0, %mul3A : i32
    %iota3A = tpu.iota {dimensions = array<i32: 0>} : vector<128x768xi32>
    %add3A = vector.broadcast %mul3A_8 : i32 to vector<128x768xi32>
    %add3A_9 = arith.addi %add3A, %iota3A : vector<128x768xi32>
    %iota3A_10 = tpu.iota {dimensions = array<i32: 1>} : vector<128x768xi32>
    %broadcast_in_dim3A = vector.shape_cast %get3A_2 : vector<768xf32> to vector<1x768xf32>
    %broadcast_in_dim3A_11 = vector.shape_cast %get3A_7 : vector<128xf32> to vector<128x1xf32>
    %gt3A = vector.broadcast %broadcast_in_dim3A : vector<1x768xf32> to vector<128x768xf32>
    %gt3A_12 = vector.broadcast %broadcast_in_dim3A_11 : vector<128x1xf32> to vector<128x768xf32>
    %gt3A_13 = arith.cmpf ogt, %gt3A, %gt3A_12 : vector<128x768xf32>
    %broadcast_in_dim3A_14 = vector.shape_cast %get3A_2 : vector<768xf32> to vector<1x768xf32>
    %broadcast_in_dim3A_15 = vector.shape_cast %get3A_7 : vector<128xf32> to vector<128x1xf32>
    %eq3A = vector.broadcast %broadcast_in_dim3A_14 : vector<1x768xf32> to vector<128x768xf32>
    %eq3A_16 = vector.broadcast %broadcast_in_dim3A_15 : vector<128x1xf32> to vector<128x768xf32>
    %eq3A_17 = arith.cmpf oeq, %eq3A, %eq3A_16 : vector<128x768xf32>
    %lt3A = arith.cmpi slt, %iota3A_10, %add3A_9 : vector<128x768xi32>
    %and3A = arith.andi %eq3A_17, %lt3A : vector<128x768xi1>
    %or3A = arith.ori %gt3A_13, %and3A : vector<128x768xi1>
    %convert_element_type3A = arith.extui %or3A : vector<128x768xi1> to vector<128x768xi32>
    %reduce_sum3A = arith.constant dense<0> : vector<128xi32>
    %reduce_sum3A_18 = vector.multi_reduction <add>, %convert_element_type3A, %reduce_sum3A [1] : vector<128x768xi32> to vector<128xi32>
    %swap3A = arith.constant 0 : index
    %swap3A_19 = arith.constant 0 : index
    %swap3A_20 = arith.constant 0 : index
    %swap3A_21 = vector.load %arg3[%swap3A, %swap3A_19, %swap3A_20] : memref<1x1x128xi32, #tpu.memory_space<vmem>>, vector<1x1x128xi32>
    %swap3A_22 = vector.shape_cast %swap3A_21 : vector<1x1x128xi32> to vector<128xi32>
    %swap3A_23 = vector.shape_cast %reduce_sum3A_18 : vector<128xi32> to vector<1x1x128xi32>
    tpu.vector_store %arg3[%swap3A, %swap3A_19, %swap3A_20], %swap3A_23 {strides = array<i32>} : memref<1x1x128xi32, #tpu.memory_space<vmem>>, vector<1x1x128xi32>,
    return
  }
  func.func @transform_0(%arg0: i32) -> (i32, i32) {
    %c0_i32 = arith.constant 0 : i32
    %c0_i32_0 = arith.constant 0 : i32
    %c0_i32_1 = arith.constant 0 : i32
    return %c0_i32, %c0_i32_0 : i32, i32
  }
  func.func @transform_1(%arg0: i32) -> (i32, i32, i32) {
    %c0_i32 = arith.constant 0 : i32
    %c0_i32_0 = arith.constant 0 : i32
    %c0_i32_1 = arith.constant 0 : i32
    return %arg0, %c0_i32, %c0_i32_0 : i32, i32, i32
  }
  func.func @transform_2(%arg0: i32) -> (i32, i32, i32) {
    %c0_i32 = arith.constant 0 : i32
    %c0_i32_0 = arith.constant 0 : i32
    %c0_i32_1 = arith.constant 0 : i32
    return %arg0, %c0_i32, %c0_i32_0 : i32, i32, i32
  }
}

module attributes {stable_mosaic.version = 14 : i64} {
  func.func @_center_body(%arg0: i32, %arg1: memref<4x128x4096xf32, #tpu.memory_space<vmem>>, %arg2: memref<128x4096xf32, #tpu.memory_space<vmem>>) attributes {dimension_semantics = [#tpu.dimension_semantics<arbitrary>], iteration_bounds = array<i64: 6>, scalar_prefetch = 0 : i64, scratch_operands = 0 : i64, tpu.core_type = #tpu.core_type<tc>, window_params = [{transform_indices = @transform_0, window_bounds = array<i64: 4, 128, 4096>}, {transform_indices = @transform_1, window_bounds = array<i64: 128, 4096>}]} {
    %get3A = arith.constant 0 : index
    %get3A_0 = arith.constant 0 : index
    %get3A_1 = arith.constant 0 : index
    %get3A_2 = vector.load %arg1[%get3A, %get3A_0, %get3A_1] : memref<4x128x4096xf32, #tpu.memory_space<vmem>>, vector<4x128x4096xf32>
    %slice3A = vector.extract_strided_slice %get3A_2 {offsets = [0, 0, 0], sizes = [1, 128, 4096], strides = [1, 1, 1]} : vector<4x128x4096xf32> to vector<1x128x4096xf32>
    %squeeze3A = vector.shape_cast %slice3A : vector<1x128x4096xf32> to vector<128x4096xf32>
    %slice3A_3 = vector.extract_strided_slice %get3A_2 {offsets = [1, 0, 0], sizes = [1, 128, 4096], strides = [1, 1, 1]} : vector<4x128x4096xf32> to vector<1x128x4096xf32>
    %squeeze3A_4 = vector.shape_cast %slice3A_3 : vector<1x128x4096xf32> to vector<128x4096xf32>
    %add3A = arith.addf %squeeze3A, %squeeze3A_4 : vector<128x4096xf32>
    %slice3A_5 = vector.extract_strided_slice %get3A_2 {offsets = [2, 0, 0], sizes = [1, 128, 4096], strides = [1, 1, 1]} : vector<4x128x4096xf32> to vector<1x128x4096xf32>
    %squeeze3A_6 = vector.shape_cast %slice3A_5 : vector<1x128x4096xf32> to vector<128x4096xf32>
    %add3A_7 = arith.addf %add3A, %squeeze3A_6 : vector<128x4096xf32>
    %slice3A_8 = vector.extract_strided_slice %get3A_2 {offsets = [3, 0, 0], sizes = [1, 128, 4096], strides = [1, 1, 1]} : vector<4x128x4096xf32> to vector<1x128x4096xf32>
    %squeeze3A_9 = vector.shape_cast %slice3A_8 : vector<1x128x4096xf32> to vector<128x4096xf32>
    %add3A_10 = arith.addf %add3A_7, %squeeze3A_9 : vector<128x4096xf32>
    %mul3A = arith.constant 2.500000e-01 : f32
    %mul3A_11 = vector.broadcast %mul3A : f32 to vector<128x4096xf32>
    %mul3A_12 = arith.mulf %add3A_10, %mul3A_11 : vector<128x4096xf32>
    %slice3A_13 = vector.extract_strided_slice %mul3A_12 {offsets = [0, 0], sizes = [128, 128], strides = [1, 1]} : vector<128x4096xf32> to vector<128x128xf32>
    %slice3A_14 = vector.extract_strided_slice %mul3A_12 {offsets = [0, 128], sizes = [128, 128], strides = [1, 1]} : vector<128x4096xf32> to vector<128x128xf32>
    %add3A_15 = arith.addf %slice3A_13, %slice3A_14 : vector<128x128xf32>
    %slice3A_16 = vector.extract_strided_slice %mul3A_12 {offsets = [0, 256], sizes = [128, 128], strides = [1, 1]} : vector<128x4096xf32> to vector<128x128xf32>
    %add3A_17 = arith.addf %add3A_15, %slice3A_16 : vector<128x128xf32>
    %slice3A_18 = vector.extract_strided_slice %mul3A_12 {offsets = [0, 384], sizes = [128, 128], strides = [1, 1]} : vector<128x4096xf32> to vector<128x128xf32>
    %add3A_19 = arith.addf %add3A_17, %slice3A_18 : vector<128x128xf32>
    %slice3A_20 = vector.extract_strided_slice %mul3A_12 {offsets = [0, 512], sizes = [128, 128], strides = [1, 1]} : vector<128x4096xf32> to vector<128x128xf32>
    %add3A_21 = arith.addf %add3A_19, %slice3A_20 : vector<128x128xf32>
    %slice3A_22 = vector.extract_strided_slice %mul3A_12 {offsets = [0, 640], sizes = [128, 128], strides = [1, 1]} : vector<128x4096xf32> to vector<128x128xf32>
    %add3A_23 = arith.addf %add3A_21, %slice3A_22 : vector<128x128xf32>
    %slice3A_24 = vector.extract_strided_slice %mul3A_12 {offsets = [0, 768], sizes = [128, 128], strides = [1, 1]} : vector<128x4096xf32> to vector<128x128xf32>
    %add3A_25 = arith.addf %add3A_23, %slice3A_24 : vector<128x128xf32>
    %slice3A_26 = vector.extract_strided_slice %mul3A_12 {offsets = [0, 896], sizes = [128, 128], strides = [1, 1]} : vector<128x4096xf32> to vector<128x128xf32>
    %add3A_27 = arith.addf %add3A_25, %slice3A_26 : vector<128x128xf32>
    %slice3A_28 = vector.extract_strided_slice %mul3A_12 {offsets = [0, 1024], sizes = [128, 128], strides = [1, 1]} : vector<128x4096xf32> to vector<128x128xf32>
    %add3A_29 = arith.addf %add3A_27, %slice3A_28 : vector<128x128xf32>
    %slice3A_30 = vector.extract_strided_slice %mul3A_12 {offsets = [0, 1152], sizes = [128, 128], strides = [1, 1]} : vector<128x4096xf32> to vector<128x128xf32>
    %add3A_31 = arith.addf %add3A_29, %slice3A_30 : vector<128x128xf32>
    %slice3A_32 = vector.extract_strided_slice %mul3A_12 {offsets = [0, 1280], sizes = [128, 128], strides = [1, 1]} : vector<128x4096xf32> to vector<128x128xf32>
    %add3A_33 = arith.addf %add3A_31, %slice3A_32 : vector<128x128xf32>
    %slice3A_34 = vector.extract_strided_slice %mul3A_12 {offsets = [0, 1408], sizes = [128, 128], strides = [1, 1]} : vector<128x4096xf32> to vector<128x128xf32>
    %add3A_35 = arith.addf %add3A_33, %slice3A_34 : vector<128x128xf32>
    %slice3A_36 = vector.extract_strided_slice %mul3A_12 {offsets = [0, 1536], sizes = [128, 128], strides = [1, 1]} : vector<128x4096xf32> to vector<128x128xf32>
    %add3A_37 = arith.addf %add3A_35, %slice3A_36 : vector<128x128xf32>
    %slice3A_38 = vector.extract_strided_slice %mul3A_12 {offsets = [0, 1664], sizes = [128, 128], strides = [1, 1]} : vector<128x4096xf32> to vector<128x128xf32>
    %add3A_39 = arith.addf %add3A_37, %slice3A_38 : vector<128x128xf32>
    %slice3A_40 = vector.extract_strided_slice %mul3A_12 {offsets = [0, 1792], sizes = [128, 128], strides = [1, 1]} : vector<128x4096xf32> to vector<128x128xf32>
    %add3A_41 = arith.addf %add3A_39, %slice3A_40 : vector<128x128xf32>
    %slice3A_42 = vector.extract_strided_slice %mul3A_12 {offsets = [0, 1920], sizes = [128, 128], strides = [1, 1]} : vector<128x4096xf32> to vector<128x128xf32>
    %add3A_43 = arith.addf %add3A_41, %slice3A_42 : vector<128x128xf32>
    %slice3A_44 = vector.extract_strided_slice %mul3A_12 {offsets = [0, 2048], sizes = [128, 128], strides = [1, 1]} : vector<128x4096xf32> to vector<128x128xf32>
    %add3A_45 = arith.addf %add3A_43, %slice3A_44 : vector<128x128xf32>
    %slice3A_46 = vector.extract_strided_slice %mul3A_12 {offsets = [0, 2176], sizes = [128, 128], strides = [1, 1]} : vector<128x4096xf32> to vector<128x128xf32>
    %add3A_47 = arith.addf %add3A_45, %slice3A_46 : vector<128x128xf32>
    %slice3A_48 = vector.extract_strided_slice %mul3A_12 {offsets = [0, 2304], sizes = [128, 128], strides = [1, 1]} : vector<128x4096xf32> to vector<128x128xf32>
    %add3A_49 = arith.addf %add3A_47, %slice3A_48 : vector<128x128xf32>
    %slice3A_50 = vector.extract_strided_slice %mul3A_12 {offsets = [0, 2432], sizes = [128, 128], strides = [1, 1]} : vector<128x4096xf32> to vector<128x128xf32>
    %add3A_51 = arith.addf %add3A_49, %slice3A_50 : vector<128x128xf32>
    %slice3A_52 = vector.extract_strided_slice %mul3A_12 {offsets = [0, 2560], sizes = [128, 128], strides = [1, 1]} : vector<128x4096xf32> to vector<128x128xf32>
    %add3A_53 = arith.addf %add3A_51, %slice3A_52 : vector<128x128xf32>
    %slice3A_54 = vector.extract_strided_slice %mul3A_12 {offsets = [0, 2688], sizes = [128, 128], strides = [1, 1]} : vector<128x4096xf32> to vector<128x128xf32>
    %add3A_55 = arith.addf %add3A_53, %slice3A_54 : vector<128x128xf32>
    %slice3A_56 = vector.extract_strided_slice %mul3A_12 {offsets = [0, 2816], sizes = [128, 128], strides = [1, 1]} : vector<128x4096xf32> to vector<128x128xf32>
    %add3A_57 = arith.addf %add3A_55, %slice3A_56 : vector<128x128xf32>
    %slice3A_58 = vector.extract_strided_slice %mul3A_12 {offsets = [0, 2944], sizes = [128, 128], strides = [1, 1]} : vector<128x4096xf32> to vector<128x128xf32>
    %add3A_59 = arith.addf %add3A_57, %slice3A_58 : vector<128x128xf32>
    %slice3A_60 = vector.extract_strided_slice %mul3A_12 {offsets = [0, 3072], sizes = [128, 128], strides = [1, 1]} : vector<128x4096xf32> to vector<128x128xf32>
    %add3A_61 = arith.addf %add3A_59, %slice3A_60 : vector<128x128xf32>
    %slice3A_62 = vector.extract_strided_slice %mul3A_12 {offsets = [0, 3200], sizes = [128, 128], strides = [1, 1]} : vector<128x4096xf32> to vector<128x128xf32>
    %add3A_63 = arith.addf %add3A_61, %slice3A_62 : vector<128x128xf32>
    %slice3A_64 = vector.extract_strided_slice %mul3A_12 {offsets = [0, 3328], sizes = [128, 128], strides = [1, 1]} : vector<128x4096xf32> to vector<128x128xf32>
    %add3A_65 = arith.addf %add3A_63, %slice3A_64 : vector<128x128xf32>
    %slice3A_66 = vector.extract_strided_slice %mul3A_12 {offsets = [0, 3456], sizes = [128, 128], strides = [1, 1]} : vector<128x4096xf32> to vector<128x128xf32>
    %add3A_67 = arith.addf %add3A_65, %slice3A_66 : vector<128x128xf32>
    %slice3A_68 = vector.extract_strided_slice %mul3A_12 {offsets = [0, 3584], sizes = [128, 128], strides = [1, 1]} : vector<128x4096xf32> to vector<128x128xf32>
    %add3A_69 = arith.addf %add3A_67, %slice3A_68 : vector<128x128xf32>
    %slice3A_70 = vector.extract_strided_slice %mul3A_12 {offsets = [0, 3712], sizes = [128, 128], strides = [1, 1]} : vector<128x4096xf32> to vector<128x128xf32>
    %add3A_71 = arith.addf %add3A_69, %slice3A_70 : vector<128x128xf32>
    %slice3A_72 = vector.extract_strided_slice %mul3A_12 {offsets = [0, 3840], sizes = [128, 128], strides = [1, 1]} : vector<128x4096xf32> to vector<128x128xf32>
    %add3A_73 = arith.addf %add3A_71, %slice3A_72 : vector<128x128xf32>
    %slice3A_74 = vector.extract_strided_slice %mul3A_12 {offsets = [0, 3968], sizes = [128, 128], strides = [1, 1]} : vector<128x4096xf32> to vector<128x128xf32>
    %add3A_75 = arith.addf %add3A_73, %slice3A_74 : vector<128x128xf32>
    %slice3A_76 = vector.extract_strided_slice %add3A_75 {offsets = [0, 0], sizes = [128, 8], strides = [1, 1]} : vector<128x128xf32> to vector<128x8xf32>
    %slice3A_77 = vector.extract_strided_slice %add3A_75 {offsets = [0, 8], sizes = [128, 8], strides = [1, 1]} : vector<128x128xf32> to vector<128x8xf32>
    %add3A_78 = arith.addf %slice3A_76, %slice3A_77 : vector<128x8xf32>
    %slice3A_79 = vector.extract_strided_slice %add3A_75 {offsets = [0, 16], sizes = [128, 8], strides = [1, 1]} : vector<128x128xf32> to vector<128x8xf32>
    %add3A_80 = arith.addf %add3A_78, %slice3A_79 : vector<128x8xf32>
    %slice3A_81 = vector.extract_strided_slice %add3A_75 {offsets = [0, 24], sizes = [128, 8], strides = [1, 1]} : vector<128x128xf32> to vector<128x8xf32>
    %add3A_82 = arith.addf %add3A_80, %slice3A_81 : vector<128x8xf32>
    %slice3A_83 = vector.extract_strided_slice %add3A_75 {offsets = [0, 32], sizes = [128, 8], strides = [1, 1]} : vector<128x128xf32> to vector<128x8xf32>
    %add3A_84 = arith.addf %add3A_82, %slice3A_83 : vector<128x8xf32>
    %slice3A_85 = vector.extract_strided_slice %add3A_75 {offsets = [0, 40], sizes = [128, 8], strides = [1, 1]} : vector<128x128xf32> to vector<128x8xf32>
    %add3A_86 = arith.addf %add3A_84, %slice3A_85 : vector<128x8xf32>
    %slice3A_87 = vector.extract_strided_slice %add3A_75 {offsets = [0, 48], sizes = [128, 8], strides = [1, 1]} : vector<128x128xf32> to vector<128x8xf32>
    %add3A_88 = arith.addf %add3A_86, %slice3A_87 : vector<128x8xf32>
    %slice3A_89 = vector.extract_strided_slice %add3A_75 {offsets = [0, 56], sizes = [128, 8], strides = [1, 1]} : vector<128x128xf32> to vector<128x8xf32>
    %add3A_90 = arith.addf %add3A_88, %slice3A_89 : vector<128x8xf32>
    %slice3A_91 = vector.extract_strided_slice %add3A_75 {offsets = [0, 64], sizes = [128, 8], strides = [1, 1]} : vector<128x128xf32> to vector<128x8xf32>
    %add3A_92 = arith.addf %add3A_90, %slice3A_91 : vector<128x8xf32>
    %slice3A_93 = vector.extract_strided_slice %add3A_75 {offsets = [0, 72], sizes = [128, 8], strides = [1, 1]} : vector<128x128xf32> to vector<128x8xf32>
    %add3A_94 = arith.addf %add3A_92, %slice3A_93 : vector<128x8xf32>
    %slice3A_95 = vector.extract_strided_slice %add3A_75 {offsets = [0, 80], sizes = [128, 8], strides = [1, 1]} : vector<128x128xf32> to vector<128x8xf32>
    %add3A_96 = arith.addf %add3A_94, %slice3A_95 : vector<128x8xf32>
    %slice3A_97 = vector.extract_strided_slice %add3A_75 {offsets = [0, 88], sizes = [128, 8], strides = [1, 1]} : vector<128x128xf32> to vector<128x8xf32>
    %add3A_98 = arith.addf %add3A_96, %slice3A_97 : vector<128x8xf32>
    %slice3A_99 = vector.extract_strided_slice %add3A_75 {offsets = [0, 96], sizes = [128, 8], strides = [1, 1]} : vector<128x128xf32> to vector<128x8xf32>
    %add3A_100 = arith.addf %add3A_98, %slice3A_99 : vector<128x8xf32>
    %slice3A_101 = vector.extract_strided_slice %add3A_75 {offsets = [0, 104], sizes = [128, 8], strides = [1, 1]} : vector<128x128xf32> to vector<128x8xf32>
    %add3A_102 = arith.addf %add3A_100, %slice3A_101 : vector<128x8xf32>
    %slice3A_103 = vector.extract_strided_slice %add3A_75 {offsets = [0, 112], sizes = [128, 8], strides = [1, 1]} : vector<128x128xf32> to vector<128x8xf32>
    %add3A_104 = arith.addf %add3A_102, %slice3A_103 : vector<128x8xf32>
    %slice3A_105 = vector.extract_strided_slice %add3A_75 {offsets = [0, 120], sizes = [128, 8], strides = [1, 1]} : vector<128x128xf32> to vector<128x8xf32>
    %add3A_106 = arith.addf %add3A_104, %slice3A_105 : vector<128x8xf32>
    %slice3A_107 = vector.extract_strided_slice %add3A_106 {offsets = [0, 0], sizes = [128, 4], strides = [1, 1]} : vector<128x8xf32> to vector<128x4xf32>
    %slice3A_108 = vector.extract_strided_slice %add3A_106 {offsets = [0, 4], sizes = [128, 4], strides = [1, 1]} : vector<128x8xf32> to vector<128x4xf32>
    %add3A_109 = arith.addf %slice3A_107, %slice3A_108 : vector<128x4xf32>
    %slice3A_110 = vector.extract_strided_slice %add3A_109 {offsets = [0, 0], sizes = [128, 2], strides = [1, 1]} : vector<128x4xf32> to vector<128x2xf32>
    %slice3A_111 = vector.extract_strided_slice %add3A_109 {offsets = [0, 2], sizes = [128, 2], strides = [1, 1]} : vector<128x4xf32> to vector<128x2xf32>
    %add3A_112 = arith.addf %slice3A_110, %slice3A_111 : vector<128x2xf32>
    %slice3A_113 = vector.extract_strided_slice %add3A_112 {offsets = [0, 0], sizes = [128, 1], strides = [1, 1]} : vector<128x2xf32> to vector<128x1xf32>
    %slice3A_114 = vector.extract_strided_slice %add3A_112 {offsets = [0, 1], sizes = [128, 1], strides = [1, 1]} : vector<128x2xf32> to vector<128x1xf32>
    %add3A_115 = arith.addf %slice3A_113, %slice3A_114 : vector<128x1xf32>
    %div3A = arith.constant 4.096000e+03 : f32
    %div3A_116 = vector.broadcast %div3A : f32 to vector<128x1xf32>
    %div3A_117 = arith.divf %add3A_115, %div3A_116 : vector<128x1xf32>
    %sub3A = vector.broadcast %div3A_117 : vector<128x1xf32> to vector<128x4096xf32>
    %sub3A_118 = arith.subf %mul3A_12, %sub3A : vector<128x4096xf32>
    %swap3A = arith.constant 0 : index
    %swap3A_119 = arith.constant 0 : index
    %swap3A_120 = vector.load %arg2[%swap3A, %swap3A_119] : memref<128x4096xf32, #tpu.memory_space<vmem>>, vector<128x4096xf32>
    tpu.vector_store %arg2[%swap3A, %swap3A_119], %sub3A_118 {strides = array<i32>} : memref<128x4096xf32, #tpu.memory_space<vmem>>, vector<128x4096xf32>,
    return
  }
  func.func @transform_0(%arg0: i32) -> (i32, i32, i32) {
    %c0_i32 = arith.constant 0 : i32
    %c0_i32_0 = arith.constant 0 : i32
    %c0_i32_1 = arith.constant 0 : i32
    return %c0_i32, %arg0, %c0_i32_0 : i32, i32, i32
  }
  func.func @transform_1(%arg0: i32) -> (i32, i32) {
    %c0_i32 = arith.constant 0 : i32
    %c0_i32_0 = arith.constant 0 : i32
    return %arg0, %c0_i32 : i32, i32
  }
}

module attributes {stable_mosaic.version = 14 : i64} {
  func.func @_similarity_body(%arg0: memref<768x4096xf32, #tpu.memory_space<vmem>>, %arg1: memref<4096x768xf32, #tpu.memory_space<vmem>>, %arg2: memref<1x768xf32, #tpu.memory_space<vmem>>) attributes {dimension_semantics = [], scalar_prefetch = 0 : i64, scratch_operands = 0 : i64, tpu.core_type = #tpu.core_type<tc>} {
    %get3A = arith.constant 0 : index
    %get3A_0 = arith.constant 0 : index
    %get3A_1 = vector.load %arg0[%get3A, %get3A_0] : memref<768x4096xf32, #tpu.memory_space<vmem>>, vector<768x4096xf32>
    %get3A_2 = arith.constant 0 : index
    %get3A_3 = arith.constant 0 : index
    %get3A_4 = vector.load %arg1[%get3A_2, %get3A_3] : memref<4096x768xf32, #tpu.memory_space<vmem>>, vector<4096x768xf32>
    %dot_general3A = arith.constant dense<0.000000e+00> : vector<768x768xf32>
    %dot_general3A_5 = tpu.matmul %get3A_1, %get3A_4, %dot_general3A {dimension_numbers = #tpu.dot_dimension_numbers<[1], [0], [0], [1], [0, 0, 1, 1], [], []>, transpose_lhs_hint = false} : vector<768x4096xf32>, vector<4096x768xf32>, vector<768x768xf32> -> vector<768x768xf32>
    %div3A = arith.constant 4.095000e+03 : f32
    %div3A_6 = vector.broadcast %div3A : f32 to vector<768x768xf32>
    %div3A_7 = arith.divf %dot_general3A_5, %div3A_6 : vector<768x768xf32>
    %iota3A = tpu.iota {dimensions = array<i32: 0>} : vector<768x768xi32>
    %iota3A_8 = tpu.iota {dimensions = array<i32: 1>} : vector<768x768xi32>
    %eq3A = arith.cmpi eq, %iota3A, %iota3A_8 : vector<768x768xi32>
    %jit3A = arith.constant 0.000000e+00 : f32
    %broadcast_in_dim3A = vector.broadcast %jit3A : f32 to vector<768x768xf32>
    %select_n3A = arith.select %eq3A, %div3A_7, %broadcast_in_dim3A : vector<768x768xi1>, vector<768x768xf32>
    %reduce_sum3A = arith.constant dense<0.000000e+00> : vector<768xf32>
    %reduce_sum3A_9 = vector.multi_reduction <add>, %select_n3A, %reduce_sum3A [1] : vector<768x768xf32> to vector<768xf32>
    %sqrt3A = math.sqrt %reduce_sum3A_9 : vector<768xf32>
    %broadcast_in_dim3A_10 = vector.shape_cast %sqrt3A : vector<768xf32> to vector<768x1xf32>
    %broadcast_in_dim3A_11 = vector.shape_cast %sqrt3A : vector<768xf32> to vector<1x768xf32>
    %mul3A = vector.broadcast %broadcast_in_dim3A_10 : vector<768x1xf32> to vector<768x768xf32>
    %mul3A_12 = vector.broadcast %broadcast_in_dim3A_11 : vector<1x768xf32> to vector<768x768xf32>
    %mul3A_13 = arith.mulf %mul3A, %mul3A_12 : vector<768x768xf32>
    %reciprocal3A = tpu.reciprocal %mul3A_13 : vector<768x768xf32> -> vector<768x768xf32>
    %mul3A_14 = arith.mulf %div3A_7, %reciprocal3A : vector<768x768xf32>
    %jit3A_15 = arith.constant -1.000000e+00 : f32
    %jit3A_16 = arith.constant 1.000000e+00 : f32
    %max3A = vector.broadcast %jit3A_15 : f32 to vector<768x768xf32>
    %max3A_17 = arith.maximumf %max3A, %mul3A_14 : vector<768x768xf32>
    %min3A = vector.broadcast %jit3A_16 : f32 to vector<768x768xf32>
    %min3A_18 = arith.minimumf %min3A, %max3A_17 : vector<768x768xf32>
    %slice3A = vector.extract_strided_slice %min3A_18 {offsets = [0, 0], sizes = [768, 128], strides = [1, 1]} : vector<768x768xf32> to vector<768x128xf32>
    %slice3A_19 = vector.extract_strided_slice %min3A_18 {offsets = [0, 128], sizes = [768, 128], strides = [1, 1]} : vector<768x768xf32> to vector<768x128xf32>
    %add3A = arith.addf %slice3A, %slice3A_19 : vector<768x128xf32>
    %slice3A_20 = vector.extract_strided_slice %min3A_18 {offsets = [0, 256], sizes = [768, 128], strides = [1, 1]} : vector<768x768xf32> to vector<768x128xf32>
    %add3A_21 = arith.addf %add3A, %slice3A_20 : vector<768x128xf32>
    %slice3A_22 = vector.extract_strided_slice %min3A_18 {offsets = [0, 384], sizes = [768, 128], strides = [1, 1]} : vector<768x768xf32> to vector<768x128xf32>
    %add3A_23 = arith.addf %add3A_21, %slice3A_22 : vector<768x128xf32>
    %slice3A_24 = vector.extract_strided_slice %min3A_18 {offsets = [0, 512], sizes = [768, 128], strides = [1, 1]} : vector<768x768xf32> to vector<768x128xf32>
    %add3A_25 = arith.addf %add3A_23, %slice3A_24 : vector<768x128xf32>
    %slice3A_26 = vector.extract_strided_slice %min3A_18 {offsets = [0, 640], sizes = [768, 128], strides = [1, 1]} : vector<768x768xf32> to vector<768x128xf32>
    %add3A_27 = arith.addf %add3A_25, %slice3A_26 : vector<768x128xf32>
    %slice3A_28 = vector.extract_strided_slice %add3A_27 {offsets = [0, 0], sizes = [768, 8], strides = [1, 1]} : vector<768x128xf32> to vector<768x8xf32>
    %slice3A_29 = vector.extract_strided_slice %add3A_27 {offsets = [0, 8], sizes = [768, 8], strides = [1, 1]} : vector<768x128xf32> to vector<768x8xf32>
    %add3A_30 = arith.addf %slice3A_28, %slice3A_29 : vector<768x8xf32>
    %slice3A_31 = vector.extract_strided_slice %add3A_27 {offsets = [0, 16], sizes = [768, 8], strides = [1, 1]} : vector<768x128xf32> to vector<768x8xf32>
    %add3A_32 = arith.addf %add3A_30, %slice3A_31 : vector<768x8xf32>
    %slice3A_33 = vector.extract_strided_slice %add3A_27 {offsets = [0, 24], sizes = [768, 8], strides = [1, 1]} : vector<768x128xf32> to vector<768x8xf32>
    %add3A_34 = arith.addf %add3A_32, %slice3A_33 : vector<768x8xf32>
    %slice3A_35 = vector.extract_strided_slice %add3A_27 {offsets = [0, 32], sizes = [768, 8], strides = [1, 1]} : vector<768x128xf32> to vector<768x8xf32>
    %add3A_36 = arith.addf %add3A_34, %slice3A_35 : vector<768x8xf32>
    %slice3A_37 = vector.extract_strided_slice %add3A_27 {offsets = [0, 40], sizes = [768, 8], strides = [1, 1]} : vector<768x128xf32> to vector<768x8xf32>
    %add3A_38 = arith.addf %add3A_36, %slice3A_37 : vector<768x8xf32>
    %slice3A_39 = vector.extract_strided_slice %add3A_27 {offsets = [0, 48], sizes = [768, 8], strides = [1, 1]} : vector<768x128xf32> to vector<768x8xf32>
    %add3A_40 = arith.addf %add3A_38, %slice3A_39 : vector<768x8xf32>
    %slice3A_41 = vector.extract_strided_slice %add3A_27 {offsets = [0, 56], sizes = [768, 8], strides = [1, 1]} : vector<768x128xf32> to vector<768x8xf32>
    %add3A_42 = arith.addf %add3A_40, %slice3A_41 : vector<768x8xf32>
    %slice3A_43 = vector.extract_strided_slice %add3A_27 {offsets = [0, 64], sizes = [768, 8], strides = [1, 1]} : vector<768x128xf32> to vector<768x8xf32>
    %add3A_44 = arith.addf %add3A_42, %slice3A_43 : vector<768x8xf32>
    %slice3A_45 = vector.extract_strided_slice %add3A_27 {offsets = [0, 72], sizes = [768, 8], strides = [1, 1]} : vector<768x128xf32> to vector<768x8xf32>
    %add3A_46 = arith.addf %add3A_44, %slice3A_45 : vector<768x8xf32>
    %slice3A_47 = vector.extract_strided_slice %add3A_27 {offsets = [0, 80], sizes = [768, 8], strides = [1, 1]} : vector<768x128xf32> to vector<768x8xf32>
    %add3A_48 = arith.addf %add3A_46, %slice3A_47 : vector<768x8xf32>
    %slice3A_49 = vector.extract_strided_slice %add3A_27 {offsets = [0, 88], sizes = [768, 8], strides = [1, 1]} : vector<768x128xf32> to vector<768x8xf32>
    %add3A_50 = arith.addf %add3A_48, %slice3A_49 : vector<768x8xf32>
    %slice3A_51 = vector.extract_strided_slice %add3A_27 {offsets = [0, 96], sizes = [768, 8], strides = [1, 1]} : vector<768x128xf32> to vector<768x8xf32>
    %add3A_52 = arith.addf %add3A_50, %slice3A_51 : vector<768x8xf32>
    %slice3A_53 = vector.extract_strided_slice %add3A_27 {offsets = [0, 104], sizes = [768, 8], strides = [1, 1]} : vector<768x128xf32> to vector<768x8xf32>
    %add3A_54 = arith.addf %add3A_52, %slice3A_53 : vector<768x8xf32>
    %slice3A_55 = vector.extract_strided_slice %add3A_27 {offsets = [0, 112], sizes = [768, 8], strides = [1, 1]} : vector<768x128xf32> to vector<768x8xf32>
    %add3A_56 = arith.addf %add3A_54, %slice3A_55 : vector<768x8xf32>
    %slice3A_57 = vector.extract_strided_slice %add3A_27 {offsets = [0, 120], sizes = [768, 8], strides = [1, 1]} : vector<768x128xf32> to vector<768x8xf32>
    %add3A_58 = arith.addf %add3A_56, %slice3A_57 : vector<768x8xf32>
    %slice3A_59 = vector.extract_strided_slice %add3A_58 {offsets = [0, 0], sizes = [768, 4], strides = [1, 1]} : vector<768x8xf32> to vector<768x4xf32>
    %slice3A_60 = vector.extract_strided_slice %add3A_58 {offsets = [0, 4], sizes = [768, 4], strides = [1, 1]} : vector<768x8xf32> to vector<768x4xf32>
    %add3A_61 = arith.addf %slice3A_59, %slice3A_60 : vector<768x4xf32>
    %slice3A_62 = vector.extract_strided_slice %add3A_61 {offsets = [0, 0], sizes = [768, 2], strides = [1, 1]} : vector<768x4xf32> to vector<768x2xf32>
    %slice3A_63 = vector.extract_strided_slice %add3A_61 {offsets = [0, 2], sizes = [768, 2], strides = [1, 1]} : vector<768x4xf32> to vector<768x2xf32>
    %add3A_64 = arith.addf %slice3A_62, %slice3A_63 : vector<768x2xf32>
    %slice3A_65 = vector.extract_strided_slice %add3A_64 {offsets = [0, 0], sizes = [768, 1], strides = [1, 1]} : vector<768x2xf32> to vector<768x1xf32>
    %slice3A_66 = vector.extract_strided_slice %add3A_64 {offsets = [0, 1], sizes = [768, 1], strides = [1, 1]} : vector<768x2xf32> to vector<768x1xf32>
    %add3A_67 = arith.addf %slice3A_65, %slice3A_66 : vector<768x1xf32>
    %div3A_68 = arith.constant 7.680000e+02 : f32
    %div3A_69 = vector.broadcast %div3A_68 : f32 to vector<768x1xf32>
    %div3A_70 = arith.divf %add3A_67, %div3A_69 : vector<768x1xf32>
    %squeeze3A = vector.shape_cast %div3A_70 : vector<768x1xf32> to vector<768xf32>
    %swap3A = arith.constant 0 : index
    %swap3A_71 = arith.constant 0 : index
    %swap3A_72 = vector.load %arg2[%swap3A, %swap3A_71] : memref<1x768xf32, #tpu.memory_space<vmem>>, vector<1x768xf32>
    %swap3A_73 = vector.shape_cast %swap3A_72 : vector<1x768xf32> to vector<768xf32>
    %swap3A_74 = vector.shape_cast %squeeze3A : vector<768xf32> to vector<1x768xf32>
    tpu.vector_store %arg2[%swap3A, %swap3A_71], %swap3A_74 {strides = array<i32>} : memref<1x768xf32, #tpu.memory_space<vmem>>, vector<1x768xf32>,
    return
  }
}

module attributes {stable_mosaic.version = 14 : i64} {
  func.func @_invert_body(%arg0: i32, %arg1: memref<1x768xi32, #tpu.memory_space<vmem>>, %arg2: memref<1x1x128xi32, #tpu.memory_space<vmem>>) attributes {dimension_semantics = [#tpu.dimension_semantics<arbitrary>], iteration_bounds = array<i64: 6>, scalar_prefetch = 0 : i64, scratch_operands = 0 : i64, tpu.core_type = #tpu.core_type<tc>, window_params = [{pipeline_mode = #tpu.pipeline_mode<synchronous>, transform_indices = @transform_0, window_bounds = array<i64: 1, 768>}, {transform_indices = @transform_1, window_bounds = array<i64: 1, 1, 128>}]} {
    %get3A = arith.constant 0 : index
    %get3A_0 = arith.constant 0 : index
    %get3A_1 = vector.load %arg1[%get3A, %get3A_0] : memref<1x768xi32, #tpu.memory_space<vmem>>, vector<1x768xi32>
    %get3A_2 = vector.shape_cast %get3A_1 : vector<1x768xi32> to vector<768xi32>
    %mul3A = arith.constant 128 : i32
    %mul3A_3 = arith.muli %arg0, %mul3A : i32
    %iota3A = tpu.iota {dimensions = array<i32: 0>} : vector<128x768xi32>
    %add3A = vector.broadcast %mul3A_3 : i32 to vector<128x768xi32>
    %add3A_4 = arith.addi %add3A, %iota3A : vector<128x768xi32>
    %iota3A_5 = tpu.iota {dimensions = array<i32: 1>} : vector<128x768xi32>
    %broadcast_in_dim3A = vector.shape_cast %get3A_2 : vector<768xi32> to vector<1x768xi32>
    %eq3A = vector.broadcast %broadcast_in_dim3A : vector<1x768xi32> to vector<128x768xi32>
    %eq3A_6 = arith.cmpi eq, %eq3A, %add3A_4 : vector<128x768xi32>
    %jit3A = arith.constant 0 : i32
    %broadcast_in_dim3A_7 = vector.broadcast %jit3A : i32 to vector<128x768xi32>
    %select_n3A = arith.select %eq3A_6, %iota3A_5, %broadcast_in_dim3A_7 : vector<128x768xi1>, vector<128x768xi32>
    %reduce_sum3A = arith.constant dense<0> : vector<128xi32>
    %reduce_sum3A_8 = vector.multi_reduction <add>, %select_n3A, %reduce_sum3A [1] : vector<128x768xi32> to vector<128xi32>
    %swap3A = arith.constant 0 : index
    %swap3A_9 = arith.constant 0 : index
    %swap3A_10 = arith.constant 0 : index
    %swap3A_11 = vector.load %arg2[%swap3A, %swap3A_9, %swap3A_10] : memref<1x1x128xi32, #tpu.memory_space<vmem>>, vector<1x1x128xi32>
    %swap3A_12 = vector.shape_cast %swap3A_11 : vector<1x1x128xi32> to vector<128xi32>
    %swap3A_13 = vector.shape_cast %reduce_sum3A_8 : vector<128xi32> to vector<1x1x128xi32>
    tpu.vector_store %arg2[%swap3A, %swap3A_9, %swap3A_10], %swap3A_13 {strides = array<i32>} : memref<1x1x128xi32, #tpu.memory_space<vmem>>, vector<1x1x128xi32>,
    return
  }
  func.func @transform_0(%arg0: i32) -> (i32, i32) {
    %c0_i32 = arith.constant 0 : i32
    %c0_i32_0 = arith.constant 0 : i32
    %c0_i32_1 = arith.constant 0 : i32
    return %c0_i32, %c0_i32_0 : i32, i32
  }
  func.func @transform_1(%arg0: i32) -> (i32, i32, i32) {
    %c0_i32 = arith.constant 0 : i32
    %c0_i32_0 = arith.constant 0 : i32
    %c0_i32_1 = arith.constant 0 : i32
    return %arg0, %c0_i32, %c0_i32_0 : i32, i32, i32
  }
}

</mosaic_0001>

<sc_bundles>
// kernel: kernel.7.cloned.1.call-start
scs
__scs_entry_jumppad:
0x0: {  	(pc) =	sbr.rel $0x88, $3  }
0x1: {  	(tag) =	ssettag $0x0;
	lr =	simm.s32 $0x1  }
0x2: {  	[smem:$0x3F9E] =	sst lr;
	_ =	strace $0xD0000000  }
0x3: {  	_ = 	snop  }
0x4: {  	_ = 	snop  }
0x5: {  	_ = 	snop  }
0x6: {  	_ = 	snop  }
0x7: {  	_ = 	snop  }
__scs_overlays_trampoline_lowered:
0x8: {  	[smem:$0x3FAD] =	sst s0  }
0x9: {  	[smem:$0x3FAE] =	sst s1  }
0xa: {  	[smem:$0x3FAF] =	sst s2  }
0xb: {  	[smem:$0x3FB0] =	sst s3  }
0xc: {  	[smem:$0x3FB1] =	sst s4  }
0xd: {  	[smem:$0x3FB2] =	sst s5  }
0xe: {  	[smem:$0x3FB3] =	sst s6  }
0xf: {  	[smem:$0x3FB4] =	sst s7  }
0x10: {  	[smem:$0x3FB5] =	sst s8  }
0x11: {  	[smem:$0x3FB6] =	sst s9;
	s0 =	simm.s32 @!p0 $0x0  }
0x12: {  	s1 =	sld [smem:$0x3F9C];
	s0 =	simm.s32 @p0 $0x1  }
0x13: {  	[smem:$0x3FB7] =	sst s0;
	s0 =	simm.s32 @!p1 $0x0  }
0x14: {  	s2 =	sld [smem:$0x3F9B];
	s0 =	simm.s32 @p1 $0x1  }
0x15: {  	[smem:$0x3FB8] =	sst s0;
	s0 =	simm.s32 @!p2 $0x0  }
0x16: {  	s3 =	sld [smem:$0x3FDB];
	s0 =	simm.s32 @p2 $0x1  }
0x17: {  	s4 =	simm.s32 $0x1BF5;
	[smem:$0x3FBA] =	sst s0  }
0x18: {  	s0 =	sld [smem:$0x3F9D];
	_ =	swait.ge [sflag:s4], $0x0  }
0x19: {  	s7 =	sld [smem:$0x3F9E]  }
0x1a: {  	s8 =	sadd.s32 $0xFFFFE003, lr  }
0x1b: {  	s9 =	sadd.s32 $0xFFFFFEF7, lr;
	s5 =	simm.s32 $0xFFFFFFFF;
	p2 =	slt.u32 s8, $0xFFFFF086  }
0x1c: {  	p1 =	slt.u32 s9, $0xF7A;
	s5 =	simm.s32 @!p2 $0x0  }
0x1d: {  	s5 =	simm.s32 @p1 $0x1;
	p0 =	seq.s32 s7, s2  }
0x1e: {  	s7 =	smul.u32 @!p0 $0xF7A, s2;
	p2 =	seq.s32 @!p0 s5, $0x0  }
0x1f: {  	s9 =	smul.u32 $0xF7A, s1;
	s8 =	simm.s32 @!p0 $0x1BF5;
	p2 =	por !p2, p0  }
0x20: {  	[sflag:s8] =	ssyncset.s32 @!p0 $0xFFFFF086;
	s6 =	sadd.s32 @!p0 s3, s7;
	s7 =	simm.s32 @!p0 $0x108  }
0x21: {  	s3 =	sadd.s32 s3, s9;
	s6 =	sadd.s32 @!p0 $0x88, s6;
	s7 =	simm.s32 @p2 $0x1082  }
0x22: {  	[simem:s7], [sflag:s8] =	dma.local @!p0 [hbm:s6], $0xF7A  }
0x23: {  	s9 =	sor.u32 $0xD0000000, s2;
	s6 =	simm.s32 $0x108;
	_ =	swait.ge @!p0 [sflag:s8], $0x0  }
0x24: {  	s3 =	sadd.s32 $0x88, s3;
	s6 =	simm.s32 @!p1 $0x1082;
	[sflag:s4] =	ssyncset.s32 $0xFFFFF086  }
0x25: {  	[simem:s6], [sflag:s4] =	dma.local [hbm:s3], $0xF7A  }
0x26: {  	[smem:$0x3F9E] =	sst s1;
	(tag) =	ssettag s2;
	_ =	strace s9  }
0x27: {  	s1 =	sld [smem:$0x3FAE]  }
0x28: {  	s2 =	sld [smem:$0x3FAF]  }
0x29: {  	s4 =	sld [smem:$0x3FB1]  }
0x2a: {  	p0 =	seq.s32 s5, $0x0;
	s5 =	sld [smem:$0x3FB2]  }
0x2b: {  	s6 =	sld [smem:$0x3FB3]  }
0x2c: {  	s7 =	sld [smem:$0x3FB4]  }
0x2d: {  	s3 =	simm.s32 $0x108;
	s8 =	sld [smem:$0x3FB5]  }
0x2e: {  	s3 =	simm.s32 @!p0 $0x1082;
	s9 =	sld [smem:$0x3FB6]  }
0x2f: {  	lr =	sadd.s32 s0, s3;
	s0 =	sld [smem:$0x3FAD]  }
0x30: {  	s3 =	sld [smem:$0x3FB0]  }
0x31: {  	[smem:$0x3FB9] =	sst s10  }
0x32: {  	s10 =	sld [smem:$0x3FB7];
	_ =	sdelay $0x3  }
0x33: {  	p0 =	seq.s32 s10, $0x1;
	s10 =	sld [smem:$0x3FB9];
	_ =	sdelay $0x3  }
0x34: {  	[smem:$0x3FB9] =	sst s10  }
0x35: {  	s10 =	sld [smem:$0x3FB8];
	_ =	sdelay $0x3  }
0x36: {  	p1 =	seq.s32 s10, $0x1;
	s10 =	sld [smem:$0x3FB9];
	_ =	sdelay $0x3  }
0x37: {  	[smem:$0x3FB9] =	sst s10  }
0x38: {  	s10 =	sld [smem:$0x3FBA]  }
0x39: {  	_ = 	snop;
	(pc) =	sbr.ind lr, $3  }
0x3a: {  	_ = 	snop  }
0x3b: {  	_ = 	snop  }
0x3c: {  	p2 =	seq.s32 s10, $0x1;
	s10 =	sld [smem:$0x3FB9]  }
0x3d: {  	_ =	shalt  }
0x3e: {  	_ =	shalt  }
0x3f: {  	_ =	shalt  }
0x40: {  	_ =	shalt  }
0x41: {  	_ =	shalt  }
0x42: {  	_ =	shalt  }
0x43: {  	_ =	shalt  }
0x44: {  	_ =	shalt  }
0x45: {  	_ =	shalt  }
0x46: {  	_ =	shalt  }
0x47: {  	_ =	shalt  }
0x48: {  	_ =	shalt  }
0x49: {  	_ =	shalt  }
0x4a: {  	_ =	shalt  }
0x4b: {  	_ =	shalt  }
0x4c: {  	_ =	shalt  }
0x4d: {  	_ =	shalt  }
0x4e: {  	_ =	shalt  }
0x4f: {  	_ =	shalt  }
0x50: {  	_ =	shalt  }
0x51: {  	_ =	shalt  }
0x52: {  	_ =	shalt  }
0x53: {  	_ =	shalt  }
0x54: {  	_ =	shalt  }
0x55: {  	_ =	shalt  }
0x56: {  	_ =	shalt  }
0x57: {  	_ =	shalt  }
0x58: {  	_ =	shalt  }
0x59: {  	_ =	shalt  }
0x5a: {  	_ =	shalt  }
0x5b: {  	_ =	shalt  }
0x5c: {  	_ =	shalt  }
0x5d: {  	_ =	shalt  }
0x5e: {  	_ =	shalt  }
0x5f: {  	_ =	shalt  }
0x60: {  	_ =	shalt  }
0x61: {  	_ =	shalt  }
0x62: {  	_ =	shalt  }
0x63: {  	_ =	shalt  }
0x64: {  	_ =	shalt  }
0x65: {  	_ =	shalt  }
0x66: {  	_ =	shalt  }
0x67: {  	_ =	shalt  }
0x68: {  	_ =	shalt  }
0x69: {  	_ =	shalt  }
0x6a: {  	_ =	shalt  }
0x6b: {  	_ =	shalt  }
0x6c: {  	_ =	shalt  }
0x6d: {  	_ =	shalt  }
0x6e: {  	_ =	shalt  }
0x6f: {  	_ =	shalt  }
0x70: {  	_ =	shalt  }
0x71: {  	_ =	shalt  }
0x72: {  	_ =	shalt  }
0x73: {  	_ =	shalt  }
0x74: {  	_ =	shalt  }
0x75: {  	_ =	shalt  }
0x76: {  	_ =	shalt  }
0x77: {  	_ =	shalt  }
0x78: {  	_ =	shalt  }
0x79: {  	_ =	shalt  }
0x7a: {  	_ =	shalt  }
0x7b: {  	_ =	shalt  }
0x7c: {  	_ =	shalt  }
0x7d: {  	_ =	shalt  }
0x7e: {  	_ =	shalt  }
0x7f: {  	_ =	shalt  }
0x80: {  	_ =	shalt  }
0x81: {  	_ =	shalt  }
0x82: {  	_ =	shalt  }
0x83: {  	_ =	shalt  }
0x84: {  	_ =	shalt  }
0x85: {  	_ =	shalt  }
0x86: {  	_ =	shalt  }
0x87: {  	_ =	shalt  }
.Lfunc_end0:
.L_simem_size_0:
called_computation_lowered:
.L_overlay_start_0:
0x88: {  	s2 =	sld [smem:$0x3FD9]  }
0x89: {  	s3 =	sld [smem:$0x3FFE];
	_ =	sdelay $0x1  }
0x8a: {  	s1 =	srdreg.scid  }
0x8b: {  	s0 =	sand.u32 $0x1, s1  }
0x8c: {  	s22 =	sshll.u32 s0, $0xA;
	s2 =	sadd.s32 s3, s2  }
0x8d: {  	s2 =	sadd.s32 s2, s22  }
0x8e: {  	[smem:$0x3FC5] =	sst s2  }
0x8f: {  	_ = 	snop  }
0x90: {  	s13 =	sld [smem:$0x3FD0]  }
0x91: {  	s2 =	sld [smem:$0x3FC9]  }
0x92: {  	s3 =	sld [smem:$0x3FC8]  }
0x93: {  	s15 =	simm.s32 $0xA;
	s14 =	simm.s32 $0x10;
	s4 =	sld [smem:$0x3FC7]  }
0x94: {  	[smem:s14], [sflag:s15] =	dma.local [hbm:s13], $0x1  }
0x95: {  	_ =	swait.eq [sflag:s15], $0x1  }
0x96: {  	s5 =	sld [smem:$0x10]  }
0x97: {  	s6 =	sld [smem:$0x11]  }
0x98: {  	s7 =	sld [smem:$0x12]  }
0x99: {  	s8 =	sld [smem:$0x13]  }
0x9a: {  	s9 =	sld [smem:$0x14]  }
0x9b: {  	s10 =	sld [smem:$0x15];
	[sflag:s15] =	ssyncset.done $0x0  }
0x9c: {  	s11 =	sld [smem:$0x16];
	[sflag:s15] =	ssyncadd.s32 $0xFFFFFFFF  }
0x9d: {  	s13 =	sadd.s32 $0x1, s13;
	s12 =	sld [smem:$0x17]  }
0x9e: {  	[smem:s14], [sflag:s15] =	dma.local [hbm:s13], $0x1  }
0x9f: {  	_ =	swait.eq [sflag:s15], $0x1  }
0xa0: {  	s13 =	sld [smem:$0x10]  }
0xa1: {  	s14 =	sld [smem:$0x11];
	[sflag:s15] =	ssyncset.done $0x0  }
0xa2: {  	s16 =	sld [smem:$0x12];
	[sflag:s15] =	ssyncadd.s32 $0xFFFFFFFF  }
0xa3: {  	s17 =	sld [smem:$0x13];
	(tm) =	ssettm $0x1  }
0xa4: {  	s23 =	sld [smem:$0x3FFB];
	_ =	sdelay $0x3  }
0xa5: {  	_ =	strace s23  }
0xa6: {  	s15 =	sld [smem:$0x3FFC];
	_ =	sdelay $0x3  }
0xa7: {  	_ =	strace s15  }
0xa8: {  	s15 =	sld [smem:$0x3FFD];
	_ =	sdelay $0x3  }
0xa9: {  	_ =	strace s15  }
0xaa: {  	_ =	strace $0x8FFFFFFF  }
0xab: {  	s24 =	sld [smem:$0x3FDB];
	_ =	sdelay $0x1  }
0xac: {  	s18 =	simm.s32 $_scs_section_size  }
0xad: {  	s19 =	simm.s32 $_size__tile_task_arg_handler_lowered;
	s20 =	simm.s32 $_tile_task_arg_handler_lowered  }
0xae: {  	s28 =	simm.s32 $0x1BFF;
	s26 =	sshll.u32 s20, $0x1;
	s18 =	sadd.s32 s18, s24  }
0xaf: {  	s21 =	simm.s32 $0x60;
	s25 =	sshll.u32 s19, $0x1;
	s19 =	sadd.s32 s26, s18  }
0xb0: {  	[timem:s21], [sflag:s28] =	dma.local [hbm:s19], s25  }
0xb1: {  	_ =	swait.ge [sflag:s28], s25  }
0xb2: {  	s29 =	simm.s32 $_tile_overlayer_lowered;
	s15 =	ssub.s32 $0x0, s25;
	[sflag:s28] =	ssyncset.done $0x0  }
0xb3: {  	s30 =	simm.s32 $_size__tile_overlayer_lowered;
	s19 =	sshll.u32 s29, $0x1;
	[sflag:s28] =	ssyncadd.s32 s15  }
0xb4: {  	s31 =	sshll.u32 s30, $0x1;
	s19 =	sadd.s32 s19, s18;
	s15 =	simm.s32 $0x0  }
0xb5: {  	[timem:s15], [sflag:s28] =	dma.local [hbm:s19], s31  }
0xb6: {  	_ =	swait.ge [sflag:s28], s31  }
0xb7: {  	s22 =	ssub.s32 $0x0, s31;
	[sflag:s28] =	ssyncset.done $0x0  }
0xb8: {  	[sflag:s28] =	ssyncadd.s32 s22;
	_ =	sdelay $0x1  }
0xb9: {  	s23 =	simm.s32 $0x1B8B  }
0xba: {  	_ =	swait.ge [sflag:s23], $0x1  }
0xbb: {  	[sflag:s23] =	ssyncset.done $0x0  }
0xbc: {  	s25 =	simm.s32 $0x1B8E;
	s24 =	sld [smem:$0x3FFE];
	[sflag:s23] =	ssyncadd.s32 $0xFFFFFFFF  }
0xbd: {  	s26 =	simm.s32 $execute0_lowered;
	[smem:$0x3FD2] =	sst s25  }
0xbe: {  	s20 =	sshll.u32 s26, $0x1;
	_ =	strace $0x80000046;
	[dreg:$0x1] =	wrdreg $0xFFFFFFFF  }
0xbf: {  	s18 =	sadd.s32 s18, s20;
	s28 =	simm.s32 $_size_execute0_lowered;
	[dreg:$0x0] =	wrdreg $0x0  }
0xc0: {  	s20 =	sshll.u32 s28, $0x1;
	[dreg:$0x2] =	wrdreg s18  }
0xc1: {  	[dreg:$0x3] =	wrdreg s20  }
0xc2: {  	[dreg:$0x4] =	wrdreg $0xC0  }
0xc3: {  	_ =	task [dreg:s15], $0x5FFFF  }
0xc4: {  	[dreg:$0x1] =	wrdreg $0xFFFFFFFF  }
0xc5: {  	[dreg:$0x0] =	wrdreg $0x30  }
0xc6: {  	[dreg:$0x2] =	wrdreg $0x0  }
0xc7: {  	[dreg:$0x3] =	wrdreg s16  }
0xc8: {  	[dreg:$0x4] =	wrdreg s17  }
0xc9: {  	[dreg:$0x5] =	wrdreg $0x9  }
0xca: {  	_ =	task [dreg:s15], $0x6FFFF  }
0xcb: {  	[dreg:$0x1] =	wrdreg $0xFFFFFFFF  }
0xcc: {  	[dreg:$0x0] =	wrdreg $0x60  }
0xcd: {  	[dreg:$0x2] =	wrdreg s2  }
0xce: {  	[dreg:$0x3] =	wrdreg s3  }
0xcf: {  	[dreg:$0x4] =	wrdreg s4  }
0xd0: {  	[dreg:$0x5] =	wrdreg s24  }
0xd1: {  	[dreg:$0x6] =	wrdreg s5  }
0xd2: {  	[dreg:$0x7] =	wrdreg s6  }
0xd3: {  	[dreg:$0x8] =	wrdreg s7  }
0xd4: {  	[dreg:$0x9] =	wrdreg s8  }
0xd5: {  	[dreg:$0xa] =	wrdreg s9  }
0xd6: {  	[dreg:$0xb] =	wrdreg s10  }
0xd7: {  	[dreg:$0xc] =	wrdreg s11  }
0xd8: {  	[dreg:$0xd] =	wrdreg s12  }
0xd9: {  	[dreg:$0xe] =	wrdreg s13  }
0xda: {  	[dreg:$0xf] =	wrdreg s14  }
0xdb: {  	_ =	task.clear_ibuf [dreg:s15], $0x10FFFF;
	_ =	strace $0x90000046  }
0xdc: {  	s29 =	simm.s32 $0x9;
	_ =	strace $0x80000048  }
0xdd: {  	_ =	swait.ge [sflag:s29], $0x1  }
0xde: {  	[sflag:s29] =	ssyncadd.s32 $0xFFFFFFFF  }
0xdf: {  	_ =	strace $0x90000048  }
0xe0: {  	_ =	sfence  }
0xe1: {  	s30 =	sld [smem:$0x0];
	_ =	sdelay $0x2  }
0xe2: {  	s31 =	sshll.u32 s1, $0xD;
	s1 =	sshrl.u32 s1, $0x2  }
0xe3: {  	s3 =	sand.u32 $0x4000, s31;
	s1 =	sadd.s32 s1, s30  }
0xe4: {  	s0 =	sor.u32 s3, s0;
	s1 =	sshll.u32 s1, $0x11  }
0xe5: {  	s0 =	sor.u32 s1, s0  }
0xe6: {  	s0 =	sadd.s32 $0x8F2B, s0  }
0xe7: {  	[sflag:s0] =	ssyncadd.remote.s32 $0x1  }
0xe8: {  	_ =	sfence.sel $0xFFFF  }
0xe9: {  	[dreg:$0x0] =	wrdreg $0xFFFFFFFF;
	(pc) =	sbr.abs _section_cstart, $3  }
0xea: {  	[dreg:$0x1] =	wrdreg $0xFFFFFFFF  }
0xeb: {  	_ =	task.clear_ibuf [dreg:s15], $0x2FFFF;
	_ =	strace $0x9FFFFFFF  }
0xec: {  	(tm) =	ssettm $0x7FFFFFFF  }
0xed: {  	_ =	shalt  }
tec
_tile_task_arg_handler_lowered:
.L_overlay_start_1:
0x0: {  	(tag) =	ssettag $0x1  }
0x1: {  	s0 =	rddreg [dreg:$0x0]  }
0x2: {  	s1 =	rddreg [dreg:$0x1]  }
0x3: {  	s2 =	rddreg [dreg:$0x2]  }
0x4: {  	s3 =	rddreg [dreg:$0x3]  }
0x5: {  	s4 =	rddreg [dreg:$0x4]  }
0x6: {  	s5 =	rddreg [dreg:$0x5]  }
0x7: {  	s6 =	rddreg [dreg:$0x6]  }
0x8: {  	s7 =	rddreg [dreg:$0x7]  }
0x9: {  	s8 =	rddreg [dreg:$0x8]  }
0xa: {  	s9 =	rddreg [dreg:$0x9]  }
0xb: {  	s10 =	rddreg [dreg:$0xa]  }
0xc: {  	s11 =	rddreg [dreg:$0xb]  }
0xd: {  	s12 =	rddreg [dreg:$0xc]  }
0xe: {  	s13 =	rddreg [dreg:$0xd]  }
0xf: {  	[smem:s0] =	sst s1  }
0x10: {  	[smem:s0+$0x1] =	sst s2  }
0x11: {  	[smem:s0+$0x2] =	sst s3  }
0x12: {  	[smem:s0+$0x3] =	sst s4  }
0x13: {  	[smem:s0+$0x4] =	sst s5  }
0x14: {  	[smem:s0+$0x5] =	sst s6  }
0x15: {  	[smem:s0+$0x6] =	sst s7  }
0x16: {  	[smem:s0+$0x7] =	sst s8  }
0x17: {  	[smem:s0+$0x8] =	sst s9  }
0x18: {  	[smem:s0+$0x9] =	sst s10  }
0x19: {  	[smem:s0+$0xA] =	sst s11  }
0x1a: {  	[smem:s0+$0xB] =	sst s12  }
0x1b: {  	[smem:s0+$0xC] =	sst s13;
	_ =	shalt  }
.Lfunc_end2:
execute0_lowered:
.L_overlay_start_2:
0x1c: {  	(tag) =	ssettag $0x2  }
0x1d: {  	s17 =	rddreg [dreg:$0x0]  }
0x1e: {  	s18 =	rddreg [dreg:$0x1]  }
0x1f: {  	s19 =	rddreg [dreg:$0x2]  }
0x20: {  	s0 =	rddreg [dreg:$0x3]  }
0x21: {  	s1 =	rddreg [dreg:$0x4]  }
0x22: {  	s2 =	rddreg [dreg:$0x8];
	s9 =	stileid.u32  }
0x23: {  	s3 =	rddreg [dreg:$0xc];
	s7 =	sshrl.u32 s9, $0x2  }
0x24: {  	s4 =	srdreg.scid;
	s11 =	simm.s32 $0x0;
	s23 =	smul.u32 $0xC000, s7  }
0x25: {  	s5 =	sshll.u32 s9, $0x1;
	s9 =	sand.u32 $0x3, s9;
	s14 =	smul.u32 $0xC0, s7  }
0x26: {  	s4 =	sand.u32 $0x1, s4;
	[smem:$0x7FF] =	sst s11;
	s15 =	smul.u32 $0xC0000, s9  }
0x27: {  	s5 =	sand.u32 $0x6, s5;
	s13 =	sld [smem:$0x0];
	s16 =	smul.u32 $0x180000, s7  }
0x28: {  	s10 =	sadd.s32 s4, s7;
	s22 =	sld [smem:$0x1];
	s21 =	smul.u32 $0x60000, s4  }
0x29: {  	s12 =	sadd.s32 s9, s7;
	s24 =	sld [smem:$0x2];
	s10 =	smul.u32 $0x60000, s10  }
0x2a: {  	s26 =	ssub.s32 $0x2, s4;
	s6 =	sor.u32 s4, s5;
	s12 =	smul.u32 $0xC0000, s12  }
0x2b: {  	s20 =	sshrl.u32 s26, $0x1;
	p1 =	slt.u32 s5, $0x4;
	[dreg:$0x12] =	wrdreg s13  }
0x2c: {  	s8 =	smul.u32 $0x60, s6;
	s1 =	sadd.s32 s23, s1;
	[dreg:$0x13] =	wrdreg s22  }
0x2d: {  	s25 =	sadd.s32 s23, s2;
	s2 =	smul.u32 $0x180, s7;
	[dreg:$0x11] =	wrdreg s24  }
0x2e: {  	s3 =	sadd.s32 s23, s3;
	_ =	strace $0x80000047;
	[dreg:$0xe] =	wrdreg s1  }
0x2f: {  	s23 =	smul.u32 $0xC0, s9;
	s10 =	sadd.s32 s10, s15;
	[dreg:$0xf] =	wrdreg s25  }
0x30: {  	s22 =	sadd.s32 s15, s16;
	s12 =	sadd.s32 s21, s12;
	[dreg:$0x10] =	wrdreg s3  }
0x31: {  	s13 =	smov.u32 s18;
	s15 =	sadd.s32 $0x200, s17;
	[dreg:$0x14] =	wrdreg s10  }
0x32: {  	s8 =	sshrl.u32 s8, $0x3;
	s18 =	sadd.s32 $0xFFF40000, s12;
	[dreg:$0x17] =	wrdreg s15  }
0x33: {  	s10 =	sadd.s32 s21, s22;
	s22 =	sadd.s32 $0x200, s13;
	[dreg:$0x1a] =	wrdreg s18  }
0x34: {  	s1 =	ssub.s32 s26, s20;
	s5 =	sadd.s32 $0x500, s13;
	[smem:$0x7D5] =	sst s22  }
0x35: {  	s26 =	sadd.s32 s23, s14;
	s14 =	sadd.s32 $0x100, s17;
	[smem:$0x7D8] =	sst s5  }
0x36: {  	s3 =	smul.u32 $0x300, s7;
	s1 =	smax.u32 s1, $0x1;
	[dreg:$0x16] =	wrdreg s14  }
0x37: {  	s0 =	sadd.s32 s8, s0;
	s21 =	sadd.s32 $0xFFE80000, s10;
	[dreg:$0x18] =	wrdreg s1  }
0x38: {  	s8 =	smul.u32 $0x60, s7;
	s7 =	sadd.s32 $0x600, s13;
	[dreg:$0x1c] =	wrdreg s21  }
0x39: {  	s10 =	sadd.s32 $0x700, s13;
	[smem:$0x7D9] =	sst s7  }
0x3a: {  	s22 =	sadd.s32 $0xA00, s13;
	[smem:$0x7DA] =	sst s10  }
0x3b: {  	s5 =	sadd.s32 $0xC00, s13;
	[smem:$0x7DD] =	sst s22  }
0x3c: {  	s0 =	sadd.s32 $0x400, s0;
	[smem:$0x7DF] =	sst s5  }
0x3d: {  	s24 =	smul.u32 $0x60, s4;
	s1 =	sadd.s32 $0x400, s13;
	[dreg:$0x15] =	wrdreg s0  }
0x3e: {  	s2 =	sadd.s32 s23, s2;
	s21 =	sadd.s32 $0x900, s13;
	[smem:$0x7D7] =	sst s1  }
0x3f: {  	s2 =	sadd.s32 s24, s2;
	s7 =	sadd.s32 $0xD00, s13;
	[smem:$0x7DC] =	sst s21  }
0x40: {  	s20 =	sshll.u32 s2, $0x9;
	s10 =	sadd.s32 $0xE00, s13;
	[smem:$0x7E0] =	sst s7  }
0x41: {  	s2 =	sadd.s32 $0x400, s17;
	s5 =	smov.u32 s19;
	[smem:$0x7E1] =	sst s10  }
0x42: {  	s25 =	sadd.s32 s8, s23;
	s23 =	sadd.s32 $0x300, s13;
	[dreg:$0x1f] =	wrdreg s2  }
0x43: {  	s21 =	sadd.s32 $0x200, s5;
	[smem:$0x7D6] =	sst s23  }
0x44: {  	s22 =	sadd.s32 $0x300, s5;
	[smem:$0x7E4] =	sst s21  }
0x45: {  	s7 =	sadd.s32 $0x600, s5;
	[smem:$0x7E5] =	sst s22  }
0x46: {  	s10 =	sadd.s32 $0x700, s5;
	[smem:$0x7E8] =	sst s7  }
0x47: {  	s23 =	sadd.s32 $0xB00, s13;
	[smem:$0x7E9] =	sst s10  }
0x48: {  	s21 =	sadd.s32 $0xA00, s5;
	[smem:$0x7DE] =	sst s23  }
0x49: {  	s22 =	sadd.s32 $0xB00, s5;
	[smem:$0x7EC] =	sst s21  }
0x4a: {  	p0 =	sne.s32 s9, $0x1;
	s23 =	sadd.s32 $0x400, s5;
	[smem:$0x7ED] =	sst s22  }
0x4b: {  	s4 =	sadd.s32 s24, s25;
	s21 =	sadd.s32 $0xD00, s5;
	[smem:$0x7E6] =	sst s23  }
0x4c: {  	s9 =	sshll.u32 s4, $0x9;
	s22 =	sadd.s32 $0xE00, s5;
	[smem:$0x7FC] =	sst s21  }
0x4d: {  	s0 =	sadd.s32 $0xFFFF5000, s9;
	[smem:$0x7FD] =	sst s22  }
0x4e: {  	s4 =	smov.u32 s17;
	s23 =	sadd.s32 $0xF00, s5;
	[dreg:$0x19] =	wrdreg s0  }
0x4f: {  	s18 =	sadd.s32 $0x600, s4;
	[smem:$0x7EE] =	sst s23  }
0x50: {  	s25 =	sadd.s32 $0x700, s4;
	[smem:$0x7F0] =	sst s18  }
0x51: {  	s8 =	sadd.s32 s24, s26;
	s26 =	sadd.s32 $0x800, s4;
	[smem:$0x7F1] =	sst s25  }
0x52: {  	s28 =	sadd.s32 $0x900, s4;
	[smem:$0x7F2] =	sst s26  }
0x53: {  	s29 =	sadd.s32 $0xA00, s4;
	[smem:$0x7F3] =	sst s28  }
0x54: {  	s16 =	sshll.u32 s8, $0x9;
	s8 =	sadd.s32 $0xB00, s4;
	[smem:$0x7F4] =	sst s29  }
0x55: {  	s24 =	sadd.s32 $0xC00, s4;
	[smem:$0x7F5] =	sst s8  }
0x56: {  	p2 =	seq.s32 s6, $0x1;
	s12 =	sadd.s32 $0xD00, s4;
	[smem:$0x7F6] =	sst s24  }
0x57: {  	p3 =	sne.s32 s6, $0x0;
	s9 =	sadd.s32 $0xF00, s4;
	[smem:$0x7F7] =	sst s12  }
0x58: {  	s6 =	sadd.s32 $0xE00, s4;
	s0 =	sadd.s32 $0xFFFE9000, s16;
	[smem:$0x7F9] =	sst s9  }
0x59: {  	s19 =	smov.u32 s6;
	s6 =	sadd.s32 $0x500, s5;
	[dreg:$0x1b] =	wrdreg s0  }
0x5a: {  	[smem:$0x7E7] =	sst s6  }
0x5b: {  	s16 =	sadd.s32 $0x100, s13;
	[smem:$0x7F8] =	sst s19  }
0x5c: {  	s0 =	sadd.s32 $0xFFFD1000, s20;
	[smem:$0x7FA] =	sst s16  }
0x5d: {  	s20 =	sadd.s32 $0x800, s13;
	[dreg:$0x1d] =	wrdreg s0  }
0x5e: {  	s13 =	sadd.s32 $0xF00, s13;
	[smem:$0x7DB] =	sst s20  }
0x5f: {  	s30 =	simm.s32 $0x80;
	[smem:$0x7E2] =	sst s13;
	s20 =	sadd.s32 $0x100, s5  }
0x60: {  	s31 =	simm.s32 $0x9080;
	s13 =	sadd.s32 $0x800, s5;
	[smem:$0x7E3] =	sst s20  }
.Ltmp0:
0x61: {  	s0 =	sadd.s32 $0x300, s17;
	[smem:$0x7EA] =	sst s13;
	(pc) =	sbr.rel .LBB3_1-.Ltmp0, $4  }
0x62: {  	v0 =	vmov s3;
	s3 =	simm.s32 $0x1;
	s17 =	sadd.s32 $0x500, s17;
	[dreg:$0x1e] =	wrdreg s0  }
0x63: {  	v1 =	vlaneseq.u32;
	s1 =	simm.s32 $0x0;
	s20 =	sadd.s32 $0x900, s5;
	[smem:$0x7EF] =	sst s17  }
0x64: {  	v2 =	vshrl.u32 v1, $0x3;
	s7 =	simm.s32 $0x2;
	[smem:$0x7EB] =	sst s20;
	s20 =	sadd.s32 $0xC00, s5  }
0x65: {  	vm0 =	vmmov $0xffff;
	v1 =	vand.u32 $0x7, v1;
	v2 =	vmul.u32 $0x8, v2;
	s23 =	simm.s32 $0x3;
	s6 =	simm.s32 $0x8880;
	[smem:$0x7FB] =	sst s20  }
.LBB3_29:
0x66: {  	s1 =	sld [smem:$0x7D4]  }
0x67: {  	s0 =	rddreg [dreg:$0x18]  }
0x68: {  	s4 =	rddreg [dreg:$0x0]  }
0x69: {  	s14 =	rddreg [dreg:$0x16]  }
0x6a: {  	s2 =	rddreg [dreg:$0x1f]  }
0x6b: {  	s15 =	rddreg [dreg:$0x17]  }
0x6c: {  	s18 =	sld [smem:$0x7F0]  }
0x6d: {  	s17 =	sld [smem:$0x7EF]  }
0x6e: {  	s26 =	sld [smem:$0x7F2]  }
0x6f: {  	s25 =	sld [smem:$0x7F1]  }
0x70: {  	s28 =	sld [smem:$0x7F3];
	s1 =	sadd.s32 $0x1, s1  }
0x71: {  	s29 =	sld [smem:$0x7F4];
	p4 =	sne.s32 s1, s0  }
.Ltmp1:
0x72: {  	s8 =	sld [smem:$0x7F5];
	(pc) =	sbr.rel @!p4 .LBB3_30-.Ltmp1, $4  }
0x73: {  	s24 =	sld [smem:$0x7F6]  }
0x74: {  	s12 =	sld [smem:$0x7F7]  }
0x75: {  	s19 =	sld [smem:$0x7F8]  }
0x76: {  	s0 =	rddreg [dreg:$0x1e]  }
.LBB3_1:
0x77: {  	[smem:$0x7D4] =	sst s1  }
0x78: {  	s5 =	rddreg [dreg:$0x15]  }
0x79: {  	[tilespmem:s11], [sflag:$0x3] =	stream.linear.gather [hbm4b:s5+s11], $0x60, $0x38;
	[tilespmem:$0x10080] =	vst v63  }
0x7a: {  	_ =	swait.ge [sflag:s23], $0x60  }
0x7b: {  	[sflag:s23] =	ssyncset.done $0x0  }
0x7c: {  	[sflag:s23] =	ssyncadd.s32 $0xFFFFFFA0  }
0x7d: {  	v3 =	vld [tilespmem:$0x0]  }
0x7e: {  	v4 =	vld [tilespmem:$0x10]  }
0x7f: {  	v5 =	vld [tilespmem:$0x20]  }
0x80: {  	v6 =	vld [tilespmem:$0x30]  }
0x81: {  	v7 =	vld [tilespmem:$0x40]  }
0x82: {  	v8 =	vld [tilespmem:$0x50];
	v3 =	vadd.s32 v0, v3  }
0x83: {  	[tilespmem:$0x0] =	vst v3;
	v3 =	vadd.s32 v0, v4  }
.Ltmp2:
0x84: {  	[tilespmem:$0x10] =	vst v3;
	v3 =	vadd.s32 v0, v5;
	(pc) =	sbr.rel @p2 .LBB3_9-.Ltmp2, $4  }
0x85: {  	[tilespmem:$0x20] =	vst v3;
	v3 =	vadd.s32 v0, v6  }
0x86: {  	[tilespmem:$0x30] =	vst v3;
	v3 =	vadd.s32 v0, v7  }
0x87: {  	[tilespmem:$0x40] =	vst v3;
	v3 =	vadd.s32 v0, v8  }
0x88: {  	[tilespmem:$0x50] =	vst v3  }
.Ltmp3:
0x89: {  	(pc) =	sbr.rel @p3 .LBB3_15-.Ltmp3, $2  }
0x8a: {  	_ =	sdelay $0x2  }
0x8b: {  	s5 =	simm.s32 $0xB880;
	s19 =	simm.s32 $0x8080;
	s24 =	simm.s32 $0xE880  }
0x8c: {  	v3 =	vld.msk [tilespmem:$0x0], $0xff;
	_ =	sdelay $0x4  }
0x8d: {  	v4 =	vshll.u32 v3, $0x5  }
0x8e: {  	v3 =	vand.u32 $0x7, v3;
	v4 =	vand.u32 $0xFFFFFF00, v4  }
0x8f: {  	v3 =	vor.u32 v3, v4  }
0x90: {  	v3 =	vperm.xlane v3, v1;
	_ =	sdelay $0x1  }
0x91: {  	v3 =	vadd.s32 v2, v3;
	_ =	sdelay $0x3  }
0x92: {  	s10 =	simm.s32 $0x0;
	s13 =	rddreg [dreg:$0x0]  }
0x93: {  	[tilespmem:s30], [sflag:$0x1] =	stream.indirect_vreg.gather [hbm4b:s13+s10], $0x80, v3, vm0, $0xb8;
	[tilespmem:$0x10080] =	vst v63  }
0x94: {  	s14 =	rddreg [dreg:$0x16];
	s1 =	simm.s32 $0x880  }
0x95: {  	[tilespmem:s1], [sflag:$0x1] =	stream.indirect_vreg.gather [hbm4b:s14+s10], $0x80, v3, vm0, $0xb8;
	[tilespmem:$0x10080] =	vst v63  }
0x96: {  	s12 =	simm.s32 $0x1080;
	s29 =	rddreg [dreg:$0x17]  }
0x97: {  	[tilespmem:s12], [sflag:$0x1] =	stream.indirect_vreg.gather [hbm4b:s29+s10], $0x80, v3, vm0, $0xb8;
	[tilespmem:$0x10080] =	vst v63  }
0x98: {  	s15 =	simm.s32 $0x1880;
	s28 =	rddreg [dreg:$0x1f]  }
0x99: {  	[tilespmem:s15], [sflag:$0x1] =	stream.indirect_vreg.gather [hbm4b:s0+s10], $0x80, v3, vm0, $0xb8;
	[tilespmem:$0x10080] =	vst v63  }
0x9a: {  	s17 =	simm.s32 $0x2080;
	s21 =	sld [smem:$0x7EF]  }
0x9b: {  	[tilespmem:s17], [sflag:$0x1] =	stream.indirect_vreg.gather [hbm4b:s28+s10], $0x80, v3, vm0, $0xb8;
	[tilespmem:$0x10080] =	vst v63  }
0x9c: {  	s18 =	simm.s32 $0x2880;
	s20 =	sld [smem:$0x7F0]  }
0x9d: {  	[tilespmem:s18], [sflag:$0x1] =	stream.indirect_vreg.gather [hbm4b:s21+s10], $0x80, v3, vm0, $0xb8;
	[tilespmem:$0x10080] =	vst v63  }
0x9e: {  	s19 =	simm.s32 $0x3080;
	s2 =	sld [smem:$0x7F1]  }
0x9f: {  	[tilespmem:s19], [sflag:$0x1] =	stream.indirect_vreg.gather [hbm4b:s20+s10], $0x80, v3, vm0, $0xb8;
	[tilespmem:$0x10080] =	vst v63  }
0xa0: {  	s22 =	simm.s32 $0x3880  }
0xa1: {  	[tilespmem:s22], [sflag:$0x1] =	stream.indirect_vreg.gather [hbm4b:s2+s10], $0x80, v3, vm0, $0xb8;
	[tilespmem:$0x10080] =	vst v63  }
0xa2: {  	s22 =	sld [smem:$0x7F2];
	_ =	sdelay $0x1  }
0xa3: {  	s24 =	simm.s32 $0x4080;
	s15 =	sld [smem:$0x7F3]  }
0xa4: {  	[tilespmem:s24], [sflag:$0x1] =	stream.indirect_vreg.gather [hbm4b:s22+s10], $0x80, v3, vm0, $0xb8;
	[tilespmem:$0x10080] =	vst v63  }
0xa5: {  	s25 =	simm.s32 $0x4880;
	s17 =	sld [smem:$0x7F4]  }
0xa6: {  	[tilespmem:s25], [sflag:$0x1] =	stream.indirect_vreg.gather [hbm4b:s15+s10], $0x80, v3, vm0, $0xb8;
	[tilespmem:$0x10080] =	vst v63  }
0xa7: {  	s26 =	simm.s32 $0x5080;
	s18 =	sld [smem:$0x7F5]  }
0xa8: {  	[tilespmem:s26], [sflag:$0x1] =	stream.indirect_vreg.gather [hbm4b:s17+s10], $0x80, v3, vm0, $0xb8;
	[tilespmem:$0x10080] =	vst v63  }
0xa9: {  	s4 =	simm.s32 $0x5880;
	s19 =	sld [smem:$0x7F6]  }
0xaa: {  	[tilespmem:s4], [sflag:$0x1] =	stream.indirect_vreg.gather [hbm4b:s18+s10], $0x80, v3, vm0, $0xb8;
	[tilespmem:$0x10080] =	vst v63  }
0xab: {  	s8 =	simm.s32 $0x6080;
	s24 =	sld [smem:$0x7F7]  }
0xac: {  	[tilespmem:s8], [sflag:$0x1] =	stream.indirect_vreg.gather [hbm4b:s19+s10], $0x80, v3, vm0, $0xb8;
	[tilespmem:$0x10080] =	vst v63  }
0xad: {  	s9 =	simm.s32 $0x6880;
	s25 =	sld [smem:$0x7F8]  }
0xae: {  	[tilespmem:s9], [sflag:$0x1] =	stream.indirect_vreg.gather [hbm4b:s24+s10], $0x80, v3, vm0, $0xb8;
	[tilespmem:$0x10080] =	vst v63  }
0xaf: {  	s12 =	simm.s32 $0x7080;
	s8 =	sld [smem:$0x7F9]  }
0xb0: {  	[tilespmem:s12], [sflag:$0x1] =	stream.indirect_vreg.gather [hbm4b:s25+s10], $0x80, v3, vm0, $0xb8;
	[tilespmem:$0x10080] =	vst v63  }
0xb1: {  	s26 =	simm.s32 $0x7880;
	s4 =	simm.s32 $0x10  }
0xb2: {  	[tilespmem:s26], [sflag:$0x1] =	stream.indirect_vreg.gather [hbm4b:s8+s10], $0x80, v3, vm0, $0xb8;
	[tilespmem:$0x10080] =	vst v63  }
0xb3: {  	s9 =	simm.s32 $0xB080;
	s12 =	simm.s32 $0x8080;
	s26 =	simm.s32 $0xA880  }
.LBB3_4:
0xb4: {  	v3 =	vld.msk [tilespmem:s4+$0xFFFFFFF8], $0xff;
	_ =	sdelay $0x4  }
0xb5: {  	v4 =	vshll.u32 v3, $0x5  }
0xb6: {  	v3 =	vand.u32 $0x7, v3;
	v4 =	vand.u32 $0xFFFFFF00, v4  }
0xb7: {  	v3 =	vor.u32 v3, v4  }
0xb8: {  	v3 =	vperm.xlane v3, v1;
	_ =	sdelay $0x1  }
0xb9: {  	v3 =	vadd.s32 v2, v3;
	_ =	sdelay $0x4  }
0xba: {  	[tilespmem:s12], [sflag:$0x2] =	stream.indirect_vreg.gather [hbm4b:s13+s11], $0x80, v3, vm0, $0xb8;
	[tilespmem:$0x10080] =	vst v63  }
0xbb: {  	_ = 	snop  }
0xbc: {  	[tilespmem:s6], [sflag:$0x2] =	stream.indirect_vreg.gather [hbm4b:s14+s11], $0x80, v3, vm0, $0xb8;
	[tilespmem:$0x10080] =	vst v63  }
0xbd: {  	_ = 	snop  }
0xbe: {  	[tilespmem:s31], [sflag:$0x2] =	stream.indirect_vreg.gather [hbm4b:s29+s11], $0x80, v3, vm0, $0xb8;
	[tilespmem:$0x10080] =	vst v63  }
0xbf: {  	s1 =	simm.s32 $0x9880  }
0xc0: {  	[tilespmem:s1], [sflag:$0x2] =	stream.indirect_vreg.gather [hbm4b:s0+s11], $0x80, v3, vm0, $0xb8;
	[tilespmem:$0x10080] =	vst v63  }
0xc1: {  	s1 =	simm.s32 $0xA080  }
0xc2: {  	[tilespmem:s1], [sflag:$0x2] =	stream.indirect_vreg.gather [hbm4b:s28+s11], $0x80, v3, vm0, $0xb8;
	[tilespmem:$0x10080] =	vst v63  }
0xc3: {  	_ = 	snop  }
0xc4: {  	[tilespmem:s26], [sflag:$0x2] =	stream.indirect_vreg.gather [hbm4b:s21+s11], $0x80, v3, vm0, $0xb8;
	[tilespmem:$0x10080] =	vst v63  }
0xc5: {  	_ = 	snop  }
0xc6: {  	[tilespmem:s9], [sflag:$0x2] =	stream.indirect_vreg.gather [hbm4b:s20+s11], $0x80, v3, vm0, $0xb8;
	[tilespmem:$0x10080] =	vst v63  }
0xc7: {  	_ = 	snop  }
0xc8: {  	[tilespmem:s5], [sflag:$0x2] =	stream.indirect_vreg.gather [hbm4b:s2+s11], $0x80, v3, vm0, $0xb8;
	[tilespmem:$0x10080] =	vst v63  }
0xc9: {  	s9 =	simm.s32 $0xC080  }
0xca: {  	[tilespmem:s9], [sflag:$0x2] =	stream.indirect_vreg.gather [hbm4b:s22+s11], $0x80, v3, vm0, $0xb8;
	[tilespmem:$0x10080] =	vst v63  }
0xcb: {  	s5 =	simm.s32 $0xC880  }
0xcc: {  	[tilespmem:s5], [sflag:$0x2] =	stream.indirect_vreg.gather [hbm4b:s15+s11], $0x80, v3, vm0, $0xb8;
	[tilespmem:$0x10080] =	vst v63  }
0xcd: {  	s9 =	simm.s32 $0xD080  }
0xce: {  	[tilespmem:s9], [sflag:$0x2] =	stream.indirect_vreg.gather [hbm4b:s17+s11], $0x80, v3, vm0, $0xb8;
	[tilespmem:$0x10080] =	vst v63  }
0xcf: {  	s5 =	simm.s32 $0xD880  }
0xd0: {  	[tilespmem:s5], [sflag:$0x2] =	stream.indirect_vreg.gather [hbm4b:s18+s11], $0x80, v3, vm0, $0xb8;
	[tilespmem:$0x10080] =	vst v63  }
0xd1: {  	s9 =	simm.s32 $0xE080  }
0xd2: {  	[tilespmem:s9], [sflag:$0x2] =	stream.indirect_vreg.gather [hbm4b:s19+s11], $0x80, v3, vm0, $0xb8;
	[tilespmem:$0x10080] =	vst v63  }
0xd3: {  	s5 =	simm.s32 $0xE880  }
0xd4: {  	[tilespmem:s5], [sflag:$0x2] =	stream.indirect_vreg.gather [hbm4b:s24+s11], $0x80, v3, vm0, $0xb8;
	[tilespmem:$0x10080] =	vst v63  }
0xd5: {  	s9 =	simm.s32 $0xF080  }
0xd6: {  	[tilespmem:s9], [sflag:$0x2] =	stream.indirect_vreg.gather [hbm4b:s25+s11], $0x80, v3, vm0, $0xb8;
	[tilespmem:$0x10080] =	vst v63  }
0xd7: {  	s5 =	simm.s32 $0xF880  }
0xd8: {  	[tilespmem:s5], [sflag:$0x2] =	stream.indirect_vreg.gather [hbm4b:s8+s11], $0x80, v3, vm0, $0xb8;
	[tilespmem:$0x10080] =	vst v63  }
0xd9: {  	_ =	swait.ge [sflag:s3], $0x8000  }
0xda: {  	s9 =	rddreg [dreg:$0xe];
	[sflag:s3] =	ssyncset.done $0x0  }
0xdb: {  	[sflag:s3] =	ssyncadd.s32 $0xFFFF8000;
	s5 =	sadd.s32 s10, s9  }
0xdc: {  	[hbm4b:s5+s11] =	stream.linear.scatter [tilespmem:s30], [sflag:$0x3], $0x8000, $0x38;
	[tilespmem:$0x10080] =	vst v63  }
0xdd: {  	_ =	swait.ge [sflag:s23], $0x8000  }
0xde: {  	[sflag:s23] =	ssyncset.done $0x0  }
0xdf: {  	p4 =	seq.s32 s10, $0xA000;
	[sflag:s23] =	ssyncadd.s32 $0xFFFF8000  }
0xe0: {  	v3 =	vld.msk @!p4 [tilespmem:s4+$0x0], $0xff;
	_ =	sdelay $0x4  }
0xe1: {  	v4 =	vshll.u32 @!p4 v3, $0x5  }
0xe2: {  	v5 =	vlaneseq.u32 @!p4;
	v3 =	vand.u32 @!p4 $0x7, v3;
	v4 =	vand.u32 @!p4 $0xFFFFFF00, v4  }
0xe3: {  	v3 =	vor.u32 @!p4 v3, v4;
	v4 =	vand.u32 @!p4 $0x7, v5;
	v5 =	vshrl.u32 @!p4 v5, $0x3  }
0xe4: {  	v3 =	vperm.xlane @!p4 v3, v4;
	v4 =	vmul.u32 @!p4 $0x8, v5;
	_ =	sdelay $0x1  }
0xe5: {  	v3 =	vadd.s32 @!p4 v4, v3;
	_ =	sdelay $0x3  }
0xe6: {  	vm1 =	vmmov @!p4 $0xffff;
	s8 =	simm.s32 @!p4 $0x0;
	s9 =	simm.s32 @!p4 $0x80  }
0xe7: {  	[tilespmem:s9], [sflag:$0x1] =	stream.indirect_vreg.gather @!p4 [hbm4b:s13+s8], $0x80, v3, vm1, $0xb8;
	[tilespmem:$0x10080] =	vst v63  }
0xe8: {  	s9 =	simm.s32 @!p4 $0x880  }
0xe9: {  	[tilespmem:s9], [sflag:$0x1] =	stream.indirect_vreg.gather @!p4 [hbm4b:s14+s8], $0x80, v3, vm1, $0xb8;
	[tilespmem:$0x10080] =	vst v63  }
0xea: {  	s9 =	simm.s32 @!p4 $0x1080  }
0xeb: {  	[tilespmem:s9], [sflag:$0x1] =	stream.indirect_vreg.gather @!p4 [hbm4b:s29+s8], $0x80, v3, vm1, $0xb8;
	[tilespmem:$0x10080] =	vst v63  }
0xec: {  	s9 =	simm.s32 @!p4 $0x1880  }
0xed: {  	[tilespmem:s9], [sflag:$0x1] =	stream.indirect_vreg.gather @!p4 [hbm4b:s0+s8], $0x80, v3, vm1, $0xb8;
	[tilespmem:$0x10080] =	vst v63  }
0xee: {  	s9 =	simm.s32 @!p4 $0x2080  }
0xef: {  	[tilespmem:s9], [sflag:$0x1] =	stream.indirect_vreg.gather @!p4 [hbm4b:s28+s8], $0x80, v3, vm1, $0xb8;
	[tilespmem:$0x10080] =	vst v63  }
0xf0: {  	s9 =	simm.s32 @!p4 $0x2880  }
0xf1: {  	[tilespmem:s9], [sflag:$0x1] =	stream.indirect_vreg.gather @!p4 [hbm4b:s21+s8], $0x80, v3, vm1, $0xb8;
	[tilespmem:$0x10080] =	vst v63  }
0xf2: {  	s9 =	simm.s32 @!p4 $0x3080  }
0xf3: {  	[tilespmem:s9], [sflag:$0x1] =	stream.indirect_vreg.gather @!p4 [hbm4b:s20+s8], $0x80, v3, vm1, $0xb8;
	[tilespmem:$0x10080] =	vst v63  }
0xf4: {  	s9 =	simm.s32 @!p4 $0x3880  }
0xf5: {  	[tilespmem:s9], [sflag:$0x1] =	stream.indirect_vreg.gather @!p4 [hbm4b:s2+s8], $0x80, v3, vm1, $0xb8;
	[tilespmem:$0x10080] =	vst v63  }
0xf6: {  	s9 =	simm.s32 @!p4 $0x4080  }
0xf7: {  	[tilespmem:s9], [sflag:$0x1] =	stream.indirect_vreg.gather @!p4 [hbm4b:s22+s8], $0x80, v3, vm1, $0xb8;
	[tilespmem:$0x10080] =	vst v63  }
0xf8: {  	s9 =	simm.s32 @!p4 $0x4880  }
0xf9: {  	[tilespmem:s9], [sflag:$0x1] =	stream.indirect_vreg.gather @!p4 [hbm4b:s15+s8], $0x80, v3, vm1, $0xb8;
	[tilespmem:$0x10080] =	vst v63  }
0xfa: {  	s9 =	simm.s32 @!p4 $0x5080  }
0xfb: {  	[tilespmem:s9], [sflag:$0x1] =	stream.indirect_vreg.gather @!p4 [hbm4b:s17+s8], $0x80, v3, vm1, $0xb8;
	[tilespmem:$0x10080] =	vst v63  }
0xfc: {  	s9 =	simm.s32 @!p4 $0x5880  }
0xfd: {  	[tilespmem:s9], [sflag:$0x1] =	stream.indirect_vreg.gather @!p4 [hbm4b:s18+s8], $0x80, v3, vm1, $0xb8;
	[tilespmem:$0x10080] =	vst v63  }
0xfe: {  	s9 =	simm.s32 @!p4 $0x6080  }
0xff: {  	[tilespmem:s9], [sflag:$0x1] =	stream.indirect_vreg.gather @!p4 [hbm4b:s19+s8], $0x80, v3, vm1, $0xb8;
	[tilespmem:$0x10080] =	vst v63  }
0x100: {  	s9 =	simm.s32 @!p4 $0x6880  }
0x101: {  	[tilespmem:s9], [sflag:$0x1] =	stream.indirect_vreg.gather @!p4 [hbm4b:s24+s8], $0x80, v3, vm1, $0xb8;
	[tilespmem:$0x10080] =	vst v63  }
0x102: {  	s1 =	sld [smem:$0x7F9];
	s9 =	simm.s32 @!p4 $0x7080  }
0x103: {  	[tilespmem:s9], [sflag:$0x1] =	stream.indirect_vreg.gather @!p4 [hbm4b:s25+s8], $0x80, v3, vm1, $0xb8;
	[tilespmem:$0x10080] =	vst v63  }
0x104: {  	s9 =	simm.s32 @!p4 $0x7880  }
0x105: {  	[tilespmem:s9], [sflag:$0x1] =	stream.indirect_vreg.gather @!p4 [hbm4b:s1+s8], $0x80, v3, vm1, $0xb8;
	[tilespmem:$0x10080] =	vst v63  }
0x106: {  	s10 =	sadd.s32 $0x2000, s10;
	s8 =	sld [smem:$0x7F9];
	_ =	swait.ge [sflag:s7], $0x8000  }
0x107: {  	p4 =	sne.s32 s10, $0xC000;
	[sflag:s7] =	ssyncset.done $0x0  }
.Ltmp4:
0x108: {  	s5 =	sadd.s32 $0x1000, s5;
	[sflag:s7] =	ssyncadd.s32 $0xFFFF8000;
	(pc) =	sbr.rel @p4 .LBB3_4-.Ltmp4, $4  }
0x109: {  	[hbm4b:s5+s11] =	stream.linear.scatter [tilespmem:s12], [sflag:$0x3], $0x8000, $0x38;
	[tilespmem:$0x10080] =	vst v63  }
0x10a: {  	_ =	swait.ge [sflag:s23], $0x8000  }
0x10b: {  	s4 =	sadd.s32 $0x10, s4;
	[sflag:s23] =	ssyncset.done $0x0  }
0x10c: {  	s9 =	simm.s32 $0xB080;
	s5 =	simm.s32 $0xB880;
	[sflag:s23] =	ssyncadd.s32 $0xFFFF8000  }
0x10d: {  	v3 =	vld.msk [tilespmem:$0x0], $0xff;
	_ =	sdelay $0x4  }
0x10e: {  	v4 =	vshll.u32 v3, $0x5  }
0x10f: {  	v3 =	vand.u32 $0x7, v3;
	v4 =	vand.u32 $0xFFFFFF00, v4  }
0x110: {  	v3 =	vor.u32 v3, v4  }
0x111: {  	v3 =	vperm.xlane v3, v1;
	_ =	sdelay $0x1  }
0x112: {  	v3 =	vadd.s32 v2, v3;
	_ =	sdelay $0x3  }
0x113: {  	s10 =	simm.s32 $0x0;
	s13 =	rddreg [dreg:$0x1]  }
0x114: {  	[tilespmem:s30], [sflag:$0x1] =	stream.indirect_vreg.gather [hbm4b:s13+s10], $0x80, v3, vm0, $0xb8;
	[tilespmem:$0x10080] =	vst v63  }
0x115: {  	s0 =	simm.s32 $0x880  }
0x116: {  	[tilespmem:s0], [sflag:$0x1] =	stream.indirect_vreg.gather [hbm4b:s16+s10], $0x80, v3, vm0, $0xb8;
	[tilespmem:$0x10080] =	vst v63  }
0x117: {  	s0 =	sld [smem:$0x7D5];
	_ =	sdelay $0x1  }
0x118: {  	s1 =	simm.s32 $0x1080;
	s14 =	sld [smem:$0x7D6]  }
0x119: {  	[tilespmem:s1], [sflag:$0x1] =	stream.indirect_vreg.gather [hbm4b:s0+s10], $0x80, v3, vm0, $0xb8;
	[tilespmem:$0x10080] =	vst v63  }
0x11a: {  	s24 =	simm.s32 $0x1880;
	s15 =	sld [smem:$0x7D7]  }
0x11b: {  	[tilespmem:s24], [sflag:$0x1] =	stream.indirect_vreg.gather [hbm4b:s14+s10], $0x80, v3, vm0, $0xb8;
	[tilespmem:$0x10080] =	vst v63  }
0x11c: {  	s25 =	simm.s32 $0x2080;
	s1 =	sld [smem:$0x7D8]  }
0x11d: {  	[tilespmem:s25], [sflag:$0x1] =	stream.indirect_vreg.gather [hbm4b:s15+s10], $0x80, v3, vm0, $0xb8;
	[tilespmem:$0x10080] =	vst v63  }
0x11e: {  	s2 =	simm.s32 $0x2880  }
0x11f: {  	[tilespmem:s2], [sflag:$0x1] =	stream.indirect_vreg.gather [hbm4b:s1+s10], $0x80, v3, vm0, $0xb8;
	[tilespmem:$0x10080] =	vst v63  }
0x120: {  	s2 =	sld [smem:$0x7D9];
	_ =	sdelay $0x1  }
0x121: {  	s4 =	simm.s32 $0x3080;
	s17 =	sld [smem:$0x7DA]  }
0x122: {  	[tilespmem:s4], [sflag:$0x1] =	stream.indirect_vreg.gather [hbm4b:s2+s10], $0x80, v3, vm0, $0xb8;
	[tilespmem:$0x10080] =	vst v63  }
0x123: {  	s26 =	simm.s32 $0x3880;
	s18 =	sld [smem:$0x7DB]  }
0x124: {  	[tilespmem:s26], [sflag:$0x1] =	stream.indirect_vreg.gather [hbm4b:s17+s10], $0x80, v3, vm0, $0xb8;
	[tilespmem:$0x10080] =	vst v63  }
0x125: {  	s5 =	simm.s32 $0x4080;
	s25 =	sld [smem:$0x7DC]  }
0x126: {  	[tilespmem:s5], [sflag:$0x1] =	stream.indirect_vreg.gather [hbm4b:s18+s10], $0x80, v3, vm0, $0xb8;
	[tilespmem:$0x10080] =	vst v63  }
0x127: {  	s6 =	simm.s32 $0x4880;
	s26 =	sld [smem:$0x7DD]  }
0x128: {  	[tilespmem:s6], [sflag:$0x1] =	stream.indirect_vreg.gather [hbm4b:s25+s10], $0x80, v3, vm0, $0xb8;
	[tilespmem:$0x10080] =	vst v63  }
0x129: {  	s8 =	simm.s32 $0x5080;
	s28 =	sld [smem:$0x7DE]  }
0x12a: {  	[tilespmem:s8], [sflag:$0x1] =	stream.indirect_vreg.gather [hbm4b:s26+s10], $0x80, v3, vm0, $0xb8;
	[tilespmem:$0x10080] =	vst v63  }
0x12b: {  	s12 =	simm.s32 $0x5880;
	s29 =	sld [smem:$0x7DF]  }
0x12c: {  	[tilespmem:s12], [sflag:$0x1] =	stream.indirect_vreg.gather [hbm4b:s28+s10], $0x80, v3, vm0, $0xb8;
	[tilespmem:$0x10080] =	vst v63  }
0x12d: {  	s19 =	simm.s32 $0x6080;
	s30 =	sld [smem:$0x7E0]  }
0x12e: {  	[tilespmem:s19], [sflag:$0x1] =	stream.indirect_vreg.gather [hbm4b:s29+s10], $0x80, v3, vm0, $0xb8;
	[tilespmem:$0x10080] =	vst v63  }
0x12f: {  	s20 =	simm.s32 $0x6880;
	s31 =	sld [smem:$0x7E1];
	s21 =	simm.s32 $0x7080  }
0x130: {  	[tilespmem:s20], [sflag:$0x1] =	stream.indirect_vreg.gather [hbm4b:s30+s10], $0x80, v3, vm0, $0xb8;
	[tilespmem:$0x10080] =	vst v63  }
0x131: {  	s22 =	simm.s32 $0x7880;
	s24 =	simm.s32 $0xE880;
	s12 =	sld [smem:$0x7E2]  }
0x132: {  	[tilespmem:s21], [sflag:$0x1] =	stream.indirect_vreg.gather [hbm4b:s31+s10], $0x80, v3, vm0, $0xb8;
	[tilespmem:$0x10080] =	vst v63  }
0x133: {  	s4 =	simm.s32 $0x10;
	s6 =	simm.s32 $0x9080;
	s19 =	simm.s32 $0x8080  }
0x134: {  	[tilespmem:s22], [sflag:$0x1] =	stream.indirect_vreg.gather [hbm4b:s12+s10], $0x80, v3, vm0, $0xb8;
	[tilespmem:$0x10080] =	vst v63  }
0x135: {  	s20 =	simm.s32 $0xB880;
	s21 =	simm.s32 $0xA080;
	s22 =	simm.s32 $0xA880  }
.LBB3_6:
0x136: {  	v3 =	vld.msk [tilespmem:s4+$0xFFFFFFF8], $0xff;
	_ =	sdelay $0x4  }
0x137: {  	v4 =	vshll.u32 v3, $0x5  }
0x138: {  	v3 =	vand.u32 $0x7, v3;
	v4 =	vand.u32 $0xFFFFFF00, v4  }
0x139: {  	v3 =	vor.u32 v3, v4  }
0x13a: {  	v3 =	vperm.xlane v3, v1;
	_ =	sdelay $0x1  }
0x13b: {  	v3 =	vadd.s32 v2, v3;
	_ =	sdelay $0x4  }
0x13c: {  	[tilespmem:s19], [sflag:$0x2] =	stream.indirect_vreg.gather [hbm4b:s13+s11], $0x80, v3, vm0, $0xb8;
	[tilespmem:$0x10080] =	vst v63  }
0x13d: {  	s5 =	simm.s32 $0x8880  }
0x13e: {  	[tilespmem:s5], [sflag:$0x2] =	stream.indirect_vreg.gather [hbm4b:s16+s11], $0x80, v3, vm0, $0xb8;
	[tilespmem:$0x10080] =	vst v63  }
0x13f: {  	_ = 	snop  }
0x140: {  	[tilespmem:s6], [sflag:$0x2] =	stream.indirect_vreg.gather [hbm4b:s0+s11], $0x80, v3, vm0, $0xb8;
	[tilespmem:$0x10080] =	vst v63  }
0x141: {  	s8 =	simm.s32 $0x9880  }
0x142: {  	[tilespmem:s8], [sflag:$0x2] =	stream.indirect_vreg.gather [hbm4b:s14+s11], $0x80, v3, vm0, $0xb8;
	[tilespmem:$0x10080] =	vst v63  }
0x143: {  	_ = 	snop  }
0x144: {  	[tilespmem:s21], [sflag:$0x2] =	stream.indirect_vreg.gather [hbm4b:s15+s11], $0x80, v3, vm0, $0xb8;
	[tilespmem:$0x10080] =	vst v63  }
0x145: {  	_ = 	snop  }
0x146: {  	[tilespmem:s22], [sflag:$0x2] =	stream.indirect_vreg.gather [hbm4b:s1+s11], $0x80, v3, vm0, $0xb8;
	[tilespmem:$0x10080] =	vst v63  }
0x147: {  	_ = 	snop  }
0x148: {  	[tilespmem:s9], [sflag:$0x2] =	stream.indirect_vreg.gather [hbm4b:s2+s11], $0x80, v3, vm0, $0xb8;
	[tilespmem:$0x10080] =	vst v63  }
0x149: {  	_ = 	snop  }
0x14a: {  	[tilespmem:s20], [sflag:$0x2] =	stream.indirect_vreg.gather [hbm4b:s17+s11], $0x80, v3, vm0, $0xb8;
	[tilespmem:$0x10080] =	vst v63  }
0x14b: {  	s8 =	simm.s32 $0xC080  }
0x14c: {  	[tilespmem:s8], [sflag:$0x2] =	stream.indirect_vreg.gather [hbm4b:s18+s11], $0x80, v3, vm0, $0xb8;
	[tilespmem:$0x10080] =	vst v63  }
0x14d: {  	s9 =	simm.s32 $0xC880  }
0x14e: {  	[tilespmem:s9], [sflag:$0x2] =	stream.indirect_vreg.gather [hbm4b:s25+s11], $0x80, v3, vm0, $0xb8;
	[tilespmem:$0x10080] =	vst v63  }
0x14f: {  	s8 =	simm.s32 $0xD080  }
0x150: {  	[tilespmem:s8], [sflag:$0x2] =	stream.indirect_vreg.gather [hbm4b:s26+s11], $0x80, v3, vm0, $0xb8;
	[tilespmem:$0x10080] =	vst v63  }
0x151: {  	s9 =	simm.s32 $0xD880  }
0x152: {  	[tilespmem:s9], [sflag:$0x2] =	stream.indirect_vreg.gather [hbm4b:s28+s11], $0x80, v3, vm0, $0xb8;
	[tilespmem:$0x10080] =	vst v63  }
0x153: {  	s8 =	simm.s32 $0xE080  }
0x154: {  	[tilespmem:s8], [sflag:$0x2] =	stream.indirect_vreg.gather [hbm4b:s29+s11], $0x80, v3, vm0, $0xb8;
	[tilespmem:$0x10080] =	vst v63  }
0x155: {  	_ = 	snop  }
0x156: {  	[tilespmem:s24], [sflag:$0x2] =	stream.indirect_vreg.gather [hbm4b:s30+s11], $0x80, v3, vm0, $0xb8;
	[tilespmem:$0x10080] =	vst v63  }
0x157: {  	s9 =	simm.s32 $0xF080  }
0x158: {  	[tilespmem:s9], [sflag:$0x2] =	stream.indirect_vreg.gather [hbm4b:s31+s11], $0x80, v3, vm0, $0xb8;
	[tilespmem:$0x10080] =	vst v63  }
0x159: {  	s8 =	simm.s32 $0xF880  }
0x15a: {  	[tilespmem:s8], [sflag:$0x2] =	stream.indirect_vreg.gather [hbm4b:s12+s11], $0x80, v3, vm0, $0xb8;
	[tilespmem:$0x10080] =	vst v63  }
0x15b: {  	_ =	swait.ge [sflag:s3], $0x8000  }
0x15c: {  	s9 =	rddreg [dreg:$0xf];
	[sflag:s3] =	ssyncset.done $0x0  }
0x15d: {  	s8 =	simm.s32 $0x80;
	[sflag:s3] =	ssyncadd.s32 $0xFFFF8000;
	s5 =	sadd.s32 s10, s9  }
0x15e: {  	[hbm4b:s5+s11] =	stream.linear.scatter [tilespmem:s8], [sflag:$0x3], $0x8000, $0x38;
	[tilespmem:$0x10080] =	vst v63  }
0x15f: {  	_ =	swait.ge [sflag:s23], $0x8000  }
0x160: {  	[sflag:s23] =	ssyncset.done $0x0  }
0x161: {  	p4 =	seq.s32 s10, $0xA000;
	[sflag:s23] =	ssyncadd.s32 $0xFFFF8000  }
0x162: {  	v3 =	vld.msk @!p4 [tilespmem:s4+$0x0], $0xff;
	_ =	sdelay $0x4  }
0x163: {  	v4 =	vshll.u32 @!p4 v3, $0x5  }
0x164: {  	v5 =	vlaneseq.u32 @!p4;
	v3 =	vand.u32 @!p4 $0x7, v3;
	v4 =	vand.u32 @!p4 $0xFFFFFF00, v4  }
0x165: {  	v3 =	vor.u32 @!p4 v3, v4;
	v4 =	vand.u32 @!p4 $0x7, v5;
	v5 =	vshrl.u32 @!p4 v5, $0x3  }
0x166: {  	v3 =	vperm.xlane @!p4 v3, v4;
	v4 =	vmul.u32 @!p4 $0x8, v5;
	_ =	sdelay $0x1  }
0x167: {  	v3 =	vadd.s32 @!p4 v4, v3;
	_ =	sdelay $0x3  }
0x168: {  	vm1 =	vmmov @!p4 $0xffff;
	s9 =	simm.s32 @!p4 $0x80;
	s8 =	simm.s32 @!p4 $0x0  }
0x169: {  	[tilespmem:s9], [sflag:$0x1] =	stream.indirect_vreg.gather @!p4 [hbm4b:s13+s8], $0x80, v3, vm1, $0xb8;
	[tilespmem:$0x10080] =	vst v63  }
0x16a: {  	s9 =	simm.s32 @!p4 $0x880  }
0x16b: {  	[tilespmem:s9], [sflag:$0x1] =	stream.indirect_vreg.gather @!p4 [hbm4b:s16+s8], $0x80, v3, vm1, $0xb8;
	[tilespmem:$0x10080] =	vst v63  }
0x16c: {  	s9 =	simm.s32 @!p4 $0x1080  }
0x16d: {  	[tilespmem:s9], [sflag:$0x1] =	stream.indirect_vreg.gather @!p4 [hbm4b:s0+s8], $0x80, v3, vm1, $0xb8;
	[tilespmem:$0x10080] =	vst v63  }
0x16e: {  	s9 =	simm.s32 @!p4 $0x1880  }
0x16f: {  	[tilespmem:s9], [sflag:$0x1] =	stream.indirect_vreg.gather @!p4 [hbm4b:s14+s8], $0x80, v3, vm1, $0xb8;
	[tilespmem:$0x10080] =	vst v63  }
0x170: {  	s9 =	simm.s32 @!p4 $0x2080  }
0x171: {  	[tilespmem:s9], [sflag:$0x1] =	stream.indirect_vreg.gather @!p4 [hbm4b:s15+s8], $0x80, v3, vm1, $0xb8;
	[tilespmem:$0x10080] =	vst v63  }
0x172: {  	s9 =	simm.s32 @!p4 $0x2880  }
0x173: {  	[tilespmem:s9], [sflag:$0x1] =	stream.indirect_vreg.gather @!p4 [hbm4b:s1+s8], $0x80, v3, vm1, $0xb8;
	[tilespmem:$0x10080] =	vst v63  }
0x174: {  	s9 =	simm.s32 @!p4 $0x3080  }
0x175: {  	[tilespmem:s9], [sflag:$0x1] =	stream.indirect_vreg.gather @!p4 [hbm4b:s2+s8], $0x80, v3, vm1, $0xb8;
	[tilespmem:$0x10080] =	vst v63  }
0x176: {  	s9 =	simm.s32 @!p4 $0x3880  }
0x177: {  	[tilespmem:s9], [sflag:$0x1] =	stream.indirect_vreg.gather @!p4 [hbm4b:s17+s8], $0x80, v3, vm1, $0xb8;
	[tilespmem:$0x10080] =	vst v63  }
0x178: {  	s9 =	simm.s32 @!p4 $0x4080  }
0x179: {  	[tilespmem:s9], [sflag:$0x1] =	stream.indirect_vreg.gather @!p4 [hbm4b:s18+s8], $0x80, v3, vm1, $0xb8;
	[tilespmem:$0x10080] =	vst v63  }
0x17a: {  	s9 =	simm.s32 @!p4 $0x4880  }
0x17b: {  	[tilespmem:s9], [sflag:$0x1] =	stream.indirect_vreg.gather @!p4 [hbm4b:s25+s8], $0x80, v3, vm1, $0xb8;
	[tilespmem:$0x10080] =	vst v63  }
0x17c: {  	s9 =	simm.s32 @!p4 $0x5080  }
0x17d: {  	[tilespmem:s9], [sflag:$0x1] =	stream.indirect_vreg.gather @!p4 [hbm4b:s26+s8], $0x80, v3, vm1, $0xb8;
	[tilespmem:$0x10080] =	vst v63  }
0x17e: {  	s9 =	simm.s32 @!p4 $0x5880  }
0x17f: {  	[tilespmem:s9], [sflag:$0x1] =	stream.indirect_vreg.gather @!p4 [hbm4b:s28+s8], $0x80, v3, vm1, $0xb8;
	[tilespmem:$0x10080] =	vst v63  }
0x180: {  	s9 =	simm.s32 @!p4 $0x6080  }
0x181: {  	[tilespmem:s9], [sflag:$0x1] =	stream.indirect_vreg.gather @!p4 [hbm4b:s29+s8], $0x80, v3, vm1, $0xb8;
	[tilespmem:$0x10080] =	vst v63  }
0x182: {  	s9 =	simm.s32 @!p4 $0x6880  }
0x183: {  	[tilespmem:s9], [sflag:$0x1] =	stream.indirect_vreg.gather @!p4 [hbm4b:s30+s8], $0x80, v3, vm1, $0xb8;
	[tilespmem:$0x10080] =	vst v63  }
0x184: {  	s9 =	simm.s32 @!p4 $0x7080  }
0x185: {  	[tilespmem:s9], [sflag:$0x1] =	stream.indirect_vreg.gather @!p4 [hbm4b:s31+s8], $0x80, v3, vm1, $0xb8;
	[tilespmem:$0x10080] =	vst v63  }
0x186: {  	s9 =	simm.s32 @!p4 $0x7880  }
0x187: {  	[tilespmem:s9], [sflag:$0x1] =	stream.indirect_vreg.gather @!p4 [hbm4b:s12+s8], $0x80, v3, vm1, $0xb8;
	[tilespmem:$0x10080] =	vst v63  }
0x188: {  	s10 =	sadd.s32 $0x2000, s10;
	_ =	swait.ge [sflag:s7], $0x8000  }
0x189: {  	p4 =	sne.s32 s10, $0xC000;
	[sflag:s7] =	ssyncset.done $0x0  }
.Ltmp5:
0x18a: {  	s5 =	sadd.s32 $0x1000, s5;
	[sflag:s7] =	ssyncadd.s32 $0xFFFF8000;
	(pc) =	sbr.rel @p4 .LBB3_6-.Ltmp5, $4  }
0x18b: {  	[hbm4b:s5+s11] =	stream.linear.scatter [tilespmem:s19], [sflag:$0x3], $0x8000, $0x38;
	[tilespmem:$0x10080] =	vst v63  }
0x18c: {  	_ =	swait.ge [sflag:s23], $0x8000  }
0x18d: {  	[sflag:s23] =	ssyncset.done $0x0  }
0x18e: {  	s4 =	sadd.s32 $0x10, s4;
	s9 =	simm.s32 $0xB080;
	[sflag:s23] =	ssyncadd.s32 $0xFFFF8000  }
0x18f: {  	v3 =	vld.msk [tilespmem:$0x0], $0xff;
	_ =	sdelay $0x4  }
0x190: {  	v4 =	vshll.u32 v3, $0x5  }
0x191: {  	v3 =	vand.u32 $0x7, v3;
	v4 =	vand.u32 $0xFFFFFF00, v4  }
0x192: {  	v3 =	vor.u32 v3, v4  }
0x193: {  	v3 =	vperm.xlane v3, v1;
	_ =	sdelay $0x1  }
0x194: {  	v3 =	vadd.s32 v2, v3;
	_ =	sdelay $0x3  }
0x195: {  	s10 =	simm.s32 $0x0;
	s13 =	rddreg [dreg:$0x2];
	s0 =	simm.s32 $0x80  }
0x196: {  	[tilespmem:s0], [sflag:$0x1] =	stream.indirect_vreg.gather [hbm4b:s13+s10], $0x80, v3, vm0, $0xb8;
	[tilespmem:$0x10080] =	vst v63  }
0x197: {  	s0 =	sld [smem:$0x7E3];
	_ =	sdelay $0x1  }
0x198: {  	s1 =	simm.s32 $0x880  }
0x199: {  	[tilespmem:s1], [sflag:$0x1] =	stream.indirect_vreg.gather [hbm4b:s0+s10], $0x80, v3, vm0, $0xb8;
	[tilespmem:$0x10080] =	vst v63  }
0x19a: {  	s1 =	sld [smem:$0x7E4];
	_ =	sdelay $0x1  }
0x19b: {  	s2 =	simm.s32 $0x1080  }
0x19c: {  	[tilespmem:s2], [sflag:$0x1] =	stream.indirect_vreg.gather [hbm4b:s1+s10], $0x80, v3, vm0, $0xb8;
	[tilespmem:$0x10080] =	vst v63  }
0x19d: {  	s2 =	sld [smem:$0x7E5];
	_ =	sdelay $0x1  }
0x19e: {  	s4 =	simm.s32 $0x1880;
	s12 =	sld [smem:$0x7E6]  }
0x19f: {  	[tilespmem:s4], [sflag:$0x1] =	stream.indirect_vreg.gather [hbm4b:s2+s10], $0x80, v3, vm0, $0xb8;
	[tilespmem:$0x10080] =	vst v63  }
0x1a0: {  	s26 =	simm.s32 $0x2080;
	s14 =	sld [smem:$0x7E7]  }
0x1a1: {  	[tilespmem:s26], [sflag:$0x1] =	stream.indirect_vreg.gather [hbm4b:s12+s10], $0x80, v3, vm0, $0xb8;
	[tilespmem:$0x10080] =	vst v63  }
0x1a2: {  	s5 =	simm.s32 $0x2880;
	s15 =	sld [smem:$0x7E8]  }
0x1a3: {  	[tilespmem:s5], [sflag:$0x1] =	stream.indirect_vreg.gather [hbm4b:s14+s10], $0x80, v3, vm0, $0xb8;
	[tilespmem:$0x10080] =	vst v63  }
0x1a4: {  	s6 =	simm.s32 $0x3080;
	s17 =	sld [smem:$0x7E9]  }
0x1a5: {  	[tilespmem:s6], [sflag:$0x1] =	stream.indirect_vreg.gather [hbm4b:s15+s10], $0x80, v3, vm0, $0xb8;
	[tilespmem:$0x10080] =	vst v63  }
0x1a6: {  	s8 =	simm.s32 $0x3880;
	s18 =	sld [smem:$0x7EA]  }
0x1a7: {  	[tilespmem:s8], [sflag:$0x1] =	stream.indirect_vreg.gather [hbm4b:s17+s10], $0x80, v3, vm0, $0xb8;
	[tilespmem:$0x10080] =	vst v63  }
0x1a8: {  	s9 =	simm.s32 $0x4080;
	s25 =	sld [smem:$0x7EB]  }
0x1a9: {  	[tilespmem:s9], [sflag:$0x1] =	stream.indirect_vreg.gather [hbm4b:s18+s10], $0x80, v3, vm0, $0xb8;
	[tilespmem:$0x10080] =	vst v63  }
0x1aa: {  	s20 =	simm.s32 $0x4880;
	s26 =	sld [smem:$0x7EC]  }
0x1ab: {  	[tilespmem:s20], [sflag:$0x1] =	stream.indirect_vreg.gather [hbm4b:s25+s10], $0x80, v3, vm0, $0xb8;
	[tilespmem:$0x10080] =	vst v63  }
0x1ac: {  	s21 =	simm.s32 $0x5080;
	s28 =	sld [smem:$0x7ED]  }
0x1ad: {  	[tilespmem:s21], [sflag:$0x1] =	stream.indirect_vreg.gather [hbm4b:s26+s10], $0x80, v3, vm0, $0xb8;
	[tilespmem:$0x10080] =	vst v63  }
0x1ae: {  	s22 =	simm.s32 $0x5880;
	s20 =	sld [smem:$0x7FB]  }
0x1af: {  	[tilespmem:s22], [sflag:$0x1] =	stream.indirect_vreg.gather [hbm4b:s28+s10], $0x80, v3, vm0, $0xb8;
	[tilespmem:$0x10080] =	vst v63  }
0x1b0: {  	s5 =	simm.s32 $0x6080;
	s21 =	sld [smem:$0x7FC]  }
0x1b1: {  	[tilespmem:s5], [sflag:$0x1] =	stream.indirect_vreg.gather [hbm4b:s20+s10], $0x80, v3, vm0, $0xb8;
	[tilespmem:$0x10080] =	vst v63  }
0x1b2: {  	s6 =	simm.s32 $0x6880;
	s22 =	sld [smem:$0x7FD]  }
0x1b3: {  	[tilespmem:s6], [sflag:$0x1] =	stream.indirect_vreg.gather [hbm4b:s21+s10], $0x80, v3, vm0, $0xb8;
	[tilespmem:$0x10080] =	vst v63  }
0x1b4: {  	s8 =	simm.s32 $0x7080  }
0x1b5: {  	[tilespmem:s8], [sflag:$0x1] =	stream.indirect_vreg.gather [hbm4b:s22+s10], $0x80, v3, vm0, $0xb8;
	[tilespmem:$0x10080] =	vst v63  }
0x1b6: {  	s8 =	sld [smem:$0x7EE]  }
0x1b7: {  	s29 =	simm.s32 $0xB080;
	s30 =	simm.s32 $0x80;
	s31 =	simm.s32 $0x9080  }
0x1b8: {  	s4 =	simm.s32 $0x10;
	s9 =	simm.s32 $0x7880;
	s6 =	simm.s32 $0x8880  }
0x1b9: {  	[tilespmem:s9], [sflag:$0x1] =	stream.indirect_vreg.gather [hbm4b:s8+s10], $0x80, v3, vm0, $0xb8;
	[tilespmem:$0x10080] =	vst v63  }
.LBB3_8:
0x1ba: {  	v3 =	vld.msk [tilespmem:s4+$0xFFFFFFF8], $0xff;
	_ =	sdelay $0x4  }
0x1bb: {  	v4 =	vshll.u32 v3, $0x5  }
0x1bc: {  	v3 =	vand.u32 $0x7, v3;
	v4 =	vand.u32 $0xFFFFFF00, v4  }
0x1bd: {  	v3 =	vor.u32 v3, v4  }
0x1be: {  	v3 =	vperm.xlane v3, v1;
	_ =	sdelay $0x1  }
0x1bf: {  	v3 =	vadd.s32 v2, v3;
	_ =	sdelay $0x4  }
0x1c0: {  	[tilespmem:s19], [sflag:$0x2] =	stream.indirect_vreg.gather [hbm4b:s13+s11], $0x80, v3, vm0, $0xb8;
	[tilespmem:$0x10080] =	vst v63  }
0x1c1: {  	_ = 	snop  }
0x1c2: {  	[tilespmem:s6], [sflag:$0x2] =	stream.indirect_vreg.gather [hbm4b:s0+s11], $0x80, v3, vm0, $0xb8;
	[tilespmem:$0x10080] =	vst v63  }
0x1c3: {  	_ = 	snop  }
0x1c4: {  	[tilespmem:s31], [sflag:$0x2] =	stream.indirect_vreg.gather [hbm4b:s1+s11], $0x80, v3, vm0, $0xb8;
	[tilespmem:$0x10080] =	vst v63  }
0x1c5: {  	s5 =	simm.s32 $0x9880  }
0x1c6: {  	[tilespmem:s5], [sflag:$0x2] =	stream.indirect_vreg.gather [hbm4b:s2+s11], $0x80, v3, vm0, $0xb8;
	[tilespmem:$0x10080] =	vst v63  }
0x1c7: {  	s9 =	simm.s32 $0xA080  }
0x1c8: {  	[tilespmem:s9], [sflag:$0x2] =	stream.indirect_vreg.gather [hbm4b:s12+s11], $0x80, v3, vm0, $0xb8;
	[tilespmem:$0x10080] =	vst v63  }
0x1c9: {  	s9 =	simm.s32 $0xA880  }
0x1ca: {  	[tilespmem:s9], [sflag:$0x2] =	stream.indirect_vreg.gather [hbm4b:s14+s11], $0x80, v3, vm0, $0xb8;
	[tilespmem:$0x10080] =	vst v63  }
0x1cb: {  	_ = 	snop  }
0x1cc: {  	[tilespmem:s29], [sflag:$0x2] =	stream.indirect_vreg.gather [hbm4b:s15+s11], $0x80, v3, vm0, $0xb8;
	[tilespmem:$0x10080] =	vst v63  }
0x1cd: {  	s9 =	simm.s32 $0xB880  }
0x1ce: {  	[tilespmem:s9], [sflag:$0x2] =	stream.indirect_vreg.gather [hbm4b:s17+s11], $0x80, v3, vm0, $0xb8;
	[tilespmem:$0x10080] =	vst v63  }
0x1cf: {  	s9 =	simm.s32 $0xC080  }
0x1d0: {  	[tilespmem:s9], [sflag:$0x2] =	stream.indirect_vreg.gather [hbm4b:s18+s11], $0x80, v3, vm0, $0xb8;
	[tilespmem:$0x10080] =	vst v63  }
0x1d1: {  	s9 =	simm.s32 $0xC880  }
0x1d2: {  	[tilespmem:s9], [sflag:$0x2] =	stream.indirect_vreg.gather [hbm4b:s25+s11], $0x80, v3, vm0, $0xb8;
	[tilespmem:$0x10080] =	vst v63  }
0x1d3: {  	s9 =	simm.s32 $0xD080  }
0x1d4: {  	[tilespmem:s9], [sflag:$0x2] =	stream.indirect_vreg.gather [hbm4b:s26+s11], $0x80, v3, vm0, $0xb8;
	[tilespmem:$0x10080] =	vst v63  }
0x1d5: {  	s9 =	simm.s32 $0xD880  }
0x1d6: {  	[tilespmem:s9], [sflag:$0x2] =	stream.indirect_vreg.gather [hbm4b:s28+s11], $0x80, v3, vm0, $0xb8;
	[tilespmem:$0x10080] =	vst v63  }
0x1d7: {  	s9 =	simm.s32 $0xE080  }
0x1d8: {  	[tilespmem:s9], [sflag:$0x2] =	stream.indirect_vreg.gather [hbm4b:s20+s11], $0x80, v3, vm0, $0xb8;
	[tilespmem:$0x10080] =	vst v63  }
0x1d9: {  	_ = 	snop  }
0x1da: {  	[tilespmem:s24], [sflag:$0x2] =	stream.indirect_vreg.gather [hbm4b:s21+s11], $0x80, v3, vm0, $0xb8;
	[tilespmem:$0x10080] =	vst v63  }
0x1db: {  	s20 =	simm.s32 $0xF080  }
0x1dc: {  	[tilespmem:s20], [sflag:$0x2] =	stream.indirect_vreg.gather [hbm4b:s22+s11], $0x80, v3, vm0, $0xb8;
	[tilespmem:$0x10080] =	vst v63  }
0x1dd: {  	s21 =	simm.s32 $0xF880  }
0x1de: {  	[tilespmem:s21], [sflag:$0x2] =	stream.indirect_vreg.gather [hbm4b:s8+s11], $0x80, v3, vm0, $0xb8;
	[tilespmem:$0x10080] =	vst v63  }
0x1df: {  	_ =	swait.ge [sflag:s3], $0x8000  }
0x1e0: {  	s22 =	rddreg [dreg:$0x10];
	[sflag:s3] =	ssyncset.done $0x0  }
0x1e1: {  	[sflag:s3] =	ssyncadd.s32 $0xFFFF8000;
	s5 =	sadd.s32 s10, s22  }
0x1e2: {  	[hbm4b:s5+s11] =	stream.linear.scatter [tilespmem:s30], [sflag:$0x3], $0x8000, $0x38;
	[tilespmem:$0x10080] =	vst v63  }
0x1e3: {  	_ =	swait.ge [sflag:s23], $0x8000  }
0x1e4: {  	[sflag:s23] =	ssyncset.done $0x0  }
0x1e5: {  	p4 =	seq.s32 s10, $0xA000;
	[sflag:s23] =	ssyncadd.s32 $0xFFFF8000  }
0x1e6: {  	v3 =	vld.msk @!p4 [tilespmem:s4+$0x0], $0xff;
	_ =	sdelay $0x4  }
0x1e7: {  	v4 =	vshll.u32 @!p4 v3, $0x5  }
0x1e8: {  	v5 =	vlaneseq.u32 @!p4;
	v3 =	vand.u32 @!p4 $0x7, v3;
	v4 =	vand.u32 @!p4 $0xFFFFFF00, v4  }
0x1e9: {  	v3 =	vor.u32 @!p4 v3, v4;
	v4 =	vand.u32 @!p4 $0x7, v5;
	v5 =	vshrl.u32 @!p4 v5, $0x3  }
0x1ea: {  	v3 =	vperm.xlane @!p4 v3, v4;
	v4 =	vmul.u32 @!p4 $0x8, v5;
	_ =	sdelay $0x1  }
0x1eb: {  	v3 =	vadd.s32 @!p4 v4, v3;
	_ =	sdelay $0x3  }
0x1ec: {  	vm1 =	vmmov @!p4 $0xffff;
	s9 =	simm.s32 @!p4 $0x80;
	s8 =	simm.s32 @!p4 $0x0  }
0x1ed: {  	[tilespmem:s9], [sflag:$0x1] =	stream.indirect_vreg.gather @!p4 [hbm4b:s13+s8], $0x80, v3, vm1, $0xb8;
	[tilespmem:$0x10080] =	vst v63  }
0x1ee: {  	s9 =	simm.s32 @!p4 $0x880  }
0x1ef: {  	[tilespmem:s9], [sflag:$0x1] =	stream.indirect_vreg.gather @!p4 [hbm4b:s0+s8], $0x80, v3, vm1, $0xb8;
	[tilespmem:$0x10080] =	vst v63  }
0x1f0: {  	s9 =	simm.s32 @!p4 $0x1080  }
0x1f1: {  	[tilespmem:s9], [sflag:$0x1] =	stream.indirect_vreg.gather @!p4 [hbm4b:s1+s8], $0x80, v3, vm1, $0xb8;
	[tilespmem:$0x10080] =	vst v63  }
0x1f2: {  	s9 =	simm.s32 @!p4 $0x1880  }
0x1f3: {  	[tilespmem:s9], [sflag:$0x1] =	stream.indirect_vreg.gather @!p4 [hbm4b:s2+s8], $0x80, v3, vm1, $0xb8;
	[tilespmem:$0x10080] =	vst v63  }
0x1f4: {  	s9 =	simm.s32 @!p4 $0x2080  }
0x1f5: {  	[tilespmem:s9], [sflag:$0x1] =	stream.indirect_vreg.gather @!p4 [hbm4b:s12+s8], $0x80, v3, vm1, $0xb8;
	[tilespmem:$0x10080] =	vst v63  }
0x1f6: {  	s9 =	simm.s32 @!p4 $0x2880  }
0x1f7: {  	[tilespmem:s9], [sflag:$0x1] =	stream.indirect_vreg.gather @!p4 [hbm4b:s14+s8], $0x80, v3, vm1, $0xb8;
	[tilespmem:$0x10080] =	vst v63  }
0x1f8: {  	s9 =	simm.s32 @!p4 $0x3080  }
0x1f9: {  	[tilespmem:s9], [sflag:$0x1] =	stream.indirect_vreg.gather @!p4 [hbm4b:s15+s8], $0x80, v3, vm1, $0xb8;
	[tilespmem:$0x10080] =	vst v63  }
0x1fa: {  	s9 =	simm.s32 @!p4 $0x3880  }
0x1fb: {  	[tilespmem:s9], [sflag:$0x1] =	stream.indirect_vreg.gather @!p4 [hbm4b:s17+s8], $0x80, v3, vm1, $0xb8;
	[tilespmem:$0x10080] =	vst v63  }
0x1fc: {  	s9 =	simm.s32 @!p4 $0x4080  }
0x1fd: {  	[tilespmem:s9], [sflag:$0x1] =	stream.indirect_vreg.gather @!p4 [hbm4b:s18+s8], $0x80, v3, vm1, $0xb8;
	[tilespmem:$0x10080] =	vst v63  }
0x1fe: {  	s9 =	simm.s32 @!p4 $0x4880  }
0x1ff: {  	[tilespmem:s9], [sflag:$0x1] =	stream.indirect_vreg.gather @!p4 [hbm4b:s25+s8], $0x80, v3, vm1, $0xb8;
	[tilespmem:$0x10080] =	vst v63  }
0x200: {  	s9 =	simm.s32 @!p4 $0x5080  }
0x201: {  	[tilespmem:s9], [sflag:$0x1] =	stream.indirect_vreg.gather @!p4 [hbm4b:s26+s8], $0x80, v3, vm1, $0xb8;
	[tilespmem:$0x10080] =	vst v63  }
0x202: {  	s20 =	sld [smem:$0x7FB];
	s9 =	simm.s32 @!p4 $0x5880  }
0x203: {  	[tilespmem:s9], [sflag:$0x1] =	stream.indirect_vreg.gather @!p4 [hbm4b:s28+s8], $0x80, v3, vm1, $0xb8;
	[tilespmem:$0x10080] =	vst v63  }
0x204: {  	s9 =	simm.s32 @!p4 $0x6080  }
0x205: {  	[tilespmem:s9], [sflag:$0x1] =	stream.indirect_vreg.gather @!p4 [hbm4b:s20+s8], $0x80, v3, vm1, $0xb8;
	[tilespmem:$0x10080] =	vst v63  }
0x206: {  	s20 =	sld [smem:$0x7FC];
	_ =	sdelay $0x1  }
0x207: {  	s9 =	simm.s32 @!p4 $0x6880  }
0x208: {  	[tilespmem:s9], [sflag:$0x1] =	stream.indirect_vreg.gather @!p4 [hbm4b:s20+s8], $0x80, v3, vm1, $0xb8;
	[tilespmem:$0x10080] =	vst v63  }
0x209: {  	s20 =	sld [smem:$0x7FD];
	_ =	sdelay $0x1  }
0x20a: {  	s9 =	simm.s32 @!p4 $0x7080  }
0x20b: {  	[tilespmem:s9], [sflag:$0x1] =	stream.indirect_vreg.gather @!p4 [hbm4b:s20+s8], $0x80, v3, vm1, $0xb8;
	[tilespmem:$0x10080] =	vst v63  }
0x20c: {  	s20 =	sld [smem:$0x7EE]  }
0x20d: {  	s22 =	sld [smem:$0x7FD]  }
0x20e: {  	s21 =	sld [smem:$0x7FC];
	s9 =	simm.s32 @!p4 $0x7880  }
0x20f: {  	[tilespmem:s9], [sflag:$0x1] =	stream.indirect_vreg.gather @!p4 [hbm4b:s20+s8], $0x80, v3, vm1, $0xb8;
	[tilespmem:$0x10080] =	vst v63  }
0x210: {  	s8 =	sld [smem:$0x7EE]  }
0x211: {  	s10 =	sadd.s32 $0x2000, s10;
	s20 =	sld [smem:$0x7FB];
	_ =	swait.ge [sflag:s7], $0x8000  }
0x212: {  	p4 =	seq.s32 s10, $0xC000;
	[sflag:s7] =	ssyncset.done $0x0  }
.Ltmp6:
0x213: {  	s5 =	sadd.s32 $0x1000, s5;
	[sflag:s7] =	ssyncadd.s32 $0xFFFF8000;
	(pc) =	sbr.rel @!p4 .LBB3_8-.Ltmp6, $4  }
0x214: {  	[hbm4b:s5+s11] =	stream.linear.scatter [tilespmem:s19], [sflag:$0x3], $0x8000, $0x38;
	[tilespmem:$0x10080] =	vst v63  }
0x215: {  	_ =	swait.ge [sflag:s23], $0x8000  }
0x216: {  	[sflag:s23] =	ssyncset.done $0x0  }
0x217: {  	s4 =	sadd.s32 $0x10, s4;
	[sflag:s23] =	ssyncadd.s32 $0xFFFF8000  }
.Ltmp7:
0x218: {  	_ = 	snop;
	(pc) =	sbr.rel .LBB3_15-.Ltmp7, $1  }
0x219: {  	_ =	sdelay $0x3  }
.LBB3_9:
0x21a: {  	v3 =	vld.msk [tilespmem:$0x0], $0xff;
	_ =	sdelay $0x4  }
0x21b: {  	v4 =	vshll.u32 v3, $0x5  }
0x21c: {  	v3 =	vand.u32 $0x7, v3;
	v4 =	vand.u32 $0xFFFFFF00, v4  }
0x21d: {  	v3 =	vor.u32 v3, v4  }
0x21e: {  	v3 =	vperm.xlane v3, v1;
	_ =	sdelay $0x1  }
0x21f: {  	v3 =	vadd.s32 v2, v3;
	_ =	sdelay $0x4  }
0x220: {  	[tilespmem:s30], [sflag:$0x1] =	stream.indirect_vreg.gather [hbm4b:s4+s11], $0x80, v3, vm0, $0xb8;
	[tilespmem:$0x10080] =	vst v63  }
0x221: {  	s1 =	simm.s32 $0x880  }
0x222: {  	[tilespmem:s1], [sflag:$0x1] =	stream.indirect_vreg.gather [hbm4b:s14+s11], $0x80, v3, vm0, $0xb8;
	[tilespmem:$0x10080] =	vst v63  }
0x223: {  	s13 =	simm.s32 $0x1080  }
0x224: {  	[tilespmem:s13], [sflag:$0x1] =	stream.indirect_vreg.gather [hbm4b:s15+s11], $0x80, v3, vm0, $0xb8;
	[tilespmem:$0x10080] =	vst v63  }
0x225: {  	s16 =	simm.s32 $0x1880  }
0x226: {  	[tilespmem:s16], [sflag:$0x1] =	stream.indirect_vreg.gather [hbm4b:s0+s11], $0x80, v3, vm0, $0xb8;
	[tilespmem:$0x10080] =	vst v63  }
0x227: {  	s20 =	simm.s32 $0x2080  }
0x228: {  	[tilespmem:s20], [sflag:$0x1] =	stream.indirect_vreg.gather [hbm4b:s2+s11], $0x80, v3, vm0, $0xb8;
	[tilespmem:$0x10080] =	vst v63  }
0x229: {  	s21 =	simm.s32 $0x2880  }
0x22a: {  	[tilespmem:s21], [sflag:$0x1] =	stream.indirect_vreg.gather [hbm4b:s17+s11], $0x80, v3, vm0, $0xb8;
	[tilespmem:$0x10080] =	vst v63  }
0x22b: {  	s22 =	simm.s32 $0x3080  }
0x22c: {  	[tilespmem:s22], [sflag:$0x1] =	stream.indirect_vreg.gather [hbm4b:s18+s11], $0x80, v3, vm0, $0xb8;
	[tilespmem:$0x10080] =	vst v63  }
0x22d: {  	s5 =	simm.s32 $0x3880  }
0x22e: {  	[tilespmem:s5], [sflag:$0x1] =	stream.indirect_vreg.gather [hbm4b:s25+s11], $0x80, v3, vm0, $0xb8;
	[tilespmem:$0x10080] =	vst v63  }
0x22f: {  	s6 =	simm.s32 $0x4080;
	s9 =	simm.s32 $0x4880  }
0x230: {  	[tilespmem:s6], [sflag:$0x1] =	stream.indirect_vreg.gather [hbm4b:s26+s11], $0x80, v3, vm0, $0xb8;
	[tilespmem:$0x10080] =	vst v63  }
0x231: {  	s10 =	simm.s32 $0x5080;
	s31 =	smov.u32 s24;
	s30 =	smov.u32 s8  }
0x232: {  	[tilespmem:s9], [sflag:$0x1] =	stream.indirect_vreg.gather [hbm4b:s28+s11], $0x80, v3, vm0, $0xb8;
	[tilespmem:$0x10080] =	vst v63  }
0x233: {  	s1 =	smov.u32 s0;
	s13 =	simm.s32 $0x5880;
	s16 =	simm.s32 $0x6080  }
0x234: {  	[tilespmem:s10], [sflag:$0x1] =	stream.indirect_vreg.gather [hbm4b:s29+s11], $0x80, v3, vm0, $0xb8;
	[tilespmem:$0x10080] =	vst v63  }
0x235: {  	s0 =	smov.u32 s15;
	s15 =	smov.u32 s14;
	s14 =	rddreg [dreg:$0x14]  }
0x236: {  	[tilespmem:s13], [sflag:$0x1] =	stream.indirect_vreg.gather [hbm4b:s8+s11], $0x80, v3, vm0, $0xb8;
	[tilespmem:$0x10080] =	vst v63  }
0x237: {  	s20 =	simm.s32 $0x6880;
	s21 =	simm.s32 $0x7080;
	s5 =	rddreg [dreg:$0x19]  }
0x238: {  	[tilespmem:s16], [sflag:$0x1] =	stream.indirect_vreg.gather [hbm4b:s24+s11], $0x80, v3, vm0, $0xb8;
	[tilespmem:$0x10080] =	vst v63  }
0x239: {  	s22 =	simm.s32 $0x7880;
	s6 =	smov.u32 s19;
	s9 =	rddreg [dreg:$0x5]  }
0x23a: {  	[tilespmem:s20], [sflag:$0x1] =	stream.indirect_vreg.gather [hbm4b:s12+s11], $0x80, v3, vm0, $0xb8;
	[tilespmem:$0x10080] =	vst v63  }
0x23b: {  	s10 =	simm.s32 $0xFFFA0000;
	s13 =	smov.u32 s4;
	s16 =	sld [smem:$0x7F9]  }
0x23c: {  	[tilespmem:s21], [sflag:$0x1] =	stream.indirect_vreg.gather [hbm4b:s19+s11], $0x80, v3, vm0, $0xb8;
	[tilespmem:$0x10080] =	vst v63  }
0x23d: {  	s4 =	simm.s32 $0x10;
	s8 =	simm.s32 $0x9880;
	s24 =	simm.s32 $0xE880  }
0x23e: {  	[tilespmem:s22], [sflag:$0x1] =	stream.indirect_vreg.gather [hbm4b:s16+s11], $0x80, v3, vm0, $0xb8;
	[tilespmem:$0x10080] =	vst v63  }
0x23f: {  	s21 =	simm.s32 $0xA880;
	s19 =	simm.s32 $0x8080;
	s22 =	simm.s32 $0xB080  }
.LBB3_10:
0x240: {  	v3 =	vld.msk [tilespmem:s4+$0xFFFFFFF8], $0xff;
	_ =	sdelay $0x4  }
0x241: {  	v4 =	vshll.u32 v3, $0x5  }
0x242: {  	v3 =	vand.u32 $0x7, v3;
	v4 =	vand.u32 $0xFFFFFF00, v4  }
0x243: {  	v3 =	vor.u32 v3, v4  }
0x244: {  	v3 =	vperm.xlane v3, v1;
	_ =	sdelay $0x1  }
0x245: {  	v3 =	vadd.s32 v2, v3;
	_ =	sdelay $0x4  }
0x246: {  	[tilespmem:s19], [sflag:$0x2] =	stream.indirect_vreg.gather [hbm4b:s13+s11], $0x80, v3, vm0, $0xb8;
	[tilespmem:$0x10080] =	vst v63  }
0x247: {  	s20 =	simm.s32 $0x8880  }
0x248: {  	[tilespmem:s20], [sflag:$0x2] =	stream.indirect_vreg.gather [hbm4b:s15+s11], $0x80, v3, vm0, $0xb8;
	[tilespmem:$0x10080] =	vst v63  }
0x249: {  	s20 =	simm.s32 $0x9080  }
0x24a: {  	[tilespmem:s20], [sflag:$0x2] =	stream.indirect_vreg.gather [hbm4b:s0+s11], $0x80, v3, vm0, $0xb8;
	[tilespmem:$0x10080] =	vst v63  }
0x24b: {  	_ = 	snop  }
0x24c: {  	[tilespmem:s8], [sflag:$0x2] =	stream.indirect_vreg.gather [hbm4b:s1+s11], $0x80, v3, vm0, $0xb8;
	[tilespmem:$0x10080] =	vst v63  }
0x24d: {  	s8 =	simm.s32 $0xA080  }
0x24e: {  	[tilespmem:s8], [sflag:$0x2] =	stream.indirect_vreg.gather [hbm4b:s2+s11], $0x80, v3, vm0, $0xb8;
	[tilespmem:$0x10080] =	vst v63  }
0x24f: {  	_ = 	snop  }
0x250: {  	[tilespmem:s21], [sflag:$0x2] =	stream.indirect_vreg.gather [hbm4b:s17+s11], $0x80, v3, vm0, $0xb8;
	[tilespmem:$0x10080] =	vst v63  }
0x251: {  	_ = 	snop  }
0x252: {  	[tilespmem:s22], [sflag:$0x2] =	stream.indirect_vreg.gather [hbm4b:s18+s11], $0x80, v3, vm0, $0xb8;
	[tilespmem:$0x10080] =	vst v63  }
0x253: {  	s8 =	simm.s32 $0xB880  }
0x254: {  	[tilespmem:s8], [sflag:$0x2] =	stream.indirect_vreg.gather [hbm4b:s25+s11], $0x80, v3, vm0, $0xb8;
	[tilespmem:$0x10080] =	vst v63  }
0x255: {  	s8 =	simm.s32 $0xC080  }
0x256: {  	[tilespmem:s8], [sflag:$0x2] =	stream.indirect_vreg.gather [hbm4b:s26+s11], $0x80, v3, vm0, $0xb8;
	[tilespmem:$0x10080] =	vst v63  }
0x257: {  	s8 =	simm.s32 $0xC880  }
0x258: {  	[tilespmem:s8], [sflag:$0x2] =	stream.indirect_vreg.gather [hbm4b:s28+s11], $0x80, v3, vm0, $0xb8;
	[tilespmem:$0x10080] =	vst v63  }
0x259: {  	s8 =	simm.s32 $0xD080  }
0x25a: {  	[tilespmem:s8], [sflag:$0x2] =	stream.indirect_vreg.gather [hbm4b:s29+s11], $0x80, v3, vm0, $0xb8;
	[tilespmem:$0x10080] =	vst v63  }
0x25b: {  	s8 =	simm.s32 $0xD880  }
0x25c: {  	[tilespmem:s8], [sflag:$0x2] =	stream.indirect_vreg.gather [hbm4b:s30+s11], $0x80, v3, vm0, $0xb8;
	[tilespmem:$0x10080] =	vst v63  }
0x25d: {  	s8 =	simm.s32 $0xE080  }
0x25e: {  	[tilespmem:s8], [sflag:$0x2] =	stream.indirect_vreg.gather [hbm4b:s31+s11], $0x80, v3, vm0, $0xb8;
	[tilespmem:$0x10080] =	vst v63  }
0x25f: {  	_ = 	snop  }
0x260: {  	[tilespmem:s24], [sflag:$0x2] =	stream.indirect_vreg.gather [hbm4b:s12+s11], $0x80, v3, vm0, $0xb8;
	[tilespmem:$0x10080] =	vst v63  }
0x261: {  	s8 =	simm.s32 $0xF080  }
0x262: {  	[tilespmem:s8], [sflag:$0x2] =	stream.indirect_vreg.gather [hbm4b:s6+s11], $0x80, v3, vm0, $0xb8;
	[tilespmem:$0x10080] =	vst v63  }
0x263: {  	s8 =	simm.s32 $0xF880  }
0x264: {  	[tilespmem:s8], [sflag:$0x2] =	stream.indirect_vreg.gather [hbm4b:s16+s11], $0x80, v3, vm0, $0xb8;
	[tilespmem:$0x10080] =	vst v63  }
0x265: {  	s8 =	sadd.s32 s10, s14;
	_ =	swait.ge [sflag:s3], $0x8000  }
0x266: {  	s8 =	sshrl.u32 s8, $0x3;
	[sflag:s3] =	ssyncset.done $0x0  }
0x267: {  	s8 =	sadd.s32 s9, s8;
	s9 =	simm.s32 $0x80;
	[sflag:s3] =	ssyncadd.s32 $0xFFFF8000  }
0x268: {  	[hbm4b:s8+s11] =	stream.linear.scatter [tilespmem:s9], [sflag:$0x3], $0x8000, $0x38;
	[tilespmem:$0x10080] =	vst v63  }
0x269: {  	_ =	swait.ge [sflag:s23], $0x8000  }
0x26a: {  	[sflag:s23] =	ssyncset.done $0x0  }
0x26b: {  	p4 =	seq.s32 s10, $0xFFFF0000;
	[sflag:s23] =	ssyncadd.s32 $0xFFFF8000  }
0x26c: {  	v3 =	vld.msk @!p4 [tilespmem:s4+$0x0], $0xff;
	_ =	sdelay $0x4  }
0x26d: {  	v4 =	vshll.u32 @!p4 v3, $0x5  }
0x26e: {  	v5 =	vlaneseq.u32 @!p4;
	v3 =	vand.u32 @!p4 $0x7, v3;
	v4 =	vand.u32 @!p4 $0xFFFFFF00, v4  }
0x26f: {  	v3 =	vor.u32 @!p4 v3, v4;
	v4 =	vand.u32 @!p4 $0x7, v5;
	v5 =	vshrl.u32 @!p4 v5, $0x3  }
0x270: {  	v3 =	vperm.xlane @!p4 v3, v4;
	v4 =	vmul.u32 @!p4 $0x8, v5;
	_ =	sdelay $0x1  }
0x271: {  	v3 =	vadd.s32 @!p4 v4, v3;
	_ =	sdelay $0x3  }
0x272: {  	vm1 =	vmmov @!p4 $0xffff;
	s8 =	simm.s32 @!p4 $0x0;
	s9 =	simm.s32 @!p4 $0x80  }
0x273: {  	[tilespmem:s9], [sflag:$0x1] =	stream.indirect_vreg.gather @!p4 [hbm4b:s13+s8], $0x80, v3, vm1, $0xb8;
	[tilespmem:$0x10080] =	vst v63  }
0x274: {  	s9 =	simm.s32 @!p4 $0x880  }
0x275: {  	[tilespmem:s9], [sflag:$0x1] =	stream.indirect_vreg.gather @!p4 [hbm4b:s15+s8], $0x80, v3, vm1, $0xb8;
	[tilespmem:$0x10080] =	vst v63  }
0x276: {  	s9 =	simm.s32 @!p4 $0x1080  }
0x277: {  	[tilespmem:s9], [sflag:$0x1] =	stream.indirect_vreg.gather @!p4 [hbm4b:s0+s8], $0x80, v3, vm1, $0xb8;
	[tilespmem:$0x10080] =	vst v63  }
0x278: {  	s9 =	simm.s32 @!p4 $0x1880  }
0x279: {  	[tilespmem:s9], [sflag:$0x1] =	stream.indirect_vreg.gather @!p4 [hbm4b:s1+s8], $0x80, v3, vm1, $0xb8;
	[tilespmem:$0x10080] =	vst v63  }
0x27a: {  	s9 =	simm.s32 @!p4 $0x2080  }
0x27b: {  	[tilespmem:s9], [sflag:$0x1] =	stream.indirect_vreg.gather @!p4 [hbm4b:s2+s8], $0x80, v3, vm1, $0xb8;
	[tilespmem:$0x10080] =	vst v63  }
0x27c: {  	s9 =	simm.s32 @!p4 $0x2880  }
0x27d: {  	[tilespmem:s9], [sflag:$0x1] =	stream.indirect_vreg.gather @!p4 [hbm4b:s17+s8], $0x80, v3, vm1, $0xb8;
	[tilespmem:$0x10080] =	vst v63  }
0x27e: {  	s9 =	simm.s32 @!p4 $0x3080  }
0x27f: {  	[tilespmem:s9], [sflag:$0x1] =	stream.indirect_vreg.gather @!p4 [hbm4b:s18+s8], $0x80, v3, vm1, $0xb8;
	[tilespmem:$0x10080] =	vst v63  }
0x280: {  	s9 =	simm.s32 @!p4 $0x3880  }
0x281: {  	[tilespmem:s9], [sflag:$0x1] =	stream.indirect_vreg.gather @!p4 [hbm4b:s25+s8], $0x80, v3, vm1, $0xb8;
	[tilespmem:$0x10080] =	vst v63  }
0x282: {  	s9 =	simm.s32 @!p4 $0x4080  }
0x283: {  	[tilespmem:s9], [sflag:$0x1] =	stream.indirect_vreg.gather @!p4 [hbm4b:s26+s8], $0x80, v3, vm1, $0xb8;
	[tilespmem:$0x10080] =	vst v63  }
0x284: {  	s9 =	simm.s32 @!p4 $0x4880  }
0x285: {  	[tilespmem:s9], [sflag:$0x1] =	stream.indirect_vreg.gather @!p4 [hbm4b:s28+s8], $0x80, v3, vm1, $0xb8;
	[tilespmem:$0x10080] =	vst v63  }
0x286: {  	s9 =	simm.s32 @!p4 $0x5080  }
0x287: {  	[tilespmem:s9], [sflag:$0x1] =	stream.indirect_vreg.gather @!p4 [hbm4b:s29+s8], $0x80, v3, vm1, $0xb8;
	[tilespmem:$0x10080] =	vst v63  }
0x288: {  	s9 =	simm.s32 @!p4 $0x5880  }
0x289: {  	[tilespmem:s9], [sflag:$0x1] =	stream.indirect_vreg.gather @!p4 [hbm4b:s30+s8], $0x80, v3, vm1, $0xb8;
	[tilespmem:$0x10080] =	vst v63  }
0x28a: {  	s9 =	simm.s32 @!p4 $0x6080  }
0x28b: {  	[tilespmem:s9], [sflag:$0x1] =	stream.indirect_vreg.gather @!p4 [hbm4b:s31+s8], $0x80, v3, vm1, $0xb8;
	[tilespmem:$0x10080] =	vst v63  }
0x28c: {  	s9 =	simm.s32 @!p4 $0x6880  }
0x28d: {  	[tilespmem:s9], [sflag:$0x1] =	stream.indirect_vreg.gather @!p4 [hbm4b:s12+s8], $0x80, v3, vm1, $0xb8;
	[tilespmem:$0x10080] =	vst v63  }
0x28e: {  	s9 =	simm.s32 @!p4 $0x7080  }
0x28f: {  	[tilespmem:s9], [sflag:$0x1] =	stream.indirect_vreg.gather @!p4 [hbm4b:s6+s8], $0x80, v3, vm1, $0xb8;
	[tilespmem:$0x10080] =	vst v63  }
0x290: {  	s9 =	simm.s32 @!p4 $0x7880  }
0x291: {  	[tilespmem:s9], [sflag:$0x1] =	stream.indirect_vreg.gather @!p4 [hbm4b:s16+s8], $0x80, v3, vm1, $0xb8;
	[tilespmem:$0x10080] =	vst v63  }
0x292: {  	s10 =	sadd.s32 $0x10000, s10;
	s9 =	rddreg [dreg:$0x5];
	_ =	swait.ge [sflag:s7], $0x8000  }
0x293: {  	s8 =	sand.u32 $0x1FFFF000, s5;
	p4 =	sne.s32 s10, $0x0;
	[sflag:s7] =	ssyncset.done $0x0  }
.Ltmp8:
0x294: {  	s8 =	sadd.s32 s9, s8;
	[sflag:s7] =	ssyncadd.s32 $0xFFFF8000;
	(pc) =	sbr.rel @p4 .LBB3_10-.Ltmp8, $4  }
0x295: {  	[hbm4b:s8+s11] =	stream.linear.scatter [tilespmem:s19], [sflag:$0x3], $0x8000, $0x38;
	[tilespmem:$0x10080] =	vst v63  }
0x296: {  	_ =	swait.ge [sflag:s23], $0x8000  }
0x297: {  	s4 =	sadd.s32 $0x10, s4;
	[sflag:s23] =	ssyncset.done $0x0  }
0x298: {  	s5 =	sadd.s32 $0x2000, s5;
	s8 =	simm.s32 $0x9880;
	[sflag:s23] =	ssyncadd.s32 $0xFFFF8000  }
0x299: {  	v3 =	vld.msk [tilespmem:$0x0], $0xff;
	_ =	sdelay $0x4  }
0x29a: {  	v4 =	vshll.u32 v3, $0x5  }
0x29b: {  	v3 =	vand.u32 $0x7, v3;
	v4 =	vand.u32 $0xFFFFFF00, v4  }
0x29c: {  	v3 =	vor.u32 v3, v4  }
0x29d: {  	v3 =	vperm.xlane v3, v1;
	_ =	sdelay $0x1  }
0x29e: {  	v3 =	vadd.s32 v2, v3;
	_ =	sdelay $0x2  }
0x29f: {  	s13 =	rddreg [dreg:$0x1]  }
0x2a0: {  	s0 =	simm.s32 $0x80;
	s16 =	sld [smem:$0x7FA]  }
0x2a1: {  	[tilespmem:s0], [sflag:$0x1] =	stream.indirect_vreg.gather [hbm4b:s13+s11], $0x80, v3, vm0, $0xb8;
	[tilespmem:$0x10080] =	vst v63  }
0x2a2: {  	s17 =	simm.s32 $0x880;
	s0 =	sld [smem:$0x7D5]  }
0x2a3: {  	[tilespmem:s17], [sflag:$0x1] =	stream.indirect_vreg.gather [hbm4b:s16+s11], $0x80, v3, vm0, $0xb8;
	[tilespmem:$0x10080] =	vst v63  }
0x2a4: {  	s1 =	simm.s32 $0x1080  }
0x2a5: {  	[tilespmem:s1], [sflag:$0x1] =	stream.indirect_vreg.gather [hbm4b:s0+s11], $0x80, v3, vm0, $0xb8;
	[tilespmem:$0x10080] =	vst v63  }
0x2a6: {  	s1 =	sld [smem:$0x7D6];
	_ =	sdelay $0x1  }
0x2a7: {  	s2 =	simm.s32 $0x1880  }
0x2a8: {  	[tilespmem:s2], [sflag:$0x1] =	stream.indirect_vreg.gather [hbm4b:s1+s11], $0x80, v3, vm0, $0xb8;
	[tilespmem:$0x10080] =	vst v63  }
0x2a9: {  	s2 =	sld [smem:$0x7D7];
	_ =	sdelay $0x1  }
0x2aa: {  	s4 =	simm.s32 $0x2080;
	s6 =	sld [smem:$0x7D8]  }
0x2ab: {  	[tilespmem:s4], [sflag:$0x1] =	stream.indirect_vreg.gather [hbm4b:s2+s11], $0x80, v3, vm0, $0xb8;
	[tilespmem:$0x10080] =	vst v63  }
0x2ac: {  	s18 =	simm.s32 $0x2880;
	s12 =	sld [smem:$0x7D9]  }
0x2ad: {  	[tilespmem:s18], [sflag:$0x1] =	stream.indirect_vreg.gather [hbm4b:s6+s11], $0x80, v3, vm0, $0xb8;
	[tilespmem:$0x10080] =	vst v63  }
0x2ae: {  	s25 =	simm.s32 $0x3080;
	s15 =	sld [smem:$0x7DA]  }
0x2af: {  	[tilespmem:s25], [sflag:$0x1] =	stream.indirect_vreg.gather [hbm4b:s12+s11], $0x80, v3, vm0, $0xb8;
	[tilespmem:$0x10080] =	vst v63  }
0x2b0: {  	s26 =	simm.s32 $0x3880;
	s17 =	sld [smem:$0x7DB]  }
0x2b1: {  	[tilespmem:s26], [sflag:$0x1] =	stream.indirect_vreg.gather [hbm4b:s15+s11], $0x80, v3, vm0, $0xb8;
	[tilespmem:$0x10080] =	vst v63  }
0x2b2: {  	s5 =	simm.s32 $0x4080;
	s18 =	sld [smem:$0x7DC]  }
0x2b3: {  	[tilespmem:s5], [sflag:$0x1] =	stream.indirect_vreg.gather [hbm4b:s17+s11], $0x80, v3, vm0, $0xb8;
	[tilespmem:$0x10080] =	vst v63  }
0x2b4: {  	s8 =	simm.s32 $0x4880;
	s25 =	sld [smem:$0x7DD]  }
0x2b5: {  	[tilespmem:s8], [sflag:$0x1] =	stream.indirect_vreg.gather [hbm4b:s18+s11], $0x80, v3, vm0, $0xb8;
	[tilespmem:$0x10080] =	vst v63  }
0x2b6: {  	s9 =	simm.s32 $0x5080;
	s26 =	sld [smem:$0x7DE]  }
0x2b7: {  	[tilespmem:s9], [sflag:$0x1] =	stream.indirect_vreg.gather [hbm4b:s25+s11], $0x80, v3, vm0, $0xb8;
	[tilespmem:$0x10080] =	vst v63  }
0x2b8: {  	s10 =	simm.s32 $0x5880;
	s28 =	sld [smem:$0x7DF]  }
0x2b9: {  	[tilespmem:s10], [sflag:$0x1] =	stream.indirect_vreg.gather [hbm4b:s26+s11], $0x80, v3, vm0, $0xb8;
	[tilespmem:$0x10080] =	vst v63  }
0x2ba: {  	s29 =	sld [smem:$0x7E0];
	s5 =	simm.s32 $0x6080  }
0x2bb: {  	[tilespmem:s5], [sflag:$0x1] =	stream.indirect_vreg.gather [hbm4b:s28+s11], $0x80, v3, vm0, $0xb8;
	[tilespmem:$0x10080] =	vst v63  }
0x2bc: {  	s30 =	sld [smem:$0x7E1];
	s8 =	simm.s32 $0x6880  }
0x2bd: {  	[tilespmem:s8], [sflag:$0x1] =	stream.indirect_vreg.gather [hbm4b:s29+s11], $0x80, v3, vm0, $0xb8;
	[tilespmem:$0x10080] =	vst v63  }
0x2be: {  	s31 =	sld [smem:$0x7E2];
	s9 =	simm.s32 $0x7080  }
0x2bf: {  	[tilespmem:s9], [sflag:$0x1] =	stream.indirect_vreg.gather [hbm4b:s30+s11], $0x80, v3, vm0, $0xb8;
	[tilespmem:$0x10080] =	vst v63  }
0x2c0: {  	s10 =	simm.s32 $0x7880;
	s5 =	rddreg [dreg:$0x19]  }
0x2c1: {  	[tilespmem:s10], [sflag:$0x1] =	stream.indirect_vreg.gather [hbm4b:s31+s11], $0x80, v3, vm0, $0xb8;
	[tilespmem:$0x10080] =	vst v63  }
0x2c2: {  	s4 =	simm.s32 $0x10;
	s9 =	rddreg [dreg:$0x9];
	s10 =	simm.s32 $0xFFFA0000  }
.LBB3_12:
0x2c3: {  	v3 =	vld.msk [tilespmem:s4+$0xFFFFFFF8], $0xff;
	_ =	sdelay $0x4  }
0x2c4: {  	v4 =	vshll.u32 v3, $0x5  }
0x2c5: {  	v3 =	vand.u32 $0x7, v3;
	v4 =	vand.u32 $0xFFFFFF00, v4  }
0x2c6: {  	v3 =	vor.u32 v3, v4  }
0x2c7: {  	v3 =	vperm.xlane v3, v1;
	_ =	sdelay $0x1  }
0x2c8: {  	v3 =	vadd.s32 v2, v3;
	_ =	sdelay $0x4  }
0x2c9: {  	[tilespmem:s19], [sflag:$0x2] =	stream.indirect_vreg.gather [hbm4b:s13+s11], $0x80, v3, vm0, $0xb8;
	[tilespmem:$0x10080] =	vst v63  }
0x2ca: {  	s8 =	simm.s32 $0x8880  }
0x2cb: {  	[tilespmem:s8], [sflag:$0x2] =	stream.indirect_vreg.gather [hbm4b:s16+s11], $0x80, v3, vm0, $0xb8;
	[tilespmem:$0x10080] =	vst v63  }
0x2cc: {  	_ = 	snop  }
0x2cd: {  	[tilespmem:s20], [sflag:$0x2] =	stream.indirect_vreg.gather [hbm4b:s0+s11], $0x80, v3, vm0, $0xb8;
	[tilespmem:$0x10080] =	vst v63  }
0x2ce: {  	s8 =	simm.s32 $0x9880  }
0x2cf: {  	[tilespmem:s8], [sflag:$0x2] =	stream.indirect_vreg.gather [hbm4b:s1+s11], $0x80, v3, vm0, $0xb8;
	[tilespmem:$0x10080] =	vst v63  }
0x2d0: {  	s8 =	simm.s32 $0xA080  }
0x2d1: {  	[tilespmem:s8], [sflag:$0x2] =	stream.indirect_vreg.gather [hbm4b:s2+s11], $0x80, v3, vm0, $0xb8;
	[tilespmem:$0x10080] =	vst v63  }
0x2d2: {  	_ = 	snop  }
0x2d3: {  	[tilespmem:s21], [sflag:$0x2] =	stream.indirect_vreg.gather [hbm4b:s6+s11], $0x80, v3, vm0, $0xb8;
	[tilespmem:$0x10080] =	vst v63  }
0x2d4: {  	_ = 	snop  }
0x2d5: {  	[tilespmem:s22], [sflag:$0x2] =	stream.indirect_vreg.gather [hbm4b:s12+s11], $0x80, v3, vm0, $0xb8;
	[tilespmem:$0x10080] =	vst v63  }
0x2d6: {  	s8 =	simm.s32 $0xB880  }
0x2d7: {  	[tilespmem:s8], [sflag:$0x2] =	stream.indirect_vreg.gather [hbm4b:s15+s11], $0x80, v3, vm0, $0xb8;
	[tilespmem:$0x10080] =	vst v63  }
0x2d8: {  	s8 =	simm.s32 $0xC080  }
0x2d9: {  	[tilespmem:s8], [sflag:$0x2] =	stream.indirect_vreg.gather [hbm4b:s17+s11], $0x80, v3, vm0, $0xb8;
	[tilespmem:$0x10080] =	vst v63  }
0x2da: {  	s8 =	simm.s32 $0xC880  }
0x2db: {  	[tilespmem:s8], [sflag:$0x2] =	stream.indirect_vreg.gather [hbm4b:s18+s11], $0x80, v3, vm0, $0xb8;
	[tilespmem:$0x10080] =	vst v63  }
0x2dc: {  	s8 =	simm.s32 $0xD080  }
0x2dd: {  	[tilespmem:s8], [sflag:$0x2] =	stream.indirect_vreg.gather [hbm4b:s25+s11], $0x80, v3, vm0, $0xb8;
	[tilespmem:$0x10080] =	vst v63  }
0x2de: {  	s8 =	simm.s32 $0xD880  }
0x2df: {  	[tilespmem:s8], [sflag:$0x2] =	stream.indirect_vreg.gather [hbm4b:s26+s11], $0x80, v3, vm0, $0xb8;
	[tilespmem:$0x10080] =	vst v63  }
0x2e0: {  	s8 =	simm.s32 $0xE080  }
0x2e1: {  	[tilespmem:s8], [sflag:$0x2] =	stream.indirect_vreg.gather [hbm4b:s28+s11], $0x80, v3, vm0, $0xb8;
	[tilespmem:$0x10080] =	vst v63  }
0x2e2: {  	_ = 	snop  }
0x2e3: {  	[tilespmem:s24], [sflag:$0x2] =	stream.indirect_vreg.gather [hbm4b:s29+s11], $0x80, v3, vm0, $0xb8;
	[tilespmem:$0x10080] =	vst v63  }
0x2e4: {  	s8 =	simm.s32 $0xF080  }
0x2e5: {  	[tilespmem:s8], [sflag:$0x2] =	stream.indirect_vreg.gather [hbm4b:s30+s11], $0x80, v3, vm0, $0xb8;
	[tilespmem:$0x10080] =	vst v63  }
0x2e6: {  	s8 =	simm.s32 $0xF880  }
0x2e7: {  	[tilespmem:s8], [sflag:$0x2] =	stream.indirect_vreg.gather [hbm4b:s31+s11], $0x80, v3, vm0, $0xb8;
	[tilespmem:$0x10080] =	vst v63  }
0x2e8: {  	s8 =	sadd.s32 s10, s14;
	_ =	swait.ge [sflag:s3], $0x8000  }
0x2e9: {  	s8 =	sshrl.u32 s8, $0x3;
	[sflag:s3] =	ssyncset.done $0x0  }
0x2ea: {  	s8 =	sadd.s32 s9, s8;
	s9 =	simm.s32 $0x80;
	[sflag:s3] =	ssyncadd.s32 $0xFFFF8000  }
0x2eb: {  	[hbm4b:s8+s11] =	stream.linear.scatter [tilespmem:s9], [sflag:$0x3], $0x8000, $0x38;
	[tilespmem:$0x10080] =	vst v63  }
0x2ec: {  	_ =	swait.ge [sflag:s23], $0x8000  }
0x2ed: {  	[sflag:s23] =	ssyncset.done $0x0  }
0x2ee: {  	p4 =	seq.s32 s10, $0xFFFF0000;
	[sflag:s23] =	ssyncadd.s32 $0xFFFF8000  }
0x2ef: {  	v3 =	vld.msk @!p4 [tilespmem:s4+$0x0], $0xff;
	_ =	sdelay $0x4  }
0x2f0: {  	v4 =	vshll.u32 @!p4 v3, $0x5  }
0x2f1: {  	v5 =	vlaneseq.u32 @!p4;
	v3 =	vand.u32 @!p4 $0x7, v3;
	v4 =	vand.u32 @!p4 $0xFFFFFF00, v4  }
0x2f2: {  	v3 =	vor.u32 @!p4 v3, v4;
	v4 =	vand.u32 @!p4 $0x7, v5;
	v5 =	vshrl.u32 @!p4 v5, $0x3  }
0x2f3: {  	v3 =	vperm.xlane @!p4 v3, v4;
	v4 =	vmul.u32 @!p4 $0x8, v5;
	_ =	sdelay $0x1  }
0x2f4: {  	v3 =	vadd.s32 @!p4 v4, v3;
	_ =	sdelay $0x3  }
0x2f5: {  	vm1 =	vmmov @!p4 $0xffff;
	s8 =	simm.s32 @!p4 $0x0;
	s9 =	simm.s32 @!p4 $0x80  }
0x2f6: {  	[tilespmem:s9], [sflag:$0x1] =	stream.indirect_vreg.gather @!p4 [hbm4b:s13+s8], $0x80, v3, vm1, $0xb8;
	[tilespmem:$0x10080] =	vst v63  }
0x2f7: {  	s9 =	simm.s32 @!p4 $0x880  }
0x2f8: {  	[tilespmem:s9], [sflag:$0x1] =	stream.indirect_vreg.gather @!p4 [hbm4b:s16+s8], $0x80, v3, vm1, $0xb8;
	[tilespmem:$0x10080] =	vst v63  }
0x2f9: {  	s9 =	simm.s32 @!p4 $0x1080  }
0x2fa: {  	[tilespmem:s9], [sflag:$0x1] =	stream.indirect_vreg.gather @!p4 [hbm4b:s0+s8], $0x80, v3, vm1, $0xb8;
	[tilespmem:$0x10080] =	vst v63  }
0x2fb: {  	s9 =	simm.s32 @!p4 $0x1880  }
0x2fc: {  	[tilespmem:s9], [sflag:$0x1] =	stream.indirect_vreg.gather @!p4 [hbm4b:s1+s8], $0x80, v3, vm1, $0xb8;
	[tilespmem:$0x10080] =	vst v63  }
0x2fd: {  	s9 =	simm.s32 @!p4 $0x2080  }
0x2fe: {  	[tilespmem:s9], [sflag:$0x1] =	stream.indirect_vreg.gather @!p4 [hbm4b:s2+s8], $0x80, v3, vm1, $0xb8;
	[tilespmem:$0x10080] =	vst v63  }
0x2ff: {  	s9 =	simm.s32 @!p4 $0x2880  }
0x300: {  	[tilespmem:s9], [sflag:$0x1] =	stream.indirect_vreg.gather @!p4 [hbm4b:s6+s8], $0x80, v3, vm1, $0xb8;
	[tilespmem:$0x10080] =	vst v63  }
0x301: {  	s9 =	simm.s32 @!p4 $0x3080  }
0x302: {  	[tilespmem:s9], [sflag:$0x1] =	stream.indirect_vreg.gather @!p4 [hbm4b:s12+s8], $0x80, v3, vm1, $0xb8;
	[tilespmem:$0x10080] =	vst v63  }
0x303: {  	s9 =	simm.s32 @!p4 $0x3880  }
0x304: {  	[tilespmem:s9], [sflag:$0x1] =	stream.indirect_vreg.gather @!p4 [hbm4b:s15+s8], $0x80, v3, vm1, $0xb8;
	[tilespmem:$0x10080] =	vst v63  }
0x305: {  	s9 =	simm.s32 @!p4 $0x4080  }
0x306: {  	[tilespmem:s9], [sflag:$0x1] =	stream.indirect_vreg.gather @!p4 [hbm4b:s17+s8], $0x80, v3, vm1, $0xb8;
	[tilespmem:$0x10080] =	vst v63  }
0x307: {  	s9 =	simm.s32 @!p4 $0x4880  }
0x308: {  	[tilespmem:s9], [sflag:$0x1] =	stream.indirect_vreg.gather @!p4 [hbm4b:s18+s8], $0x80, v3, vm1, $0xb8;
	[tilespmem:$0x10080] =	vst v63  }
0x309: {  	s9 =	simm.s32 @!p4 $0x5080  }
0x30a: {  	[tilespmem:s9], [sflag:$0x1] =	stream.indirect_vreg.gather @!p4 [hbm4b:s25+s8], $0x80, v3, vm1, $0xb8;
	[tilespmem:$0x10080] =	vst v63  }
0x30b: {  	s9 =	simm.s32 @!p4 $0x5880  }
0x30c: {  	[tilespmem:s9], [sflag:$0x1] =	stream.indirect_vreg.gather @!p4 [hbm4b:s26+s8], $0x80, v3, vm1, $0xb8;
	[tilespmem:$0x10080] =	vst v63  }
0x30d: {  	s9 =	simm.s32 @!p4 $0x6080  }
0x30e: {  	[tilespmem:s9], [sflag:$0x1] =	stream.indirect_vreg.gather @!p4 [hbm4b:s28+s8], $0x80, v3, vm1, $0xb8;
	[tilespmem:$0x10080] =	vst v63  }
0x30f: {  	s9 =	simm.s32 @!p4 $0x6880  }
0x310: {  	[tilespmem:s9], [sflag:$0x1] =	stream.indirect_vreg.gather @!p4 [hbm4b:s29+s8], $0x80, v3, vm1, $0xb8;
	[tilespmem:$0x10080] =	vst v63  }
0x311: {  	s9 =	simm.s32 @!p4 $0x7080  }
0x312: {  	[tilespmem:s9], [sflag:$0x1] =	stream.indirect_vreg.gather @!p4 [hbm4b:s30+s8], $0x80, v3, vm1, $0xb8;
	[tilespmem:$0x10080] =	vst v63  }
0x313: {  	s9 =	simm.s32 @!p4 $0x7880  }
0x314: {  	[tilespmem:s9], [sflag:$0x1] =	stream.indirect_vreg.gather @!p4 [hbm4b:s31+s8], $0x80, v3, vm1, $0xb8;
	[tilespmem:$0x10080] =	vst v63  }
0x315: {  	s10 =	sadd.s32 $0x10000, s10;
	s9 =	rddreg [dreg:$0x9];
	_ =	swait.ge [sflag:s7], $0x8000  }
0x316: {  	s8 =	sand.u32 $0x1FFFF000, s5;
	p4 =	sne.s32 s10, $0x0;
	[sflag:s7] =	ssyncset.done $0x0  }
.Ltmp9:
0x317: {  	s8 =	sadd.s32 s9, s8;
	[sflag:s7] =	ssyncadd.s32 $0xFFFF8000;
	(pc) =	sbr.rel @p4 .LBB3_12-.Ltmp9, $4  }
0x318: {  	[hbm4b:s8+s11] =	stream.linear.scatter [tilespmem:s19], [sflag:$0x3], $0x8000, $0x38;
	[tilespmem:$0x10080] =	vst v63  }
0x319: {  	_ =	swait.ge [sflag:s23], $0x8000  }
0x31a: {  	[sflag:s23] =	ssyncset.done $0x0  }
0x31b: {  	s4 =	sadd.s32 $0x10, s4;
	s5 =	sadd.s32 $0x2000, s5;
	[sflag:s23] =	ssyncadd.s32 $0xFFFF8000  }
0x31c: {  	v3 =	vld.msk [tilespmem:$0x0], $0xff;
	_ =	sdelay $0x4  }
0x31d: {  	v4 =	vshll.u32 v3, $0x5  }
0x31e: {  	v3 =	vand.u32 $0x7, v3;
	v4 =	vand.u32 $0xFFFFFF00, v4  }
0x31f: {  	v3 =	vor.u32 v3, v4  }
0x320: {  	v3 =	vperm.xlane v3, v1;
	_ =	sdelay $0x1  }
0x321: {  	v3 =	vadd.s32 v2, v3;
	_ =	sdelay $0x3  }
0x322: {  	s13 =	rddreg [dreg:$0x2];
	s0 =	simm.s32 $0x80  }
0x323: {  	[tilespmem:s0], [sflag:$0x1] =	stream.indirect_vreg.gather [hbm4b:s13+s11], $0x80, v3, vm0, $0xb8;
	[tilespmem:$0x10080] =	vst v63  }
0x324: {  	s0 =	sld [smem:$0x7E3];
	_ =	sdelay $0x1  }
0x325: {  	s1 =	simm.s32 $0x880  }
0x326: {  	[tilespmem:s1], [sflag:$0x1] =	stream.indirect_vreg.gather [hbm4b:s0+s11], $0x80, v3, vm0, $0xb8;
	[tilespmem:$0x10080] =	vst v63  }
0x327: {  	s1 =	sld [smem:$0x7E4];
	_ =	sdelay $0x1  }
0x328: {  	s2 =	simm.s32 $0x1080  }
0x329: {  	[tilespmem:s2], [sflag:$0x1] =	stream.indirect_vreg.gather [hbm4b:s1+s11], $0x80, v3, vm0, $0xb8;
	[tilespmem:$0x10080] =	vst v63  }
0x32a: {  	s2 =	sld [smem:$0x7E5];
	_ =	sdelay $0x1  }
0x32b: {  	s4 =	simm.s32 $0x1880;
	s12 =	sld [smem:$0x7E6]  }
0x32c: {  	[tilespmem:s4], [sflag:$0x1] =	stream.indirect_vreg.gather [hbm4b:s2+s11], $0x80, v3, vm0, $0xb8;
	[tilespmem:$0x10080] =	vst v63  }
0x32d: {  	s15 =	simm.s32 $0x2080  }
0x32e: {  	[tilespmem:s15], [sflag:$0x1] =	stream.indirect_vreg.gather [hbm4b:s12+s11], $0x80, v3, vm0, $0xb8;
	[tilespmem:$0x10080] =	vst v63  }
0x32f: {  	s15 =	sld [smem:$0x7E7];
	_ =	sdelay $0x1  }
0x330: {  	s17 =	simm.s32 $0x2880  }
0x331: {  	[tilespmem:s17], [sflag:$0x1] =	stream.indirect_vreg.gather [hbm4b:s15+s11], $0x80, v3, vm0, $0xb8;
	[tilespmem:$0x10080] =	vst v63  }
0x332: {  	s17 =	sld [smem:$0x7E8];
	_ =	sdelay $0x1  }
0x333: {  	s18 =	simm.s32 $0x3080  }
0x334: {  	[tilespmem:s18], [sflag:$0x1] =	stream.indirect_vreg.gather [hbm4b:s17+s11], $0x80, v3, vm0, $0xb8;
	[tilespmem:$0x10080] =	vst v63  }
0x335: {  	s18 =	sld [smem:$0x7E9];
	_ =	sdelay $0x1  }
0x336: {  	s20 =	simm.s32 $0x3880;
	s25 =	sld [smem:$0x7EA]  }
0x337: {  	[tilespmem:s20], [sflag:$0x1] =	stream.indirect_vreg.gather [hbm4b:s18+s11], $0x80, v3, vm0, $0xb8;
	[tilespmem:$0x10080] =	vst v63  }
0x338: {  	s21 =	simm.s32 $0x4080;
	s26 =	sld [smem:$0x7EB]  }
0x339: {  	[tilespmem:s21], [sflag:$0x1] =	stream.indirect_vreg.gather [hbm4b:s25+s11], $0x80, v3, vm0, $0xb8;
	[tilespmem:$0x10080] =	vst v63  }
0x33a: {  	s22 =	simm.s32 $0x4880;
	s28 =	sld [smem:$0x7EC]  }
0x33b: {  	[tilespmem:s22], [sflag:$0x1] =	stream.indirect_vreg.gather [hbm4b:s26+s11], $0x80, v3, vm0, $0xb8;
	[tilespmem:$0x10080] =	vst v63  }
0x33c: {  	s5 =	simm.s32 $0x5080;
	s29 =	sld [smem:$0x7ED]  }
0x33d: {  	[tilespmem:s5], [sflag:$0x1] =	stream.indirect_vreg.gather [hbm4b:s28+s11], $0x80, v3, vm0, $0xb8;
	[tilespmem:$0x10080] =	vst v63  }
0x33e: {  	s6 =	simm.s32 $0x5880;
	s8 =	simm.s32 $0x6080;
	s20 =	sld [smem:$0x7FB]  }
0x33f: {  	[tilespmem:s6], [sflag:$0x1] =	stream.indirect_vreg.gather [hbm4b:s29+s11], $0x80, v3, vm0, $0xb8;
	[tilespmem:$0x10080] =	vst v63  }
0x340: {  	s9 =	simm.s32 $0x6880;
	s10 =	simm.s32 $0x7080;
	s21 =	sld [smem:$0x7FC]  }
0x341: {  	[tilespmem:s8], [sflag:$0x1] =	stream.indirect_vreg.gather [hbm4b:s20+s11], $0x80, v3, vm0, $0xb8;
	[tilespmem:$0x10080] =	vst v63  }
0x342: {  	s14 =	simm.s32 $0x7880;
	s30 =	simm.s32 $0x80;
	s22 =	sld [smem:$0x7FD]  }
0x343: {  	[tilespmem:s9], [sflag:$0x1] =	stream.indirect_vreg.gather [hbm4b:s21+s11], $0x80, v3, vm0, $0xb8;
	[tilespmem:$0x10080] =	vst v63  }
0x344: {  	s31 =	simm.s32 $0x9080;
	s4 =	simm.s32 $0x10;
	s9 =	sld [smem:$0x7EE]  }
0x345: {  	[tilespmem:s10], [sflag:$0x1] =	stream.indirect_vreg.gather [hbm4b:s22+s11], $0x80, v3, vm0, $0xb8;
	[tilespmem:$0x10080] =	vst v63  }
0x346: {  	s5 =	rddreg [dreg:$0x19];
	s6 =	simm.s32 $0x8880;
	s10 =	simm.s32 $0xFFFA0000  }
0x347: {  	[tilespmem:s14], [sflag:$0x1] =	stream.indirect_vreg.gather [hbm4b:s9+s11], $0x80, v3, vm0, $0xb8;
	[tilespmem:$0x10080] =	vst v63  }
.LBB3_14:
0x348: {  	v3 =	vld.msk [tilespmem:s4+$0xFFFFFFF8], $0xff;
	_ =	sdelay $0x4  }
0x349: {  	v4 =	vshll.u32 v3, $0x5  }
0x34a: {  	v3 =	vand.u32 $0x7, v3;
	v4 =	vand.u32 $0xFFFFFF00, v4  }
0x34b: {  	v3 =	vor.u32 v3, v4  }
0x34c: {  	v3 =	vperm.xlane v3, v1;
	_ =	sdelay $0x1  }
0x34d: {  	v3 =	vadd.s32 v2, v3;
	_ =	sdelay $0x4  }
0x34e: {  	[tilespmem:s19], [sflag:$0x2] =	stream.indirect_vreg.gather [hbm4b:s13+s11], $0x80, v3, vm0, $0xb8;
	[tilespmem:$0x10080] =	vst v63  }
0x34f: {  	_ = 	snop  }
0x350: {  	[tilespmem:s6], [sflag:$0x2] =	stream.indirect_vreg.gather [hbm4b:s0+s11], $0x80, v3, vm0, $0xb8;
	[tilespmem:$0x10080] =	vst v63  }
0x351: {  	_ = 	snop  }
0x352: {  	[tilespmem:s31], [sflag:$0x2] =	stream.indirect_vreg.gather [hbm4b:s1+s11], $0x80, v3, vm0, $0xb8;
	[tilespmem:$0x10080] =	vst v63  }
0x353: {  	s8 =	simm.s32 $0x9880  }
0x354: {  	[tilespmem:s8], [sflag:$0x2] =	stream.indirect_vreg.gather [hbm4b:s2+s11], $0x80, v3, vm0, $0xb8;
	[tilespmem:$0x10080] =	vst v63  }
0x355: {  	s14 =	simm.s32 $0xA080  }
0x356: {  	[tilespmem:s14], [sflag:$0x2] =	stream.indirect_vreg.gather [hbm4b:s12+s11], $0x80, v3, vm0, $0xb8;
	[tilespmem:$0x10080] =	vst v63  }
0x357: {  	s14 =	simm.s32 $0xA880  }
0x358: {  	[tilespmem:s14], [sflag:$0x2] =	stream.indirect_vreg.gather [hbm4b:s15+s11], $0x80, v3, vm0, $0xb8;
	[tilespmem:$0x10080] =	vst v63  }
0x359: {  	s14 =	simm.s32 $0xB080  }
0x35a: {  	[tilespmem:s14], [sflag:$0x2] =	stream.indirect_vreg.gather [hbm4b:s17+s11], $0x80, v3, vm0, $0xb8;
	[tilespmem:$0x10080] =	vst v63  }
0x35b: {  	s14 =	simm.s32 $0xB880  }
0x35c: {  	[tilespmem:s14], [sflag:$0x2] =	stream.indirect_vreg.gather [hbm4b:s18+s11], $0x80, v3, vm0, $0xb8;
	[tilespmem:$0x10080] =	vst v63  }
0x35d: {  	s14 =	simm.s32 $0xC080  }
0x35e: {  	[tilespmem:s14], [sflag:$0x2] =	stream.indirect_vreg.gather [hbm4b:s25+s11], $0x80, v3, vm0, $0xb8;
	[tilespmem:$0x10080] =	vst v63  }
0x35f: {  	s14 =	simm.s32 $0xC880  }
0x360: {  	[tilespmem:s14], [sflag:$0x2] =	stream.indirect_vreg.gather [hbm4b:s26+s11], $0x80, v3, vm0, $0xb8;
	[tilespmem:$0x10080] =	vst v63  }
0x361: {  	s14 =	simm.s32 $0xD080  }
0x362: {  	[tilespmem:s14], [sflag:$0x2] =	stream.indirect_vreg.gather [hbm4b:s28+s11], $0x80, v3, vm0, $0xb8;
	[tilespmem:$0x10080] =	vst v63  }
0x363: {  	s14 =	simm.s32 $0xD880  }
0x364: {  	[tilespmem:s14], [sflag:$0x2] =	stream.indirect_vreg.gather [hbm4b:s29+s11], $0x80, v3, vm0, $0xb8;
	[tilespmem:$0x10080] =	vst v63  }
0x365: {  	s14 =	simm.s32 $0xE080  }
0x366: {  	[tilespmem:s14], [sflag:$0x2] =	stream.indirect_vreg.gather [hbm4b:s20+s11], $0x80, v3, vm0, $0xb8;
	[tilespmem:$0x10080] =	vst v63  }
0x367: {  	_ = 	snop  }
0x368: {  	[tilespmem:s24], [sflag:$0x2] =	stream.indirect_vreg.gather [hbm4b:s21+s11], $0x80, v3, vm0, $0xb8;
	[tilespmem:$0x10080] =	vst v63  }
0x369: {  	s14 =	simm.s32 $0xF080  }
0x36a: {  	[tilespmem:s14], [sflag:$0x2] =	stream.indirect_vreg.gather [hbm4b:s22+s11], $0x80, v3, vm0, $0xb8;
	[tilespmem:$0x10080] =	vst v63  }
0x36b: {  	s20 =	simm.s32 $0xF880  }
0x36c: {  	[tilespmem:s20], [sflag:$0x2] =	stream.indirect_vreg.gather [hbm4b:s9+s11], $0x80, v3, vm0, $0xb8;
	[tilespmem:$0x10080] =	vst v63  }
0x36d: {  	_ =	swait.ge [sflag:s3], $0x8000  }
0x36e: {  	s21 =	rddreg [dreg:$0x14];
	[sflag:s3] =	ssyncset.done $0x0  }
0x36f: {  	s8 =	sadd.s32 s10, s21;
	[sflag:s3] =	ssyncadd.s32 $0xFFFF8000  }
0x370: {  	s8 =	sshrl.u32 s8, $0x3;
	s14 =	rddreg [dreg:$0xd]  }
0x371: {  	s8 =	sadd.s32 s14, s8  }
0x372: {  	[hbm4b:s8+s11] =	stream.linear.scatter [tilespmem:s30], [sflag:$0x3], $0x8000, $0x38;
	[tilespmem:$0x10080] =	vst v63  }
0x373: {  	_ =	swait.ge [sflag:s23], $0x8000  }
0x374: {  	[sflag:s23] =	ssyncset.done $0x0  }
0x375: {  	p4 =	seq.s32 s10, $0xFFFF0000;
	[sflag:s23] =	ssyncadd.s32 $0xFFFF8000  }
0x376: {  	v3 =	vld.msk @!p4 [tilespmem:s4+$0x0], $0xff;
	_ =	sdelay $0x4  }
0x377: {  	v4 =	vshll.u32 @!p4 v3, $0x5  }
0x378: {  	v5 =	vlaneseq.u32 @!p4;
	v3 =	vand.u32 @!p4 $0x7, v3;
	v4 =	vand.u32 @!p4 $0xFFFFFF00, v4  }
0x379: {  	v3 =	vor.u32 @!p4 v3, v4;
	v4 =	vand.u32 @!p4 $0x7, v5;
	v5 =	vshrl.u32 @!p4 v5, $0x3  }
0x37a: {  	v3 =	vperm.xlane @!p4 v3, v4;
	v4 =	vmul.u32 @!p4 $0x8, v5;
	_ =	sdelay $0x1  }
0x37b: {  	v3 =	vadd.s32 @!p4 v4, v3;
	_ =	sdelay $0x3  }
0x37c: {  	vm1 =	vmmov @!p4 $0xffff;
	s9 =	simm.s32 @!p4 $0x80;
	s8 =	simm.s32 @!p4 $0x0  }
0x37d: {  	[tilespmem:s9], [sflag:$0x1] =	stream.indirect_vreg.gather @!p4 [hbm4b:s13+s8], $0x80, v3, vm1, $0xb8;
	[tilespmem:$0x10080] =	vst v63  }
0x37e: {  	s9 =	simm.s32 @!p4 $0x880  }
0x37f: {  	[tilespmem:s9], [sflag:$0x1] =	stream.indirect_vreg.gather @!p4 [hbm4b:s0+s8], $0x80, v3, vm1, $0xb8;
	[tilespmem:$0x10080] =	vst v63  }
0x380: {  	s9 =	simm.s32 @!p4 $0x1080  }
0x381: {  	[tilespmem:s9], [sflag:$0x1] =	stream.indirect_vreg.gather @!p4 [hbm4b:s1+s8], $0x80, v3, vm1, $0xb8;
	[tilespmem:$0x10080] =	vst v63  }
0x382: {  	s9 =	simm.s32 @!p4 $0x1880  }
0x383: {  	[tilespmem:s9], [sflag:$0x1] =	stream.indirect_vreg.gather @!p4 [hbm4b:s2+s8], $0x80, v3, vm1, $0xb8;
	[tilespmem:$0x10080] =	vst v63  }
0x384: {  	s9 =	simm.s32 @!p4 $0x2080  }
0x385: {  	[tilespmem:s9], [sflag:$0x1] =	stream.indirect_vreg.gather @!p4 [hbm4b:s12+s8], $0x80, v3, vm1, $0xb8;
	[tilespmem:$0x10080] =	vst v63  }
0x386: {  	s9 =	simm.s32 @!p4 $0x2880  }
0x387: {  	[tilespmem:s9], [sflag:$0x1] =	stream.indirect_vreg.gather @!p4 [hbm4b:s15+s8], $0x80, v3, vm1, $0xb8;
	[tilespmem:$0x10080] =	vst v63  }
0x388: {  	s9 =	simm.s32 @!p4 $0x3080  }
0x389: {  	[tilespmem:s9], [sflag:$0x1] =	stream.indirect_vreg.gather @!p4 [hbm4b:s17+s8], $0x80, v3, vm1, $0xb8;
	[tilespmem:$0x10080] =	vst v63  }
0x38a: {  	s9 =	simm.s32 @!p4 $0x3880  }
0x38b: {  	[tilespmem:s9], [sflag:$0x1] =	stream.indirect_vreg.gather @!p4 [hbm4b:s18+s8], $0x80, v3, vm1, $0xb8;
	[tilespmem:$0x10080] =	vst v63  }
0x38c: {  	s9 =	simm.s32 @!p4 $0x4080  }
0x38d: {  	[tilespmem:s9], [sflag:$0x1] =	stream.indirect_vreg.gather @!p4 [hbm4b:s25+s8], $0x80, v3, vm1, $0xb8;
	[tilespmem:$0x10080] =	vst v63  }
0x38e: {  	s9 =	simm.s32 @!p4 $0x4880  }
0x38f: {  	[tilespmem:s9], [sflag:$0x1] =	stream.indirect_vreg.gather @!p4 [hbm4b:s26+s8], $0x80, v3, vm1, $0xb8;
	[tilespmem:$0x10080] =	vst v63  }
0x390: {  	s9 =	simm.s32 @!p4 $0x5080  }
0x391: {  	[tilespmem:s9], [sflag:$0x1] =	stream.indirect_vreg.gather @!p4 [hbm4b:s28+s8], $0x80, v3, vm1, $0xb8;
	[tilespmem:$0x10080] =	vst v63  }
0x392: {  	s20 =	sld [smem:$0x7FB];
	s9 =	simm.s32 @!p4 $0x5880  }
0x393: {  	[tilespmem:s9], [sflag:$0x1] =	stream.indirect_vreg.gather @!p4 [hbm4b:s29+s8], $0x80, v3, vm1, $0xb8;
	[tilespmem:$0x10080] =	vst v63  }
0x394: {  	s9 =	simm.s32 @!p4 $0x6080  }
0x395: {  	[tilespmem:s9], [sflag:$0x1] =	stream.indirect_vreg.gather @!p4 [hbm4b:s20+s8], $0x80, v3, vm1, $0xb8;
	[tilespmem:$0x10080] =	vst v63  }
0x396: {  	s20 =	sld [smem:$0x7FC];
	_ =	sdelay $0x1  }
0x397: {  	s9 =	simm.s32 @!p4 $0x6880  }
0x398: {  	[tilespmem:s9], [sflag:$0x1] =	stream.indirect_vreg.gather @!p4 [hbm4b:s20+s8], $0x80, v3, vm1, $0xb8;
	[tilespmem:$0x10080] =	vst v63  }
0x399: {  	s20 =	sld [smem:$0x7FD];
	_ =	sdelay $0x1  }
0x39a: {  	s9 =	simm.s32 @!p4 $0x7080  }
0x39b: {  	[tilespmem:s9], [sflag:$0x1] =	stream.indirect_vreg.gather @!p4 [hbm4b:s20+s8], $0x80, v3, vm1, $0xb8;
	[tilespmem:$0x10080] =	vst v63  }
0x39c: {  	s20 =	sld [smem:$0x7EE];
	_ =	sdelay $0x1  }
0x39d: {  	s22 =	sand.u32 $0x1FFFF000, s5;
	s10 =	sadd.s32 $0x10000, s10;
	s9 =	simm.s32 @!p4 $0x7880  }
0x39e: {  	[tilespmem:s9], [sflag:$0x1] =	stream.indirect_vreg.gather @!p4 [hbm4b:s20+s8], $0x80, v3, vm1, $0xb8;
	[tilespmem:$0x10080] =	vst v63  }
0x39f: {  	s9 =	sld [smem:$0x7EE];
	s8 =	sadd.s32 s14, s22;
	_ =	swait.ge [sflag:s7], $0x8000  }
0x3a0: {  	p4 =	sne.s32 s10, $0x0;
	[sflag:s7] =	ssyncset.done $0x0;
	s22 =	sld [smem:$0x7FD]  }
.Ltmp10:
0x3a1: {  	s21 =	sld [smem:$0x7FC];
	[sflag:s7] =	ssyncadd.s32 $0xFFFF8000;
	(pc) =	sbr.rel @p4 .LBB3_14-.Ltmp10, $4  }
0x3a2: {  	[hbm4b:s8+s11] =	stream.linear.scatter [tilespmem:s19], [sflag:$0x3], $0x8000, $0x38;
	[tilespmem:$0x10080] =	vst v63  }
0x3a3: {  	s20 =	sld [smem:$0x7FB];
	_ =	swait.ge [sflag:s23], $0x8000  }
0x3a4: {  	[sflag:s23] =	ssyncset.done $0x0  }
0x3a5: {  	s5 =	sadd.s32 $0x2000, s5;
	s4 =	sadd.s32 $0x10, s4;
	[sflag:s23] =	ssyncadd.s32 $0xFFFF8000  }
.LBB3_15:
.Ltmp11:
0x3a6: {  	(pc) =	sbr.rel @p0 .LBB3_22-.Ltmp11, $1  }
0x3a7: {  	_ =	sdelay $0x3  }
0x3a8: {  	v3 =	vld.msk [tilespmem:$0x0], $0xff;
	_ =	sdelay $0x4  }
0x3a9: {  	v4 =	vshll.u32 v3, $0x5  }
0x3aa: {  	v3 =	vand.u32 $0x7, v3;
	v4 =	vand.u32 $0xFFFFFF00, v4  }
0x3ab: {  	v3 =	vor.u32 v3, v4  }
0x3ac: {  	v3 =	vperm.xlane v3, v1;
	_ =	sdelay $0x1  }
0x3ad: {  	v3 =	vadd.s32 v2, v3  }
0x3ae: {  	s13 =	rddreg [dreg:$0x0]  }
0x3af: {  	s0 =	rddreg [dreg:$0x17]  }
0x3b0: {  	s15 =	rddreg [dreg:$0x16]  }
0x3b1: {  	s10 =	simm.s32 $0x0;
	s2 =	sld [smem:$0x7EF]  }
0x3b2: {  	[tilespmem:s30], [sflag:$0x1] =	stream.indirect_vreg.gather [hbm4b:s13+s10], $0x80, v3, vm0, $0xb8;
	[tilespmem:$0x10080] =	vst v63  }
0x3b3: {  	s1 =	simm.s32 $0x880;
	s26 =	sld [smem:$0x7F3]  }
0x3b4: {  	[tilespmem:s1], [sflag:$0x1] =	stream.indirect_vreg.gather [hbm4b:s15+s10], $0x80, v3, vm0, $0xb8;
	[tilespmem:$0x10080] =	vst v63  }
0x3b5: {  	s8 =	simm.s32 $0x1080;
	s31 =	sld [smem:$0x7F7]  }
0x3b6: {  	[tilespmem:s8], [sflag:$0x1] =	stream.indirect_vreg.gather [hbm4b:s0+s10], $0x80, v3, vm0, $0xb8;
	[tilespmem:$0x10080] =	vst v63  }
0x3b7: {  	s4 =	simm.s32 $0x1880;
	s1 =	rddreg [dreg:$0x1e]  }
0x3b8: {  	[tilespmem:s4], [sflag:$0x1] =	stream.indirect_vreg.gather [hbm4b:s1+s10], $0x80, v3, vm0, $0xb8;
	[tilespmem:$0x10080] =	vst v63  }
0x3b9: {  	s17 =	rddreg [dreg:$0x1f];
	s9 =	simm.s32 $0x2080  }
0x3ba: {  	[tilespmem:s9], [sflag:$0x1] =	stream.indirect_vreg.gather [hbm4b:s17+s10], $0x80, v3, vm0, $0xb8;
	[tilespmem:$0x10080] =	vst v63  }
0x3bb: {  	s18 =	sld [smem:$0x7F0];
	s14 =	simm.s32 $0x2880  }
0x3bc: {  	[tilespmem:s14], [sflag:$0x1] =	stream.indirect_vreg.gather [hbm4b:s2+s10], $0x80, v3, vm0, $0xb8;
	[tilespmem:$0x10080] =	vst v63  }
0x3bd: {  	s25 =	sld [smem:$0x7F1];
	s20 =	simm.s32 $0x3080  }
0x3be: {  	[tilespmem:s20], [sflag:$0x1] =	stream.indirect_vreg.gather [hbm4b:s18+s10], $0x80, v3, vm0, $0xb8;
	[tilespmem:$0x10080] =	vst v63  }
0x3bf: {  	s28 =	sld [smem:$0x7F2];
	s21 =	simm.s32 $0x3880  }
0x3c0: {  	[tilespmem:s21], [sflag:$0x1] =	stream.indirect_vreg.gather [hbm4b:s25+s10], $0x80, v3, vm0, $0xb8;
	[tilespmem:$0x10080] =	vst v63  }
0x3c1: {  	s16 =	sld [smem:$0x7F9];
	s22 =	simm.s32 $0x4080  }
0x3c2: {  	[tilespmem:s22], [sflag:$0x1] =	stream.indirect_vreg.gather [hbm4b:s28+s10], $0x80, v3, vm0, $0xb8;
	[tilespmem:$0x10080] =	vst v63  }
0x3c3: {  	s29 =	sld [smem:$0x7F4];
	s5 =	simm.s32 $0x4880  }
0x3c4: {  	[tilespmem:s5], [sflag:$0x1] =	stream.indirect_vreg.gather [hbm4b:s26+s10], $0x80, v3, vm0, $0xb8;
	[tilespmem:$0x10080] =	vst v63  }
0x3c5: {  	s30 =	sld [smem:$0x7F5];
	s8 =	simm.s32 $0x5080  }
0x3c6: {  	[tilespmem:s8], [sflag:$0x1] =	stream.indirect_vreg.gather [hbm4b:s29+s10], $0x80, v3, vm0, $0xb8;
	[tilespmem:$0x10080] =	vst v63  }
0x3c7: {  	s12 =	sld [smem:$0x7F6];
	s9 =	simm.s32 $0x5880  }
0x3c8: {  	[tilespmem:s9], [sflag:$0x1] =	stream.indirect_vreg.gather [hbm4b:s30+s10], $0x80, v3, vm0, $0xb8;
	[tilespmem:$0x10080] =	vst v63  }
0x3c9: {  	s6 =	sld [smem:$0x7F8];
	s14 =	simm.s32 $0x6080  }
0x3ca: {  	[tilespmem:s14], [sflag:$0x1] =	stream.indirect_vreg.gather [hbm4b:s12+s10], $0x80, v3, vm0, $0xb8;
	[tilespmem:$0x10080] =	vst v63  }
0x3cb: {  	s4 =	rddreg [dreg:$0x1b];
	s20 =	simm.s32 $0x6880  }
0x3cc: {  	[tilespmem:s20], [sflag:$0x1] =	stream.indirect_vreg.gather [hbm4b:s31+s10], $0x80, v3, vm0, $0xb8;
	[tilespmem:$0x10080] =	vst v63  }
0x3cd: {  	s21 =	simm.s32 $0x7080;
	s5 =	rddreg [dreg:$0x1a]  }
0x3ce: {  	[tilespmem:s21], [sflag:$0x1] =	stream.indirect_vreg.gather [hbm4b:s6+s10], $0x80, v3, vm0, $0xb8;
	[tilespmem:$0x10080] =	vst v63  }
0x3cf: {  	s22 =	simm.s32 $0x7880;
	s9 =	rddreg [dreg:$0x6];
	s14 =	simm.s32 $0xA080  }
0x3d0: {  	[tilespmem:s22], [sflag:$0x1] =	stream.indirect_vreg.gather [hbm4b:s16+s10], $0x80, v3, vm0, $0xb8;
	[tilespmem:$0x10080] =	vst v63  }
0x3d1: {  	s20 =	simm.s32 $0xA880;
	s21 =	simm.s32 $0xB080;
	s22 =	simm.s32 $0xB880  }
.LBB3_17:
0x3d2: {  	s8 =	sshra.s32 s10, $0x2  }
0x3d3: {  	v3 =	vld.msk [tilespmem:s8+$0x8], $0xff;
	_ =	sdelay $0x4  }
0x3d4: {  	v4 =	vshll.u32 v3, $0x5  }
0x3d5: {  	v3 =	vand.u32 $0x7, v3;
	v4 =	vand.u32 $0xFFFFFF00, v4  }
0x3d6: {  	v3 =	vor.u32 v3, v4  }
0x3d7: {  	v3 =	vperm.xlane v3, v1;
	_ =	sdelay $0x1  }
0x3d8: {  	v3 =	vadd.s32 v2, v3;
	_ =	sdelay $0x4  }
0x3d9: {  	[tilespmem:s19], [sflag:$0x2] =	stream.indirect_vreg.gather [hbm4b:s13+s11], $0x80, v3, vm0, $0xb8;
	[tilespmem:$0x10080] =	vst v63  }
0x3da: {  	s8 =	simm.s32 $0x8880  }
0x3db: {  	[tilespmem:s8], [sflag:$0x2] =	stream.indirect_vreg.gather [hbm4b:s15+s11], $0x80, v3, vm0, $0xb8;
	[tilespmem:$0x10080] =	vst v63  }
0x3dc: {  	s8 =	simm.s32 $0x9080  }
0x3dd: {  	[tilespmem:s8], [sflag:$0x2] =	stream.indirect_vreg.gather [hbm4b:s0+s11], $0x80, v3, vm0, $0xb8;
	[tilespmem:$0x10080] =	vst v63  }
0x3de: {  	s8 =	simm.s32 $0x9880  }
0x3df: {  	[tilespmem:s8], [sflag:$0x2] =	stream.indirect_vreg.gather [hbm4b:s1+s11], $0x80, v3, vm0, $0xb8;
	[tilespmem:$0x10080] =	vst v63  }
0x3e0: {  	_ = 	snop  }
0x3e1: {  	[tilespmem:s14], [sflag:$0x2] =	stream.indirect_vreg.gather [hbm4b:s17+s11], $0x80, v3, vm0, $0xb8;
	[tilespmem:$0x10080] =	vst v63  }
0x3e2: {  	_ = 	snop  }
0x3e3: {  	[tilespmem:s20], [sflag:$0x2] =	stream.indirect_vreg.gather [hbm4b:s2+s11], $0x80, v3, vm0, $0xb8;
	[tilespmem:$0x10080] =	vst v63  }
0x3e4: {  	_ = 	snop  }
0x3e5: {  	[tilespmem:s21], [sflag:$0x2] =	stream.indirect_vreg.gather [hbm4b:s18+s11], $0x80, v3, vm0, $0xb8;
	[tilespmem:$0x10080] =	vst v63  }
0x3e6: {  	_ = 	snop  }
0x3e7: {  	[tilespmem:s22], [sflag:$0x2] =	stream.indirect_vreg.gather [hbm4b:s25+s11], $0x80, v3, vm0, $0xb8;
	[tilespmem:$0x10080] =	vst v63  }
0x3e8: {  	s8 =	simm.s32 $0xC080  }
0x3e9: {  	[tilespmem:s8], [sflag:$0x2] =	stream.indirect_vreg.gather [hbm4b:s28+s11], $0x80, v3, vm0, $0xb8;
	[tilespmem:$0x10080] =	vst v63  }
0x3ea: {  	s8 =	simm.s32 $0xC880  }
0x3eb: {  	[tilespmem:s8], [sflag:$0x2] =	stream.indirect_vreg.gather [hbm4b:s26+s11], $0x80, v3, vm0, $0xb8;
	[tilespmem:$0x10080] =	vst v63  }
0x3ec: {  	s8 =	simm.s32 $0xD080  }
0x3ed: {  	[tilespmem:s8], [sflag:$0x2] =	stream.indirect_vreg.gather [hbm4b:s29+s11], $0x80, v3, vm0, $0xb8;
	[tilespmem:$0x10080] =	vst v63  }
0x3ee: {  	s8 =	simm.s32 $0xD880  }
0x3ef: {  	[tilespmem:s8], [sflag:$0x2] =	stream.indirect_vreg.gather [hbm4b:s30+s11], $0x80, v3, vm0, $0xb8;
	[tilespmem:$0x10080] =	vst v63  }
0x3f0: {  	s8 =	simm.s32 $0xE080  }
0x3f1: {  	[tilespmem:s8], [sflag:$0x2] =	stream.indirect_vreg.gather [hbm4b:s12+s11], $0x80, v3, vm0, $0xb8;
	[tilespmem:$0x10080] =	vst v63  }
0x3f2: {  	_ = 	snop  }
0x3f3: {  	[tilespmem:s24], [sflag:$0x2] =	stream.indirect_vreg.gather [hbm4b:s31+s11], $0x80, v3, vm0, $0xb8;
	[tilespmem:$0x10080] =	vst v63  }
0x3f4: {  	s8 =	simm.s32 $0xF080  }
0x3f5: {  	[tilespmem:s8], [sflag:$0x2] =	stream.indirect_vreg.gather [hbm4b:s6+s11], $0x80, v3, vm0, $0xb8;
	[tilespmem:$0x10080] =	vst v63  }
0x3f6: {  	s8 =	simm.s32 $0xF880  }
0x3f7: {  	[tilespmem:s8], [sflag:$0x2] =	stream.indirect_vreg.gather [hbm4b:s16+s11], $0x80, v3, vm0, $0xb8;
	[tilespmem:$0x10080] =	vst v63  }
0x3f8: {  	_ =	swait.ge [sflag:s3], $0x8000  }
0x3f9: {  	s8 =	sshrl.u32 s5, $0x3;
	[sflag:s3] =	ssyncset.done $0x0  }
0x3fa: {  	s8 =	sadd.s32 s9, s8;
	s9 =	simm.s32 $0x80;
	[sflag:s3] =	ssyncadd.s32 $0xFFFF8000  }
0x3fb: {  	[hbm4b:s8+s11] =	stream.linear.scatter [tilespmem:s9], [sflag:$0x3], $0x8000, $0x38;
	[tilespmem:$0x10080] =	vst v63  }
0x3fc: {  	_ =	swait.ge [sflag:s23], $0x8000  }
0x3fd: {  	p4 =	seq.s32 s10, $0x140;
	[sflag:s23] =	ssyncset.done $0x0  }
0x3fe: {  	s8 =	sshra.s32 @!p4 s10, $0x2;
	[sflag:s23] =	ssyncadd.s32 $0xFFFF8000  }
0x3ff: {  	v3 =	vld.msk @!p4 [tilespmem:s8+$0x10], $0xff;
	_ =	sdelay $0x4  }
0x400: {  	v4 =	vshll.u32 @!p4 v3, $0x5  }
0x401: {  	v5 =	vlaneseq.u32 @!p4;
	v3 =	vand.u32 @!p4 $0x7, v3;
	v4 =	vand.u32 @!p4 $0xFFFFFF00, v4  }
0x402: {  	v3 =	vor.u32 @!p4 v3, v4;
	v4 =	vand.u32 @!p4 $0x7, v5;
	v5 =	vshrl.u32 @!p4 v5, $0x3  }
0x403: {  	v3 =	vperm.xlane @!p4 v3, v4;
	v4 =	vmul.u32 @!p4 $0x8, v5;
	_ =	sdelay $0x1  }
0x404: {  	v3 =	vadd.s32 @!p4 v4, v3;
	_ =	sdelay $0x3  }
0x405: {  	vm1 =	vmmov @!p4 $0xffff;
	s9 =	simm.s32 @!p4 $0x80;
	s8 =	simm.s32 @!p4 $0x0  }
0x406: {  	[tilespmem:s9], [sflag:$0x1] =	stream.indirect_vreg.gather @!p4 [hbm4b:s13+s8], $0x80, v3, vm1, $0xb8;
	[tilespmem:$0x10080] =	vst v63  }
0x407: {  	s9 =	simm.s32 @!p4 $0x880  }
0x408: {  	[tilespmem:s9], [sflag:$0x1] =	stream.indirect_vreg.gather @!p4 [hbm4b:s15+s8], $0x80, v3, vm1, $0xb8;
	[tilespmem:$0x10080] =	vst v63  }
0x409: {  	s9 =	simm.s32 @!p4 $0x1080  }
0x40a: {  	[tilespmem:s9], [sflag:$0x1] =	stream.indirect_vreg.gather @!p4 [hbm4b:s0+s8], $0x80, v3, vm1, $0xb8;
	[tilespmem:$0x10080] =	vst v63  }
0x40b: {  	s9 =	simm.s32 @!p4 $0x1880  }
0x40c: {  	[tilespmem:s9], [sflag:$0x1] =	stream.indirect_vreg.gather @!p4 [hbm4b:s1+s8], $0x80, v3, vm1, $0xb8;
	[tilespmem:$0x10080] =	vst v63  }
0x40d: {  	s9 =	simm.s32 @!p4 $0x2080  }
0x40e: {  	[tilespmem:s9], [sflag:$0x1] =	stream.indirect_vreg.gather @!p4 [hbm4b:s17+s8], $0x80, v3, vm1, $0xb8;
	[tilespmem:$0x10080] =	vst v63  }
0x40f: {  	s9 =	simm.s32 @!p4 $0x2880  }
0x410: {  	[tilespmem:s9], [sflag:$0x1] =	stream.indirect_vreg.gather @!p4 [hbm4b:s2+s8], $0x80, v3, vm1, $0xb8;
	[tilespmem:$0x10080] =	vst v63  }
0x411: {  	s9 =	simm.s32 @!p4 $0x3080  }
0x412: {  	[tilespmem:s9], [sflag:$0x1] =	stream.indirect_vreg.gather @!p4 [hbm4b:s18+s8], $0x80, v3, vm1, $0xb8;
	[tilespmem:$0x10080] =	vst v63  }
0x413: {  	s9 =	simm.s32 @!p4 $0x3880  }
0x414: {  	[tilespmem:s9], [sflag:$0x1] =	stream.indirect_vreg.gather @!p4 [hbm4b:s25+s8], $0x80, v3, vm1, $0xb8;
	[tilespmem:$0x10080] =	vst v63  }
0x415: {  	s9 =	simm.s32 @!p4 $0x4080  }
0x416: {  	[tilespmem:s9], [sflag:$0x1] =	stream.indirect_vreg.gather @!p4 [hbm4b:s28+s8], $0x80, v3, vm1, $0xb8;
	[tilespmem:$0x10080] =	vst v63  }
0x417: {  	s9 =	simm.s32 @!p4 $0x4880  }
0x418: {  	[tilespmem:s9], [sflag:$0x1] =	stream.indirect_vreg.gather @!p4 [hbm4b:s26+s8], $0x80, v3, vm1, $0xb8;
	[tilespmem:$0x10080] =	vst v63  }
0x419: {  	s9 =	simm.s32 @!p4 $0x5080  }
0x41a: {  	[tilespmem:s9], [sflag:$0x1] =	stream.indirect_vreg.gather @!p4 [hbm4b:s29+s8], $0x80, v3, vm1, $0xb8;
	[tilespmem:$0x10080] =	vst v63  }
0x41b: {  	s9 =	simm.s32 @!p4 $0x5880  }
0x41c: {  	[tilespmem:s9], [sflag:$0x1] =	stream.indirect_vreg.gather @!p4 [hbm4b:s30+s8], $0x80, v3, vm1, $0xb8;
	[tilespmem:$0x10080] =	vst v63  }
0x41d: {  	s9 =	simm.s32 @!p4 $0x6080  }
0x41e: {  	[tilespmem:s9], [sflag:$0x1] =	stream.indirect_vreg.gather @!p4 [hbm4b:s12+s8], $0x80, v3, vm1, $0xb8;
	[tilespmem:$0x10080] =	vst v63  }
0x41f: {  	s9 =	simm.s32 @!p4 $0x6880  }
0x420: {  	[tilespmem:s9], [sflag:$0x1] =	stream.indirect_vreg.gather @!p4 [hbm4b:s31+s8], $0x80, v3, vm1, $0xb8;
	[tilespmem:$0x10080] =	vst v63  }
0x421: {  	s9 =	simm.s32 @!p4 $0x7080  }
0x422: {  	[tilespmem:s9], [sflag:$0x1] =	stream.indirect_vreg.gather @!p4 [hbm4b:s6+s8], $0x80, v3, vm1, $0xb8;
	[tilespmem:$0x10080] =	vst v63  }
0x423: {  	s9 =	simm.s32 @!p4 $0x7880  }
0x424: {  	[tilespmem:s9], [sflag:$0x1] =	stream.indirect_vreg.gather @!p4 [hbm4b:s16+s8], $0x80, v3, vm1, $0xb8;
	[tilespmem:$0x10080] =	vst v63  }
0x425: {  	s10 =	sadd.s32 $0x40, s10;
	s9 =	rddreg [dreg:$0x6];
	_ =	swait.ge [sflag:s7], $0x8000  }
0x426: {  	s8 =	sand.u32 $0x1FFFF000, s4;
	p4 =	sne.s32 s10, $0x180;
	[sflag:s7] =	ssyncset.done $0x0  }
.Ltmp12:
0x427: {  	s8 =	sadd.s32 s9, s8;
	[sflag:s7] =	ssyncadd.s32 $0xFFFF8000;
	(pc) =	sbr.rel @p4 .LBB3_17-.Ltmp12, $4  }
0x428: {  	[hbm4b:s8+s11] =	stream.linear.scatter [tilespmem:s19], [sflag:$0x3], $0x8000, $0x38;
	[tilespmem:$0x10080] =	vst v63  }
0x429: {  	_ =	swait.ge [sflag:s23], $0x8000  }
0x42a: {  	[sflag:s23] =	ssyncset.done $0x0  }
0x42b: {  	s5 =	sadd.s32 $0x10000, s5;
	s4 =	sadd.s32 $0x2000, s4;
	[sflag:s23] =	ssyncadd.s32 $0xFFFF8000  }
0x42c: {  	v3 =	vld.msk [tilespmem:$0x0], $0xff;
	_ =	sdelay $0x4  }
0x42d: {  	v4 =	vshll.u32 v3, $0x5  }
0x42e: {  	v3 =	vand.u32 $0x7, v3;
	v4 =	vand.u32 $0xFFFFFF00, v4  }
0x42f: {  	v3 =	vor.u32 v3, v4  }
0x430: {  	v3 =	vperm.xlane v3, v1;
	_ =	sdelay $0x1  }
0x431: {  	v3 =	vadd.s32 v2, v3;
	_ =	sdelay $0x2  }
0x432: {  	s13 =	rddreg [dreg:$0x1]  }
0x433: {  	s10 =	simm.s32 $0x0;
	s0 =	simm.s32 $0x80;
	s16 =	sld [smem:$0x7FA]  }
0x434: {  	[tilespmem:s0], [sflag:$0x1] =	stream.indirect_vreg.gather [hbm4b:s13+s10], $0x80, v3, vm0, $0xb8;
	[tilespmem:$0x10080] =	vst v63  }
0x435: {  	s12 =	simm.s32 $0x880;
	s0 =	sld [smem:$0x7D5]  }
0x436: {  	[tilespmem:s12], [sflag:$0x1] =	stream.indirect_vreg.gather [hbm4b:s16+s10], $0x80, v3, vm0, $0xb8;
	[tilespmem:$0x10080] =	vst v63  }
0x437: {  	s1 =	simm.s32 $0x1080  }
0x438: {  	[tilespmem:s1], [sflag:$0x1] =	stream.indirect_vreg.gather [hbm4b:s0+s10], $0x80, v3, vm0, $0xb8;
	[tilespmem:$0x10080] =	vst v63  }
0x439: {  	s1 =	sld [smem:$0x7D6];
	_ =	sdelay $0x1  }
0x43a: {  	s2 =	simm.s32 $0x1880  }
0x43b: {  	[tilespmem:s2], [sflag:$0x1] =	stream.indirect_vreg.gather [hbm4b:s1+s10], $0x80, v3, vm0, $0xb8;
	[tilespmem:$0x10080] =	vst v63  }
0x43c: {  	s2 =	sld [smem:$0x7D7]  }
0x43d: {  	s6 =	sld [smem:$0x7D8]  }
0x43e: {  	s4 =	simm.s32 $0x2080;
	s28 =	sld [smem:$0x7DF]  }
0x43f: {  	[tilespmem:s4], [sflag:$0x1] =	stream.indirect_vreg.gather [hbm4b:s2+s10], $0x80, v3, vm0, $0xb8;
	[tilespmem:$0x10080] =	vst v63  }
0x440: {  	s15 =	simm.s32 $0x2880;
	s12 =	sld [smem:$0x7D9]  }
0x441: {  	[tilespmem:s15], [sflag:$0x1] =	stream.indirect_vreg.gather [hbm4b:s6+s10], $0x80, v3, vm0, $0xb8;
	[tilespmem:$0x10080] =	vst v63  }
0x442: {  	s17 =	simm.s32 $0x3080;
	s15 =	sld [smem:$0x7DA]  }
0x443: {  	[tilespmem:s17], [sflag:$0x1] =	stream.indirect_vreg.gather [hbm4b:s12+s10], $0x80, v3, vm0, $0xb8;
	[tilespmem:$0x10080] =	vst v63  }
0x444: {  	s18 =	simm.s32 $0x3880;
	s17 =	sld [smem:$0x7DB]  }
0x445: {  	[tilespmem:s18], [sflag:$0x1] =	stream.indirect_vreg.gather [hbm4b:s15+s10], $0x80, v3, vm0, $0xb8;
	[tilespmem:$0x10080] =	vst v63  }
0x446: {  	s25 =	simm.s32 $0x4080;
	s18 =	sld [smem:$0x7DC]  }
0x447: {  	[tilespmem:s25], [sflag:$0x1] =	stream.indirect_vreg.gather [hbm4b:s17+s10], $0x80, v3, vm0, $0xb8;
	[tilespmem:$0x10080] =	vst v63  }
0x448: {  	s26 =	simm.s32 $0x4880;
	s25 =	sld [smem:$0x7DD]  }
0x449: {  	[tilespmem:s26], [sflag:$0x1] =	stream.indirect_vreg.gather [hbm4b:s18+s10], $0x80, v3, vm0, $0xb8;
	[tilespmem:$0x10080] =	vst v63  }
0x44a: {  	s5 =	simm.s32 $0x5080;
	s26 =	sld [smem:$0x7DE]  }
0x44b: {  	[tilespmem:s5], [sflag:$0x1] =	stream.indirect_vreg.gather [hbm4b:s25+s10], $0x80, v3, vm0, $0xb8;
	[tilespmem:$0x10080] =	vst v63  }
0x44c: {  	s8 =	simm.s32 $0x5880;
	s29 =	sld [smem:$0x7E0]  }
0x44d: {  	[tilespmem:s8], [sflag:$0x1] =	stream.indirect_vreg.gather [hbm4b:s26+s10], $0x80, v3, vm0, $0xb8;
	[tilespmem:$0x10080] =	vst v63  }
0x44e: {  	s9 =	simm.s32 $0x6080;
	s30 =	sld [smem:$0x7E1]  }
0x44f: {  	[tilespmem:s9], [sflag:$0x1] =	stream.indirect_vreg.gather [hbm4b:s28+s10], $0x80, v3, vm0, $0xb8;
	[tilespmem:$0x10080] =	vst v63  }
0x450: {  	s31 =	sld [smem:$0x7E2];
	s5 =	simm.s32 $0x6880  }
0x451: {  	[tilespmem:s5], [sflag:$0x1] =	stream.indirect_vreg.gather [hbm4b:s29+s10], $0x80, v3, vm0, $0xb8;
	[tilespmem:$0x10080] =	vst v63  }
0x452: {  	s4 =	rddreg [dreg:$0x1b];
	s8 =	simm.s32 $0x7080  }
0x453: {  	[tilespmem:s8], [sflag:$0x1] =	stream.indirect_vreg.gather [hbm4b:s30+s10], $0x80, v3, vm0, $0xb8;
	[tilespmem:$0x10080] =	vst v63  }
0x454: {  	s9 =	simm.s32 $0x7880;
	s5 =	rddreg [dreg:$0x1a]  }
0x455: {  	[tilespmem:s9], [sflag:$0x1] =	stream.indirect_vreg.gather [hbm4b:s31+s10], $0x80, v3, vm0, $0xb8;
	[tilespmem:$0x10080] =	vst v63  }
0x456: {  	s9 =	rddreg [dreg:$0xa]  }
.LBB3_19:
0x457: {  	s8 =	sshra.s32 s10, $0x2  }
0x458: {  	v3 =	vld.msk [tilespmem:s8+$0x8], $0xff;
	_ =	sdelay $0x4  }
0x459: {  	v4 =	vshll.u32 v3, $0x5  }
0x45a: {  	v3 =	vand.u32 $0x7, v3;
	v4 =	vand.u32 $0xFFFFFF00, v4  }
0x45b: {  	v3 =	vor.u32 v3, v4  }
0x45c: {  	v3 =	vperm.xlane v3, v1;
	_ =	sdelay $0x1  }
0x45d: {  	v3 =	vadd.s32 v2, v3;
	_ =	sdelay $0x4  }
0x45e: {  	[tilespmem:s19], [sflag:$0x2] =	stream.indirect_vreg.gather [hbm4b:s13+s11], $0x80, v3, vm0, $0xb8;
	[tilespmem:$0x10080] =	vst v63  }
0x45f: {  	s8 =	simm.s32 $0x8880  }
0x460: {  	[tilespmem:s8], [sflag:$0x2] =	stream.indirect_vreg.gather [hbm4b:s16+s11], $0x80, v3, vm0, $0xb8;
	[tilespmem:$0x10080] =	vst v63  }
0x461: {  	s8 =	simm.s32 $0x9080  }
0x462: {  	[tilespmem:s8], [sflag:$0x2] =	stream.indirect_vreg.gather [hbm4b:s0+s11], $0x80, v3, vm0, $0xb8;
	[tilespmem:$0x10080] =	vst v63  }
0x463: {  	s8 =	simm.s32 $0x9880  }
0x464: {  	[tilespmem:s8], [sflag:$0x2] =	stream.indirect_vreg.gather [hbm4b:s1+s11], $0x80, v3, vm0, $0xb8;
	[tilespmem:$0x10080] =	vst v63  }
0x465: {  	_ = 	snop  }
0x466: {  	[tilespmem:s14], [sflag:$0x2] =	stream.indirect_vreg.gather [hbm4b:s2+s11], $0x80, v3, vm0, $0xb8;
	[tilespmem:$0x10080] =	vst v63  }
0x467: {  	_ = 	snop  }
0x468: {  	[tilespmem:s20], [sflag:$0x2] =	stream.indirect_vreg.gather [hbm4b:s6+s11], $0x80, v3, vm0, $0xb8;
	[tilespmem:$0x10080] =	vst v63  }
0x469: {  	_ = 	snop  }
0x46a: {  	[tilespmem:s21], [sflag:$0x2] =	stream.indirect_vreg.gather [hbm4b:s12+s11], $0x80, v3, vm0, $0xb8;
	[tilespmem:$0x10080] =	vst v63  }
0x46b: {  	_ = 	snop  }
0x46c: {  	[tilespmem:s22], [sflag:$0x2] =	stream.indirect_vreg.gather [hbm4b:s15+s11], $0x80, v3, vm0, $0xb8;
	[tilespmem:$0x10080] =	vst v63  }
0x46d: {  	s8 =	simm.s32 $0xC080  }
0x46e: {  	[tilespmem:s8], [sflag:$0x2] =	stream.indirect_vreg.gather [hbm4b:s17+s11], $0x80, v3, vm0, $0xb8;
	[tilespmem:$0x10080] =	vst v63  }
0x46f: {  	s8 =	simm.s32 $0xC880  }
0x470: {  	[tilespmem:s8], [sflag:$0x2] =	stream.indirect_vreg.gather [hbm4b:s18+s11], $0x80, v3, vm0, $0xb8;
	[tilespmem:$0x10080] =	vst v63  }
0x471: {  	s8 =	simm.s32 $0xD080  }
0x472: {  	[tilespmem:s8], [sflag:$0x2] =	stream.indirect_vreg.gather [hbm4b:s25+s11], $0x80, v3, vm0, $0xb8;
	[tilespmem:$0x10080] =	vst v63  }
0x473: {  	s8 =	simm.s32 $0xD880  }
0x474: {  	[tilespmem:s8], [sflag:$0x2] =	stream.indirect_vreg.gather [hbm4b:s26+s11], $0x80, v3, vm0, $0xb8;
	[tilespmem:$0x10080] =	vst v63  }
0x475: {  	s8 =	simm.s32 $0xE080  }
0x476: {  	[tilespmem:s8], [sflag:$0x2] =	stream.indirect_vreg.gather [hbm4b:s28+s11], $0x80, v3, vm0, $0xb8;
	[tilespmem:$0x10080] =	vst v63  }
0x477: {  	_ = 	snop  }
0x478: {  	[tilespmem:s24], [sflag:$0x2] =	stream.indirect_vreg.gather [hbm4b:s29+s11], $0x80, v3, vm0, $0xb8;
	[tilespmem:$0x10080] =	vst v63  }
0x479: {  	s8 =	simm.s32 $0xF080  }
0x47a: {  	[tilespmem:s8], [sflag:$0x2] =	stream.indirect_vreg.gather [hbm4b:s30+s11], $0x80, v3, vm0, $0xb8;
	[tilespmem:$0x10080] =	vst v63  }
0x47b: {  	s8 =	simm.s32 $0xF880  }
0x47c: {  	[tilespmem:s8], [sflag:$0x2] =	stream.indirect_vreg.gather [hbm4b:s31+s11], $0x80, v3, vm0, $0xb8;
	[tilespmem:$0x10080] =	vst v63  }
0x47d: {  	_ =	swait.ge [sflag:s3], $0x8000  }
0x47e: {  	s8 =	sshrl.u32 s5, $0x3;
	[sflag:s3] =	ssyncset.done $0x0  }
0x47f: {  	s8 =	sadd.s32 s9, s8;
	s9 =	simm.s32 $0x80;
	[sflag:s3] =	ssyncadd.s32 $0xFFFF8000  }
0x480: {  	[hbm4b:s8+s11] =	stream.linear.scatter [tilespmem:s9], [sflag:$0x3], $0x8000, $0x38;
	[tilespmem:$0x10080] =	vst v63  }
0x481: {  	_ =	swait.ge [sflag:s23], $0x8000  }
0x482: {  	p4 =	seq.s32 s10, $0x140;
	[sflag:s23] =	ssyncset.done $0x0  }
0x483: {  	s8 =	sshra.s32 @!p4 s10, $0x2;
	[sflag:s23] =	ssyncadd.s32 $0xFFFF8000  }
0x484: {  	v3 =	vld.msk @!p4 [tilespmem:s8+$0x10], $0xff;
	_ =	sdelay $0x4  }
0x485: {  	v4 =	vshll.u32 @!p4 v3, $0x5  }
0x486: {  	v5 =	vlaneseq.u32 @!p4;
	v3 =	vand.u32 @!p4 $0x7, v3;
	v4 =	vand.u32 @!p4 $0xFFFFFF00, v4  }
0x487: {  	v3 =	vor.u32 @!p4 v3, v4;
	v4 =	vand.u32 @!p4 $0x7, v5;
	v5 =	vshrl.u32 @!p4 v5, $0x3  }
0x488: {  	v3 =	vperm.xlane @!p4 v3, v4;
	v4 =	vmul.u32 @!p4 $0x8, v5;
	_ =	sdelay $0x1  }
0x489: {  	v3 =	vadd.s32 @!p4 v4, v3;
	_ =	sdelay $0x3  }
0x48a: {  	vm1 =	vmmov @!p4 $0xffff;
	s9 =	simm.s32 @!p4 $0x80;
	s8 =	simm.s32 @!p4 $0x0  }
0x48b: {  	[tilespmem:s9], [sflag:$0x1] =	stream.indirect_vreg.gather @!p4 [hbm4b:s13+s8], $0x80, v3, vm1, $0xb8;
	[tilespmem:$0x10080] =	vst v63  }
0x48c: {  	s9 =	simm.s32 @!p4 $0x880  }
0x48d: {  	[tilespmem:s9], [sflag:$0x1] =	stream.indirect_vreg.gather @!p4 [hbm4b:s16+s8], $0x80, v3, vm1, $0xb8;
	[tilespmem:$0x10080] =	vst v63  }
0x48e: {  	s9 =	simm.s32 @!p4 $0x1080  }
0x48f: {  	[tilespmem:s9], [sflag:$0x1] =	stream.indirect_vreg.gather @!p4 [hbm4b:s0+s8], $0x80, v3, vm1, $0xb8;
	[tilespmem:$0x10080] =	vst v63  }
0x490: {  	s9 =	simm.s32 @!p4 $0x1880  }
0x491: {  	[tilespmem:s9], [sflag:$0x1] =	stream.indirect_vreg.gather @!p4 [hbm4b:s1+s8], $0x80, v3, vm1, $0xb8;
	[tilespmem:$0x10080] =	vst v63  }
0x492: {  	s9 =	simm.s32 @!p4 $0x2080  }
0x493: {  	[tilespmem:s9], [sflag:$0x1] =	stream.indirect_vreg.gather @!p4 [hbm4b:s2+s8], $0x80, v3, vm1, $0xb8;
	[tilespmem:$0x10080] =	vst v63  }
0x494: {  	s9 =	simm.s32 @!p4 $0x2880  }
0x495: {  	[tilespmem:s9], [sflag:$0x1] =	stream.indirect_vreg.gather @!p4 [hbm4b:s6+s8], $0x80, v3, vm1, $0xb8;
	[tilespmem:$0x10080] =	vst v63  }
0x496: {  	s9 =	simm.s32 @!p4 $0x3080  }
0x497: {  	[tilespmem:s9], [sflag:$0x1] =	stream.indirect_vreg.gather @!p4 [hbm4b:s12+s8], $0x80, v3, vm1, $0xb8;
	[tilespmem:$0x10080] =	vst v63  }
0x498: {  	s9 =	simm.s32 @!p4 $0x3880  }
0x499: {  	[tilespmem:s9], [sflag:$0x1] =	stream.indirect_vreg.gather @!p4 [hbm4b:s15+s8], $0x80, v3, vm1, $0xb8;
	[tilespmem:$0x10080] =	vst v63  }
0x49a: {  	s9 =	simm.s32 @!p4 $0x4080  }
0x49b: {  	[tilespmem:s9], [sflag:$0x1] =	stream.indirect_vreg.gather @!p4 [hbm4b:s17+s8], $0x80, v3, vm1, $0xb8;
	[tilespmem:$0x10080] =	vst v63  }
0x49c: {  	s9 =	simm.s32 @!p4 $0x4880  }
0x49d: {  	[tilespmem:s9], [sflag:$0x1] =	stream.indirect_vreg.gather @!p4 [hbm4b:s18+s8], $0x80, v3, vm1, $0xb8;
	[tilespmem:$0x10080] =	vst v63  }
0x49e: {  	s9 =	simm.s32 @!p4 $0x5080  }
0x49f: {  	[tilespmem:s9], [sflag:$0x1] =	stream.indirect_vreg.gather @!p4 [hbm4b:s25+s8], $0x80, v3, vm1, $0xb8;
	[tilespmem:$0x10080] =	vst v63  }
0x4a0: {  	s9 =	simm.s32 @!p4 $0x5880  }
0x4a1: {  	[tilespmem:s9], [sflag:$0x1] =	stream.indirect_vreg.gather @!p4 [hbm4b:s26+s8], $0x80, v3, vm1, $0xb8;
	[tilespmem:$0x10080] =	vst v63  }
0x4a2: {  	s9 =	simm.s32 @!p4 $0x6080  }
0x4a3: {  	[tilespmem:s9], [sflag:$0x1] =	stream.indirect_vreg.gather @!p4 [hbm4b:s28+s8], $0x80, v3, vm1, $0xb8;
	[tilespmem:$0x10080] =	vst v63  }
0x4a4: {  	s9 =	simm.s32 @!p4 $0x6880  }
0x4a5: {  	[tilespmem:s9], [sflag:$0x1] =	stream.indirect_vreg.gather @!p4 [hbm4b:s29+s8], $0x80, v3, vm1, $0xb8;
	[tilespmem:$0x10080] =	vst v63  }
0x4a6: {  	s9 =	simm.s32 @!p4 $0x7080  }
0x4a7: {  	[tilespmem:s9], [sflag:$0x1] =	stream.indirect_vreg.gather @!p4 [hbm4b:s30+s8], $0x80, v3, vm1, $0xb8;
	[tilespmem:$0x10080] =	vst v63  }
0x4a8: {  	s9 =	simm.s32 @!p4 $0x7880  }
0x4a9: {  	[tilespmem:s9], [sflag:$0x1] =	stream.indirect_vreg.gather @!p4 [hbm4b:s31+s8], $0x80, v3, vm1, $0xb8;
	[tilespmem:$0x10080] =	vst v63  }
0x4aa: {  	s10 =	sadd.s32 $0x40, s10;
	s9 =	rddreg [dreg:$0xa];
	_ =	swait.ge [sflag:s7], $0x8000  }
0x4ab: {  	s8 =	sand.u32 $0x1FFFF000, s4;
	p4 =	sne.s32 s10, $0x180;
	[sflag:s7] =	ssyncset.done $0x0  }
.Ltmp13:
0x4ac: {  	s8 =	sadd.s32 s9, s8;
	[sflag:s7] =	ssyncadd.s32 $0xFFFF8000;
	(pc) =	sbr.rel @p4 .LBB3_19-.Ltmp13, $4  }
0x4ad: {  	[hbm4b:s8+s11] =	stream.linear.scatter [tilespmem:s19], [sflag:$0x3], $0x8000, $0x38;
	[tilespmem:$0x10080] =	vst v63  }
0x4ae: {  	_ =	swait.ge [sflag:s23], $0x8000  }
0x4af: {  	[sflag:s23] =	ssyncset.done $0x0  }
0x4b0: {  	s5 =	sadd.s32 $0x10000, s5;
	s4 =	sadd.s32 $0x2000, s4;
	[sflag:s23] =	ssyncadd.s32 $0xFFFF8000  }
0x4b1: {  	v3 =	vld.msk [tilespmem:$0x0], $0xff;
	_ =	sdelay $0x4  }
0x4b2: {  	v4 =	vshll.u32 v3, $0x5  }
0x4b3: {  	v3 =	vand.u32 $0x7, v3;
	v4 =	vand.u32 $0xFFFFFF00, v4  }
0x4b4: {  	v3 =	vor.u32 v3, v4  }
0x4b5: {  	v3 =	vperm.xlane v3, v1;
	_ =	sdelay $0x1  }
0x4b6: {  	v3 =	vadd.s32 v2, v3;
	_ =	sdelay $0x3  }
0x4b7: {  	s10 =	simm.s32 $0x0;
	s13 =	rddreg [dreg:$0x2];
	s0 =	simm.s32 $0x80  }
0x4b8: {  	[tilespmem:s0], [sflag:$0x1] =	stream.indirect_vreg.gather [hbm4b:s13+s10], $0x80, v3, vm0, $0xb8;
	[tilespmem:$0x10080] =	vst v63  }
0x4b9: {  	s0 =	sld [smem:$0x7E3];
	_ =	sdelay $0x1  }
0x4ba: {  	s1 =	simm.s32 $0x880  }
0x4bb: {  	[tilespmem:s1], [sflag:$0x1] =	stream.indirect_vreg.gather [hbm4b:s0+s10], $0x80, v3, vm0, $0xb8;
	[tilespmem:$0x10080] =	vst v63  }
0x4bc: {  	s1 =	sld [smem:$0x7E4];
	_ =	sdelay $0x1  }
0x4bd: {  	s2 =	simm.s32 $0x1080  }
0x4be: {  	[tilespmem:s2], [sflag:$0x1] =	stream.indirect_vreg.gather [hbm4b:s1+s10], $0x80, v3, vm0, $0xb8;
	[tilespmem:$0x10080] =	vst v63  }
0x4bf: {  	s2 =	sld [smem:$0x7E5];
	_ =	sdelay $0x1  }
0x4c0: {  	s4 =	simm.s32 $0x1880;
	s12 =	sld [smem:$0x7E6]  }
0x4c1: {  	[tilespmem:s4], [sflag:$0x1] =	stream.indirect_vreg.gather [hbm4b:s2+s10], $0x80, v3, vm0, $0xb8;
	[tilespmem:$0x10080] =	vst v63  }
0x4c2: {  	s6 =	simm.s32 $0x2080;
	s15 =	sld [smem:$0x7E7]  }
0x4c3: {  	[tilespmem:s6], [sflag:$0x1] =	stream.indirect_vreg.gather [hbm4b:s12+s10], $0x80, v3, vm0, $0xb8;
	[tilespmem:$0x10080] =	vst v63  }
0x4c4: {  	s8 =	simm.s32 $0x2880;
	s17 =	sld [smem:$0x7E8]  }
0x4c5: {  	[tilespmem:s8], [sflag:$0x1] =	stream.indirect_vreg.gather [hbm4b:s15+s10], $0x80, v3, vm0, $0xb8;
	[tilespmem:$0x10080] =	vst v63  }
0x4c6: {  	s9 =	simm.s32 $0x3080;
	s18 =	sld [smem:$0x7E9]  }
0x4c7: {  	[tilespmem:s9], [sflag:$0x1] =	stream.indirect_vreg.gather [hbm4b:s17+s10], $0x80, v3, vm0, $0xb8;
	[tilespmem:$0x10080] =	vst v63  }
0x4c8: {  	s14 =	simm.s32 $0x3880;
	s25 =	sld [smem:$0x7EA]  }
0x4c9: {  	[tilespmem:s14], [sflag:$0x1] =	stream.indirect_vreg.gather [hbm4b:s18+s10], $0x80, v3, vm0, $0xb8;
	[tilespmem:$0x10080] =	vst v63  }
0x4ca: {  	s20 =	simm.s32 $0x4080;
	s26 =	sld [smem:$0x7EB]  }
0x4cb: {  	[tilespmem:s20], [sflag:$0x1] =	stream.indirect_vreg.gather [hbm4b:s25+s10], $0x80, v3, vm0, $0xb8;
	[tilespmem:$0x10080] =	vst v63  }
0x4cc: {  	s21 =	simm.s32 $0x4880;
	s28 =	sld [smem:$0x7EC]  }
0x4cd: {  	[tilespmem:s21], [sflag:$0x1] =	stream.indirect_vreg.gather [hbm4b:s26+s10], $0x80, v3, vm0, $0xb8;
	[tilespmem:$0x10080] =	vst v63  }
0x4ce: {  	s22 =	simm.s32 $0x5080;
	s29 =	sld [smem:$0x7ED]  }
0x4cf: {  	[tilespmem:s22], [sflag:$0x1] =	stream.indirect_vreg.gather [hbm4b:s28+s10], $0x80, v3, vm0, $0xb8;
	[tilespmem:$0x10080] =	vst v63  }
0x4d0: {  	s5 =	simm.s32 $0x5880;
	s20 =	sld [smem:$0x7FB]  }
0x4d1: {  	[tilespmem:s5], [sflag:$0x1] =	stream.indirect_vreg.gather [hbm4b:s29+s10], $0x80, v3, vm0, $0xb8;
	[tilespmem:$0x10080] =	vst v63  }
0x4d2: {  	s6 =	simm.s32 $0x6080;
	s21 =	sld [smem:$0x7FC]  }
0x4d3: {  	[tilespmem:s6], [sflag:$0x1] =	stream.indirect_vreg.gather [hbm4b:s20+s10], $0x80, v3, vm0, $0xb8;
	[tilespmem:$0x10080] =	vst v63  }
0x4d4: {  	s8 =	simm.s32 $0x6880;
	s22 =	sld [smem:$0x7FD]  }
0x4d5: {  	[tilespmem:s8], [sflag:$0x1] =	stream.indirect_vreg.gather [hbm4b:s21+s10], $0x80, v3, vm0, $0xb8;
	[tilespmem:$0x10080] =	vst v63  }
0x4d6: {  	s9 =	simm.s32 $0x7080  }
0x4d7: {  	[tilespmem:s9], [sflag:$0x1] =	stream.indirect_vreg.gather [hbm4b:s22+s10], $0x80, v3, vm0, $0xb8;
	[tilespmem:$0x10080] =	vst v63  }
0x4d8: {  	s9 =	sld [smem:$0x7EE]  }
0x4d9: {  	s4 =	rddreg [dreg:$0x1b]  }
0x4da: {  	s30 =	simm.s32 $0x80;
	s14 =	simm.s32 $0x7880;
	s5 =	rddreg [dreg:$0x1a]  }
0x4db: {  	[tilespmem:s14], [sflag:$0x1] =	stream.indirect_vreg.gather [hbm4b:s9+s10], $0x80, v3, vm0, $0xb8;
	[tilespmem:$0x10080] =	vst v63  }
0x4dc: {  	s31 =	simm.s32 $0x9080;
	s6 =	simm.s32 $0x8880;
	s14 =	rddreg [dreg:$0x12]  }
.LBB3_21:
0x4dd: {  	s8 =	sshra.s32 s10, $0x2  }
0x4de: {  	v3 =	vld.msk [tilespmem:s8+$0x8], $0xff;
	_ =	sdelay $0x4  }
0x4df: {  	v4 =	vshll.u32 v3, $0x5  }
0x4e0: {  	v3 =	vand.u32 $0x7, v3;
	v4 =	vand.u32 $0xFFFFFF00, v4  }
0x4e1: {  	v3 =	vor.u32 v3, v4  }
0x4e2: {  	v3 =	vperm.xlane v3, v1;
	_ =	sdelay $0x1  }
0x4e3: {  	v3 =	vadd.s32 v2, v3;
	_ =	sdelay $0x4  }
0x4e4: {  	[tilespmem:s19], [sflag:$0x2] =	stream.indirect_vreg.gather [hbm4b:s13+s11], $0x80, v3, vm0, $0xb8;
	[tilespmem:$0x10080] =	vst v63  }
0x4e5: {  	_ = 	snop  }
0x4e6: {  	[tilespmem:s6], [sflag:$0x2] =	stream.indirect_vreg.gather [hbm4b:s0+s11], $0x80, v3, vm0, $0xb8;
	[tilespmem:$0x10080] =	vst v63  }
0x4e7: {  	_ = 	snop  }
0x4e8: {  	[tilespmem:s31], [sflag:$0x2] =	stream.indirect_vreg.gather [hbm4b:s1+s11], $0x80, v3, vm0, $0xb8;
	[tilespmem:$0x10080] =	vst v63  }
0x4e9: {  	s8 =	simm.s32 $0x9880  }
0x4ea: {  	[tilespmem:s8], [sflag:$0x2] =	stream.indirect_vreg.gather [hbm4b:s2+s11], $0x80, v3, vm0, $0xb8;
	[tilespmem:$0x10080] =	vst v63  }
0x4eb: {  	s8 =	simm.s32 $0xA080  }
0x4ec: {  	[tilespmem:s8], [sflag:$0x2] =	stream.indirect_vreg.gather [hbm4b:s12+s11], $0x80, v3, vm0, $0xb8;
	[tilespmem:$0x10080] =	vst v63  }
0x4ed: {  	s8 =	simm.s32 $0xA880  }
0x4ee: {  	[tilespmem:s8], [sflag:$0x2] =	stream.indirect_vreg.gather [hbm4b:s15+s11], $0x80, v3, vm0, $0xb8;
	[tilespmem:$0x10080] =	vst v63  }
0x4ef: {  	s8 =	simm.s32 $0xB080  }
0x4f0: {  	[tilespmem:s8], [sflag:$0x2] =	stream.indirect_vreg.gather [hbm4b:s17+s11], $0x80, v3, vm0, $0xb8;
	[tilespmem:$0x10080] =	vst v63  }
0x4f1: {  	s8 =	simm.s32 $0xB880  }
0x4f2: {  	[tilespmem:s8], [sflag:$0x2] =	stream.indirect_vreg.gather [hbm4b:s18+s11], $0x80, v3, vm0, $0xb8;
	[tilespmem:$0x10080] =	vst v63  }
0x4f3: {  	s8 =	simm.s32 $0xC080  }
0x4f4: {  	[tilespmem:s8], [sflag:$0x2] =	stream.indirect_vreg.gather [hbm4b:s25+s11], $0x80, v3, vm0, $0xb8;
	[tilespmem:$0x10080] =	vst v63  }
0x4f5: {  	s8 =	simm.s32 $0xC880  }
0x4f6: {  	[tilespmem:s8], [sflag:$0x2] =	stream.indirect_vreg.gather [hbm4b:s26+s11], $0x80, v3, vm0, $0xb8;
	[tilespmem:$0x10080] =	vst v63  }
0x4f7: {  	s8 =	simm.s32 $0xD080  }
0x4f8: {  	[tilespmem:s8], [sflag:$0x2] =	stream.indirect_vreg.gather [hbm4b:s28+s11], $0x80, v3, vm0, $0xb8;
	[tilespmem:$0x10080] =	vst v63  }
0x4f9: {  	s8 =	simm.s32 $0xD880  }
0x4fa: {  	[tilespmem:s8], [sflag:$0x2] =	stream.indirect_vreg.gather [hbm4b:s29+s11], $0x80, v3, vm0, $0xb8;
	[tilespmem:$0x10080] =	vst v63  }
0x4fb: {  	s8 =	simm.s32 $0xE080  }
0x4fc: {  	[tilespmem:s8], [sflag:$0x2] =	stream.indirect_vreg.gather [hbm4b:s20+s11], $0x80, v3, vm0, $0xb8;
	[tilespmem:$0x10080] =	vst v63  }
0x4fd: {  	_ = 	snop  }
0x4fe: {  	[tilespmem:s24], [sflag:$0x2] =	stream.indirect_vreg.gather [hbm4b:s21+s11], $0x80, v3, vm0, $0xb8;
	[tilespmem:$0x10080] =	vst v63  }
0x4ff: {  	s8 =	simm.s32 $0xF080  }
0x500: {  	[tilespmem:s8], [sflag:$0x2] =	stream.indirect_vreg.gather [hbm4b:s22+s11], $0x80, v3, vm0, $0xb8;
	[tilespmem:$0x10080] =	vst v63  }
0x501: {  	s8 =	simm.s32 $0xF880  }
0x502: {  	[tilespmem:s8], [sflag:$0x2] =	stream.indirect_vreg.gather [hbm4b:s9+s11], $0x80, v3, vm0, $0xb8;
	[tilespmem:$0x10080] =	vst v63  }
0x503: {  	_ =	swait.ge [sflag:s3], $0x8000  }
0x504: {  	s9 =	sshrl.u32 s5, $0x3;
	[sflag:s3] =	ssyncset.done $0x0  }
0x505: {  	s8 =	sadd.s32 s14, s9;
	[sflag:s3] =	ssyncadd.s32 $0xFFFF8000  }
0x506: {  	[hbm4b:s8+s11] =	stream.linear.scatter [tilespmem:s30], [sflag:$0x3], $0x8000, $0x38;
	[tilespmem:$0x10080] =	vst v63  }
0x507: {  	_ =	swait.ge [sflag:s23], $0x8000  }
0x508: {  	p4 =	seq.s32 s10, $0x140;
	[sflag:s23] =	ssyncset.done $0x0  }
0x509: {  	s8 =	sshra.s32 @!p4 s10, $0x2;
	[sflag:s23] =	ssyncadd.s32 $0xFFFF8000  }
0x50a: {  	v3 =	vld.msk @!p4 [tilespmem:s8+$0x10], $0xff;
	_ =	sdelay $0x4  }
0x50b: {  	v4 =	vshll.u32 @!p4 v3, $0x5  }
0x50c: {  	v5 =	vlaneseq.u32 @!p4;
	v3 =	vand.u32 @!p4 $0x7, v3;
	v4 =	vand.u32 @!p4 $0xFFFFFF00, v4  }
0x50d: {  	v3 =	vor.u32 @!p4 v3, v4;
	v4 =	vand.u32 @!p4 $0x7, v5;
	v5 =	vshrl.u32 @!p4 v5, $0x3  }
0x50e: {  	v3 =	vperm.xlane @!p4 v3, v4;
	v4 =	vmul.u32 @!p4 $0x8, v5;
	_ =	sdelay $0x1  }
0x50f: {  	v3 =	vadd.s32 @!p4 v4, v3;
	_ =	sdelay $0x3  }
0x510: {  	vm1 =	vmmov @!p4 $0xffff;
	s9 =	simm.s32 @!p4 $0x80;
	s8 =	simm.s32 @!p4 $0x0  }
0x511: {  	[tilespmem:s9], [sflag:$0x1] =	stream.indirect_vreg.gather @!p4 [hbm4b:s13+s8], $0x80, v3, vm1, $0xb8;
	[tilespmem:$0x10080] =	vst v63  }
0x512: {  	s9 =	simm.s32 @!p4 $0x880  }
0x513: {  	[tilespmem:s9], [sflag:$0x1] =	stream.indirect_vreg.gather @!p4 [hbm4b:s0+s8], $0x80, v3, vm1, $0xb8;
	[tilespmem:$0x10080] =	vst v63  }
0x514: {  	s9 =	simm.s32 @!p4 $0x1080  }
0x515: {  	[tilespmem:s9], [sflag:$0x1] =	stream.indirect_vreg.gather @!p4 [hbm4b:s1+s8], $0x80, v3, vm1, $0xb8;
	[tilespmem:$0x10080] =	vst v63  }
0x516: {  	s9 =	simm.s32 @!p4 $0x1880  }
0x517: {  	[tilespmem:s9], [sflag:$0x1] =	stream.indirect_vreg.gather @!p4 [hbm4b:s2+s8], $0x80, v3, vm1, $0xb8;
	[tilespmem:$0x10080] =	vst v63  }
0x518: {  	s9 =	simm.s32 @!p4 $0x2080  }
0x519: {  	[tilespmem:s9], [sflag:$0x1] =	stream.indirect_vreg.gather @!p4 [hbm4b:s12+s8], $0x80, v3, vm1, $0xb8;
	[tilespmem:$0x10080] =	vst v63  }
0x51a: {  	s9 =	simm.s32 @!p4 $0x2880  }
0x51b: {  	[tilespmem:s9], [sflag:$0x1] =	stream.indirect_vreg.gather @!p4 [hbm4b:s15+s8], $0x80, v3, vm1, $0xb8;
	[tilespmem:$0x10080] =	vst v63  }
0x51c: {  	s9 =	simm.s32 @!p4 $0x3080  }
0x51d: {  	[tilespmem:s9], [sflag:$0x1] =	stream.indirect_vreg.gather @!p4 [hbm4b:s17+s8], $0x80, v3, vm1, $0xb8;
	[tilespmem:$0x10080] =	vst v63  }
0x51e: {  	s9 =	simm.s32 @!p4 $0x3880  }
0x51f: {  	[tilespmem:s9], [sflag:$0x1] =	stream.indirect_vreg.gather @!p4 [hbm4b:s18+s8], $0x80, v3, vm1, $0xb8;
	[tilespmem:$0x10080] =	vst v63  }
0x520: {  	s9 =	simm.s32 @!p4 $0x4080  }
0x521: {  	[tilespmem:s9], [sflag:$0x1] =	stream.indirect_vreg.gather @!p4 [hbm4b:s25+s8], $0x80, v3, vm1, $0xb8;
	[tilespmem:$0x10080] =	vst v63  }
0x522: {  	s9 =	simm.s32 @!p4 $0x4880  }
0x523: {  	[tilespmem:s9], [sflag:$0x1] =	stream.indirect_vreg.gather @!p4 [hbm4b:s26+s8], $0x80, v3, vm1, $0xb8;
	[tilespmem:$0x10080] =	vst v63  }
0x524: {  	s9 =	simm.s32 @!p4 $0x5080  }
0x525: {  	[tilespmem:s9], [sflag:$0x1] =	stream.indirect_vreg.gather @!p4 [hbm4b:s28+s8], $0x80, v3, vm1, $0xb8;
	[tilespmem:$0x10080] =	vst v63  }
0x526: {  	s9 =	simm.s32 @!p4 $0x5880  }
0x527: {  	[tilespmem:s9], [sflag:$0x1] =	stream.indirect_vreg.gather @!p4 [hbm4b:s29+s8], $0x80, v3, vm1, $0xb8;
	[tilespmem:$0x10080] =	vst v63  }
0x528: {  	s9 =	simm.s32 @!p4 $0x6080  }
0x529: {  	[tilespmem:s9], [sflag:$0x1] =	stream.indirect_vreg.gather @!p4 [hbm4b:s20+s8], $0x80, v3, vm1, $0xb8;
	[tilespmem:$0x10080] =	vst v63  }
0x52a: {  	s9 =	simm.s32 @!p4 $0x6880  }
0x52b: {  	[tilespmem:s9], [sflag:$0x1] =	stream.indirect_vreg.gather @!p4 [hbm4b:s21+s8], $0x80, v3, vm1, $0xb8;
	[tilespmem:$0x10080] =	vst v63  }
0x52c: {  	s14 =	sld [smem:$0x7EE];
	s9 =	simm.s32 @!p4 $0x7080  }
0x52d: {  	[tilespmem:s9], [sflag:$0x1] =	stream.indirect_vreg.gather @!p4 [hbm4b:s22+s8], $0x80, v3, vm1, $0xb8;
	[tilespmem:$0x10080] =	vst v63  }
0x52e: {  	s9 =	simm.s32 @!p4 $0x7880  }
0x52f: {  	[tilespmem:s9], [sflag:$0x1] =	stream.indirect_vreg.gather @!p4 [hbm4b:s14+s8], $0x80, v3, vm1, $0xb8;
	[tilespmem:$0x10080] =	vst v63  }
0x530: {  	s14 =	rddreg [dreg:$0x12]  }
0x531: {  	s10 =	sadd.s32 $0x40, s10;
	s9 =	sld [smem:$0x7EE];
	_ =	swait.ge [sflag:s7], $0x8000  }
0x532: {  	s8 =	sand.u32 $0x1FFFF000, s4;
	p4 =	sne.s32 s10, $0x180;
	[sflag:s7] =	ssyncset.done $0x0  }
.Ltmp14:
0x533: {  	s8 =	sadd.s32 s14, s8;
	[sflag:s7] =	ssyncadd.s32 $0xFFFF8000;
	(pc) =	sbr.rel @p4 .LBB3_21-.Ltmp14, $4  }
0x534: {  	[hbm4b:s8+s11] =	stream.linear.scatter [tilespmem:s19], [sflag:$0x3], $0x8000, $0x38;
	[tilespmem:$0x10080] =	vst v63  }
0x535: {  	_ =	swait.ge [sflag:s23], $0x8000  }
0x536: {  	[sflag:s23] =	ssyncset.done $0x0  }
0x537: {  	s5 =	sadd.s32 $0x10000, s5;
	s4 =	sadd.s32 $0x2000, s4;
	[sflag:s23] =	ssyncadd.s32 $0xFFFF8000  }
.LBB3_22:
.Ltmp15:
0x538: {  	(pc) =	sbr.rel @p1 .LBB3_29-.Ltmp15, $1  }
0x539: {  	_ =	sdelay $0x3  }
0x53a: {  	v3 =	vld.msk [tilespmem:$0x0], $0xff;
	_ =	sdelay $0x4  }
0x53b: {  	v4 =	vshll.u32 v3, $0x5  }
0x53c: {  	v3 =	vand.u32 $0x7, v3;
	v4 =	vand.u32 $0xFFFFFF00, v4  }
0x53d: {  	v3 =	vor.u32 v3, v4  }
0x53e: {  	v3 =	vperm.xlane v3, v1;
	_ =	sdelay $0x1  }
0x53f: {  	v3 =	vadd.s32 v2, v3  }
0x540: {  	s13 =	rddreg [dreg:$0x0]  }
0x541: {  	s0 =	rddreg [dreg:$0x17]  }
0x542: {  	s15 =	rddreg [dreg:$0x16]  }
0x543: {  	s10 =	simm.s32 $0x0;
	s18 =	sld [smem:$0x7F1]  }
0x544: {  	[tilespmem:s30], [sflag:$0x1] =	stream.indirect_vreg.gather [hbm4b:s13+s10], $0x80, v3, vm0, $0xb8;
	[tilespmem:$0x10080] =	vst v63  }
0x545: {  	s1 =	simm.s32 $0x880;
	s29 =	sld [smem:$0x7F5]  }
0x546: {  	[tilespmem:s1], [sflag:$0x1] =	stream.indirect_vreg.gather [hbm4b:s15+s10], $0x80, v3, vm0, $0xb8;
	[tilespmem:$0x10080] =	vst v63  }
0x547: {  	s8 =	simm.s32 $0x1080;
	s17 =	sld [smem:$0x7EF]  }
0x548: {  	[tilespmem:s8], [sflag:$0x1] =	stream.indirect_vreg.gather [hbm4b:s0+s10], $0x80, v3, vm0, $0xb8;
	[tilespmem:$0x10080] =	vst v63  }
0x549: {  	s4 =	simm.s32 $0x1880;
	s1 =	rddreg [dreg:$0x1e]  }
0x54a: {  	[tilespmem:s4], [sflag:$0x1] =	stream.indirect_vreg.gather [hbm4b:s1+s10], $0x80, v3, vm0, $0xb8;
	[tilespmem:$0x10080] =	vst v63  }
0x54b: {  	s2 =	rddreg [dreg:$0x1f];
	s9 =	simm.s32 $0x2080  }
0x54c: {  	[tilespmem:s9], [sflag:$0x1] =	stream.indirect_vreg.gather [hbm4b:s2+s10], $0x80, v3, vm0, $0xb8;
	[tilespmem:$0x10080] =	vst v63  }
0x54d: {  	s25 =	sld [smem:$0x7F0];
	s14 =	simm.s32 $0x2880  }
0x54e: {  	[tilespmem:s14], [sflag:$0x1] =	stream.indirect_vreg.gather [hbm4b:s17+s10], $0x80, v3, vm0, $0xb8;
	[tilespmem:$0x10080] =	vst v63  }
0x54f: {  	s6 =	sld [smem:$0x7F9];
	s20 =	simm.s32 $0x3080  }
0x550: {  	[tilespmem:s20], [sflag:$0x1] =	stream.indirect_vreg.gather [hbm4b:s25+s10], $0x80, v3, vm0, $0xb8;
	[tilespmem:$0x10080] =	vst v63  }
0x551: {  	s26 =	sld [smem:$0x7F2];
	s21 =	simm.s32 $0x3880  }
0x552: {  	[tilespmem:s21], [sflag:$0x1] =	stream.indirect_vreg.gather [hbm4b:s18+s10], $0x80, v3, vm0, $0xb8;
	[tilespmem:$0x10080] =	vst v63  }
0x553: {  	s28 =	sld [smem:$0x7F3];
	s22 =	simm.s32 $0x4080  }
0x554: {  	[tilespmem:s22], [sflag:$0x1] =	stream.indirect_vreg.gather [hbm4b:s26+s10], $0x80, v3, vm0, $0xb8;
	[tilespmem:$0x10080] =	vst v63  }
0x555: {  	s5 =	simm.s32 $0x4880;
	s30 =	sld [smem:$0x7F4]  }
0x556: {  	[tilespmem:s5], [sflag:$0x1] =	stream.indirect_vreg.gather [hbm4b:s28+s10], $0x80, v3, vm0, $0xb8;
	[tilespmem:$0x10080] =	vst v63  }
0x557: {  	s16 =	sld [smem:$0x7F8];
	s8 =	simm.s32 $0x5080  }
0x558: {  	[tilespmem:s8], [sflag:$0x1] =	stream.indirect_vreg.gather [hbm4b:s30+s10], $0x80, v3, vm0, $0xb8;
	[tilespmem:$0x10080] =	vst v63  }
0x559: {  	s31 =	sld [smem:$0x7F6];
	s9 =	simm.s32 $0x5880  }
0x55a: {  	[tilespmem:s9], [sflag:$0x1] =	stream.indirect_vreg.gather [hbm4b:s29+s10], $0x80, v3, vm0, $0xb8;
	[tilespmem:$0x10080] =	vst v63  }
0x55b: {  	s12 =	sld [smem:$0x7F7];
	s14 =	simm.s32 $0x6080  }
0x55c: {  	[tilespmem:s14], [sflag:$0x1] =	stream.indirect_vreg.gather [hbm4b:s31+s10], $0x80, v3, vm0, $0xb8;
	[tilespmem:$0x10080] =	vst v63  }
0x55d: {  	s4 =	rddreg [dreg:$0x1d];
	s20 =	simm.s32 $0x6880  }
0x55e: {  	[tilespmem:s20], [sflag:$0x1] =	stream.indirect_vreg.gather [hbm4b:s12+s10], $0x80, v3, vm0, $0xb8;
	[tilespmem:$0x10080] =	vst v63  }
0x55f: {  	s21 =	simm.s32 $0x7080;
	s5 =	rddreg [dreg:$0x1c]  }
0x560: {  	[tilespmem:s21], [sflag:$0x1] =	stream.indirect_vreg.gather [hbm4b:s16+s10], $0x80, v3, vm0, $0xb8;
	[tilespmem:$0x10080] =	vst v63  }
0x561: {  	s22 =	simm.s32 $0x7880;
	s9 =	rddreg [dreg:$0x7];
	s14 =	simm.s32 $0xA080  }
0x562: {  	[tilespmem:s22], [sflag:$0x1] =	stream.indirect_vreg.gather [hbm4b:s6+s10], $0x80, v3, vm0, $0xb8;
	[tilespmem:$0x10080] =	vst v63  }
0x563: {  	s20 =	simm.s32 $0xA880;
	s21 =	simm.s32 $0xB080;
	s22 =	simm.s32 $0xB880  }
.LBB3_24:
0x564: {  	s8 =	sshra.s32 s10, $0x2  }
0x565: {  	v3 =	vld.msk [tilespmem:s8+$0x8], $0xff;
	_ =	sdelay $0x4  }
0x566: {  	v4 =	vshll.u32 v3, $0x5  }
0x567: {  	v3 =	vand.u32 $0x7, v3;
	v4 =	vand.u32 $0xFFFFFF00, v4  }
0x568: {  	v3 =	vor.u32 v3, v4  }
0x569: {  	v3 =	vperm.xlane v3, v1;
	_ =	sdelay $0x1  }
0x56a: {  	v3 =	vadd.s32 v2, v3;
	_ =	sdelay $0x4  }
0x56b: {  	[tilespmem:s19], [sflag:$0x2] =	stream.indirect_vreg.gather [hbm4b:s13+s11], $0x80, v3, vm0, $0xb8;
	[tilespmem:$0x10080] =	vst v63  }
0x56c: {  	s8 =	simm.s32 $0x8880  }
0x56d: {  	[tilespmem:s8], [sflag:$0x2] =	stream.indirect_vreg.gather [hbm4b:s15+s11], $0x80, v3, vm0, $0xb8;
	[tilespmem:$0x10080] =	vst v63  }
0x56e: {  	s8 =	simm.s32 $0x9080  }
0x56f: {  	[tilespmem:s8], [sflag:$0x2] =	stream.indirect_vreg.gather [hbm4b:s0+s11], $0x80, v3, vm0, $0xb8;
	[tilespmem:$0x10080] =	vst v63  }
0x570: {  	s8 =	simm.s32 $0x9880  }
0x571: {  	[tilespmem:s8], [sflag:$0x2] =	stream.indirect_vreg.gather [hbm4b:s1+s11], $0x80, v3, vm0, $0xb8;
	[tilespmem:$0x10080] =	vst v63  }
0x572: {  	_ = 	snop  }
0x573: {  	[tilespmem:s14], [sflag:$0x2] =	stream.indirect_vreg.gather [hbm4b:s2+s11], $0x80, v3, vm0, $0xb8;
	[tilespmem:$0x10080] =	vst v63  }
0x574: {  	_ = 	snop  }
0x575: {  	[tilespmem:s20], [sflag:$0x2] =	stream.indirect_vreg.gather [hbm4b:s17+s11], $0x80, v3, vm0, $0xb8;
	[tilespmem:$0x10080] =	vst v63  }
0x576: {  	_ = 	snop  }
0x577: {  	[tilespmem:s21], [sflag:$0x2] =	stream.indirect_vreg.gather [hbm4b:s25+s11], $0x80, v3, vm0, $0xb8;
	[tilespmem:$0x10080] =	vst v63  }
0x578: {  	_ = 	snop  }
0x579: {  	[tilespmem:s22], [sflag:$0x2] =	stream.indirect_vreg.gather [hbm4b:s18+s11], $0x80, v3, vm0, $0xb8;
	[tilespmem:$0x10080] =	vst v63  }
0x57a: {  	s8 =	simm.s32 $0xC080  }
0x57b: {  	[tilespmem:s8], [sflag:$0x2] =	stream.indirect_vreg.gather [hbm4b:s26+s11], $0x80, v3, vm0, $0xb8;
	[tilespmem:$0x10080] =	vst v63  }
0x57c: {  	s8 =	simm.s32 $0xC880  }
0x57d: {  	[tilespmem:s8], [sflag:$0x2] =	stream.indirect_vreg.gather [hbm4b:s28+s11], $0x80, v3, vm0, $0xb8;
	[tilespmem:$0x10080] =	vst v63  }
0x57e: {  	s8 =	simm.s32 $0xD080  }
0x57f: {  	[tilespmem:s8], [sflag:$0x2] =	stream.indirect_vreg.gather [hbm4b:s30+s11], $0x80, v3, vm0, $0xb8;
	[tilespmem:$0x10080] =	vst v63  }
0x580: {  	s8 =	simm.s32 $0xD880  }
0x581: {  	[tilespmem:s8], [sflag:$0x2] =	stream.indirect_vreg.gather [hbm4b:s29+s11], $0x80, v3, vm0, $0xb8;
	[tilespmem:$0x10080] =	vst v63  }
0x582: {  	s8 =	simm.s32 $0xE080  }
0x583: {  	[tilespmem:s8], [sflag:$0x2] =	stream.indirect_vreg.gather [hbm4b:s31+s11], $0x80, v3, vm0, $0xb8;
	[tilespmem:$0x10080] =	vst v63  }
0x584: {  	_ = 	snop  }
0x585: {  	[tilespmem:s24], [sflag:$0x2] =	stream.indirect_vreg.gather [hbm4b:s12+s11], $0x80, v3, vm0, $0xb8;
	[tilespmem:$0x10080] =	vst v63  }
0x586: {  	s8 =	simm.s32 $0xF080  }
0x587: {  	[tilespmem:s8], [sflag:$0x2] =	stream.indirect_vreg.gather [hbm4b:s16+s11], $0x80, v3, vm0, $0xb8;
	[tilespmem:$0x10080] =	vst v63  }
0x588: {  	s8 =	simm.s32 $0xF880  }
0x589: {  	[tilespmem:s8], [sflag:$0x2] =	stream.indirect_vreg.gather [hbm4b:s6+s11], $0x80, v3, vm0, $0xb8;
	[tilespmem:$0x10080] =	vst v63  }
0x58a: {  	_ =	swait.ge [sflag:s3], $0x8000  }
0x58b: {  	s8 =	sshrl.u32 s5, $0x3;
	[sflag:s3] =	ssyncset.done $0x0  }
0x58c: {  	s8 =	sadd.s32 s9, s8;
	s9 =	simm.s32 $0x80;
	[sflag:s3] =	ssyncadd.s32 $0xFFFF8000  }
0x58d: {  	[hbm4b:s8+s11] =	stream.linear.scatter [tilespmem:s9], [sflag:$0x3], $0x8000, $0x38;
	[tilespmem:$0x10080] =	vst v63  }
0x58e: {  	_ =	swait.ge [sflag:s23], $0x8000  }
0x58f: {  	p4 =	seq.s32 s10, $0x140;
	[sflag:s23] =	ssyncset.done $0x0  }
0x590: {  	s8 =	sshra.s32 @!p4 s10, $0x2;
	[sflag:s23] =	ssyncadd.s32 $0xFFFF8000  }
0x591: {  	v3 =	vld.msk @!p4 [tilespmem:s8+$0x10], $0xff;
	_ =	sdelay $0x4  }
0x592: {  	v4 =	vshll.u32 @!p4 v3, $0x5  }
0x593: {  	v5 =	vlaneseq.u32 @!p4;
	v3 =	vand.u32 @!p4 $0x7, v3;
	v4 =	vand.u32 @!p4 $0xFFFFFF00, v4  }
0x594: {  	v3 =	vor.u32 @!p4 v3, v4;
	v4 =	vand.u32 @!p4 $0x7, v5;
	v5 =	vshrl.u32 @!p4 v5, $0x3  }
0x595: {  	v3 =	vperm.xlane @!p4 v3, v4;
	v4 =	vmul.u32 @!p4 $0x8, v5;
	_ =	sdelay $0x1  }
0x596: {  	v3 =	vadd.s32 @!p4 v4, v3;
	_ =	sdelay $0x3  }
0x597: {  	vm1 =	vmmov @!p4 $0xffff;
	s9 =	simm.s32 @!p4 $0x80;
	s8 =	simm.s32 @!p4 $0x0  }
0x598: {  	[tilespmem:s9], [sflag:$0x1] =	stream.indirect_vreg.gather @!p4 [hbm4b:s13+s8], $0x80, v3, vm1, $0xb8;
	[tilespmem:$0x10080] =	vst v63  }
0x599: {  	s9 =	simm.s32 @!p4 $0x880  }
0x59a: {  	[tilespmem:s9], [sflag:$0x1] =	stream.indirect_vreg.gather @!p4 [hbm4b:s15+s8], $0x80, v3, vm1, $0xb8;
	[tilespmem:$0x10080] =	vst v63  }
0x59b: {  	s9 =	simm.s32 @!p4 $0x1080  }
0x59c: {  	[tilespmem:s9], [sflag:$0x1] =	stream.indirect_vreg.gather @!p4 [hbm4b:s0+s8], $0x80, v3, vm1, $0xb8;
	[tilespmem:$0x10080] =	vst v63  }
0x59d: {  	s9 =	simm.s32 @!p4 $0x1880  }
0x59e: {  	[tilespmem:s9], [sflag:$0x1] =	stream.indirect_vreg.gather @!p4 [hbm4b:s1+s8], $0x80, v3, vm1, $0xb8;
	[tilespmem:$0x10080] =	vst v63  }
0x59f: {  	s9 =	simm.s32 @!p4 $0x2080  }
0x5a0: {  	[tilespmem:s9], [sflag:$0x1] =	stream.indirect_vreg.gather @!p4 [hbm4b:s2+s8], $0x80, v3, vm1, $0xb8;
	[tilespmem:$0x10080] =	vst v63  }
0x5a1: {  	s9 =	simm.s32 @!p4 $0x2880  }
0x5a2: {  	[tilespmem:s9], [sflag:$0x1] =	stream.indirect_vreg.gather @!p4 [hbm4b:s17+s8], $0x80, v3, vm1, $0xb8;
	[tilespmem:$0x10080] =	vst v63  }
0x5a3: {  	s9 =	simm.s32 @!p4 $0x3080  }
0x5a4: {  	[tilespmem:s9], [sflag:$0x1] =	stream.indirect_vreg.gather @!p4 [hbm4b:s25+s8], $0x80, v3, vm1, $0xb8;
	[tilespmem:$0x10080] =	vst v63  }
0x5a5: {  	s9 =	simm.s32 @!p4 $0x3880  }
0x5a6: {  	[tilespmem:s9], [sflag:$0x1] =	stream.indirect_vreg.gather @!p4 [hbm4b:s18+s8], $0x80, v3, vm1, $0xb8;
	[tilespmem:$0x10080] =	vst v63  }
0x5a7: {  	s9 =	simm.s32 @!p4 $0x4080  }
0x5a8: {  	[tilespmem:s9], [sflag:$0x1] =	stream.indirect_vreg.gather @!p4 [hbm4b:s26+s8], $0x80, v3, vm1, $0xb8;
	[tilespmem:$0x10080] =	vst v63  }
0x5a9: {  	s9 =	simm.s32 @!p4 $0x4880  }
0x5aa: {  	[tilespmem:s9], [sflag:$0x1] =	stream.indirect_vreg.gather @!p4 [hbm4b:s28+s8], $0x80, v3, vm1, $0xb8;
	[tilespmem:$0x10080] =	vst v63  }
0x5ab: {  	s9 =	simm.s32 @!p4 $0x5080  }
0x5ac: {  	[tilespmem:s9], [sflag:$0x1] =	stream.indirect_vreg.gather @!p4 [hbm4b:s30+s8], $0x80, v3, vm1, $0xb8;
	[tilespmem:$0x10080] =	vst v63  }
0x5ad: {  	s9 =	simm.s32 @!p4 $0x5880  }
0x5ae: {  	[tilespmem:s9], [sflag:$0x1] =	stream.indirect_vreg.gather @!p4 [hbm4b:s29+s8], $0x80, v3, vm1, $0xb8;
	[tilespmem:$0x10080] =	vst v63  }
0x5af: {  	s9 =	simm.s32 @!p4 $0x6080  }
0x5b0: {  	[tilespmem:s9], [sflag:$0x1] =	stream.indirect_vreg.gather @!p4 [hbm4b:s31+s8], $0x80, v3, vm1, $0xb8;
	[tilespmem:$0x10080] =	vst v63  }
0x5b1: {  	s9 =	simm.s32 @!p4 $0x6880  }
0x5b2: {  	[tilespmem:s9], [sflag:$0x1] =	stream.indirect_vreg.gather @!p4 [hbm4b:s12+s8], $0x80, v3, vm1, $0xb8;
	[tilespmem:$0x10080] =	vst v63  }
0x5b3: {  	s9 =	simm.s32 @!p4 $0x7080  }
0x5b4: {  	[tilespmem:s9], [sflag:$0x1] =	stream.indirect_vreg.gather @!p4 [hbm4b:s16+s8], $0x80, v3, vm1, $0xb8;
	[tilespmem:$0x10080] =	vst v63  }
0x5b5: {  	s9 =	simm.s32 @!p4 $0x7880  }
0x5b6: {  	[tilespmem:s9], [sflag:$0x1] =	stream.indirect_vreg.gather @!p4 [hbm4b:s6+s8], $0x80, v3, vm1, $0xb8;
	[tilespmem:$0x10080] =	vst v63  }
0x5b7: {  	s10 =	sadd.s32 $0x40, s10;
	s9 =	rddreg [dreg:$0x7];
	_ =	swait.ge [sflag:s7], $0x8000  }
0x5b8: {  	s8 =	sand.u32 $0x1FFFF000, s4;
	p4 =	sne.s32 s10, $0x180;
	[sflag:s7] =	ssyncset.done $0x0  }
.Ltmp16:
0x5b9: {  	s8 =	sadd.s32 s9, s8;
	[sflag:s7] =	ssyncadd.s32 $0xFFFF8000;
	(pc) =	sbr.rel @p4 .LBB3_24-.Ltmp16, $4  }
0x5ba: {  	[hbm4b:s8+s11] =	stream.linear.scatter [tilespmem:s19], [sflag:$0x3], $0x8000, $0x38;
	[tilespmem:$0x10080] =	vst v63  }
0x5bb: {  	_ =	swait.ge [sflag:s23], $0x8000  }
0x5bc: {  	[sflag:s23] =	ssyncset.done $0x0  }
0x5bd: {  	s5 =	sadd.s32 $0x10000, s5;
	s4 =	sadd.s32 $0x2000, s4;
	[sflag:s23] =	ssyncadd.s32 $0xFFFF8000  }
0x5be: {  	v3 =	vld.msk [tilespmem:$0x0], $0xff;
	_ =	sdelay $0x4  }
0x5bf: {  	v4 =	vshll.u32 v3, $0x5  }
0x5c0: {  	v3 =	vand.u32 $0x7, v3;
	v4 =	vand.u32 $0xFFFFFF00, v4  }
0x5c1: {  	v3 =	vor.u32 v3, v4  }
0x5c2: {  	v3 =	vperm.xlane v3, v1;
	_ =	sdelay $0x1  }
0x5c3: {  	v3 =	vadd.s32 v2, v3;
	_ =	sdelay $0x2  }
0x5c4: {  	s13 =	rddreg [dreg:$0x1]  }
0x5c5: {  	s10 =	simm.s32 $0x0;
	s0 =	simm.s32 $0x80;
	s16 =	sld [smem:$0x7FA]  }
0x5c6: {  	[tilespmem:s0], [sflag:$0x1] =	stream.indirect_vreg.gather [hbm4b:s13+s10], $0x80, v3, vm0, $0xb8;
	[tilespmem:$0x10080] =	vst v63  }
0x5c7: {  	s12 =	simm.s32 $0x880;
	s0 =	sld [smem:$0x7D5]  }
0x5c8: {  	[tilespmem:s12], [sflag:$0x1] =	stream.indirect_vreg.gather [hbm4b:s16+s10], $0x80, v3, vm0, $0xb8;
	[tilespmem:$0x10080] =	vst v63  }
0x5c9: {  	s1 =	simm.s32 $0x1080  }
0x5ca: {  	[tilespmem:s1], [sflag:$0x1] =	stream.indirect_vreg.gather [hbm4b:s0+s10], $0x80, v3, vm0, $0xb8;
	[tilespmem:$0x10080] =	vst v63  }
0x5cb: {  	s1 =	sld [smem:$0x7D6];
	_ =	sdelay $0x1  }
0x5cc: {  	s2 =	simm.s32 $0x1880  }
0x5cd: {  	[tilespmem:s2], [sflag:$0x1] =	stream.indirect_vreg.gather [hbm4b:s1+s10], $0x80, v3, vm0, $0xb8;
	[tilespmem:$0x10080] =	vst v63  }
0x5ce: {  	s2 =	sld [smem:$0x7D7]  }
0x5cf: {  	s6 =	sld [smem:$0x7D8]  }
0x5d0: {  	s4 =	simm.s32 $0x2080;
	s28 =	sld [smem:$0x7DF]  }
0x5d1: {  	[tilespmem:s4], [sflag:$0x1] =	stream.indirect_vreg.gather [hbm4b:s2+s10], $0x80, v3, vm0, $0xb8;
	[tilespmem:$0x10080] =	vst v63  }
0x5d2: {  	s15 =	simm.s32 $0x2880;
	s12 =	sld [smem:$0x7D9]  }
0x5d3: {  	[tilespmem:s15], [sflag:$0x1] =	stream.indirect_vreg.gather [hbm4b:s6+s10], $0x80, v3, vm0, $0xb8;
	[tilespmem:$0x10080] =	vst v63  }
0x5d4: {  	s17 =	simm.s32 $0x3080;
	s15 =	sld [smem:$0x7DA]  }
0x5d5: {  	[tilespmem:s17], [sflag:$0x1] =	stream.indirect_vreg.gather [hbm4b:s12+s10], $0x80, v3, vm0, $0xb8;
	[tilespmem:$0x10080] =	vst v63  }
0x5d6: {  	s18 =	simm.s32 $0x3880;
	s17 =	sld [smem:$0x7DB]  }
0x5d7: {  	[tilespmem:s18], [sflag:$0x1] =	stream.indirect_vreg.gather [hbm4b:s15+s10], $0x80, v3, vm0, $0xb8;
	[tilespmem:$0x10080] =	vst v63  }
0x5d8: {  	s25 =	simm.s32 $0x4080;
	s18 =	sld [smem:$0x7DC]  }
0x5d9: {  	[tilespmem:s25], [sflag:$0x1] =	stream.indirect_vreg.gather [hbm4b:s17+s10], $0x80, v3, vm0, $0xb8;
	[tilespmem:$0x10080] =	vst v63  }
0x5da: {  	s26 =	simm.s32 $0x4880;
	s25 =	sld [smem:$0x7DD]  }
0x5db: {  	[tilespmem:s26], [sflag:$0x1] =	stream.indirect_vreg.gather [hbm4b:s18+s10], $0x80, v3, vm0, $0xb8;
	[tilespmem:$0x10080] =	vst v63  }
0x5dc: {  	s5 =	simm.s32 $0x5080;
	s26 =	sld [smem:$0x7DE]  }
0x5dd: {  	[tilespmem:s5], [sflag:$0x1] =	stream.indirect_vreg.gather [hbm4b:s25+s10], $0x80, v3, vm0, $0xb8;
	[tilespmem:$0x10080] =	vst v63  }
0x5de: {  	s8 =	simm.s32 $0x5880;
	s29 =	sld [smem:$0x7E0]  }
0x5df: {  	[tilespmem:s8], [sflag:$0x1] =	stream.indirect_vreg.gather [hbm4b:s26+s10], $0x80, v3, vm0, $0xb8;
	[tilespmem:$0x10080] =	vst v63  }
0x5e0: {  	s9 =	simm.s32 $0x6080;
	s30 =	sld [smem:$0x7E1]  }
0x5e1: {  	[tilespmem:s9], [sflag:$0x1] =	stream.indirect_vreg.gather [hbm4b:s28+s10], $0x80, v3, vm0, $0xb8;
	[tilespmem:$0x10080] =	vst v63  }
0x5e2: {  	s31 =	sld [smem:$0x7E2];
	s5 =	simm.s32 $0x6880  }
0x5e3: {  	[tilespmem:s5], [sflag:$0x1] =	stream.indirect_vreg.gather [hbm4b:s29+s10], $0x80, v3, vm0, $0xb8;
	[tilespmem:$0x10080] =	vst v63  }
0x5e4: {  	s4 =	rddreg [dreg:$0x1d];
	s8 =	simm.s32 $0x7080  }
0x5e5: {  	[tilespmem:s8], [sflag:$0x1] =	stream.indirect_vreg.gather [hbm4b:s30+s10], $0x80, v3, vm0, $0xb8;
	[tilespmem:$0x10080] =	vst v63  }
0x5e6: {  	s9 =	simm.s32 $0x7880;
	s5 =	rddreg [dreg:$0x1c]  }
0x5e7: {  	[tilespmem:s9], [sflag:$0x1] =	stream.indirect_vreg.gather [hbm4b:s31+s10], $0x80, v3, vm0, $0xb8;
	[tilespmem:$0x10080] =	vst v63  }
0x5e8: {  	s9 =	rddreg [dreg:$0xb]  }
.LBB3_26:
0x5e9: {  	s8 =	sshra.s32 s10, $0x2  }
0x5ea: {  	v3 =	vld.msk [tilespmem:s8+$0x8], $0xff;
	_ =	sdelay $0x4  }
0x5eb: {  	v4 =	vshll.u32 v3, $0x5  }
0x5ec: {  	v3 =	vand.u32 $0x7, v3;
	v4 =	vand.u32 $0xFFFFFF00, v4  }
0x5ed: {  	v3 =	vor.u32 v3, v4  }
0x5ee: {  	v3 =	vperm.xlane v3, v1;
	_ =	sdelay $0x1  }
0x5ef: {  	v3 =	vadd.s32 v2, v3;
	_ =	sdelay $0x4  }
0x5f0: {  	[tilespmem:s19], [sflag:$0x2] =	stream.indirect_vreg.gather [hbm4b:s13+s11], $0x80, v3, vm0, $0xb8;
	[tilespmem:$0x10080] =	vst v63  }
0x5f1: {  	s8 =	simm.s32 $0x8880  }
0x5f2: {  	[tilespmem:s8], [sflag:$0x2] =	stream.indirect_vreg.gather [hbm4b:s16+s11], $0x80, v3, vm0, $0xb8;
	[tilespmem:$0x10080] =	vst v63  }
0x5f3: {  	s8 =	simm.s32 $0x9080  }
0x5f4: {  	[tilespmem:s8], [sflag:$0x2] =	stream.indirect_vreg.gather [hbm4b:s0+s11], $0x80, v3, vm0, $0xb8;
	[tilespmem:$0x10080] =	vst v63  }
0x5f5: {  	s8 =	simm.s32 $0x9880  }
0x5f6: {  	[tilespmem:s8], [sflag:$0x2] =	stream.indirect_vreg.gather [hbm4b:s1+s11], $0x80, v3, vm0, $0xb8;
	[tilespmem:$0x10080] =	vst v63  }
0x5f7: {  	_ = 	snop  }
0x5f8: {  	[tilespmem:s14], [sflag:$0x2] =	stream.indirect_vreg.gather [hbm4b:s2+s11], $0x80, v3, vm0, $0xb8;
	[tilespmem:$0x10080] =	vst v63  }
0x5f9: {  	_ = 	snop  }
0x5fa: {  	[tilespmem:s20], [sflag:$0x2] =	stream.indirect_vreg.gather [hbm4b:s6+s11], $0x80, v3, vm0, $0xb8;
	[tilespmem:$0x10080] =	vst v63  }
0x5fb: {  	_ = 	snop  }
0x5fc: {  	[tilespmem:s21], [sflag:$0x2] =	stream.indirect_vreg.gather [hbm4b:s12+s11], $0x80, v3, vm0, $0xb8;
	[tilespmem:$0x10080] =	vst v63  }
0x5fd: {  	_ = 	snop  }
0x5fe: {  	[tilespmem:s22], [sflag:$0x2] =	stream.indirect_vreg.gather [hbm4b:s15+s11], $0x80, v3, vm0, $0xb8;
	[tilespmem:$0x10080] =	vst v63  }
0x5ff: {  	s8 =	simm.s32 $0xC080  }
0x600: {  	[tilespmem:s8], [sflag:$0x2] =	stream.indirect_vreg.gather [hbm4b:s17+s11], $0x80, v3, vm0, $0xb8;
	[tilespmem:$0x10080] =	vst v63  }
0x601: {  	s8 =	simm.s32 $0xC880  }
0x602: {  	[tilespmem:s8], [sflag:$0x2] =	stream.indirect_vreg.gather [hbm4b:s18+s11], $0x80, v3, vm0, $0xb8;
	[tilespmem:$0x10080] =	vst v63  }
0x603: {  	s8 =	simm.s32 $0xD080  }
0x604: {  	[tilespmem:s8], [sflag:$0x2] =	stream.indirect_vreg.gather [hbm4b:s25+s11], $0x80, v3, vm0, $0xb8;
	[tilespmem:$0x10080] =	vst v63  }
0x605: {  	s8 =	simm.s32 $0xD880  }
0x606: {  	[tilespmem:s8], [sflag:$0x2] =	stream.indirect_vreg.gather [hbm4b:s26+s11], $0x80, v3, vm0, $0xb8;
	[tilespmem:$0x10080] =	vst v63  }
0x607: {  	s8 =	simm.s32 $0xE080  }
0x608: {  	[tilespmem:s8], [sflag:$0x2] =	stream.indirect_vreg.gather [hbm4b:s28+s11], $0x80, v3, vm0, $0xb8;
	[tilespmem:$0x10080] =	vst v63  }
0x609: {  	_ = 	snop  }
0x60a: {  	[tilespmem:s24], [sflag:$0x2] =	stream.indirect_vreg.gather [hbm4b:s29+s11], $0x80, v3, vm0, $0xb8;
	[tilespmem:$0x10080] =	vst v63  }
0x60b: {  	s8 =	simm.s32 $0xF080  }
0x60c: {  	[tilespmem:s8], [sflag:$0x2] =	stream.indirect_vreg.gather [hbm4b:s30+s11], $0x80, v3, vm0, $0xb8;
	[tilespmem:$0x10080] =	vst v63  }
0x60d: {  	s8 =	simm.s32 $0xF880  }
0x60e: {  	[tilespmem:s8], [sflag:$0x2] =	stream.indirect_vreg.gather [hbm4b:s31+s11], $0x80, v3, vm0, $0xb8;
	[tilespmem:$0x10080] =	vst v63  }
0x60f: {  	_ =	swait.ge [sflag:s3], $0x8000  }
0x610: {  	s8 =	sshrl.u32 s5, $0x3;
	[sflag:s3] =	ssyncset.done $0x0  }
0x611: {  	s8 =	sadd.s32 s9, s8;
	s9 =	simm.s32 $0x80;
	[sflag:s3] =	ssyncadd.s32 $0xFFFF8000  }
0x612: {  	[hbm4b:s8+s11] =	stream.linear.scatter [tilespmem:s9], [sflag:$0x3], $0x8000, $0x38;
	[tilespmem:$0x10080] =	vst v63  }
0x613: {  	_ =	swait.ge [sflag:s23], $0x8000  }
0x614: {  	p4 =	seq.s32 s10, $0x140;
	[sflag:s23] =	ssyncset.done $0x0  }
0x615: {  	s8 =	sshra.s32 @!p4 s10, $0x2;
	[sflag:s23] =	ssyncadd.s32 $0xFFFF8000  }
0x616: {  	v3 =	vld.msk @!p4 [tilespmem:s8+$0x10], $0xff;
	_ =	sdelay $0x4  }
0x617: {  	v4 =	vshll.u32 @!p4 v3, $0x5  }
0x618: {  	v5 =	vlaneseq.u32 @!p4;
	v3 =	vand.u32 @!p4 $0x7, v3;
	v4 =	vand.u32 @!p4 $0xFFFFFF00, v4  }
0x619: {  	v3 =	vor.u32 @!p4 v3, v4;
	v4 =	vand.u32 @!p4 $0x7, v5;
	v5 =	vshrl.u32 @!p4 v5, $0x3  }
0x61a: {  	v3 =	vperm.xlane @!p4 v3, v4;
	v4 =	vmul.u32 @!p4 $0x8, v5;
	_ =	sdelay $0x1  }
0x61b: {  	v3 =	vadd.s32 @!p4 v4, v3;
	_ =	sdelay $0x3  }
0x61c: {  	vm1 =	vmmov @!p4 $0xffff;
	s9 =	simm.s32 @!p4 $0x80;
	s8 =	simm.s32 @!p4 $0x0  }
0x61d: {  	[tilespmem:s9], [sflag:$0x1] =	stream.indirect_vreg.gather @!p4 [hbm4b:s13+s8], $0x80, v3, vm1, $0xb8;
	[tilespmem:$0x10080] =	vst v63  }
0x61e: {  	s9 =	simm.s32 @!p4 $0x880  }
0x61f: {  	[tilespmem:s9], [sflag:$0x1] =	stream.indirect_vreg.gather @!p4 [hbm4b:s16+s8], $0x80, v3, vm1, $0xb8;
	[tilespmem:$0x10080] =	vst v63  }
0x620: {  	s9 =	simm.s32 @!p4 $0x1080  }
0x621: {  	[tilespmem:s9], [sflag:$0x1] =	stream.indirect_vreg.gather @!p4 [hbm4b:s0+s8], $0x80, v3, vm1, $0xb8;
	[tilespmem:$0x10080] =	vst v63  }
0x622: {  	s9 =	simm.s32 @!p4 $0x1880  }
0x623: {  	[tilespmem:s9], [sflag:$0x1] =	stream.indirect_vreg.gather @!p4 [hbm4b:s1+s8], $0x80, v3, vm1, $0xb8;
	[tilespmem:$0x10080] =	vst v63  }
0x624: {  	s9 =	simm.s32 @!p4 $0x2080  }
0x625: {  	[tilespmem:s9], [sflag:$0x1] =	stream.indirect_vreg.gather @!p4 [hbm4b:s2+s8], $0x80, v3, vm1, $0xb8;
	[tilespmem:$0x10080] =	vst v63  }
0x626: {  	s9 =	simm.s32 @!p4 $0x2880  }
0x627: {  	[tilespmem:s9], [sflag:$0x1] =	stream.indirect_vreg.gather @!p4 [hbm4b:s6+s8], $0x80, v3, vm1, $0xb8;
	[tilespmem:$0x10080] =	vst v63  }
0x628: {  	s9 =	simm.s32 @!p4 $0x3080  }
0x629: {  	[tilespmem:s9], [sflag:$0x1] =	stream.indirect_vreg.gather @!p4 [hbm4b:s12+s8], $0x80, v3, vm1, $0xb8;
	[tilespmem:$0x10080] =	vst v63  }
0x62a: {  	s9 =	simm.s32 @!p4 $0x3880  }
0x62b: {  	[tilespmem:s9], [sflag:$0x1] =	stream.indirect_vreg.gather @!p4 [hbm4b:s15+s8], $0x80, v3, vm1, $0xb8;
	[tilespmem:$0x10080] =	vst v63  }
0x62c: {  	s9 =	simm.s32 @!p4 $0x4080  }
0x62d: {  	[tilespmem:s9], [sflag:$0x1] =	stream.indirect_vreg.gather @!p4 [hbm4b:s17+s8], $0x80, v3, vm1, $0xb8;
	[tilespmem:$0x10080] =	vst v63  }
0x62e: {  	s9 =	simm.s32 @!p4 $0x4880  }
0x62f: {  	[tilespmem:s9], [sflag:$0x1] =	stream.indirect_vreg.gather @!p4 [hbm4b:s18+s8], $0x80, v3, vm1, $0xb8;
	[tilespmem:$0x10080] =	vst v63  }
0x630: {  	s9 =	simm.s32 @!p4 $0x5080  }
0x631: {  	[tilespmem:s9], [sflag:$0x1] =	stream.indirect_vreg.gather @!p4 [hbm4b:s25+s8], $0x80, v3, vm1, $0xb8;
	[tilespmem:$0x10080] =	vst v63  }
0x632: {  	s9 =	simm.s32 @!p4 $0x5880  }
0x633: {  	[tilespmem:s9], [sflag:$0x1] =	stream.indirect_vreg.gather @!p4 [hbm4b:s26+s8], $0x80, v3, vm1, $0xb8;
	[tilespmem:$0x10080] =	vst v63  }
0x634: {  	s9 =	simm.s32 @!p4 $0x6080  }
0x635: {  	[tilespmem:s9], [sflag:$0x1] =	stream.indirect_vreg.gather @!p4 [hbm4b:s28+s8], $0x80, v3, vm1, $0xb8;
	[tilespmem:$0x10080] =	vst v63  }
0x636: {  	s9 =	simm.s32 @!p4 $0x6880  }
0x637: {  	[tilespmem:s9], [sflag:$0x1] =	stream.indirect_vreg.gather @!p4 [hbm4b:s29+s8], $0x80, v3, vm1, $0xb8;
	[tilespmem:$0x10080] =	vst v63  }
0x638: {  	s9 =	simm.s32 @!p4 $0x7080  }
0x639: {  	[tilespmem:s9], [sflag:$0x1] =	stream.indirect_vreg.gather @!p4 [hbm4b:s30+s8], $0x80, v3, vm1, $0xb8;
	[tilespmem:$0x10080] =	vst v63  }
0x63a: {  	s9 =	simm.s32 @!p4 $0x7880  }
0x63b: {  	[tilespmem:s9], [sflag:$0x1] =	stream.indirect_vreg.gather @!p4 [hbm4b:s31+s8], $0x80, v3, vm1, $0xb8;
	[tilespmem:$0x10080] =	vst v63  }
0x63c: {  	s10 =	sadd.s32 $0x40, s10;
	s9 =	rddreg [dreg:$0xb];
	_ =	swait.ge [sflag:s7], $0x8000  }
0x63d: {  	s8 =	sand.u32 $0x1FFFF000, s4;
	p4 =	sne.s32 s10, $0x180;
	[sflag:s7] =	ssyncset.done $0x0  }
.Ltmp17:
0x63e: {  	s8 =	sadd.s32 s9, s8;
	[sflag:s7] =	ssyncadd.s32 $0xFFFF8000;
	(pc) =	sbr.rel @p4 .LBB3_26-.Ltmp17, $4  }
0x63f: {  	[hbm4b:s8+s11] =	stream.linear.scatter [tilespmem:s19], [sflag:$0x3], $0x8000, $0x38;
	[tilespmem:$0x10080] =	vst v63  }
0x640: {  	_ =	swait.ge [sflag:s23], $0x8000  }
0x641: {  	[sflag:s23] =	ssyncset.done $0x0  }
0x642: {  	s5 =	sadd.s32 $0x10000, s5;
	s4 =	sadd.s32 $0x2000, s4;
	[sflag:s23] =	ssyncadd.s32 $0xFFFF8000  }
0x643: {  	v3 =	vld.msk [tilespmem:$0x0], $0xff;
	_ =	sdelay $0x4  }
0x644: {  	v4 =	vshll.u32 v3, $0x5  }
0x645: {  	v3 =	vand.u32 $0x7, v3;
	v4 =	vand.u32 $0xFFFFFF00, v4  }
0x646: {  	v3 =	vor.u32 v3, v4  }
0x647: {  	v3 =	vperm.xlane v3, v1;
	_ =	sdelay $0x1  }
0x648: {  	v3 =	vadd.s32 v2, v3;
	_ =	sdelay $0x3  }
0x649: {  	s10 =	simm.s32 $0x0;
	s13 =	rddreg [dreg:$0x2];
	s0 =	simm.s32 $0x80  }
0x64a: {  	[tilespmem:s0], [sflag:$0x1] =	stream.indirect_vreg.gather [hbm4b:s13+s10], $0x80, v3, vm0, $0xb8;
	[tilespmem:$0x10080] =	vst v63  }
0x64b: {  	s0 =	sld [smem:$0x7E3];
	_ =	sdelay $0x1  }
0x64c: {  	s1 =	simm.s32 $0x880  }
0x64d: {  	[tilespmem:s1], [sflag:$0x1] =	stream.indirect_vreg.gather [hbm4b:s0+s10], $0x80, v3, vm0, $0xb8;
	[tilespmem:$0x10080] =	vst v63  }
0x64e: {  	s1 =	sld [smem:$0x7E4];
	_ =	sdelay $0x1  }
0x64f: {  	s2 =	simm.s32 $0x1080  }
0x650: {  	[tilespmem:s2], [sflag:$0x1] =	stream.indirect_vreg.gather [hbm4b:s1+s10], $0x80, v3, vm0, $0xb8;
	[tilespmem:$0x10080] =	vst v63  }
0x651: {  	s2 =	sld [smem:$0x7E5];
	_ =	sdelay $0x1  }
0x652: {  	s4 =	simm.s32 $0x1880;
	s12 =	sld [smem:$0x7E6]  }
0x653: {  	[tilespmem:s4], [sflag:$0x1] =	stream.indirect_vreg.gather [hbm4b:s2+s10], $0x80, v3, vm0, $0xb8;
	[tilespmem:$0x10080] =	vst v63  }
0x654: {  	s6 =	simm.s32 $0x2080;
	s15 =	sld [smem:$0x7E7]  }
0x655: {  	[tilespmem:s6], [sflag:$0x1] =	stream.indirect_vreg.gather [hbm4b:s12+s10], $0x80, v3, vm0, $0xb8;
	[tilespmem:$0x10080] =	vst v63  }
0x656: {  	s8 =	simm.s32 $0x2880;
	s17 =	sld [smem:$0x7E8]  }
0x657: {  	[tilespmem:s8], [sflag:$0x1] =	stream.indirect_vreg.gather [hbm4b:s15+s10], $0x80, v3, vm0, $0xb8;
	[tilespmem:$0x10080] =	vst v63  }
0x658: {  	s9 =	simm.s32 $0x3080;
	s18 =	sld [smem:$0x7E9]  }
0x659: {  	[tilespmem:s9], [sflag:$0x1] =	stream.indirect_vreg.gather [hbm4b:s17+s10], $0x80, v3, vm0, $0xb8;
	[tilespmem:$0x10080] =	vst v63  }
0x65a: {  	s14 =	simm.s32 $0x3880;
	s25 =	sld [smem:$0x7EA]  }
0x65b: {  	[tilespmem:s14], [sflag:$0x1] =	stream.indirect_vreg.gather [hbm4b:s18+s10], $0x80, v3, vm0, $0xb8;
	[tilespmem:$0x10080] =	vst v63  }
0x65c: {  	s20 =	simm.s32 $0x4080;
	s26 =	sld [smem:$0x7EB]  }
0x65d: {  	[tilespmem:s20], [sflag:$0x1] =	stream.indirect_vreg.gather [hbm4b:s25+s10], $0x80, v3, vm0, $0xb8;
	[tilespmem:$0x10080] =	vst v63  }
0x65e: {  	s21 =	simm.s32 $0x4880;
	s28 =	sld [smem:$0x7EC]  }
0x65f: {  	[tilespmem:s21], [sflag:$0x1] =	stream.indirect_vreg.gather [hbm4b:s26+s10], $0x80, v3, vm0, $0xb8;
	[tilespmem:$0x10080] =	vst v63  }
0x660: {  	s22 =	simm.s32 $0x5080;
	s29 =	sld [smem:$0x7ED]  }
0x661: {  	[tilespmem:s22], [sflag:$0x1] =	stream.indirect_vreg.gather [hbm4b:s28+s10], $0x80, v3, vm0, $0xb8;
	[tilespmem:$0x10080] =	vst v63  }
0x662: {  	s5 =	simm.s32 $0x5880;
	s20 =	sld [smem:$0x7FB]  }
0x663: {  	[tilespmem:s5], [sflag:$0x1] =	stream.indirect_vreg.gather [hbm4b:s29+s10], $0x80, v3, vm0, $0xb8;
	[tilespmem:$0x10080] =	vst v63  }
0x664: {  	s6 =	simm.s32 $0x6080;
	s21 =	sld [smem:$0x7FC]  }
0x665: {  	[tilespmem:s6], [sflag:$0x1] =	stream.indirect_vreg.gather [hbm4b:s20+s10], $0x80, v3, vm0, $0xb8;
	[tilespmem:$0x10080] =	vst v63  }
0x666: {  	s8 =	simm.s32 $0x6880;
	s22 =	sld [smem:$0x7FD]  }
0x667: {  	[tilespmem:s8], [sflag:$0x1] =	stream.indirect_vreg.gather [hbm4b:s21+s10], $0x80, v3, vm0, $0xb8;
	[tilespmem:$0x10080] =	vst v63  }
0x668: {  	s9 =	simm.s32 $0x7080  }
0x669: {  	[tilespmem:s9], [sflag:$0x1] =	stream.indirect_vreg.gather [hbm4b:s22+s10], $0x80, v3, vm0, $0xb8;
	[tilespmem:$0x10080] =	vst v63  }
0x66a: {  	s9 =	sld [smem:$0x7EE]  }
0x66b: {  	s4 =	rddreg [dreg:$0x1d]  }
0x66c: {  	s30 =	simm.s32 $0x80;
	s14 =	simm.s32 $0x7880;
	s5 =	rddreg [dreg:$0x1c]  }
0x66d: {  	[tilespmem:s14], [sflag:$0x1] =	stream.indirect_vreg.gather [hbm4b:s9+s10], $0x80, v3, vm0, $0xb8;
	[tilespmem:$0x10080] =	vst v63  }
0x66e: {  	s31 =	simm.s32 $0x9080;
	s6 =	simm.s32 $0x8880;
	s14 =	rddreg [dreg:$0x13]  }
.LBB3_28:
0x66f: {  	s8 =	sshra.s32 s10, $0x2  }
0x670: {  	v3 =	vld.msk [tilespmem:s8+$0x8], $0xff;
	_ =	sdelay $0x4  }
0x671: {  	v4 =	vshll.u32 v3, $0x5  }
0x672: {  	v3 =	vand.u32 $0x7, v3;
	v4 =	vand.u32 $0xFFFFFF00, v4  }
0x673: {  	v3 =	vor.u32 v3, v4  }
0x674: {  	v3 =	vperm.xlane v3, v1;
	_ =	sdelay $0x1  }
0x675: {  	v3 =	vadd.s32 v2, v3;
	_ =	sdelay $0x4  }
0x676: {  	[tilespmem:s19], [sflag:$0x2] =	stream.indirect_vreg.gather [hbm4b:s13+s11], $0x80, v3, vm0, $0xb8;
	[tilespmem:$0x10080] =	vst v63  }
0x677: {  	_ = 	snop  }
0x678: {  	[tilespmem:s6], [sflag:$0x2] =	stream.indirect_vreg.gather [hbm4b:s0+s11], $0x80, v3, vm0, $0xb8;
	[tilespmem:$0x10080] =	vst v63  }
0x679: {  	_ = 	snop  }
0x67a: {  	[tilespmem:s31], [sflag:$0x2] =	stream.indirect_vreg.gather [hbm4b:s1+s11], $0x80, v3, vm0, $0xb8;
	[tilespmem:$0x10080] =	vst v63  }
0x67b: {  	s8 =	simm.s32 $0x9880  }
0x67c: {  	[tilespmem:s8], [sflag:$0x2] =	stream.indirect_vreg.gather [hbm4b:s2+s11], $0x80, v3, vm0, $0xb8;
	[tilespmem:$0x10080] =	vst v63  }
0x67d: {  	s8 =	simm.s32 $0xA080  }
0x67e: {  	[tilespmem:s8], [sflag:$0x2] =	stream.indirect_vreg.gather [hbm4b:s12+s11], $0x80, v3, vm0, $0xb8;
	[tilespmem:$0x10080] =	vst v63  }
0x67f: {  	s8 =	simm.s32 $0xA880  }
0x680: {  	[tilespmem:s8], [sflag:$0x2] =	stream.indirect_vreg.gather [hbm4b:s15+s11], $0x80, v3, vm0, $0xb8;
	[tilespmem:$0x10080] =	vst v63  }
0x681: {  	s8 =	simm.s32 $0xB080  }
0x682: {  	[tilespmem:s8], [sflag:$0x2] =	stream.indirect_vreg.gather [hbm4b:s17+s11], $0x80, v3, vm0, $0xb8;
	[tilespmem:$0x10080] =	vst v63  }
0x683: {  	s8 =	simm.s32 $0xB880  }
0x684: {  	[tilespmem:s8], [sflag:$0x2] =	stream.indirect_vreg.gather [hbm4b:s18+s11], $0x80, v3, vm0, $0xb8;
	[tilespmem:$0x10080] =	vst v63  }
0x685: {  	s8 =	simm.s32 $0xC080  }
0x686: {  	[tilespmem:s8], [sflag:$0x2] =	stream.indirect_vreg.gather [hbm4b:s25+s11], $0x80, v3, vm0, $0xb8;
	[tilespmem:$0x10080] =	vst v63  }
0x687: {  	s8 =	simm.s32 $0xC880  }
0x688: {  	[tilespmem:s8], [sflag:$0x2] =	stream.indirect_vreg.gather [hbm4b:s26+s11], $0x80, v3, vm0, $0xb8;
	[tilespmem:$0x10080] =	vst v63  }
0x689: {  	s8 =	simm.s32 $0xD080  }
0x68a: {  	[tilespmem:s8], [sflag:$0x2] =	stream.indirect_vreg.gather [hbm4b:s28+s11], $0x80, v3, vm0, $0xb8;
	[tilespmem:$0x10080] =	vst v63  }
0x68b: {  	s8 =	simm.s32 $0xD880  }
0x68c: {  	[tilespmem:s8], [sflag:$0x2] =	stream.indirect_vreg.gather [hbm4b:s29+s11], $0x80, v3, vm0, $0xb8;
	[tilespmem:$0x10080] =	vst v63  }
0x68d: {  	s8 =	simm.s32 $0xE080  }
0x68e: {  	[tilespmem:s8], [sflag:$0x2] =	stream.indirect_vreg.gather [hbm4b:s20+s11], $0x80, v3, vm0, $0xb8;
	[tilespmem:$0x10080] =	vst v63  }
0x68f: {  	_ = 	snop  }
0x690: {  	[tilespmem:s24], [sflag:$0x2] =	stream.indirect_vreg.gather [hbm4b:s21+s11], $0x80, v3, vm0, $0xb8;
	[tilespmem:$0x10080] =	vst v63  }
0x691: {  	s8 =	simm.s32 $0xF080  }
0x692: {  	[tilespmem:s8], [sflag:$0x2] =	stream.indirect_vreg.gather [hbm4b:s22+s11], $0x80, v3, vm0, $0xb8;
	[tilespmem:$0x10080] =	vst v63  }
0x693: {  	s8 =	simm.s32 $0xF880  }
0x694: {  	[tilespmem:s8], [sflag:$0x2] =	stream.indirect_vreg.gather [hbm4b:s9+s11], $0x80, v3, vm0, $0xb8;
	[tilespmem:$0x10080] =	vst v63  }
0x695: {  	_ =	swait.ge [sflag:s3], $0x8000  }
0x696: {  	s9 =	sshrl.u32 s5, $0x3;
	[sflag:s3] =	ssyncset.done $0x0  }
0x697: {  	s8 =	sadd.s32 s14, s9;
	[sflag:s3] =	ssyncadd.s32 $0xFFFF8000  }
0x698: {  	[hbm4b:s8+s11] =	stream.linear.scatter [tilespmem:s30], [sflag:$0x3], $0x8000, $0x38;
	[tilespmem:$0x10080] =	vst v63  }
0x699: {  	_ =	swait.ge [sflag:s23], $0x8000  }
0x69a: {  	p4 =	seq.s32 s10, $0x140;
	[sflag:s23] =	ssyncset.done $0x0  }
0x69b: {  	s8 =	sshra.s32 @!p4 s10, $0x2;
	[sflag:s23] =	ssyncadd.s32 $0xFFFF8000  }
0x69c: {  	v3 =	vld.msk @!p4 [tilespmem:s8+$0x10], $0xff;
	_ =	sdelay $0x4  }
0x69d: {  	v4 =	vshll.u32 @!p4 v3, $0x5  }
0x69e: {  	v5 =	vlaneseq.u32 @!p4;
	v3 =	vand.u32 @!p4 $0x7, v3;
	v4 =	vand.u32 @!p4 $0xFFFFFF00, v4  }
0x69f: {  	v3 =	vor.u32 @!p4 v3, v4;
	v4 =	vand.u32 @!p4 $0x7, v5;
	v5 =	vshrl.u32 @!p4 v5, $0x3  }
0x6a0: {  	v3 =	vperm.xlane @!p4 v3, v4;
	v4 =	vmul.u32 @!p4 $0x8, v5;
	_ =	sdelay $0x1  }
0x6a1: {  	v3 =	vadd.s32 @!p4 v4, v3;
	_ =	sdelay $0x3  }
0x6a2: {  	vm1 =	vmmov @!p4 $0xffff;
	s9 =	simm.s32 @!p4 $0x80;
	s8 =	simm.s32 @!p4 $0x0  }
0x6a3: {  	[tilespmem:s9], [sflag:$0x1] =	stream.indirect_vreg.gather @!p4 [hbm4b:s13+s8], $0x80, v3, vm1, $0xb8;
	[tilespmem:$0x10080] =	vst v63  }
0x6a4: {  	s9 =	simm.s32 @!p4 $0x880  }
0x6a5: {  	[tilespmem:s9], [sflag:$0x1] =	stream.indirect_vreg.gather @!p4 [hbm4b:s0+s8], $0x80, v3, vm1, $0xb8;
	[tilespmem:$0x10080] =	vst v63  }
0x6a6: {  	s9 =	simm.s32 @!p4 $0x1080  }
0x6a7: {  	[tilespmem:s9], [sflag:$0x1] =	stream.indirect_vreg.gather @!p4 [hbm4b:s1+s8], $0x80, v3, vm1, $0xb8;
	[tilespmem:$0x10080] =	vst v63  }
0x6a8: {  	s9 =	simm.s32 @!p4 $0x1880  }
0x6a9: {  	[tilespmem:s9], [sflag:$0x1] =	stream.indirect_vreg.gather @!p4 [hbm4b:s2+s8], $0x80, v3, vm1, $0xb8;
	[tilespmem:$0x10080] =	vst v63  }
0x6aa: {  	s9 =	simm.s32 @!p4 $0x2080  }
0x6ab: {  	[tilespmem:s9], [sflag:$0x1] =	stream.indirect_vreg.gather @!p4 [hbm4b:s12+s8], $0x80, v3, vm1, $0xb8;
	[tilespmem:$0x10080] =	vst v63  }
0x6ac: {  	s9 =	simm.s32 @!p4 $0x2880  }
0x6ad: {  	[tilespmem:s9], [sflag:$0x1] =	stream.indirect_vreg.gather @!p4 [hbm4b:s15+s8], $0x80, v3, vm1, $0xb8;
	[tilespmem:$0x10080] =	vst v63  }
0x6ae: {  	s9 =	simm.s32 @!p4 $0x3080  }
0x6af: {  	[tilespmem:s9], [sflag:$0x1] =	stream.indirect_vreg.gather @!p4 [hbm4b:s17+s8], $0x80, v3, vm1, $0xb8;
	[tilespmem:$0x10080] =	vst v63  }
0x6b0: {  	s9 =	simm.s32 @!p4 $0x3880  }
0x6b1: {  	[tilespmem:s9], [sflag:$0x1] =	stream.indirect_vreg.gather @!p4 [hbm4b:s18+s8], $0x80, v3, vm1, $0xb8;
	[tilespmem:$0x10080] =	vst v63  }
0x6b2: {  	s9 =	simm.s32 @!p4 $0x4080  }
0x6b3: {  	[tilespmem:s9], [sflag:$0x1] =	stream.indirect_vreg.gather @!p4 [hbm4b:s25+s8], $0x80, v3, vm1, $0xb8;
	[tilespmem:$0x10080] =	vst v63  }
0x6b4: {  	s9 =	simm.s32 @!p4 $0x4880  }
0x6b5: {  	[tilespmem:s9], [sflag:$0x1] =	stream.indirect_vreg.gather @!p4 [hbm4b:s26+s8], $0x80, v3, vm1, $0xb8;
	[tilespmem:$0x10080] =	vst v63  }
0x6b6: {  	s9 =	simm.s32 @!p4 $0x5080  }
0x6b7: {  	[tilespmem:s9], [sflag:$0x1] =	stream.indirect_vreg.gather @!p4 [hbm4b:s28+s8], $0x80, v3, vm1, $0xb8;
	[tilespmem:$0x10080] =	vst v63  }
0x6b8: {  	s9 =	simm.s32 @!p4 $0x5880  }
0x6b9: {  	[tilespmem:s9], [sflag:$0x1] =	stream.indirect_vreg.gather @!p4 [hbm4b:s29+s8], $0x80, v3, vm1, $0xb8;
	[tilespmem:$0x10080] =	vst v63  }
0x6ba: {  	s9 =	simm.s32 @!p4 $0x6080  }
0x6bb: {  	[tilespmem:s9], [sflag:$0x1] =	stream.indirect_vreg.gather @!p4 [hbm4b:s20+s8], $0x80, v3, vm1, $0xb8;
	[tilespmem:$0x10080] =	vst v63  }
0x6bc: {  	s9 =	simm.s32 @!p4 $0x6880  }
0x6bd: {  	[tilespmem:s9], [sflag:$0x1] =	stream.indirect_vreg.gather @!p4 [hbm4b:s21+s8], $0x80, v3, vm1, $0xb8;
	[tilespmem:$0x10080] =	vst v63  }
0x6be: {  	s14 =	sld [smem:$0x7EE];
	s9 =	simm.s32 @!p4 $0x7080  }
0x6bf: {  	[tilespmem:s9], [sflag:$0x1] =	stream.indirect_vreg.gather @!p4 [hbm4b:s22+s8], $0x80, v3, vm1, $0xb8;
	[tilespmem:$0x10080] =	vst v63  }
0x6c0: {  	s9 =	simm.s32 @!p4 $0x7880  }
0x6c1: {  	[tilespmem:s9], [sflag:$0x1] =	stream.indirect_vreg.gather @!p4 [hbm4b:s14+s8], $0x80, v3, vm1, $0xb8;
	[tilespmem:$0x10080] =	vst v63  }
0x6c2: {  	s14 =	rddreg [dreg:$0x13]  }
0x6c3: {  	s10 =	sadd.s32 $0x40, s10;
	s9 =	sld [smem:$0x7EE];
	_ =	swait.ge [sflag:s7], $0x8000  }
0x6c4: {  	s8 =	sand.u32 $0x1FFFF000, s4;
	p4 =	sne.s32 s10, $0x180;
	[sflag:s7] =	ssyncset.done $0x0  }
.Ltmp18:
0x6c5: {  	s8 =	sadd.s32 s14, s8;
	[sflag:s7] =	ssyncadd.s32 $0xFFFF8000;
	(pc) =	sbr.rel @p4 .LBB3_28-.Ltmp18, $4  }
0x6c6: {  	[hbm4b:s8+s11] =	stream.linear.scatter [tilespmem:s19], [sflag:$0x3], $0x8000, $0x38;
	[tilespmem:$0x10080] =	vst v63  }
0x6c7: {  	_ =	swait.ge [sflag:s23], $0x8000  }
0x6c8: {  	[sflag:s23] =	ssyncset.done $0x0  }
0x6c9: {  	s5 =	sadd.s32 $0x10000, s5;
	s4 =	sadd.s32 $0x2000, s4;
	[sflag:s23] =	ssyncadd.s32 $0xFFFF8000  }
.Ltmp19:
0x6ca: {  	_ = 	snop;
	(pc) =	sbr.rel .LBB3_29-.Ltmp19, $1  }
0x6cb: {  	_ =	sdelay $0x3  }
.LBB3_30:
0x6cc: {  	_ =	sfence.sel $0x180000  }
0x6cd: {  	[bflag:$0x0] =	sbarrier.arrive $0xFFFF  }
0x6ce: {  	_ =	strace $0x90000047  }
0x6cf: {  	s0 =	stileid.u32;
	[bflag:$0x2] =	sbarrier.arrive $0xFFFF  }
0x6d0: {  	p0 =	sne.s32 s0, $0x0;
	s0 =	rddreg [dreg:$0x11]  }
0x6d1: {  	s0 =	sadd.s32 @!p0 $0x100000, s0  }
0x6d2: {  	[sflag:s0] =	ssyncadd.tile.s32 @!p0 $0x1;
	_ =	shalt  }
.Lfunc_end3:
_tile_overlayer_lowered:
.L_overlay_start_3:
0x6d3: {  	(tag) =	ssettag $0x3  }
0x6d4: {  	s0 =	rddreg [dreg:$0x0];
	s2 =	stileid.u32  }
0x6d5: {  	s1 =	rddreg [dreg:$0x1];
	p0 =	sne.s32 s2, $0x0  }
0x6d6: {  	s3 =	rddreg [dreg:$0x2];
	[bflag:$0x3] =	sbarrier.arrive $0xFFFF;
	s2 =	simm.s32 @!p0 $0x1C03  }
0x6d7: {  	[timem:s3], [sflag:s2] =	dma.local @!p0 [hbm:s0], s1  }
0x6d8: {  	s0 =	simm.s32 @!p0 $0x3  }
0x6d9: {  	_ =	swait.ge @!p0 [sflag:s0], s1  }
0x6da: {  	s1 =	ssub.s32 @!p0 $0x0, s1;
	[sflag:s0] =	ssyncset.done @!p0 $0x0  }
0x6db: {  	[sflag:s0] =	ssyncadd.s32 @!p0 s1  }
0x6dc: {  	[bflag:$0x3] =	sbarrier.arrive $0xFFFF  }
0x6dd: {  	_ =	shalt  }

</sc_bundles>
